<compile_context>
chip_gen: v7x
topology: tpu7x:2x2x1
jax: 0.10.2.dev20260603
libtpu: 0.0.44.dev20260713+nightly
codegen_flags: <defaults>
</compile_context>

<pallas_src>
import functools
import jax
import jax.numpy as jnp
from jax import lax
from jax.experimental import pallas as pl
from jax.experimental.pallas import tpu as pltpu
from jax.experimental.pallas import tpu_sc as plsc

_L = 16
_CH = 8
_R = 3
_NP = 2
_NT = 32


def kernel(x, pos_weight, scale):
    b_, t, d = x.shape
    rows_per_tile = t // _NT
    n_chunks = rows_per_tile // _CH
    nc64 = d // _L
    scale16 = jnp.broadcast_to(scale, (_L,))
    mesh = plsc.VectorSubcoreMesh(core_axis_name="c", subcore_axis_name="s")

    @functools.partial(
        pl.kernel,
        out_type=jax.ShapeDtypeStruct((b_, t, d), x.dtype),
        mesh=mesh,
        scratch_types=[
            pltpu.VMEM((_L,), jnp.float32),
            pltpu.VMEM((_NP, _CH, d), jnp.float32),
            pltpu.VMEM((_R, b_, _CH, d), jnp.float32),
            pltpu.SemaphoreType.DMA((_NP,)),
            pltpu.SemaphoreType.DMA((_R,)),
            pltpu.SemaphoreType.DMA((_R,)),
        ],
    )
    def k(x_hbm, pos_hbm, s_hbm, o_hbm, s_v, bufp, bufx, sem_p, sem_x,
          sem_o):
        cid = lax.axis_index("c")
        sid = lax.axis_index("s")
        w = sid * 2 + cid
        r0 = w * rows_per_tile
        pltpu.sync_copy(s_hbm, s_v)
        s = s_v[...]

        hin = {}
        ho = {}

        def issue_in(j):
            slot = j % _R
            ps = j % _NP
            hin[j] = [
                pltpu.async_copy(
                    pos_hbm.at[pl.ds(r0 + j * _CH, _CH)],
                    bufp.at[ps],
                    sem_p.at[ps],
                ),
                pltpu.async_copy(
                    x_hbm.at[:, pl.ds(r0 + j * _CH, _CH)],
                    bufx.at[slot],
                    sem_x.at[slot],
                ),
            ]

        def compute(j):
            slot = j % _R
            ps = j % _NP

            @pl.loop(0, _CH)
            def _(r):
                @plsc.parallel_loop(0, nc64, 1, unroll=8)
                def _(c):
                    off = c * _L
                    p = s * bufp[ps, r, pl.ds(off, _L)]
                    for b in range(b_):
                        plsc.addupdate(
                            bufx.at[slot, b, r, pl.ds(off, _L)], p
                        )

        def issue_out(j):
            slot = j % _R
            ho[j] = [
                pltpu.async_copy(
                    bufx.at[slot],
                    o_hbm.at[:, pl.ds(r0 + j * _CH, _CH)],
                    sem_o.at[slot],
                )
            ]

        issue_in(0)
        for j in range(n_chunks):
            if j + 1 < n_chunks:
                if j + 1 >= _R:
                    for h in ho[j + 1 - _R]:
                        h.wait()
                issue_in(j + 1)
            for h in hin[j]:
                h.wait()
            compute(j)
            issue_out(j)
        for j in range(max(0, n_chunks - _R), n_chunks):
            for h in ho[j]:
                h.wait()

    return k(x, pos_weight[:t], scale16)

# --- scband reference (transcript-rebuilt; emitter-appended) ---
"""Pipeline reference for scband-learned-positional-encoding-30520037605658 (READ-ONLY COPY).

The authoritative reference and input builder live on the scoring server;
editing this copy changes nothing except your own understanding.
"""

import jax, jax.numpy as jnp
import numpy as np

B, T, D = 4, 4096, 1024
MAX_LEN = 4096

def setup_inputs(seed: int = 0) -> dict:
    key = jax.random.key(seed)
    k1, k2 = jax.random.split(key)
    x = jax.random.normal(k1, (B, T, D), dtype=jnp.float32)
    pos_weight = jax.random.normal(k2, (MAX_LEN, D), dtype=jnp.float32) * 0.02
    scale = jnp.ones((1,), dtype=jnp.float32)
    return {"x": x, "pos_weight": pos_weight, "scale": scale}

def reference(x, pos_weight, scale):
    b, t, _ = x.shape
    idx = jnp.broadcast_to(jnp.arange(t)[None, :], (b, t))
    pos = jnp.take(pos_weight, idx, axis=0)  # [b, t, d]
    # dropout p=0.0 -> identity
    return x + scale * pos

if __name__ == "__main__":
    import jax
    _d = setup_inputs()
    print(jax.jit(kernel)(*tuple(_d.values())))

</pallas_src>

<mosaic_0001>
#map = affine_map<(d0, d1) -> (0, 0, 0)>
#map1 = affine_map<(d0, d1) -> (0, 0)>
#map2 = affine_map<(d0, d1) -> (0)>
module attributes {stable_mosaic.version = 14 : i64} {
  func.func @k(%arg0: i32, %arg1: i32, %arg2: memref<4x4096x1024xf32, #tpu.memory_space<hbm>>, %arg3: memref<4096x1024xf32, #tpu.memory_space<hbm>>, %arg4: memref<16xf32, #tpu.memory_space<hbm>>, %arg5: memref<4x4096x1024xf32, #tpu.memory_space<hbm>>, %arg6: memref<16xf32, #tpu.memory_space<vmem>>, %arg7: memref<2x8x1024xf32, #tpu.memory_space<vmem>>, %arg8: memref<3x4x8x1024xf32, #tpu.memory_space<vmem>>, %arg9: memref<2x!tpu.dma_semaphore, #tpu.memory_space<semaphore_mem>>, %arg10: memref<3x!tpu.dma_semaphore, #tpu.memory_space<semaphore_mem>>, %arg11: memref<3x!tpu.dma_semaphore, #tpu.memory_space<semaphore_mem>>) attributes {dimension_semantics = [#tpu.dimension_semantics<core_parallel>, #tpu.dimension_semantics<subcore_parallel>], iteration_bounds = array<i64: 2, 16>, scalar_prefetch = 0 : i64, scratch_operands = 6 : i64, tpu.core_type = #tpu.core_type<sc_vector_subcore>, window_params = [{transform_indices = #map}, {transform_indices = #map1}, {transform_indices = #map2}, {transform_indices = #map}]} {
    %mul3A = arith.constant 2 : i32
    %mul3A_0 = arith.muli %arg1, %mul3A : i32
    %add3A = arith.addi %mul3A_0, %arg0 : i32
    %mul3A_1 = arith.constant 128 : i32
    %mul3A_2 = arith.muli %add3A, %mul3A_1 : i32
    "tpu.region"() ({
      %run_scoped3A = tpu.sem_alloc : memref<!tpu.dma_semaphore, #tpu.memory_space<semaphore_mem>>
      tpu.enqueue_dma source(%arg4 : memref<16xf32, #tpu.memory_space<hbm>>) target(%arg6 : memref<16xf32, #tpu.memory_space<vmem>>) target_semaphore(%run_scoped3A : memref<!tpu.dma_semaphore, #tpu.memory_space<semaphore_mem>>)
      tpu.wait_dma2 semaphore(%run_scoped3A : memref<!tpu.dma_semaphore, #tpu.memory_space<semaphore_mem>>) src(%arg4 : memref<16xf32, #tpu.memory_space<hbm>>) dst(%arg6 : memref<16xf32, #tpu.memory_space<vmem>>)
      tpu.yield
    }) : () -> ()
    %get3A = arith.constant 0 : index
    %get3A_3 = tpu.vector_load %arg6[%get3A] {strides = array<i32>} : memref<16xf32, #tpu.memory_space<vmem>>, vector<16xf32>,
    %get3A_4 = vector.shape_cast %get3A_3 : vector<16xf32> to vector<16xf32>
    %add3A_5 = arith.constant 0 : i32
    %add3A_6 = arith.addi %mul3A_2, %add3A_5 : i32
    %dma_start3A = arith.constant 0 : i32
    %dma_start3A_7 = arith.constant 0 : i32
    %dma_start3A_8 = arith.constant 0 : i32
    %dma_start3A_9 = arith.constant 0 : i32
    %dma_start3A_10 = tpu.memref_slice %arg7[%dma_start3A, %dma_start3A_8, %dma_start3A_9] : memref<2x8x1024xf32, #tpu.memory_space<vmem>> -> memref<1x8x1024xf32, #tpu.memory_space<vmem>>
    %dma_start3A_11 = tpu.memref_squeeze %dma_start3A_10 : memref<1x8x1024xf32, #tpu.memory_space<vmem>> -> memref<8x1024xf32, #tpu.memory_space<vmem>>
    %dma_start3A_12 = arith.constant 0 : i32
    %dma_start3A_13 = tpu.memref_slice %arg3[%add3A_6, %dma_start3A_12] : memref<4096x1024xf32, #tpu.memory_space<hbm>> -> memref<8x1024xf32, #tpu.memory_space<hbm>>
    %dma_start3A_14 = tpu.memref_slice %arg9[%dma_start3A_7] : memref<2x!tpu.dma_semaphore, #tpu.memory_space<semaphore_mem>> -> memref<1x!tpu.dma_semaphore, #tpu.memory_space<semaphore_mem>>
    %dma_start3A_15 = tpu.memref_squeeze %dma_start3A_14 : memref<1x!tpu.dma_semaphore, #tpu.memory_space<semaphore_mem>> -> memref<!tpu.dma_semaphore, #tpu.memory_space<semaphore_mem>>
    %dma_start3A_16 = arith.constant 0 : i32
    %dma_start3A_17 = arith.constant 0 : i32
    %dma_start3A_18 = tpu.memref_slice %arg7[%dma_start3A, %dma_start3A_16, %dma_start3A_17] : memref<2x8x1024xf32, #tpu.memory_space<vmem>> -> memref<1x8x1024xf32, #tpu.memory_space<vmem>>
    %dma_start3A_19 = tpu.memref_squeeze %dma_start3A_18 : memref<1x8x1024xf32, #tpu.memory_space<vmem>> -> memref<8x1024xf32, #tpu.memory_space<vmem>>
    %dma_start3A_20 = arith.constant 0 : i32
    %dma_start3A_21 = tpu.memref_slice %arg3[%add3A_6, %dma_start3A_20] : memref<4096x1024xf32, #tpu.memory_space<hbm>> -> memref<8x1024xf32, #tpu.memory_space<hbm>>
    tpu.enqueue_dma source(%dma_start3A_21 : memref<8x1024xf32, #tpu.memory_space<hbm>>) target(%dma_start3A_19 : memref<8x1024xf32, #tpu.memory_space<vmem>>) target_semaphore(%dma_start3A_15 : memref<!tpu.dma_semaphore, #tpu.memory_space<semaphore_mem>>)
    %add3A_22 = arith.constant 0 : i32
    %add3A_23 = arith.addi %mul3A_2, %add3A_22 : i32
    %dma_start3A_24 = arith.constant 0 : i32
    %dma_start3A_25 = arith.constant 0 : i32
    %dma_start3A_26 = arith.constant 0 : i32
    %dma_start3A_27 = arith.constant 0 : i32
    %dma_start3A_28 = arith.constant 0 : i32
    %dma_start3A_29 = tpu.memref_slice %arg8[%dma_start3A_24, %dma_start3A_26, %dma_start3A_27, %dma_start3A_28] : memref<3x4x8x1024xf32, #tpu.memory_space<vmem>> -> memref<1x4x8x1024xf32, #tpu.memory_space<vmem>>
    %dma_start3A_30 = tpu.memref_squeeze %dma_start3A_29 : memref<1x4x8x1024xf32, #tpu.memory_space<vmem>> -> memref<4x8x1024xf32, #tpu.memory_space<vmem>>
    %dma_start3A_31 = arith.constant 0 : i32
    %dma_start3A_32 = arith.constant 0 : i32
    %dma_start3A_33 = tpu.memref_slice %arg2[%dma_start3A_31, %add3A_23, %dma_start3A_32] : memref<4x4096x1024xf32, #tpu.memory_space<hbm>> -> memref<4x8x1024xf32, #tpu.memory_space<hbm>>
    %dma_start3A_34 = tpu.memref_slice %arg10[%dma_start3A_25] : memref<3x!tpu.dma_semaphore, #tpu.memory_space<semaphore_mem>> -> memref<1x!tpu.dma_semaphore, #tpu.memory_space<semaphore_mem>>
    %dma_start3A_35 = tpu.memref_squeeze %dma_start3A_34 : memref<1x!tpu.dma_semaphore, #tpu.memory_space<semaphore_mem>> -> memref<!tpu.dma_semaphore, #tpu.memory_space<semaphore_mem>>
    %dma_start3A_36 = arith.constant 0 : i32
    %dma_start3A_37 = arith.constant 0 : i32
    %dma_start3A_38 = arith.constant 0 : i32
    %dma_start3A_39 = tpu.memref_slice %arg8[%dma_start3A_24, %dma_start3A_36, %dma_start3A_37, %dma_start3A_38] : memref<3x4x8x1024xf32, #tpu.memory_space<vmem>> -> memref<1x4x8x1024xf32, #tpu.memory_space<vmem>>
    %dma_start3A_40 = tpu.memref_squeeze %dma_start3A_39 : memref<1x4x8x1024xf32, #tpu.memory_space<vmem>> -> memref<4x8x1024xf32, #tpu.memory_space<vmem>>
    %dma_start3A_41 = arith.constant 0 : i32
    %dma_start3A_42 = arith.constant 0 : i32
    %dma_start3A_43 = tpu.memref_slice %arg2[%dma_start3A_41, %add3A_23, %dma_start3A_42] : memref<4x4096x1024xf32, #tpu.memory_space<hbm>> -> memref<4x8x1024xf32, #tpu.memory_space<hbm>>
    tpu.enqueue_dma source(%dma_start3A_43 : memref<4x8x1024xf32, #tpu.memory_space<hbm>>) target(%dma_start3A_40 : memref<4x8x1024xf32, #tpu.memory_space<vmem>>) target_semaphore(%dma_start3A_35 : memref<!tpu.dma_semaphore, #tpu.memory_space<semaphore_mem>>)
    %add3A_44 = arith.constant 8 : i32
    %add3A_45 = arith.addi %mul3A_2, %add3A_44 : i32
    %dma_start3A_46 = arith.constant 1 : i32
    %dma_start3A_47 = arith.constant 1 : i32
    %dma_start3A_48 = arith.constant 0 : i32
    %dma_start3A_49 = arith.constant 0 : i32
    %dma_start3A_50 = tpu.memref_slice %arg7[%dma_start3A_46, %dma_start3A_48, %dma_start3A_49] : memref<2x8x1024xf32, #tpu.memory_space<vmem>> -> memref<1x8x1024xf32, #tpu.memory_space<vmem>>
    %dma_start3A_51 = tpu.memref_squeeze %dma_start3A_50 : memref<1x8x1024xf32, #tpu.memory_space<vmem>> -> memref<8x1024xf32, #tpu.memory_space<vmem>>
    %dma_start3A_52 = arith.constant 0 : i32
    %dma_start3A_53 = tpu.memref_slice %arg3[%add3A_45, %dma_start3A_52] : memref<4096x1024xf32, #tpu.memory_space<hbm>> -> memref<8x1024xf32, #tpu.memory_space<hbm>>
    %dma_start3A_54 = tpu.memref_slice %arg9[%dma_start3A_47] : memref<2x!tpu.dma_semaphore, #tpu.memory_space<semaphore_mem>> -> memref<1x!tpu.dma_semaphore, #tpu.memory_space<semaphore_mem>>
    %dma_start3A_55 = tpu.memref_squeeze %dma_start3A_54 : memref<1x!tpu.dma_semaphore, #tpu.memory_space<semaphore_mem>> -> memref<!tpu.dma_semaphore, #tpu.memory_space<semaphore_mem>>
    %dma_start3A_56 = arith.constant 0 : i32
    %dma_start3A_57 = arith.constant 0 : i32
    %dma_start3A_58 = tpu.memref_slice %arg7[%dma_start3A_46, %dma_start3A_56, %dma_start3A_57] : memref<2x8x1024xf32, #tpu.memory_space<vmem>> -> memref<1x8x1024xf32, #tpu.memory_space<vmem>>
    %dma_start3A_59 = tpu.memref_squeeze %dma_start3A_58 : memref<1x8x1024xf32, #tpu.memory_space<vmem>> -> memref<8x1024xf32, #tpu.memory_space<vmem>>
    %dma_start3A_60 = arith.constant 0 : i32
    %dma_start3A_61 = tpu.memref_slice %arg3[%add3A_45, %dma_start3A_60] : memref<4096x1024xf32, #tpu.memory_space<hbm>> -> memref<8x1024xf32, #tpu.memory_space<hbm>>
    tpu.enqueue_dma source(%dma_start3A_61 : memref<8x1024xf32, #tpu.memory_space<hbm>>) target(%dma_start3A_59 : memref<8x1024xf32, #tpu.memory_space<vmem>>) target_semaphore(%dma_start3A_55 : memref<!tpu.dma_semaphore, #tpu.memory_space<semaphore_mem>>)
    %add3A_62 = arith.constant 8 : i32
    %add3A_63 = arith.addi %mul3A_2, %add3A_62 : i32
    %dma_start3A_64 = arith.constant 1 : i32
    %dma_start3A_65 = arith.constant 1 : i32
    %dma_start3A_66 = arith.constant 0 : i32
    %dma_start3A_67 = arith.constant 0 : i32
    %dma_start3A_68 = arith.constant 0 : i32
    %dma_start3A_69 = tpu.memref_slice %arg8[%dma_start3A_64, %dma_start3A_66, %dma_start3A_67, %dma_start3A_68] : memref<3x4x8x1024xf32, #tpu.memory_space<vmem>> -> memref<1x4x8x1024xf32, #tpu.memory_space<vmem>>
    %dma_start3A_70 = tpu.memref_squeeze %dma_start3A_69 : memref<1x4x8x1024xf32, #tpu.memory_space<vmem>> -> memref<4x8x1024xf32, #tpu.memory_space<vmem>>
    %dma_start3A_71 = arith.constant 0 : i32
    %dma_start3A_72 = arith.constant 0 : i32
    %dma_start3A_73 = tpu.memref_slice %arg2[%dma_start3A_71, %add3A_63, %dma_start3A_72] : memref<4x4096x1024xf32, #tpu.memory_space<hbm>> -> memref<4x8x1024xf32, #tpu.memory_space<hbm>>
    %dma_start3A_74 = tpu.memref_slice %arg10[%dma_start3A_65] : memref<3x!tpu.dma_semaphore, #tpu.memory_space<semaphore_mem>> -> memref<1x!tpu.dma_semaphore, #tpu.memory_space<semaphore_mem>>
    %dma_start3A_75 = tpu.memref_squeeze %dma_start3A_74 : memref<1x!tpu.dma_semaphore, #tpu.memory_space<semaphore_mem>> -> memref<!tpu.dma_semaphore, #tpu.memory_space<semaphore_mem>>
    %dma_start3A_76 = arith.constant 0 : i32
    %dma_start3A_77 = arith.constant 0 : i32
    %dma_start3A_78 = arith.constant 0 : i32
    %dma_start3A_79 = tpu.memref_slice %arg8[%dma_start3A_64, %dma_start3A_76, %dma_start3A_77, %dma_start3A_78] : memref<3x4x8x1024xf32, #tpu.memory_space<vmem>> -> memref<1x4x8x1024xf32, #tpu.memory_space<vmem>>
    %dma_start3A_80 = tpu.memref_squeeze %dma_start3A_79 : memref<1x4x8x1024xf32, #tpu.memory_space<vmem>> -> memref<4x8x1024xf32, #tpu.memory_space<vmem>>
    %dma_start3A_81 = arith.constant 0 : i32
    %dma_start3A_82 = arith.constant 0 : i32
    %dma_start3A_83 = tpu.memref_slice %arg2[%dma_start3A_81, %add3A_63, %dma_start3A_82] : memref<4x4096x1024xf32, #tpu.memory_space<hbm>> -> memref<4x8x1024xf32, #tpu.memory_space<hbm>>
    tpu.enqueue_dma source(%dma_start3A_83 : memref<4x8x1024xf32, #tpu.memory_space<hbm>>) target(%dma_start3A_80 : memref<4x8x1024xf32, #tpu.memory_space<vmem>>) target_semaphore(%dma_start3A_75 : memref<!tpu.dma_semaphore, #tpu.memory_space<semaphore_mem>>)
    %dma_wait3A = arith.constant 0 : i32
    %dma_wait3A_84 = arith.constant 0 : i32
    %dma_wait3A_85 = arith.constant 0 : i32
    %dma_wait3A_86 = arith.constant 0 : i32
    %dma_wait3A_87 = tpu.memref_slice %arg7[%dma_wait3A, %dma_wait3A_85, %dma_wait3A_86] : memref<2x8x1024xf32, #tpu.memory_space<vmem>> -> memref<1x8x1024xf32, #tpu.memory_space<vmem>>
    %dma_wait3A_88 = tpu.memref_squeeze %dma_wait3A_87 : memref<1x8x1024xf32, #tpu.memory_space<vmem>> -> memref<8x1024xf32, #tpu.memory_space<vmem>>
    %dma_wait3A_89 = arith.constant 0 : i32
    %dma_wait3A_90 = tpu.memref_slice %arg3[%add3A_6, %dma_wait3A_89] : memref<4096x1024xf32, #tpu.memory_space<hbm>> -> memref<8x1024xf32, #tpu.memory_space<hbm>>
    %dma_wait3A_91 = tpu.memref_slice %arg9[%dma_wait3A_84] : memref<2x!tpu.dma_semaphore, #tpu.memory_space<semaphore_mem>> -> memref<1x!tpu.dma_semaphore, #tpu.memory_space<semaphore_mem>>
    %dma_wait3A_92 = tpu.memref_squeeze %dma_wait3A_91 : memref<1x!tpu.dma_semaphore, #tpu.memory_space<semaphore_mem>> -> memref<!tpu.dma_semaphore, #tpu.memory_space<semaphore_mem>>
    %dma_wait3A_93 = arith.constant 0 : i32
    %dma_wait3A_94 = arith.constant 0 : i32
    %dma_wait3A_95 = tpu.memref_slice %arg7[%dma_wait3A, %dma_wait3A_93, %dma_wait3A_94] : memref<2x8x1024xf32, #tpu.memory_space<vmem>> -> memref<1x8x1024xf32, #tpu.memory_space<vmem>>
    %dma_wait3A_96 = tpu.memref_squeeze %dma_wait3A_95 : memref<1x8x1024xf32, #tpu.memory_space<vmem>> -> memref<8x1024xf32, #tpu.memory_space<vmem>>
    %dma_wait3A_97 = arith.constant 0 : i32
    %dma_wait3A_98 = tpu.memref_slice %arg3[%add3A_6, %dma_wait3A_97] : memref<4096x1024xf32, #tpu.memory_space<hbm>> -> memref<8x1024xf32, #tpu.memory_space<hbm>>
    tpu.wait_dma2 semaphore(%dma_wait3A_92 : memref<!tpu.dma_semaphore, #tpu.memory_space<semaphore_mem>>) src(%dma_wait3A_98 : memref<8x1024xf32, #tpu.memory_space<hbm>>) dst(%dma_wait3A_96 : memref<8x1024xf32, #tpu.memory_space<vmem>>)
    %dma_wait3A_99 = arith.constant 0 : i32
    %dma_wait3A_100 = arith.constant 0 : i32
    %dma_wait3A_101 = arith.constant 0 : i32
    %dma_wait3A_102 = arith.constant 0 : i32
    %dma_wait3A_103 = arith.constant 0 : i32
    %dma_wait3A_104 = tpu.memref_slice %arg8[%dma_wait3A_99, %dma_wait3A_101, %dma_wait3A_102, %dma_wait3A_103] : memref<3x4x8x1024xf32, #tpu.memory_space<vmem>> -> memref<1x4x8x1024xf32, #tpu.memory_space<vmem>>
    %dma_wait3A_105 = tpu.memref_squeeze %dma_wait3A_104 : memref<1x4x8x1024xf32, #tpu.memory_space<vmem>> -> memref<4x8x1024xf32, #tpu.memory_space<vmem>>
    %dma_wait3A_106 = arith.constant 0 : i32
    %dma_wait3A_107 = arith.constant 0 : i32
    %dma_wait3A_108 = tpu.memref_slice %arg2[%dma_wait3A_106, %add3A_23, %dma_wait3A_107] : memref<4x4096x1024xf32, #tpu.memory_space<hbm>> -> memref<4x8x1024xf32, #tpu.memory_space<hbm>>
    %dma_wait3A_109 = tpu.memref_slice %arg10[%dma_wait3A_100] : memref<3x!tpu.dma_semaphore, #tpu.memory_space<semaphore_mem>> -> memref<1x!tpu.dma_semaphore, #tpu.memory_space<semaphore_mem>>
    %dma_wait3A_110 = tpu.memref_squeeze %dma_wait3A_109 : memref<1x!tpu.dma_semaphore, #tpu.memory_space<semaphore_mem>> -> memref<!tpu.dma_semaphore, #tpu.memory_space<semaphore_mem>>
    %dma_wait3A_111 = arith.constant 0 : i32
    %dma_wait3A_112 = arith.constant 0 : i32
    %dma_wait3A_113 = arith.constant 0 : i32
    %dma_wait3A_114 = tpu.memref_slice %arg8[%dma_wait3A_99, %dma_wait3A_111, %dma_wait3A_112, %dma_wait3A_113] : memref<3x4x8x1024xf32, #tpu.memory_space<vmem>> -> memref<1x4x8x1024xf32, #tpu.memory_space<vmem>>
    %dma_wait3A_115 = tpu.memref_squeeze %dma_wait3A_114 : memref<1x4x8x1024xf32, #tpu.memory_space<vmem>> -> memref<4x8x1024xf32, #tpu.memory_space<vmem>>
    %dma_wait3A_116 = arith.constant 0 : i32
    %dma_wait3A_117 = arith.constant 0 : i32
    %dma_wait3A_118 = tpu.memref_slice %arg2[%dma_wait3A_116, %add3A_23, %dma_wait3A_117] : memref<4x4096x1024xf32, #tpu.memory_space<hbm>> -> memref<4x8x1024xf32, #tpu.memory_space<hbm>>
    tpu.wait_dma2 semaphore(%dma_wait3A_110 : memref<!tpu.dma_semaphore, #tpu.memory_space<semaphore_mem>>) src(%dma_wait3A_118 : memref<4x8x1024xf32, #tpu.memory_space<hbm>>) dst(%dma_wait3A_115 : memref<4x8x1024xf32, #tpu.memory_space<vmem>>)
    %scan3A = arith.constant 0 : i32
    %scan3A_119 = arith.constant 8 : i32
    %scan3A_120 = arith.addi %scan3A, %scan3A_119 : i32
    %scan3A_121 = arith.constant 1 : i32
    scf.for %scan3A_1970 = %scan3A to %scan3A_120 step %scan3A_121  : i32 {
      %mul3A_1971 = arith.constant 1 : i32
      %mul3A_1972 = arith.muli %scan3A_1970, %mul3A_1971 : i32
      %add3A_1973 = arith.constant 0 : i32
      %add3A_1974 = arith.addi %add3A_1973, %mul3A_1972 : i32
      %parallel_loop3A = arith.constant 0 : i32
      %parallel_loop3A_1975 = arith.constant 64 : i32
      %parallel_loop3A_1976 = arith.constant 1 : i32
      scf.for %parallel_loop3A_1977 = %parallel_loop3A to %parallel_loop3A_1975 step %parallel_loop3A_1976  : i32 {
        %parallel_loop3A_1978 = arith.constant 16 : i32
        %parallel_loop3A_1979 = arith.muli %parallel_loop3A_1977, %parallel_loop3A_1978 : i32
        %parallel_loop3A_1980 = arith.constant 0 : i32
        %parallel_loop3A_1981 = arith.index_cast %parallel_loop3A_1980 : i32 to index
        %parallel_loop3A_1982 = arith.index_cast %add3A_1974 : i32 to index
        %parallel_loop3A_1983 = arith.index_cast %parallel_loop3A_1979 : i32 to index
        %parallel_loop3A_1984 = tpu.vector_load %arg7[%parallel_loop3A_1981, %parallel_loop3A_1982, %parallel_loop3A_1983] {strides = array<i32>} : memref<2x8x1024xf32, #tpu.memory_space<vmem>>, vector<1x1x16xf32>,
        %parallel_loop3A_1985 = vector.shape_cast %parallel_loop3A_1984 : vector<1x1x16xf32> to vector<16xf32>
        %parallel_loop3A_1986 = arith.mulf %get3A_4, %parallel_loop3A_1985 : vector<16xf32>
        %parallel_loop3A_1987 = arith.constant 0 : i32
        %parallel_loop3A_1988 = arith.constant 0 : i32
        %parallel_loop3A_1989 = arith.index_cast %parallel_loop3A_1987 : i32 to index
        %parallel_loop3A_1990 = arith.index_cast %parallel_loop3A_1988 : i32 to index
        %parallel_loop3A_1991 = arith.index_cast %add3A_1974 : i32 to index
        %parallel_loop3A_1992 = arith.index_cast %parallel_loop3A_1979 : i32 to index
        %parallel_loop3A_1993 = tpu.vector_load %arg8[%parallel_loop3A_1989, %parallel_loop3A_1990, %parallel_loop3A_1991, %parallel_loop3A_1992] {strides = array<i32>} : memref<3x4x8x1024xf32, #tpu.memory_space<vmem>>, vector<1x1x1x16xf32>,
        %parallel_loop3A_1994 = vector.shape_cast %parallel_loop3A_1993 : vector<1x1x1x16xf32> to vector<16xf32>
        %parallel_loop3A_1995 = vector.shape_cast %parallel_loop3A_1986 : vector<16xf32> to vector<1x1x1x16xf32>
        tpu.vector_store %arg8[%parallel_loop3A_1989, %parallel_loop3A_1990, %parallel_loop3A_1991, %parallel_loop3A_1992], %parallel_loop3A_1995 {add = true, strides = array<i32>} : memref<3x4x8x1024xf32, #tpu.memory_space<vmem>>, vector<1x1x1x16xf32>,
        %parallel_loop3A_1996 = arith.constant 0 : i32
        %parallel_loop3A_1997 = arith.constant 1 : i32
        %parallel_loop3A_1998 = arith.index_cast %parallel_loop3A_1996 : i32 to index
        %parallel_loop3A_1999 = arith.index_cast %parallel_loop3A_1997 : i32 to index
        %parallel_loop3A_2000 = arith.index_cast %add3A_1974 : i32 to index
        %parallel_loop3A_2001 = arith.index_cast %parallel_loop3A_1979 : i32 to index
        %parallel_loop3A_2002 = tpu.vector_load %arg8[%parallel_loop3A_1998, %parallel_loop3A_1999, %parallel_loop3A_2000, %parallel_loop3A_2001] {strides = array<i32>} : memref<3x4x8x1024xf32, #tpu.memory_space<vmem>>, vector<1x1x1x16xf32>,
        %parallel_loop3A_2003 = vector.shape_cast %parallel_loop3A_2002 : vector<1x1x1x16xf32> to vector<16xf32>
        %parallel_loop3A_2004 = vector.shape_cast %parallel_loop3A_1986 : vector<16xf32> to vector<1x1x1x16xf32>
        tpu.vector_store %arg8[%parallel_loop3A_1998, %parallel_loop3A_1999, %parallel_loop3A_2000, %parallel_loop3A_2001], %parallel_loop3A_2004 {add = true, strides = array<i32>} : memref<3x4x8x1024xf32, #tpu.memory_space<vmem>>, vector<1x1x1x16xf32>,
        %parallel_loop3A_2005 = arith.constant 0 : i32
        %parallel_loop3A_2006 = arith.constant 2 : i32
        %parallel_loop3A_2007 = arith.index_cast %parallel_loop3A_2005 : i32 to index
        %parallel_loop3A_2008 = arith.index_cast %parallel_loop3A_2006 : i32 to index
        %parallel_loop3A_2009 = arith.index_cast %add3A_1974 : i32 to index
        %parallel_loop3A_2010 = arith.index_cast %parallel_loop3A_1979 : i32 to index
        %parallel_loop3A_2011 = tpu.vector_load %arg8[%parallel_loop3A_2007, %parallel_loop3A_2008, %parallel_loop3A_2009, %parallel_loop3A_2010] {strides = array<i32>} : memref<3x4x8x1024xf32, #tpu.memory_space<vmem>>, vector<1x1x1x16xf32>,
        %parallel_loop3A_2012 = vector.shape_cast %parallel_loop3A_2011 : vector<1x1x1x16xf32> to vector<16xf32>
        %parallel_loop3A_2013 = vector.shape_cast %parallel_loop3A_1986 : vector<16xf32> to vector<1x1x1x16xf32>
        tpu.vector_store %arg8[%parallel_loop3A_2007, %parallel_loop3A_2008, %parallel_loop3A_2009, %parallel_loop3A_2010], %parallel_loop3A_2013 {add = true, strides = array<i32>} : memref<3x4x8x1024xf32, #tpu.memory_space<vmem>>, vector<1x1x1x16xf32>,
        %parallel_loop3A_2014 = arith.constant 0 : i32
        %parallel_loop3A_2015 = arith.constant 3 : i32
        %parallel_loop3A_2016 = arith.index_cast %parallel_loop3A_2014 : i32 to index
        %parallel_loop3A_2017 = arith.index_cast %parallel_loop3A_2015 : i32 to index
        %parallel_loop3A_2018 = arith.index_cast %add3A_1974 : i32 to index
        %parallel_loop3A_2019 = arith.index_cast %parallel_loop3A_1979 : i32 to index
        %parallel_loop3A_2020 = tpu.vector_load %arg8[%parallel_loop3A_2016, %parallel_loop3A_2017, %parallel_loop3A_2018, %parallel_loop3A_2019] {strides = array<i32>} : memref<3x4x8x1024xf32, #tpu.memory_space<vmem>>, vector<1x1x1x16xf32>,
        %parallel_loop3A_2021 = vector.shape_cast %parallel_loop3A_2020 : vector<1x1x1x16xf32> to vector<16xf32>
        %parallel_loop3A_2022 = vector.shape_cast %parallel_loop3A_1986 : vector<16xf32> to vector<1x1x1x16xf32>
        tpu.vector_store %arg8[%parallel_loop3A_2016, %parallel_loop3A_2017, %parallel_loop3A_2018, %parallel_loop3A_2019], %parallel_loop3A_2022 {add = true, strides = array<i32>} : memref<3x4x8x1024xf32, #tpu.memory_space<vmem>>, vector<1x1x1x16xf32>,
      } {sc.loop_unroll_factor = 8 : i64, sc.parallel_access}
    }
    %scan3A_122 = arith.constant 8 : i32
    %add3A_123 = arith.constant 0 : i32
    %add3A_124 = arith.addi %mul3A_2, %add3A_123 : i32
    %dma_start3A_125 = arith.constant 0 : i32
    %dma_start3A_126 = arith.constant 0 : i32
    %dma_start3A_127 = arith.constant 0 : i32
    %dma_start3A_128 = arith.constant 0 : i32
    %dma_start3A_129 = arith.constant 0 : i32
    %dma_start3A_130 = tpu.memref_slice %arg8[%dma_start3A_125, %dma_start3A_127, %dma_start3A_128, %dma_start3A_129] : memref<3x4x8x1024xf32, #tpu.memory_space<vmem>> -> memref<1x4x8x1024xf32, #tpu.memory_space<vmem>>
    %dma_start3A_131 = tpu.memref_squeeze %dma_start3A_130 : memref<1x4x8x1024xf32, #tpu.memory_space<vmem>> -> memref<4x8x1024xf32, #tpu.memory_space<vmem>>
    %dma_start3A_132 = arith.constant 0 : i32
    %dma_start3A_133 = arith.constant 0 : i32
    %dma_start3A_134 = tpu.memref_slice %arg5[%dma_start3A_132, %add3A_124, %dma_start3A_133] : memref<4x4096x1024xf32, #tpu.memory_space<hbm>> -> memref<4x8x1024xf32, #tpu.memory_space<hbm>>
    %dma_start3A_135 = tpu.memref_slice %arg11[%dma_start3A_126] : memref<3x!tpu.dma_semaphore, #tpu.memory_space<semaphore_mem>> -> memref<1x!tpu.dma_semaphore, #tpu.memory_space<semaphore_mem>>
    %dma_start3A_136 = tpu.memref_squeeze %dma_start3A_135 : memref<1x!tpu.dma_semaphore, #tpu.memory_space<semaphore_mem>> -> memref<!tpu.dma_semaphore, #tpu.memory_space<semaphore_mem>>
    %dma_start3A_137 = arith.constant 0 : i32
    %dma_start3A_138 = arith.constant 0 : i32
    %dma_start3A_139 = tpu.memref_slice %arg5[%dma_start3A_137, %add3A_124, %dma_start3A_138] : memref<4x4096x1024xf32, #tpu.memory_space<hbm>> -> memref<4x8x1024xf32, #tpu.memory_space<hbm>>
    %dma_start3A_140 = arith.constant 0 : i32
    %dma_start3A_141 = arith.constant 0 : i32
    %dma_start3A_142 = arith.constant 0 : i32
    %dma_start3A_143 = tpu.memref_slice %arg8[%dma_start3A_125, %dma_start3A_140, %dma_start3A_141, %dma_start3A_142] : memref<3x4x8x1024xf32, #tpu.memory_space<vmem>> -> memref<1x4x8x1024xf32, #tpu.memory_space<vmem>>
    %dma_start3A_144 = tpu.memref_squeeze %dma_start3A_143 : memref<1x4x8x1024xf32, #tpu.memory_space<vmem>> -> memref<4x8x1024xf32, #tpu.memory_space<vmem>>
    tpu.enqueue_dma source(%dma_start3A_144 : memref<4x8x1024xf32, #tpu.memory_space<vmem>>) target(%dma_start3A_139 : memref<4x8x1024xf32, #tpu.memory_space<hbm>>) target_semaphore(%dma_start3A_136 : memref<!tpu.dma_semaphore, #tpu.memory_space<semaphore_mem>>)
    %add3A_145 = arith.constant 16 : i32
    %add3A_146 = arith.addi %mul3A_2, %add3A_145 : i32
    %dma_start3A_147 = arith.constant 0 : i32
    %dma_start3A_148 = arith.constant 0 : i32
    %dma_start3A_149 = arith.constant 0 : i32
    %dma_start3A_150 = arith.constant 0 : i32
    %dma_start3A_151 = tpu.memref_slice %arg7[%dma_start3A_147, %dma_start3A_149, %dma_start3A_150] : memref<2x8x1024xf32, #tpu.memory_space<vmem>> -> memref<1x8x1024xf32, #tpu.memory_space<vmem>>
    %dma_start3A_152 = tpu.memref_squeeze %dma_start3A_151 : memref<1x8x1024xf32, #tpu.memory_space<vmem>> -> memref<8x1024xf32, #tpu.memory_space<vmem>>
    %dma_start3A_153 = arith.constant 0 : i32
    %dma_start3A_154 = tpu.memref_slice %arg3[%add3A_146, %dma_start3A_153] : memref<4096x1024xf32, #tpu.memory_space<hbm>> -> memref<8x1024xf32, #tpu.memory_space<hbm>>
    %dma_start3A_155 = tpu.memref_slice %arg9[%dma_start3A_148] : memref<2x!tpu.dma_semaphore, #tpu.memory_space<semaphore_mem>> -> memref<1x!tpu.dma_semaphore, #tpu.memory_space<semaphore_mem>>
    %dma_start3A_156 = tpu.memref_squeeze %dma_start3A_155 : memref<1x!tpu.dma_semaphore, #tpu.memory_space<semaphore_mem>> -> memref<!tpu.dma_semaphore, #tpu.memory_space<semaphore_mem>>
    %dma_start3A_157 = arith.constant 0 : i32
    %dma_start3A_158 = arith.constant 0 : i32
    %dma_start3A_159 = tpu.memref_slice %arg7[%dma_start3A_147, %dma_start3A_157, %dma_start3A_158] : memref<2x8x1024xf32, #tpu.memory_space<vmem>> -> memref<1x8x1024xf32, #tpu.memory_space<vmem>>
    %dma_start3A_160 = tpu.memref_squeeze %dma_start3A_159 : memref<1x8x1024xf32, #tpu.memory_space<vmem>> -> memref<8x1024xf32, #tpu.memory_space<vmem>>
    %dma_start3A_161 = arith.constant 0 : i32
    %dma_start3A_162 = tpu.memref_slice %arg3[%add3A_146, %dma_start3A_161] : memref<4096x1024xf32, #tpu.memory_space<hbm>> -> memref<8x1024xf32, #tpu.memory_space<hbm>>
    tpu.enqueue_dma source(%dma_start3A_162 : memref<8x1024xf32, #tpu.memory_space<hbm>>) target(%dma_start3A_160 : memref<8x1024xf32, #tpu.memory_space<vmem>>) target_semaphore(%dma_start3A_156 : memref<!tpu.dma_semaphore, #tpu.memory_space<semaphore_mem>>)
    %add3A_163 = arith.constant 16 : i32
    %add3A_164 = arith.addi %mul3A_2, %add3A_163 : i32
    %dma_start3A_165 = arith.constant 2 : i32
    %dma_start3A_166 = arith.constant 2 : i32
    %dma_start3A_167 = arith.constant 0 : i32
    %dma_start3A_168 = arith.constant 0 : i32
    %dma_start3A_169 = arith.constant 0 : i32
    %dma_start3A_170 = tpu.memref_slice %arg8[%dma_start3A_165, %dma_start3A_167, %dma_start3A_168, %dma_start3A_169] : memref<3x4x8x1024xf32, #tpu.memory_space<vmem>> -> memref<1x4x8x1024xf32, #tpu.memory_space<vmem>>
    %dma_start3A_171 = tpu.memref_squeeze %dma_start3A_170 : memref<1x4x8x1024xf32, #tpu.memory_space<vmem>> -> memref<4x8x1024xf32, #tpu.memory_space<vmem>>
    %dma_start3A_172 = arith.constant 0 : i32
    %dma_start3A_173 = arith.constant 0 : i32
    %dma_start3A_174 = tpu.memref_slice %arg2[%dma_start3A_172, %add3A_164, %dma_start3A_173] : memref<4x4096x1024xf32, #tpu.memory_space<hbm>> -> memref<4x8x1024xf32, #tpu.memory_space<hbm>>
    %dma_start3A_175 = tpu.memref_slice %arg10[%dma_start3A_166] : memref<3x!tpu.dma_semaphore, #tpu.memory_space<semaphore_mem>> -> memref<1x!tpu.dma_semaphore, #tpu.memory_space<semaphore_mem>>
    %dma_start3A_176 = tpu.memref_squeeze %dma_start3A_175 : memref<1x!tpu.dma_semaphore, #tpu.memory_space<semaphore_mem>> -> memref<!tpu.dma_semaphore, #tpu.memory_space<semaphore_mem>>
    %dma_start3A_177 = arith.constant 0 : i32
    %dma_start3A_178 = arith.constant 0 : i32
    %dma_start3A_179 = arith.constant 0 : i32
    %dma_start3A_180 = tpu.memref_slice %arg8[%dma_start3A_165, %dma_start3A_177, %dma_start3A_178, %dma_start3A_179] : memref<3x4x8x1024xf32, #tpu.memory_space<vmem>> -> memref<1x4x8x1024xf32, #tpu.memory_space<vmem>>
    %dma_start3A_181 = tpu.memref_squeeze %dma_start3A_180 : memref<1x4x8x1024xf32, #tpu.memory_space<vmem>> -> memref<4x8x1024xf32, #tpu.memory_space<vmem>>
    %dma_start3A_182 = arith.constant 0 : i32
    %dma_start3A_183 = arith.constant 0 : i32
    %dma_start3A_184 = tpu.memref_slice %arg2[%dma_start3A_182, %add3A_164, %dma_start3A_183] : memref<4x4096x1024xf32, #tpu.memory_space<hbm>> -> memref<4x8x1024xf32, #tpu.memory_space<hbm>>
    tpu.enqueue_dma source(%dma_start3A_184 : memref<4x8x1024xf32, #tpu.memory_space<hbm>>) target(%dma_start3A_181 : memref<4x8x1024xf32, #tpu.memory_space<vmem>>) target_semaphore(%dma_start3A_176 : memref<!tpu.dma_semaphore, #tpu.memory_space<semaphore_mem>>)
    %dma_wait3A_185 = arith.constant 1 : i32
    %dma_wait3A_186 = arith.constant 1 : i32
    %dma_wait3A_187 = arith.constant 0 : i32
    %dma_wait3A_188 = arith.constant 0 : i32
    %dma_wait3A_189 = tpu.memref_slice %arg7[%dma_wait3A_185, %dma_wait3A_187, %dma_wait3A_188] : memref<2x8x1024xf32, #tpu.memory_space<vmem>> -> memref<1x8x1024xf32, #tpu.memory_space<vmem>>
    %dma_wait3A_190 = tpu.memref_squeeze %dma_wait3A_189 : memref<1x8x1024xf32, #tpu.memory_space<vmem>> -> memref<8x1024xf32, #tpu.memory_space<vmem>>
    %dma_wait3A_191 = arith.constant 0 : i32
    %dma_wait3A_192 = tpu.memref_slice %arg3[%add3A_45, %dma_wait3A_191] : memref<4096x1024xf32, #tpu.memory_space<hbm>> -> memref<8x1024xf32, #tpu.memory_space<hbm>>
    %dma_wait3A_193 = tpu.memref_slice %arg9[%dma_wait3A_186] : memref<2x!tpu.dma_semaphore, #tpu.memory_space<semaphore_mem>> -> memref<1x!tpu.dma_semaphore, #tpu.memory_space<semaphore_mem>>
    %dma_wait3A_194 = tpu.memref_squeeze %dma_wait3A_193 : memref<1x!tpu.dma_semaphore, #tpu.memory_space<semaphore_mem>> -> memref<!tpu.dma_semaphore, #tpu.memory_space<semaphore_mem>>
    %dma_wait3A_195 = arith.constant 0 : i32
    %dma_wait3A_196 = arith.constant 0 : i32
    %dma_wait3A_197 = tpu.memref_slice %arg7[%dma_wait3A_185, %dma_wait3A_195, %dma_wait3A_196] : memref<2x8x1024xf32, #tpu.memory_space<vmem>> -> memref<1x8x1024xf32, #tpu.memory_space<vmem>>
    %dma_wait3A_198 = tpu.memref_squeeze %dma_wait3A_197 : memref<1x8x1024xf32, #tpu.memory_space<vmem>> -> memref<8x1024xf32, #tpu.memory_space<vmem>>
    %dma_wait3A_199 = arith.constant 0 : i32
    %dma_wait3A_200 = tpu.memref_slice %arg3[%add3A_45, %dma_wait3A_199] : memref<4096x1024xf32, #tpu.memory_space<hbm>> -> memref<8x1024xf32, #tpu.memory_space<hbm>>
    tpu.wait_dma2 semaphore(%dma_wait3A_194 : memref<!tpu.dma_semaphore, #tpu.memory_space<semaphore_mem>>) src(%dma_wait3A_200 : memref<8x1024xf32, #tpu.memory_space<hbm>>) dst(%dma_wait3A_198 : memref<8x1024xf32, #tpu.memory_space<vmem>>)
    %dma_wait3A_201 = arith.constant 1 : i32
    %dma_wait3A_202 = arith.constant 1 : i32
    %dma_wait3A_203 = arith.constant 0 : i32
    %dma_wait3A_204 = arith.constant 0 : i32
    %dma_wait3A_205 = arith.constant 0 : i32
    %dma_wait3A_206 = tpu.memref_slice %arg8[%dma_wait3A_201, %dma_wait3A_203, %dma_wait3A_204, %dma_wait3A_205] : memref<3x4x8x1024xf32, #tpu.memory_space<vmem>> -> memref<1x4x8x1024xf32, #tpu.memory_space<vmem>>
    %dma_wait3A_207 = tpu.memref_squeeze %dma_wait3A_206 : memref<1x4x8x1024xf32, #tpu.memory_space<vmem>> -> memref<4x8x1024xf32, #tpu.memory_space<vmem>>
    %dma_wait3A_208 = arith.constant 0 : i32
    %dma_wait3A_209 = arith.constant 0 : i32
    %dma_wait3A_210 = tpu.memref_slice %arg2[%dma_wait3A_208, %add3A_63, %dma_wait3A_209] : memref<4x4096x1024xf32, #tpu.memory_space<hbm>> -> memref<4x8x1024xf32, #tpu.memory_space<hbm>>
    %dma_wait3A_211 = tpu.memref_slice %arg10[%dma_wait3A_202] : memref<3x!tpu.dma_semaphore, #tpu.memory_space<semaphore_mem>> -> memref<1x!tpu.dma_semaphore, #tpu.memory_space<semaphore_mem>>
    %dma_wait3A_212 = tpu.memref_squeeze %dma_wait3A_211 : memref<1x!tpu.dma_semaphore, #tpu.memory_space<semaphore_mem>> -> memref<!tpu.dma_semaphore, #tpu.memory_space<semaphore_mem>>
    %dma_wait3A_213 = arith.constant 0 : i32
    %dma_wait3A_214 = arith.constant 0 : i32
    %dma_wait3A_215 = arith.constant 0 : i32
    %dma_wait3A_216 = tpu.memref_slice %arg8[%dma_wait3A_201, %dma_wait3A_213, %dma_wait3A_214, %dma_wait3A_215] : memref<3x4x8x1024xf32, #tpu.memory_space<vmem>> -> memref<1x4x8x1024xf32, #tpu.memory_space<vmem>>
    %dma_wait3A_217 = tpu.memref_squeeze %dma_wait3A_216 : memref<1x4x8x1024xf32, #tpu.memory_space<vmem>> -> memref<4x8x1024xf32, #tpu.memory_space<vmem>>
    %dma_wait3A_218 = arith.constant 0 : i32
    %dma_wait3A_219 = arith.constant 0 : i32
    %dma_wait3A_220 = tpu.memref_slice %arg2[%dma_wait3A_218, %add3A_63, %dma_wait3A_219] : memref<4x4096x1024xf32, #tpu.memory_space<hbm>> -> memref<4x8x1024xf32, #tpu.memory_space<hbm>>
    tpu.wait_dma2 semaphore(%dma_wait3A_212 : memref<!tpu.dma_semaphore, #tpu.memory_space<semaphore_mem>>) src(%dma_wait3A_220 : memref<4x8x1024xf32, #tpu.memory_space<hbm>>) dst(%dma_wait3A_217 : memref<4x8x1024xf32, #tpu.memory_space<vmem>>)
    %scan3A_221 = arith.constant 0 : i32
    %scan3A_222 = arith.constant 8 : i32
    %scan3A_223 = arith.addi %scan3A_221, %scan3A_222 : i32
    %scan3A_224 = arith.constant 1 : i32
    scf.for %scan3A_1970 = %scan3A_221 to %scan3A_223 step %scan3A_224  : i32 {
      %mul3A_1971 = arith.constant 1 : i32
      %mul3A_1972 = arith.muli %scan3A_1970, %mul3A_1971 : i32
      %add3A_1973 = arith.constant 0 : i32
      %add3A_1974 = arith.addi %add3A_1973, %mul3A_1972 : i32
      %parallel_loop3A = arith.constant 0 : i32
      %parallel_loop3A_1975 = arith.constant 64 : i32
      %parallel_loop3A_1976 = arith.constant 1 : i32
      scf.for %parallel_loop3A_1977 = %parallel_loop3A to %parallel_loop3A_1975 step %parallel_loop3A_1976  : i32 {
        %parallel_loop3A_1978 = arith.constant 16 : i32
        %parallel_loop3A_1979 = arith.muli %parallel_loop3A_1977, %parallel_loop3A_1978 : i32
        %parallel_loop3A_1980 = arith.constant 1 : i32
        %parallel_loop3A_1981 = arith.index_cast %parallel_loop3A_1980 : i32 to index
        %parallel_loop3A_1982 = arith.index_cast %add3A_1974 : i32 to index
        %parallel_loop3A_1983 = arith.index_cast %parallel_loop3A_1979 : i32 to index
        %parallel_loop3A_1984 = tpu.vector_load %arg7[%parallel_loop3A_1981, %parallel_loop3A_1982, %parallel_loop3A_1983] {strides = array<i32>} : memref<2x8x1024xf32, #tpu.memory_space<vmem>>, vector<1x1x16xf32>,
        %parallel_loop3A_1985 = vector.shape_cast %parallel_loop3A_1984 : vector<1x1x16xf32> to vector<16xf32>
        %parallel_loop3A_1986 = arith.mulf %get3A_4, %parallel_loop3A_1985 : vector<16xf32>
        %parallel_loop3A_1987 = arith.constant 1 : i32
        %parallel_loop3A_1988 = arith.constant 0 : i32
        %parallel_loop3A_1989 = arith.index_cast %parallel_loop3A_1987 : i32 to index
        %parallel_loop3A_1990 = arith.index_cast %parallel_loop3A_1988 : i32 to index
        %parallel_loop3A_1991 = arith.index_cast %add3A_1974 : i32 to index
        %parallel_loop3A_1992 = arith.index_cast %parallel_loop3A_1979 : i32 to index
        %parallel_loop3A_1993 = tpu.vector_load %arg8[%parallel_loop3A_1989, %parallel_loop3A_1990, %parallel_loop3A_1991, %parallel_loop3A_1992] {strides = array<i32>} : memref<3x4x8x1024xf32, #tpu.memory_space<vmem>>, vector<1x1x1x16xf32>,
        %parallel_loop3A_1994 = vector.shape_cast %parallel_loop3A_1993 : vector<1x1x1x16xf32> to vector<16xf32>
        %parallel_loop3A_1995 = vector.shape_cast %parallel_loop3A_1986 : vector<16xf32> to vector<1x1x1x16xf32>
        tpu.vector_store %arg8[%parallel_loop3A_1989, %parallel_loop3A_1990, %parallel_loop3A_1991, %parallel_loop3A_1992], %parallel_loop3A_1995 {add = true, strides = array<i32>} : memref<3x4x8x1024xf32, #tpu.memory_space<vmem>>, vector<1x1x1x16xf32>,
        %parallel_loop3A_1996 = arith.constant 1 : i32
        %parallel_loop3A_1997 = arith.constant 1 : i32
        %parallel_loop3A_1998 = arith.index_cast %parallel_loop3A_1996 : i32 to index
        %parallel_loop3A_1999 = arith.index_cast %parallel_loop3A_1997 : i32 to index
        %parallel_loop3A_2000 = arith.index_cast %add3A_1974 : i32 to index
        %parallel_loop3A_2001 = arith.index_cast %parallel_loop3A_1979 : i32 to index
        %parallel_loop3A_2002 = tpu.vector_load %arg8[%parallel_loop3A_1998, %parallel_loop3A_1999, %parallel_loop3A_2000, %parallel_loop3A_2001] {strides = array<i32>} : memref<3x4x8x1024xf32, #tpu.memory_space<vmem>>, vector<1x1x1x16xf32>,
        %parallel_loop3A_2003 = vector.shape_cast %parallel_loop3A_2002 : vector<1x1x1x16xf32> to vector<16xf32>
        %parallel_loop3A_2004 = vector.shape_cast %parallel_loop3A_1986 : vector<16xf32> to vector<1x1x1x16xf32>
        tpu.vector_store %arg8[%parallel_loop3A_1998, %parallel_loop3A_1999, %parallel_loop3A_2000, %parallel_loop3A_2001], %parallel_loop3A_2004 {add = true, strides = array<i32>} : memref<3x4x8x1024xf32, #tpu.memory_space<vmem>>, vector<1x1x1x16xf32>,
        %parallel_loop3A_2005 = arith.constant 1 : i32
        %parallel_loop3A_2006 = arith.constant 2 : i32
        %parallel_loop3A_2007 = arith.index_cast %parallel_loop3A_2005 : i32 to index
        %parallel_loop3A_2008 = arith.index_cast %parallel_loop3A_2006 : i32 to index
        %parallel_loop3A_2009 = arith.index_cast %add3A_1974 : i32 to index
        %parallel_loop3A_2010 = arith.index_cast %parallel_loop3A_1979 : i32 to index
        %parallel_loop3A_2011 = tpu.vector_load %arg8[%parallel_loop3A_2007, %parallel_loop3A_2008, %parallel_loop3A_2009, %parallel_loop3A_2010] {strides = array<i32>} : memref<3x4x8x1024xf32, #tpu.memory_space<vmem>>, vector<1x1x1x16xf32>,
        %parallel_loop3A_2012 = vector.shape_cast %parallel_loop3A_2011 : vector<1x1x1x16xf32> to vector<16xf32>
        %parallel_loop3A_2013 = vector.shape_cast %parallel_loop3A_1986 : vector<16xf32> to vector<1x1x1x16xf32>
        tpu.vector_store %arg8[%parallel_loop3A_2007, %parallel_loop3A_2008, %parallel_loop3A_2009, %parallel_loop3A_2010], %parallel_loop3A_2013 {add = true, strides = array<i32>} : memref<3x4x8x1024xf32, #tpu.memory_space<vmem>>, vector<1x1x1x16xf32>,
        %parallel_loop3A_2014 = arith.constant 1 : i32
        %parallel_loop3A_2015 = arith.constant 3 : i32
        %parallel_loop3A_2016 = arith.index_cast %parallel_loop3A_2014 : i32 to index
        %parallel_loop3A_2017 = arith.index_cast %parallel_loop3A_2015 : i32 to index
        %parallel_loop3A_2018 = arith.index_cast %add3A_1974 : i32 to index
        %parallel_loop3A_2019 = arith.index_cast %parallel_loop3A_1979 : i32 to index
        %parallel_loop3A_2020 = tpu.vector_load %arg8[%parallel_loop3A_2016, %parallel_loop3A_2017, %parallel_loop3A_2018, %parallel_loop3A_2019] {strides = array<i32>} : memref<3x4x8x1024xf32, #tpu.memory_space<vmem>>, vector<1x1x1x16xf32>,
        %parallel_loop3A_2021 = vector.shape_cast %parallel_loop3A_2020 : vector<1x1x1x16xf32> to vector<16xf32>
        %parallel_loop3A_2022 = vector.shape_cast %parallel_loop3A_1986 : vector<16xf32> to vector<1x1x1x16xf32>
        tpu.vector_store %arg8[%parallel_loop3A_2016, %parallel_loop3A_2017, %parallel_loop3A_2018, %parallel_loop3A_2019], %parallel_loop3A_2022 {add = true, strides = array<i32>} : memref<3x4x8x1024xf32, #tpu.memory_space<vmem>>, vector<1x1x1x16xf32>,
      } {sc.loop_unroll_factor = 8 : i64, sc.parallel_access}
    }
    %scan3A_225 = arith.constant 8 : i32
    %add3A_226 = arith.constant 8 : i32
    %add3A_227 = arith.addi %mul3A_2, %add3A_226 : i32
    %dma_start3A_228 = arith.constant 1 : i32
    %dma_start3A_229 = arith.constant 1 : i32
    %dma_start3A_230 = arith.constant 0 : i32
    %dma_start3A_231 = arith.constant 0 : i32
    %dma_start3A_232 = arith.constant 0 : i32
    %dma_start3A_233 = tpu.memref_slice %arg8[%dma_start3A_228, %dma_start3A_230, %dma_start3A_231, %dma_start3A_232] : memref<3x4x8x1024xf32, #tpu.memory_space<vmem>> -> memref<1x4x8x1024xf32, #tpu.memory_space<vmem>>
    %dma_start3A_234 = tpu.memref_squeeze %dma_start3A_233 : memref<1x4x8x1024xf32, #tpu.memory_space<vmem>> -> memref<4x8x1024xf32, #tpu.memory_space<vmem>>
    %dma_start3A_235 = arith.constant 0 : i32
    %dma_start3A_236 = arith.constant 0 : i32
    %dma_start3A_237 = tpu.memref_slice %arg5[%dma_start3A_235, %add3A_227, %dma_start3A_236] : memref<4x4096x1024xf32, #tpu.memory_space<hbm>> -> memref<4x8x1024xf32, #tpu.memory_space<hbm>>
    %dma_start3A_238 = tpu.memref_slice %arg11[%dma_start3A_229] : memref<3x!tpu.dma_semaphore, #tpu.memory_space<semaphore_mem>> -> memref<1x!tpu.dma_semaphore, #tpu.memory_space<semaphore_mem>>
    %dma_start3A_239 = tpu.memref_squeeze %dma_start3A_238 : memref<1x!tpu.dma_semaphore, #tpu.memory_space<semaphore_mem>> -> memref<!tpu.dma_semaphore, #tpu.memory_space<semaphore_mem>>
    %dma_start3A_240 = arith.constant 0 : i32
    %dma_start3A_241 = arith.constant 0 : i32
    %dma_start3A_242 = tpu.memref_slice %arg5[%dma_start3A_240, %add3A_227, %dma_start3A_241] : memref<4x4096x1024xf32, #tpu.memory_space<hbm>> -> memref<4x8x1024xf32, #tpu.memory_space<hbm>>
    %dma_start3A_243 = arith.constant 0 : i32
    %dma_start3A_244 = arith.constant 0 : i32
    %dma_start3A_245 = arith.constant 0 : i32
    %dma_start3A_246 = tpu.memref_slice %arg8[%dma_start3A_228, %dma_start3A_243, %dma_start3A_244, %dma_start3A_245] : memref<3x4x8x1024xf32, #tpu.memory_space<vmem>> -> memref<1x4x8x1024xf32, #tpu.memory_space<vmem>>
    %dma_start3A_247 = tpu.memref_squeeze %dma_start3A_246 : memref<1x4x8x1024xf32, #tpu.memory_space<vmem>> -> memref<4x8x1024xf32, #tpu.memory_space<vmem>>
    tpu.enqueue_dma source(%dma_start3A_247 : memref<4x8x1024xf32, #tpu.memory_space<vmem>>) target(%dma_start3A_242 : memref<4x8x1024xf32, #tpu.memory_space<hbm>>) target_semaphore(%dma_start3A_239 : memref<!tpu.dma_semaphore, #tpu.memory_space<semaphore_mem>>)
    %dma_wait3A_248 = arith.constant 0 : i32
    %dma_wait3A_249 = arith.constant 0 : i32
    %dma_wait3A_250 = arith.constant 0 : i32
    %dma_wait3A_251 = arith.constant 0 : i32
    %dma_wait3A_252 = arith.constant 0 : i32
    %dma_wait3A_253 = tpu.memref_slice %arg8[%dma_wait3A_248, %dma_wait3A_250, %dma_wait3A_251, %dma_wait3A_252] : memref<3x4x8x1024xf32, #tpu.memory_space<vmem>> -> memref<1x4x8x1024xf32, #tpu.memory_space<vmem>>
    %dma_wait3A_254 = tpu.memref_squeeze %dma_wait3A_253 : memref<1x4x8x1024xf32, #tpu.memory_space<vmem>> -> memref<4x8x1024xf32, #tpu.memory_space<vmem>>
    %dma_wait3A_255 = arith.constant 0 : i32
    %dma_wait3A_256 = arith.constant 0 : i32
    %dma_wait3A_257 = tpu.memref_slice %arg5[%dma_wait3A_255, %add3A_124, %dma_wait3A_256] : memref<4x4096x1024xf32, #tpu.memory_space<hbm>> -> memref<4x8x1024xf32, #tpu.memory_space<hbm>>
    %dma_wait3A_258 = tpu.memref_slice %arg11[%dma_wait3A_249] : memref<3x!tpu.dma_semaphore, #tpu.memory_space<semaphore_mem>> -> memref<1x!tpu.dma_semaphore, #tpu.memory_space<semaphore_mem>>
    %dma_wait3A_259 = tpu.memref_squeeze %dma_wait3A_258 : memref<1x!tpu.dma_semaphore, #tpu.memory_space<semaphore_mem>> -> memref<!tpu.dma_semaphore, #tpu.memory_space<semaphore_mem>>
    %dma_wait3A_260 = arith.constant 0 : i32
    %dma_wait3A_261 = arith.constant 0 : i32
    %dma_wait3A_262 = tpu.memref_slice %arg5[%dma_wait3A_260, %add3A_124, %dma_wait3A_261] : memref<4x4096x1024xf32, #tpu.memory_space<hbm>> -> memref<4x8x1024xf32, #tpu.memory_space<hbm>>
    %dma_wait3A_263 = arith.constant 0 : i32
    %dma_wait3A_264 = arith.constant 0 : i32
    %dma_wait3A_265 = arith.constant 0 : i32
    %dma_wait3A_266 = tpu.memref_slice %arg8[%dma_wait3A_248, %dma_wait3A_263, %dma_wait3A_264, %dma_wait3A_265] : memref<3x4x8x1024xf32, #tpu.memory_space<vmem>> -> memref<1x4x8x1024xf32, #tpu.memory_space<vmem>>
    %dma_wait3A_267 = tpu.memref_squeeze %dma_wait3A_266 : memref<1x4x8x1024xf32, #tpu.memory_space<vmem>> -> memref<4x8x1024xf32, #tpu.memory_space<vmem>>
    tpu.wait_dma2 semaphore(%dma_wait3A_259 : memref<!tpu.dma_semaphore, #tpu.memory_space<semaphore_mem>>) src(%dma_wait3A_267 : memref<4x8x1024xf32, #tpu.memory_space<vmem>>) dst(%dma_wait3A_262 : memref<4x8x1024xf32, #tpu.memory_space<hbm>>)
    %add3A_268 = arith.constant 24 : i32
    %add3A_269 = arith.addi %mul3A_2, %add3A_268 : i32
    %dma_start3A_270 = arith.constant 1 : i32
    %dma_start3A_271 = arith.constant 1 : i32
    %dma_start3A_272 = arith.constant 0 : i32
    %dma_start3A_273 = arith.constant 0 : i32
    %dma_start3A_274 = tpu.memref_slice %arg7[%dma_start3A_270, %dma_start3A_272, %dma_start3A_273] : memref<2x8x1024xf32, #tpu.memory_space<vmem>> -> memref<1x8x1024xf32, #tpu.memory_space<vmem>>
    %dma_start3A_275 = tpu.memref_squeeze %dma_start3A_274 : memref<1x8x1024xf32, #tpu.memory_space<vmem>> -> memref<8x1024xf32, #tpu.memory_space<vmem>>
    %dma_start3A_276 = arith.constant 0 : i32
    %dma_start3A_277 = tpu.memref_slice %arg3[%add3A_269, %dma_start3A_276] : memref<4096x1024xf32, #tpu.memory_space<hbm>> -> memref<8x1024xf32, #tpu.memory_space<hbm>>
    %dma_start3A_278 = tpu.memref_slice %arg9[%dma_start3A_271] : memref<2x!tpu.dma_semaphore, #tpu.memory_space<semaphore_mem>> -> memref<1x!tpu.dma_semaphore, #tpu.memory_space<semaphore_mem>>
    %dma_start3A_279 = tpu.memref_squeeze %dma_start3A_278 : memref<1x!tpu.dma_semaphore, #tpu.memory_space<semaphore_mem>> -> memref<!tpu.dma_semaphore, #tpu.memory_space<semaphore_mem>>
    %dma_start3A_280 = arith.constant 0 : i32
    %dma_start3A_281 = arith.constant 0 : i32
    %dma_start3A_282 = tpu.memref_slice %arg7[%dma_start3A_270, %dma_start3A_280, %dma_start3A_281] : memref<2x8x1024xf32, #tpu.memory_space<vmem>> -> memref<1x8x1024xf32, #tpu.memory_space<vmem>>
    %dma_start3A_283 = tpu.memref_squeeze %dma_start3A_282 : memref<1x8x1024xf32, #tpu.memory_space<vmem>> -> memref<8x1024xf32, #tpu.memory_space<vmem>>
    %dma_start3A_284 = arith.constant 0 : i32
    %dma_start3A_285 = tpu.memref_slice %arg3[%add3A_269, %dma_start3A_284] : memref<4096x1024xf32, #tpu.memory_space<hbm>> -> memref<8x1024xf32, #tpu.memory_space<hbm>>
    tpu.enqueue_dma source(%dma_start3A_285 : memref<8x1024xf32, #tpu.memory_space<hbm>>) target(%dma_start3A_283 : memref<8x1024xf32, #tpu.memory_space<vmem>>) target_semaphore(%dma_start3A_279 : memref<!tpu.dma_semaphore, #tpu.memory_space<semaphore_mem>>)
    %add3A_286 = arith.constant 24 : i32
    %add3A_287 = arith.addi %mul3A_2, %add3A_286 : i32
    %dma_start3A_288 = arith.constant 0 : i32
    %dma_start3A_289 = arith.constant 0 : i32
    %dma_start3A_290 = arith.constant 0 : i32
    %dma_start3A_291 = arith.constant 0 : i32
    %dma_start3A_292 = arith.constant 0 : i32
    %dma_start3A_293 = tpu.memref_slice %arg8[%dma_start3A_288, %dma_start3A_290, %dma_start3A_291, %dma_start3A_292] : memref<3x4x8x1024xf32, #tpu.memory_space<vmem>> -> memref<1x4x8x1024xf32, #tpu.memory_space<vmem>>
    %dma_start3A_294 = tpu.memref_squeeze %dma_start3A_293 : memref<1x4x8x1024xf32, #tpu.memory_space<vmem>> -> memref<4x8x1024xf32, #tpu.memory_space<vmem>>
    %dma_start3A_295 = arith.constant 0 : i32
    %dma_start3A_296 = arith.constant 0 : i32
    %dma_start3A_297 = tpu.memref_slice %arg2[%dma_start3A_295, %add3A_287, %dma_start3A_296] : memref<4x4096x1024xf32, #tpu.memory_space<hbm>> -> memref<4x8x1024xf32, #tpu.memory_space<hbm>>
    %dma_start3A_298 = tpu.memref_slice %arg10[%dma_start3A_289] : memref<3x!tpu.dma_semaphore, #tpu.memory_space<semaphore_mem>> -> memref<1x!tpu.dma_semaphore, #tpu.memory_space<semaphore_mem>>
    %dma_start3A_299 = tpu.memref_squeeze %dma_start3A_298 : memref<1x!tpu.dma_semaphore, #tpu.memory_space<semaphore_mem>> -> memref<!tpu.dma_semaphore, #tpu.memory_space<semaphore_mem>>
    %dma_start3A_300 = arith.constant 0 : i32
    %dma_start3A_301 = arith.constant 0 : i32
    %dma_start3A_302 = arith.constant 0 : i32
    %dma_start3A_303 = tpu.memref_slice %arg8[%dma_start3A_288, %dma_start3A_300, %dma_start3A_301, %dma_start3A_302] : memref<3x4x8x1024xf32, #tpu.memory_space<vmem>> -> memref<1x4x8x1024xf32, #tpu.memory_space<vmem>>
    %dma_start3A_304 = tpu.memref_squeeze %dma_start3A_303 : memref<1x4x8x1024xf32, #tpu.memory_space<vmem>> -> memref<4x8x1024xf32, #tpu.memory_space<vmem>>
    %dma_start3A_305 = arith.constant 0 : i32
    %dma_start3A_306 = arith.constant 0 : i32
    %dma_start3A_307 = tpu.memref_slice %arg2[%dma_start3A_305, %add3A_287, %dma_start3A_306] : memref<4x4096x1024xf32, #tpu.memory_space<hbm>> -> memref<4x8x1024xf32, #tpu.memory_space<hbm>>
    tpu.enqueue_dma source(%dma_start3A_307 : memref<4x8x1024xf32, #tpu.memory_space<hbm>>) target(%dma_start3A_304 : memref<4x8x1024xf32, #tpu.memory_space<vmem>>) target_semaphore(%dma_start3A_299 : memref<!tpu.dma_semaphore, #tpu.memory_space<semaphore_mem>>)
    %dma_wait3A_308 = arith.constant 0 : i32
    %dma_wait3A_309 = arith.constant 0 : i32
    %dma_wait3A_310 = arith.constant 0 : i32
    %dma_wait3A_311 = arith.constant 0 : i32
    %dma_wait3A_312 = tpu.memref_slice %arg7[%dma_wait3A_308, %dma_wait3A_310, %dma_wait3A_311] : memref<2x8x1024xf32, #tpu.memory_space<vmem>> -> memref<1x8x1024xf32, #tpu.memory_space<vmem>>
    %dma_wait3A_313 = tpu.memref_squeeze %dma_wait3A_312 : memref<1x8x1024xf32, #tpu.memory_space<vmem>> -> memref<8x1024xf32, #tpu.memory_space<vmem>>
    %dma_wait3A_314 = arith.constant 0 : i32
    %dma_wait3A_315 = tpu.memref_slice %arg3[%add3A_146, %dma_wait3A_314] : memref<4096x1024xf32, #tpu.memory_space<hbm>> -> memref<8x1024xf32, #tpu.memory_space<hbm>>
    %dma_wait3A_316 = tpu.memref_slice %arg9[%dma_wait3A_309] : memref<2x!tpu.dma_semaphore, #tpu.memory_space<semaphore_mem>> -> memref<1x!tpu.dma_semaphore, #tpu.memory_space<semaphore_mem>>
    %dma_wait3A_317 = tpu.memref_squeeze %dma_wait3A_316 : memref<1x!tpu.dma_semaphore, #tpu.memory_space<semaphore_mem>> -> memref<!tpu.dma_semaphore, #tpu.memory_space<semaphore_mem>>
    %dma_wait3A_318 = arith.constant 0 : i32
    %dma_wait3A_319 = arith.constant 0 : i32
    %dma_wait3A_320 = tpu.memref_slice %arg7[%dma_wait3A_308, %dma_wait3A_318, %dma_wait3A_319] : memref<2x8x1024xf32, #tpu.memory_space<vmem>> -> memref<1x8x1024xf32, #tpu.memory_space<vmem>>
    %dma_wait3A_321 = tpu.memref_squeeze %dma_wait3A_320 : memref<1x8x1024xf32, #tpu.memory_space<vmem>> -> memref<8x1024xf32, #tpu.memory_space<vmem>>
    %dma_wait3A_322 = arith.constant 0 : i32
    %dma_wait3A_323 = tpu.memref_slice %arg3[%add3A_146, %dma_wait3A_322] : memref<4096x1024xf32, #tpu.memory_space<hbm>> -> memref<8x1024xf32, #tpu.memory_space<hbm>>
    tpu.wait_dma2 semaphore(%dma_wait3A_317 : memref<!tpu.dma_semaphore, #tpu.memory_space<semaphore_mem>>) src(%dma_wait3A_323 : memref<8x1024xf32, #tpu.memory_space<hbm>>) dst(%dma_wait3A_321 : memref<8x1024xf32, #tpu.memory_space<vmem>>)
    %dma_wait3A_324 = arith.constant 2 : i32
    %dma_wait3A_325 = arith.constant 2 : i32
    %dma_wait3A_326 = arith.constant 0 : i32
    %dma_wait3A_327 = arith.constant 0 : i32
    %dma_wait3A_328 = arith.constant 0 : i32
    %dma_wait3A_329 = tpu.memref_slice %arg8[%dma_wait3A_324, %dma_wait3A_326, %dma_wait3A_327, %dma_wait3A_328] : memref<3x4x8x1024xf32, #tpu.memory_space<vmem>> -> memref<1x4x8x1024xf32, #tpu.memory_space<vmem>>
    %dma_wait3A_330 = tpu.memref_squeeze %dma_wait3A_329 : memref<1x4x8x1024xf32, #tpu.memory_space<vmem>> -> memref<4x8x1024xf32, #tpu.memory_space<vmem>>
    %dma_wait3A_331 = arith.constant 0 : i32
    %dma_wait3A_332 = arith.constant 0 : i32
    %dma_wait3A_333 = tpu.memref_slice %arg2[%dma_wait3A_331, %add3A_164, %dma_wait3A_332] : memref<4x4096x1024xf32, #tpu.memory_space<hbm>> -> memref<4x8x1024xf32, #tpu.memory_space<hbm>>
    %dma_wait3A_334 = tpu.memref_slice %arg10[%dma_wait3A_325] : memref<3x!tpu.dma_semaphore, #tpu.memory_space<semaphore_mem>> -> memref<1x!tpu.dma_semaphore, #tpu.memory_space<semaphore_mem>>
    %dma_wait3A_335 = tpu.memref_squeeze %dma_wait3A_334 : memref<1x!tpu.dma_semaphore, #tpu.memory_space<semaphore_mem>> -> memref<!tpu.dma_semaphore, #tpu.memory_space<semaphore_mem>>
    %dma_wait3A_336 = arith.constant 0 : i32
    %dma_wait3A_337 = arith.constant 0 : i32
    %dma_wait3A_338 = arith.constant 0 : i32
    %dma_wait3A_339 = tpu.memref_slice %arg8[%dma_wait3A_324, %dma_wait3A_336, %dma_wait3A_337, %dma_wait3A_338] : memref<3x4x8x1024xf32, #tpu.memory_space<vmem>> -> memref<1x4x8x1024xf32, #tpu.memory_space<vmem>>
    %dma_wait3A_340 = tpu.memref_squeeze %dma_wait3A_339 : memref<1x4x8x1024xf32, #tpu.memory_space<vmem>> -> memref<4x8x1024xf32, #tpu.memory_space<vmem>>
    %dma_wait3A_341 = arith.constant 0 : i32
    %dma_wait3A_342 = arith.constant 0 : i32
    %dma_wait3A_343 = tpu.memref_slice %arg2[%dma_wait3A_341, %add3A_164, %dma_wait3A_342] : memref<4x4096x1024xf32, #tpu.memory_space<hbm>> -> memref<4x8x1024xf32, #tpu.memory_space<hbm>>
    tpu.wait_dma2 semaphore(%dma_wait3A_335 : memref<!tpu.dma_semaphore, #tpu.memory_space<semaphore_mem>>) src(%dma_wait3A_343 : memref<4x8x1024xf32, #tpu.memory_space<hbm>>) dst(%dma_wait3A_340 : memref<4x8x1024xf32, #tpu.memory_space<vmem>>)
    %scan3A_344 = arith.constant 0 : i32
    %scan3A_345 = arith.constant 8 : i32
    %scan3A_346 = arith.addi %scan3A_344, %scan3A_345 : i32
    %scan3A_347 = arith.constant 1 : i32
    scf.for %scan3A_1970 = %scan3A_344 to %scan3A_346 step %scan3A_347  : i32 {
      %mul3A_1971 = arith.constant 1 : i32
      %mul3A_1972 = arith.muli %scan3A_1970, %mul3A_1971 : i32
      %add3A_1973 = arith.constant 0 : i32
      %add3A_1974 = arith.addi %add3A_1973, %mul3A_1972 : i32
      %parallel_loop3A = arith.constant 0 : i32
      %parallel_loop3A_1975 = arith.constant 64 : i32
      %parallel_loop3A_1976 = arith.constant 1 : i32
      scf.for %parallel_loop3A_1977 = %parallel_loop3A to %parallel_loop3A_1975 step %parallel_loop3A_1976  : i32 {
        %parallel_loop3A_1978 = arith.constant 16 : i32
        %parallel_loop3A_1979 = arith.muli %parallel_loop3A_1977, %parallel_loop3A_1978 : i32
        %parallel_loop3A_1980 = arith.constant 0 : i32
        %parallel_loop3A_1981 = arith.index_cast %parallel_loop3A_1980 : i32 to index
        %parallel_loop3A_1982 = arith.index_cast %add3A_1974 : i32 to index
        %parallel_loop3A_1983 = arith.index_cast %parallel_loop3A_1979 : i32 to index
        %parallel_loop3A_1984 = tpu.vector_load %arg7[%parallel_loop3A_1981, %parallel_loop3A_1982, %parallel_loop3A_1983] {strides = array<i32>} : memref<2x8x1024xf32, #tpu.memory_space<vmem>>, vector<1x1x16xf32>,
        %parallel_loop3A_1985 = vector.shape_cast %parallel_loop3A_1984 : vector<1x1x16xf32> to vector<16xf32>
        %parallel_loop3A_1986 = arith.mulf %get3A_4, %parallel_loop3A_1985 : vector<16xf32>
        %parallel_loop3A_1987 = arith.constant 2 : i32
        %parallel_loop3A_1988 = arith.constant 0 : i32
        %parallel_loop3A_1989 = arith.index_cast %parallel_loop3A_1987 : i32 to index
        %parallel_loop3A_1990 = arith.index_cast %parallel_loop3A_1988 : i32 to index
        %parallel_loop3A_1991 = arith.index_cast %add3A_1974 : i32 to index
        %parallel_loop3A_1992 = arith.index_cast %parallel_loop3A_1979 : i32 to index
        %parallel_loop3A_1993 = tpu.vector_load %arg8[%parallel_loop3A_1989, %parallel_loop3A_1990, %parallel_loop3A_1991, %parallel_loop3A_1992] {strides = array<i32>} : memref<3x4x8x1024xf32, #tpu.memory_space<vmem>>, vector<1x1x1x16xf32>,
        %parallel_loop3A_1994 = vector.shape_cast %parallel_loop3A_1993 : vector<1x1x1x16xf32> to vector<16xf32>
        %parallel_loop3A_1995 = vector.shape_cast %parallel_loop3A_1986 : vector<16xf32> to vector<1x1x1x16xf32>
        tpu.vector_store %arg8[%parallel_loop3A_1989, %parallel_loop3A_1990, %parallel_loop3A_1991, %parallel_loop3A_1992], %parallel_loop3A_1995 {add = true, strides = array<i32>} : memref<3x4x8x1024xf32, #tpu.memory_space<vmem>>, vector<1x1x1x16xf32>,
        %parallel_loop3A_1996 = arith.constant 2 : i32
        %parallel_loop3A_1997 = arith.constant 1 : i32
        %parallel_loop3A_1998 = arith.index_cast %parallel_loop3A_1996 : i32 to index
        %parallel_loop3A_1999 = arith.index_cast %parallel_loop3A_1997 : i32 to index
        %parallel_loop3A_2000 = arith.index_cast %add3A_1974 : i32 to index
        %parallel_loop3A_2001 = arith.index_cast %parallel_loop3A_1979 : i32 to index
        %parallel_loop3A_2002 = tpu.vector_load %arg8[%parallel_loop3A_1998, %parallel_loop3A_1999, %parallel_loop3A_2000, %parallel_loop3A_2001] {strides = array<i32>} : memref<3x4x8x1024xf32, #tpu.memory_space<vmem>>, vector<1x1x1x16xf32>,
        %parallel_loop3A_2003 = vector.shape_cast %parallel_loop3A_2002 : vector<1x1x1x16xf32> to vector<16xf32>
        %parallel_loop3A_2004 = vector.shape_cast %parallel_loop3A_1986 : vector<16xf32> to vector<1x1x1x16xf32>
        tpu.vector_store %arg8[%parallel_loop3A_1998, %parallel_loop3A_1999, %parallel_loop3A_2000, %parallel_loop3A_2001], %parallel_loop3A_2004 {add = true, strides = array<i32>} : memref<3x4x8x1024xf32, #tpu.memory_space<vmem>>, vector<1x1x1x16xf32>,
        %parallel_loop3A_2005 = arith.constant 2 : i32
        %parallel_loop3A_2006 = arith.constant 2 : i32
        %parallel_loop3A_2007 = arith.index_cast %parallel_loop3A_2005 : i32 to index
        %parallel_loop3A_2008 = arith.index_cast %parallel_loop3A_2006 : i32 to index
        %parallel_loop3A_2009 = arith.index_cast %add3A_1974 : i32 to index
        %parallel_loop3A_2010 = arith.index_cast %parallel_loop3A_1979 : i32 to index
        %parallel_loop3A_2011 = tpu.vector_load %arg8[%parallel_loop3A_2007, %parallel_loop3A_2008, %parallel_loop3A_2009, %parallel_loop3A_2010] {strides = array<i32>} : memref<3x4x8x1024xf32, #tpu.memory_space<vmem>>, vector<1x1x1x16xf32>,
        %parallel_loop3A_2012 = vector.shape_cast %parallel_loop3A_2011 : vector<1x1x1x16xf32> to vector<16xf32>
        %parallel_loop3A_2013 = vector.shape_cast %parallel_loop3A_1986 : vector<16xf32> to vector<1x1x1x16xf32>
        tpu.vector_store %arg8[%parallel_loop3A_2007, %parallel_loop3A_2008, %parallel_loop3A_2009, %parallel_loop3A_2010], %parallel_loop3A_2013 {add = true, strides = array<i32>} : memref<3x4x8x1024xf32, #tpu.memory_space<vmem>>, vector<1x1x1x16xf32>,
        %parallel_loop3A_2014 = arith.constant 2 : i32
        %parallel_loop3A_2015 = arith.constant 3 : i32
        %parallel_loop3A_2016 = arith.index_cast %parallel_loop3A_2014 : i32 to index
        %parallel_loop3A_2017 = arith.index_cast %parallel_loop3A_2015 : i32 to index
        %parallel_loop3A_2018 = arith.index_cast %add3A_1974 : i32 to index
        %parallel_loop3A_2019 = arith.index_cast %parallel_loop3A_1979 : i32 to index
        %parallel_loop3A_2020 = tpu.vector_load %arg8[%parallel_loop3A_2016, %parallel_loop3A_2017, %parallel_loop3A_2018, %parallel_loop3A_2019] {strides = array<i32>} : memref<3x4x8x1024xf32, #tpu.memory_space<vmem>>, vector<1x1x1x16xf32>,
        %parallel_loop3A_2021 = vector.shape_cast %parallel_loop3A_2020 : vector<1x1x1x16xf32> to vector<16xf32>
        %parallel_loop3A_2022 = vector.shape_cast %parallel_loop3A_1986 : vector<16xf32> to vector<1x1x1x16xf32>
        tpu.vector_store %arg8[%parallel_loop3A_2016, %parallel_loop3A_2017, %parallel_loop3A_2018, %parallel_loop3A_2019], %parallel_loop3A_2022 {add = true, strides = array<i32>} : memref<3x4x8x1024xf32, #tpu.memory_space<vmem>>, vector<1x1x1x16xf32>,
      } {sc.loop_unroll_factor = 8 : i64, sc.parallel_access}
    }
    %scan3A_348 = arith.constant 8 : i32
    %add3A_349 = arith.constant 16 : i32
    %add3A_350 = arith.addi %mul3A_2, %add3A_349 : i32
    %dma_start3A_351 = arith.constant 2 : i32
    %dma_start3A_352 = arith.constant 2 : i32
    %dma_start3A_353 = arith.constant 0 : i32
    %dma_start3A_354 = arith.constant 0 : i32
    %dma_start3A_355 = arith.constant 0 : i32
    %dma_start3A_356 = tpu.memref_slice %arg8[%dma_start3A_351, %dma_start3A_353, %dma_start3A_354, %dma_start3A_355] : memref<3x4x8x1024xf32, #tpu.memory_space<vmem>> -> memref<1x4x8x1024xf32, #tpu.memory_space<vmem>>
    %dma_start3A_357 = tpu.memref_squeeze %dma_start3A_356 : memref<1x4x8x1024xf32, #tpu.memory_space<vmem>> -> memref<4x8x1024xf32, #tpu.memory_space<vmem>>
    %dma_start3A_358 = arith.constant 0 : i32
    %dma_start3A_359 = arith.constant 0 : i32
    %dma_start3A_360 = tpu.memref_slice %arg5[%dma_start3A_358, %add3A_350, %dma_start3A_359] : memref<4x4096x1024xf32, #tpu.memory_space<hbm>> -> memref<4x8x1024xf32, #tpu.memory_space<hbm>>
    %dma_start3A_361 = tpu.memref_slice %arg11[%dma_start3A_352] : memref<3x!tpu.dma_semaphore, #tpu.memory_space<semaphore_mem>> -> memref<1x!tpu.dma_semaphore, #tpu.memory_space<semaphore_mem>>
    %dma_start3A_362 = tpu.memref_squeeze %dma_start3A_361 : memref<1x!tpu.dma_semaphore, #tpu.memory_space<semaphore_mem>> -> memref<!tpu.dma_semaphore, #tpu.memory_space<semaphore_mem>>
    %dma_start3A_363 = arith.constant 0 : i32
    %dma_start3A_364 = arith.constant 0 : i32
    %dma_start3A_365 = tpu.memref_slice %arg5[%dma_start3A_363, %add3A_350, %dma_start3A_364] : memref<4x4096x1024xf32, #tpu.memory_space<hbm>> -> memref<4x8x1024xf32, #tpu.memory_space<hbm>>
    %dma_start3A_366 = arith.constant 0 : i32
    %dma_start3A_367 = arith.constant 0 : i32
    %dma_start3A_368 = arith.constant 0 : i32
    %dma_start3A_369 = tpu.memref_slice %arg8[%dma_start3A_351, %dma_start3A_366, %dma_start3A_367, %dma_start3A_368] : memref<3x4x8x1024xf32, #tpu.memory_space<vmem>> -> memref<1x4x8x1024xf32, #tpu.memory_space<vmem>>
    %dma_start3A_370 = tpu.memref_squeeze %dma_start3A_369 : memref<1x4x8x1024xf32, #tpu.memory_space<vmem>> -> memref<4x8x1024xf32, #tpu.memory_space<vmem>>
    tpu.enqueue_dma source(%dma_start3A_370 : memref<4x8x1024xf32, #tpu.memory_space<vmem>>) target(%dma_start3A_365 : memref<4x8x1024xf32, #tpu.memory_space<hbm>>) target_semaphore(%dma_start3A_362 : memref<!tpu.dma_semaphore, #tpu.memory_space<semaphore_mem>>)
    %dma_wait3A_371 = arith.constant 1 : i32
    %dma_wait3A_372 = arith.constant 1 : i32
    %dma_wait3A_373 = arith.constant 0 : i32
    %dma_wait3A_374 = arith.constant 0 : i32
    %dma_wait3A_375 = arith.constant 0 : i32
    %dma_wait3A_376 = tpu.memref_slice %arg8[%dma_wait3A_371, %dma_wait3A_373, %dma_wait3A_374, %dma_wait3A_375] : memref<3x4x8x1024xf32, #tpu.memory_space<vmem>> -> memref<1x4x8x1024xf32, #tpu.memory_space<vmem>>
    %dma_wait3A_377 = tpu.memref_squeeze %dma_wait3A_376 : memref<1x4x8x1024xf32, #tpu.memory_space<vmem>> -> memref<4x8x1024xf32, #tpu.memory_space<vmem>>
    %dma_wait3A_378 = arith.constant 0 : i32
    %dma_wait3A_379 = arith.constant 0 : i32
    %dma_wait3A_380 = tpu.memref_slice %arg5[%dma_wait3A_378, %add3A_227, %dma_wait3A_379] : memref<4x4096x1024xf32, #tpu.memory_space<hbm>> -> memref<4x8x1024xf32, #tpu.memory_space<hbm>>
    %dma_wait3A_381 = tpu.memref_slice %arg11[%dma_wait3A_372] : memref<3x!tpu.dma_semaphore, #tpu.memory_space<semaphore_mem>> -> memref<1x!tpu.dma_semaphore, #tpu.memory_space<semaphore_mem>>
    %dma_wait3A_382 = tpu.memref_squeeze %dma_wait3A_381 : memref<1x!tpu.dma_semaphore, #tpu.memory_space<semaphore_mem>> -> memref<!tpu.dma_semaphore, #tpu.memory_space<semaphore_mem>>
    %dma_wait3A_383 = arith.constant 0 : i32
    %dma_wait3A_384 = arith.constant 0 : i32
    %dma_wait3A_385 = tpu.memref_slice %arg5[%dma_wait3A_383, %add3A_227, %dma_wait3A_384] : memref<4x4096x1024xf32, #tpu.memory_space<hbm>> -> memref<4x8x1024xf32, #tpu.memory_space<hbm>>
    %dma_wait3A_386 = arith.constant 0 : i32
    %dma_wait3A_387 = arith.constant 0 : i32
    %dma_wait3A_388 = arith.constant 0 : i32
    %dma_wait3A_389 = tpu.memref_slice %arg8[%dma_wait3A_371, %dma_wait3A_386, %dma_wait3A_387, %dma_wait3A_388] : memref<3x4x8x1024xf32, #tpu.memory_space<vmem>> -> memref<1x4x8x1024xf32, #tpu.memory_space<vmem>>
    %dma_wait3A_390 = tpu.memref_squeeze %dma_wait3A_389 : memref<1x4x8x1024xf32, #tpu.memory_space<vmem>> -> memref<4x8x1024xf32, #tpu.memory_space<vmem>>
    tpu.wait_dma2 semaphore(%dma_wait3A_382 : memref<!tpu.dma_semaphore, #tpu.memory_space<semaphore_mem>>) src(%dma_wait3A_390 : memref<4x8x1024xf32, #tpu.memory_space<vmem>>) dst(%dma_wait3A_385 : memref<4x8x1024xf32, #tpu.memory_space<hbm>>)
    %add3A_391 = arith.constant 32 : i32
    %add3A_392 = arith.addi %mul3A_2, %add3A_391 : i32
    %dma_start3A_393 = arith.constant 0 : i32
    %dma_start3A_394 = arith.constant 0 : i32
    %dma_start3A_395 = arith.constant 0 : i32
    %dma_start3A_396 = arith.constant 0 : i32
    %dma_start3A_397 = tpu.memref_slice %arg7[%dma_start3A_393, %dma_start3A_395, %dma_start3A_396] : memref<2x8x1024xf32, #tpu.memory_space<vmem>> -> memref<1x8x1024xf32, #tpu.memory_space<vmem>>
    %dma_start3A_398 = tpu.memref_squeeze %dma_start3A_397 : memref<1x8x1024xf32, #tpu.memory_space<vmem>> -> memref<8x1024xf32, #tpu.memory_space<vmem>>
    %dma_start3A_399 = arith.constant 0 : i32
    %dma_start3A_400 = tpu.memref_slice %arg3[%add3A_392, %dma_start3A_399] : memref<4096x1024xf32, #tpu.memory_space<hbm>> -> memref<8x1024xf32, #tpu.memory_space<hbm>>
    %dma_start3A_401 = tpu.memref_slice %arg9[%dma_start3A_394] : memref<2x!tpu.dma_semaphore, #tpu.memory_space<semaphore_mem>> -> memref<1x!tpu.dma_semaphore, #tpu.memory_space<semaphore_mem>>
    %dma_start3A_402 = tpu.memref_squeeze %dma_start3A_401 : memref<1x!tpu.dma_semaphore, #tpu.memory_space<semaphore_mem>> -> memref<!tpu.dma_semaphore, #tpu.memory_space<semaphore_mem>>
    %dma_start3A_403 = arith.constant 0 : i32
    %dma_start3A_404 = arith.constant 0 : i32
    %dma_start3A_405 = tpu.memref_slice %arg7[%dma_start3A_393, %dma_start3A_403, %dma_start3A_404] : memref<2x8x1024xf32, #tpu.memory_space<vmem>> -> memref<1x8x1024xf32, #tpu.memory_space<vmem>>
    %dma_start3A_406 = tpu.memref_squeeze %dma_start3A_405 : memref<1x8x1024xf32, #tpu.memory_space<vmem>> -> memref<8x1024xf32, #tpu.memory_space<vmem>>
    %dma_start3A_407 = arith.constant 0 : i32
    %dma_start3A_408 = tpu.memref_slice %arg3[%add3A_392, %dma_start3A_407] : memref<4096x1024xf32, #tpu.memory_space<hbm>> -> memref<8x1024xf32, #tpu.memory_space<hbm>>
    tpu.enqueue_dma source(%dma_start3A_408 : memref<8x1024xf32, #tpu.memory_space<hbm>>) target(%dma_start3A_406 : memref<8x1024xf32, #tpu.memory_space<vmem>>) target_semaphore(%dma_start3A_402 : memref<!tpu.dma_semaphore, #tpu.memory_space<semaphore_mem>>)
    %add3A_409 = arith.constant 32 : i32
    %add3A_410 = arith.addi %mul3A_2, %add3A_409 : i32
    %dma_start3A_411 = arith.constant 1 : i32
    %dma_start3A_412 = arith.constant 1 : i32
    %dma_start3A_413 = arith.constant 0 : i32
    %dma_start3A_414 = arith.constant 0 : i32
    %dma_start3A_415 = arith.constant 0 : i32
    %dma_start3A_416 = tpu.memref_slice %arg8[%dma_start3A_411, %dma_start3A_413, %dma_start3A_414, %dma_start3A_415] : memref<3x4x8x1024xf32, #tpu.memory_space<vmem>> -> memref<1x4x8x1024xf32, #tpu.memory_space<vmem>>
    %dma_start3A_417 = tpu.memref_squeeze %dma_start3A_416 : memref<1x4x8x1024xf32, #tpu.memory_space<vmem>> -> memref<4x8x1024xf32, #tpu.memory_space<vmem>>
    %dma_start3A_418 = arith.constant 0 : i32
    %dma_start3A_419 = arith.constant 0 : i32
    %dma_start3A_420 = tpu.memref_slice %arg2[%dma_start3A_418, %add3A_410, %dma_start3A_419] : memref<4x4096x1024xf32, #tpu.memory_space<hbm>> -> memref<4x8x1024xf32, #tpu.memory_space<hbm>>
    %dma_start3A_421 = tpu.memref_slice %arg10[%dma_start3A_412] : memref<3x!tpu.dma_semaphore, #tpu.memory_space<semaphore_mem>> -> memref<1x!tpu.dma_semaphore, #tpu.memory_space<semaphore_mem>>
    %dma_start3A_422 = tpu.memref_squeeze %dma_start3A_421 : memref<1x!tpu.dma_semaphore, #tpu.memory_space<semaphore_mem>> -> memref<!tpu.dma_semaphore, #tpu.memory_space<semaphore_mem>>
    %dma_start3A_423 = arith.constant 0 : i32
    %dma_start3A_424 = arith.constant 0 : i32
    %dma_start3A_425 = arith.constant 0 : i32
    %dma_start3A_426 = tpu.memref_slice %arg8[%dma_start3A_411, %dma_start3A_423, %dma_start3A_424, %dma_start3A_425] : memref<3x4x8x1024xf32, #tpu.memory_space<vmem>> -> memref<1x4x8x1024xf32, #tpu.memory_space<vmem>>
    %dma_start3A_427 = tpu.memref_squeeze %dma_start3A_426 : memref<1x4x8x1024xf32, #tpu.memory_space<vmem>> -> memref<4x8x1024xf32, #tpu.memory_space<vmem>>
    %dma_start3A_428 = arith.constant 0 : i32
    %dma_start3A_429 = arith.constant 0 : i32
    %dma_start3A_430 = tpu.memref_slice %arg2[%dma_start3A_428, %add3A_410, %dma_start3A_429] : memref<4x4096x1024xf32, #tpu.memory_space<hbm>> -> memref<4x8x1024xf32, #tpu.memory_space<hbm>>
    tpu.enqueue_dma source(%dma_start3A_430 : memref<4x8x1024xf32, #tpu.memory_space<hbm>>) target(%dma_start3A_427 : memref<4x8x1024xf32, #tpu.memory_space<vmem>>) target_semaphore(%dma_start3A_422 : memref<!tpu.dma_semaphore, #tpu.memory_space<semaphore_mem>>)
    %dma_wait3A_431 = arith.constant 1 : i32
    %dma_wait3A_432 = arith.constant 1 : i32
    %dma_wait3A_433 = arith.constant 0 : i32
    %dma_wait3A_434 = arith.constant 0 : i32
    %dma_wait3A_435 = tpu.memref_slice %arg7[%dma_wait3A_431, %dma_wait3A_433, %dma_wait3A_434] : memref<2x8x1024xf32, #tpu.memory_space<vmem>> -> memref<1x8x1024xf32, #tpu.memory_space<vmem>>
    %dma_wait3A_436 = tpu.memref_squeeze %dma_wait3A_435 : memref<1x8x1024xf32, #tpu.memory_space<vmem>> -> memref<8x1024xf32, #tpu.memory_space<vmem>>
    %dma_wait3A_437 = arith.constant 0 : i32
    %dma_wait3A_438 = tpu.memref_slice %arg3[%add3A_269, %dma_wait3A_437] : memref<4096x1024xf32, #tpu.memory_space<hbm>> -> memref<8x1024xf32, #tpu.memory_space<hbm>>
    %dma_wait3A_439 = tpu.memref_slice %arg9[%dma_wait3A_432] : memref<2x!tpu.dma_semaphore, #tpu.memory_space<semaphore_mem>> -> memref<1x!tpu.dma_semaphore, #tpu.memory_space<semaphore_mem>>
    %dma_wait3A_440 = tpu.memref_squeeze %dma_wait3A_439 : memref<1x!tpu.dma_semaphore, #tpu.memory_space<semaphore_mem>> -> memref<!tpu.dma_semaphore, #tpu.memory_space<semaphore_mem>>
    %dma_wait3A_441 = arith.constant 0 : i32
    %dma_wait3A_442 = arith.constant 0 : i32
    %dma_wait3A_443 = tpu.memref_slice %arg7[%dma_wait3A_431, %dma_wait3A_441, %dma_wait3A_442] : memref<2x8x1024xf32, #tpu.memory_space<vmem>> -> memref<1x8x1024xf32, #tpu.memory_space<vmem>>
    %dma_wait3A_444 = tpu.memref_squeeze %dma_wait3A_443 : memref<1x8x1024xf32, #tpu.memory_space<vmem>> -> memref<8x1024xf32, #tpu.memory_space<vmem>>
    %dma_wait3A_445 = arith.constant 0 : i32
    %dma_wait3A_446 = tpu.memref_slice %arg3[%add3A_269, %dma_wait3A_445] : memref<4096x1024xf32, #tpu.memory_space<hbm>> -> memref<8x1024xf32, #tpu.memory_space<hbm>>
    tpu.wait_dma2 semaphore(%dma_wait3A_440 : memref<!tpu.dma_semaphore, #tpu.memory_space<semaphore_mem>>) src(%dma_wait3A_446 : memref<8x1024xf32, #tpu.memory_space<hbm>>) dst(%dma_wait3A_444 : memref<8x1024xf32, #tpu.memory_space<vmem>>)
    %dma_wait3A_447 = arith.constant 0 : i32
    %dma_wait3A_448 = arith.constant 0 : i32
    %dma_wait3A_449 = arith.constant 0 : i32
    %dma_wait3A_450 = arith.constant 0 : i32
    %dma_wait3A_451 = arith.constant 0 : i32
    %dma_wait3A_452 = tpu.memref_slice %arg8[%dma_wait3A_447, %dma_wait3A_449, %dma_wait3A_450, %dma_wait3A_451] : memref<3x4x8x1024xf32, #tpu.memory_space<vmem>> -> memref<1x4x8x1024xf32, #tpu.memory_space<vmem>>
    %dma_wait3A_453 = tpu.memref_squeeze %dma_wait3A_452 : memref<1x4x8x1024xf32, #tpu.memory_space<vmem>> -> memref<4x8x1024xf32, #tpu.memory_space<vmem>>
    %dma_wait3A_454 = arith.constant 0 : i32
    %dma_wait3A_455 = arith.constant 0 : i32
    %dma_wait3A_456 = tpu.memref_slice %arg2[%dma_wait3A_454, %add3A_287, %dma_wait3A_455] : memref<4x4096x1024xf32, #tpu.memory_space<hbm>> -> memref<4x8x1024xf32, #tpu.memory_space<hbm>>
    %dma_wait3A_457 = tpu.memref_slice %arg10[%dma_wait3A_448] : memref<3x!tpu.dma_semaphore, #tpu.memory_space<semaphore_mem>> -> memref<1x!tpu.dma_semaphore, #tpu.memory_space<semaphore_mem>>
    %dma_wait3A_458 = tpu.memref_squeeze %dma_wait3A_457 : memref<1x!tpu.dma_semaphore, #tpu.memory_space<semaphore_mem>> -> memref<!tpu.dma_semaphore, #tpu.memory_space<semaphore_mem>>
    %dma_wait3A_459 = arith.constant 0 : i32
    %dma_wait3A_460 = arith.constant 0 : i32
    %dma_wait3A_461 = arith.constant 0 : i32
    %dma_wait3A_462 = tpu.memref_slice %arg8[%dma_wait3A_447, %dma_wait3A_459, %dma_wait3A_460, %dma_wait3A_461] : memref<3x4x8x1024xf32, #tpu.memory_space<vmem>> -> memref<1x4x8x1024xf32, #tpu.memory_space<vmem>>
    %dma_wait3A_463 = tpu.memref_squeeze %dma_wait3A_462 : memref<1x4x8x1024xf32, #tpu.memory_space<vmem>> -> memref<4x8x1024xf32, #tpu.memory_space<vmem>>
    %dma_wait3A_464 = arith.constant 0 : i32
    %dma_wait3A_465 = arith.constant 0 : i32
    %dma_wait3A_466 = tpu.memref_slice %arg2[%dma_wait3A_464, %add3A_287, %dma_wait3A_465] : memref<4x4096x1024xf32, #tpu.memory_space<hbm>> -> memref<4x8x1024xf32, #tpu.memory_space<hbm>>
    tpu.wait_dma2 semaphore(%dma_wait3A_458 : memref<!tpu.dma_semaphore, #tpu.memory_space<semaphore_mem>>) src(%dma_wait3A_466 : memref<4x8x1024xf32, #tpu.memory_space<hbm>>) dst(%dma_wait3A_463 : memref<4x8x1024xf32, #tpu.memory_space<vmem>>)
    %scan3A_467 = arith.constant 0 : i32
    %scan3A_468 = arith.constant 8 : i32
    %scan3A_469 = arith.addi %scan3A_467, %scan3A_468 : i32
    %scan3A_470 = arith.constant 1 : i32
    scf.for %scan3A_1970 = %scan3A_467 to %scan3A_469 step %scan3A_470  : i32 {
      %mul3A_1971 = arith.constant 1 : i32
      %mul3A_1972 = arith.muli %scan3A_1970, %mul3A_1971 : i32
      %add3A_1973 = arith.constant 0 : i32
      %add3A_1974 = arith.addi %add3A_1973, %mul3A_1972 : i32
      %parallel_loop3A = arith.constant 0 : i32
      %parallel_loop3A_1975 = arith.constant 64 : i32
      %parallel_loop3A_1976 = arith.constant 1 : i32
      scf.for %parallel_loop3A_1977 = %parallel_loop3A to %parallel_loop3A_1975 step %parallel_loop3A_1976  : i32 {
        %parallel_loop3A_1978 = arith.constant 16 : i32
        %parallel_loop3A_1979 = arith.muli %parallel_loop3A_1977, %parallel_loop3A_1978 : i32
        %parallel_loop3A_1980 = arith.constant 1 : i32
        %parallel_loop3A_1981 = arith.index_cast %parallel_loop3A_1980 : i32 to index
        %parallel_loop3A_1982 = arith.index_cast %add3A_1974 : i32 to index
        %parallel_loop3A_1983 = arith.index_cast %parallel_loop3A_1979 : i32 to index
        %parallel_loop3A_1984 = tpu.vector_load %arg7[%parallel_loop3A_1981, %parallel_loop3A_1982, %parallel_loop3A_1983] {strides = array<i32>} : memref<2x8x1024xf32, #tpu.memory_space<vmem>>, vector<1x1x16xf32>,
        %parallel_loop3A_1985 = vector.shape_cast %parallel_loop3A_1984 : vector<1x1x16xf32> to vector<16xf32>
        %parallel_loop3A_1986 = arith.mulf %get3A_4, %parallel_loop3A_1985 : vector<16xf32>
        %parallel_loop3A_1987 = arith.constant 0 : i32
        %parallel_loop3A_1988 = arith.constant 0 : i32
        %parallel_loop3A_1989 = arith.index_cast %parallel_loop3A_1987 : i32 to index
        %parallel_loop3A_1990 = arith.index_cast %parallel_loop3A_1988 : i32 to index
        %parallel_loop3A_1991 = arith.index_cast %add3A_1974 : i32 to index
        %parallel_loop3A_1992 = arith.index_cast %parallel_loop3A_1979 : i32 to index
        %parallel_loop3A_1993 = tpu.vector_load %arg8[%parallel_loop3A_1989, %parallel_loop3A_1990, %parallel_loop3A_1991, %parallel_loop3A_1992] {strides = array<i32>} : memref<3x4x8x1024xf32, #tpu.memory_space<vmem>>, vector<1x1x1x16xf32>,
        %parallel_loop3A_1994 = vector.shape_cast %parallel_loop3A_1993 : vector<1x1x1x16xf32> to vector<16xf32>
        %parallel_loop3A_1995 = vector.shape_cast %parallel_loop3A_1986 : vector<16xf32> to vector<1x1x1x16xf32>
        tpu.vector_store %arg8[%parallel_loop3A_1989, %parallel_loop3A_1990, %parallel_loop3A_1991, %parallel_loop3A_1992], %parallel_loop3A_1995 {add = true, strides = array<i32>} : memref<3x4x8x1024xf32, #tpu.memory_space<vmem>>, vector<1x1x1x16xf32>,
        %parallel_loop3A_1996 = arith.constant 0 : i32
        %parallel_loop3A_1997 = arith.constant 1 : i32
        %parallel_loop3A_1998 = arith.index_cast %parallel_loop3A_1996 : i32 to index
        %parallel_loop3A_1999 = arith.index_cast %parallel_loop3A_1997 : i32 to index
        %parallel_loop3A_2000 = arith.index_cast %add3A_1974 : i32 to index
        %parallel_loop3A_2001 = arith.index_cast %parallel_loop3A_1979 : i32 to index
        %parallel_loop3A_2002 = tpu.vector_load %arg8[%parallel_loop3A_1998, %parallel_loop3A_1999, %parallel_loop3A_2000, %parallel_loop3A_2001] {strides = array<i32>} : memref<3x4x8x1024xf32, #tpu.memory_space<vmem>>, vector<1x1x1x16xf32>,
        %parallel_loop3A_2003 = vector.shape_cast %parallel_loop3A_2002 : vector<1x1x1x16xf32> to vector<16xf32>
        %parallel_loop3A_2004 = vector.shape_cast %parallel_loop3A_1986 : vector<16xf32> to vector<1x1x1x16xf32>
        tpu.vector_store %arg8[%parallel_loop3A_1998, %parallel_loop3A_1999, %parallel_loop3A_2000, %parallel_loop3A_2001], %parallel_loop3A_2004 {add = true, strides = array<i32>} : memref<3x4x8x1024xf32, #tpu.memory_space<vmem>>, vector<1x1x1x16xf32>,
        %parallel_loop3A_2005 = arith.constant 0 : i32
        %parallel_loop3A_2006 = arith.constant 2 : i32
        %parallel_loop3A_2007 = arith.index_cast %parallel_loop3A_2005 : i32 to index
        %parallel_loop3A_2008 = arith.index_cast %parallel_loop3A_2006 : i32 to index
        %parallel_loop3A_2009 = arith.index_cast %add3A_1974 : i32 to index
        %parallel_loop3A_2010 = arith.index_cast %parallel_loop3A_1979 : i32 to index
        %parallel_loop3A_2011 = tpu.vector_load %arg8[%parallel_loop3A_2007, %parallel_loop3A_2008, %parallel_loop3A_2009, %parallel_loop3A_2010] {strides = array<i32>} : memref<3x4x8x1024xf32, #tpu.memory_space<vmem>>, vector<1x1x1x16xf32>,
        %parallel_loop3A_2012 = vector.shape_cast %parallel_loop3A_2011 : vector<1x1x1x16xf32> to vector<16xf32>
        %parallel_loop3A_2013 = vector.shape_cast %parallel_loop3A_1986 : vector<16xf32> to vector<1x1x1x16xf32>
        tpu.vector_store %arg8[%parallel_loop3A_2007, %parallel_loop3A_2008, %parallel_loop3A_2009, %parallel_loop3A_2010], %parallel_loop3A_2013 {add = true, strides = array<i32>} : memref<3x4x8x1024xf32, #tpu.memory_space<vmem>>, vector<1x1x1x16xf32>,
        %parallel_loop3A_2014 = arith.constant 0 : i32
        %parallel_loop3A_2015 = arith.constant 3 : i32
        %parallel_loop3A_2016 = arith.index_cast %parallel_loop3A_2014 : i32 to index
        %parallel_loop3A_2017 = arith.index_cast %parallel_loop3A_2015 : i32 to index
        %parallel_loop3A_2018 = arith.index_cast %add3A_1974 : i32 to index
        %parallel_loop3A_2019 = arith.index_cast %parallel_loop3A_1979 : i32 to index
        %parallel_loop3A_2020 = tpu.vector_load %arg8[%parallel_loop3A_2016, %parallel_loop3A_2017, %parallel_loop3A_2018, %parallel_loop3A_2019] {strides = array<i32>} : memref<3x4x8x1024xf32, #tpu.memory_space<vmem>>, vector<1x1x1x16xf32>,
        %parallel_loop3A_2021 = vector.shape_cast %parallel_loop3A_2020 : vector<1x1x1x16xf32> to vector<16xf32>
        %parallel_loop3A_2022 = vector.shape_cast %parallel_loop3A_1986 : vector<16xf32> to vector<1x1x1x16xf32>
        tpu.vector_store %arg8[%parallel_loop3A_2016, %parallel_loop3A_2017, %parallel_loop3A_2018, %parallel_loop3A_2019], %parallel_loop3A_2022 {add = true, strides = array<i32>} : memref<3x4x8x1024xf32, #tpu.memory_space<vmem>>, vector<1x1x1x16xf32>,
      } {sc.loop_unroll_factor = 8 : i64, sc.parallel_access}
    }
    %scan3A_471 = arith.constant 8 : i32
    %add3A_472 = arith.constant 24 : i32
    %add3A_473 = arith.addi %mul3A_2, %add3A_472 : i32
    %dma_start3A_474 = arith.constant 0 : i32
    %dma_start3A_475 = arith.constant 0 : i32
    %dma_start3A_476 = arith.constant 0 : i32
    %dma_start3A_477 = arith.constant 0 : i32
    %dma_start3A_478 = arith.constant 0 : i32
    %dma_start3A_479 = tpu.memref_slice %arg8[%dma_start3A_474, %dma_start3A_476, %dma_start3A_477, %dma_start3A_478] : memref<3x4x8x1024xf32, #tpu.memory_space<vmem>> -> memref<1x4x8x1024xf32, #tpu.memory_space<vmem>>
    %dma_start3A_480 = tpu.memref_squeeze %dma_start3A_479 : memref<1x4x8x1024xf32, #tpu.memory_space<vmem>> -> memref<4x8x1024xf32, #tpu.memory_space<vmem>>
    %dma_start3A_481 = arith.constant 0 : i32
    %dma_start3A_482 = arith.constant 0 : i32
    %dma_start3A_483 = tpu.memref_slice %arg5[%dma_start3A_481, %add3A_473, %dma_start3A_482] : memref<4x4096x1024xf32, #tpu.memory_space<hbm>> -> memref<4x8x1024xf32, #tpu.memory_space<hbm>>
    %dma_start3A_484 = tpu.memref_slice %arg11[%dma_start3A_475] : memref<3x!tpu.dma_semaphore, #tpu.memory_space<semaphore_mem>> -> memref<1x!tpu.dma_semaphore, #tpu.memory_space<semaphore_mem>>
    %dma_start3A_485 = tpu.memref_squeeze %dma_start3A_484 : memref<1x!tpu.dma_semaphore, #tpu.memory_space<semaphore_mem>> -> memref<!tpu.dma_semaphore, #tpu.memory_space<semaphore_mem>>
    %dma_start3A_486 = arith.constant 0 : i32
    %dma_start3A_487 = arith.constant 0 : i32
    %dma_start3A_488 = tpu.memref_slice %arg5[%dma_start3A_486, %add3A_473, %dma_start3A_487] : memref<4x4096x1024xf32, #tpu.memory_space<hbm>> -> memref<4x8x1024xf32, #tpu.memory_space<hbm>>
    %dma_start3A_489 = arith.constant 0 : i32
    %dma_start3A_490 = arith.constant 0 : i32
    %dma_start3A_491 = arith.constant 0 : i32
    %dma_start3A_492 = tpu.memref_slice %arg8[%dma_start3A_474, %dma_start3A_489, %dma_start3A_490, %dma_start3A_491] : memref<3x4x8x1024xf32, #tpu.memory_space<vmem>> -> memref<1x4x8x1024xf32, #tpu.memory_space<vmem>>
    %dma_start3A_493 = tpu.memref_squeeze %dma_start3A_492 : memref<1x4x8x1024xf32, #tpu.memory_space<vmem>> -> memref<4x8x1024xf32, #tpu.memory_space<vmem>>
    tpu.enqueue_dma source(%dma_start3A_493 : memref<4x8x1024xf32, #tpu.memory_space<vmem>>) target(%dma_start3A_488 : memref<4x8x1024xf32, #tpu.memory_space<hbm>>) target_semaphore(%dma_start3A_485 : memref<!tpu.dma_semaphore, #tpu.memory_space<semaphore_mem>>)
    %dma_wait3A_494 = arith.constant 2 : i32
    %dma_wait3A_495 = arith.constant 2 : i32
    %dma_wait3A_496 = arith.constant 0 : i32
    %dma_wait3A_497 = arith.constant 0 : i32
    %dma_wait3A_498 = arith.constant 0 : i32
    %dma_wait3A_499 = tpu.memref_slice %arg8[%dma_wait3A_494, %dma_wait3A_496, %dma_wait3A_497, %dma_wait3A_498] : memref<3x4x8x1024xf32, #tpu.memory_space<vmem>> -> memref<1x4x8x1024xf32, #tpu.memory_space<vmem>>
    %dma_wait3A_500 = tpu.memref_squeeze %dma_wait3A_499 : memref<1x4x8x1024xf32, #tpu.memory_space<vmem>> -> memref<4x8x1024xf32, #tpu.memory_space<vmem>>
    %dma_wait3A_501 = arith.constant 0 : i32
    %dma_wait3A_502 = arith.constant 0 : i32
    %dma_wait3A_503 = tpu.memref_slice %arg5[%dma_wait3A_501, %add3A_350, %dma_wait3A_502] : memref<4x4096x1024xf32, #tpu.memory_space<hbm>> -> memref<4x8x1024xf32, #tpu.memory_space<hbm>>
    %dma_wait3A_504 = tpu.memref_slice %arg11[%dma_wait3A_495] : memref<3x!tpu.dma_semaphore, #tpu.memory_space<semaphore_mem>> -> memref<1x!tpu.dma_semaphore, #tpu.memory_space<semaphore_mem>>
    %dma_wait3A_505 = tpu.memref_squeeze %dma_wait3A_504 : memref<1x!tpu.dma_semaphore, #tpu.memory_space<semaphore_mem>> -> memref<!tpu.dma_semaphore, #tpu.memory_space<semaphore_mem>>
    %dma_wait3A_506 = arith.constant 0 : i32
    %dma_wait3A_507 = arith.constant 0 : i32
    %dma_wait3A_508 = tpu.memref_slice %arg5[%dma_wait3A_506, %add3A_350, %dma_wait3A_507] : memref<4x4096x1024xf32, #tpu.memory_space<hbm>> -> memref<4x8x1024xf32, #tpu.memory_space<hbm>>
    %dma_wait3A_509 = arith.constant 0 : i32
    %dma_wait3A_510 = arith.constant 0 : i32
    %dma_wait3A_511 = arith.constant 0 : i32
    %dma_wait3A_512 = tpu.memref_slice %arg8[%dma_wait3A_494, %dma_wait3A_509, %dma_wait3A_510, %dma_wait3A_511] : memref<3x4x8x1024xf32, #tpu.memory_space<vmem>> -> memref<1x4x8x1024xf32, #tpu.memory_space<vmem>>
    %dma_wait3A_513 = tpu.memref_squeeze %dma_wait3A_512 : memref<1x4x8x1024xf32, #tpu.memory_space<vmem>> -> memref<4x8x1024xf32, #tpu.memory_space<vmem>>
    tpu.wait_dma2 semaphore(%dma_wait3A_505 : memref<!tpu.dma_semaphore, #tpu.memory_space<semaphore_mem>>) src(%dma_wait3A_513 : memref<4x8x1024xf32, #tpu.memory_space<vmem>>) dst(%dma_wait3A_508 : memref<4x8x1024xf32, #tpu.memory_space<hbm>>)
    %add3A_514 = arith.constant 40 : i32
    %add3A_515 = arith.addi %mul3A_2, %add3A_514 : i32
    %dma_start3A_516 = arith.constant 1 : i32
    %dma_start3A_517 = arith.constant 1 : i32
    %dma_start3A_518 = arith.constant 0 : i32
    %dma_start3A_519 = arith.constant 0 : i32
    %dma_start3A_520 = tpu.memref_slice %arg7[%dma_start3A_516, %dma_start3A_518, %dma_start3A_519] : memref<2x8x1024xf32, #tpu.memory_space<vmem>> -> memref<1x8x1024xf32, #tpu.memory_space<vmem>>
    %dma_start3A_521 = tpu.memref_squeeze %dma_start3A_520 : memref<1x8x1024xf32, #tpu.memory_space<vmem>> -> memref<8x1024xf32, #tpu.memory_space<vmem>>
    %dma_start3A_522 = arith.constant 0 : i32
    %dma_start3A_523 = tpu.memref_slice %arg3[%add3A_515, %dma_start3A_522] : memref<4096x1024xf32, #tpu.memory_space<hbm>> -> memref<8x1024xf32, #tpu.memory_space<hbm>>
    %dma_start3A_524 = tpu.memref_slice %arg9[%dma_start3A_517] : memref<2x!tpu.dma_semaphore, #tpu.memory_space<semaphore_mem>> -> memref<1x!tpu.dma_semaphore, #tpu.memory_space<semaphore_mem>>
    %dma_start3A_525 = tpu.memref_squeeze %dma_start3A_524 : memref<1x!tpu.dma_semaphore, #tpu.memory_space<semaphore_mem>> -> memref<!tpu.dma_semaphore, #tpu.memory_space<semaphore_mem>>
    %dma_start3A_526 = arith.constant 0 : i32
    %dma_start3A_527 = arith.constant 0 : i32
    %dma_start3A_528 = tpu.memref_slice %arg7[%dma_start3A_516, %dma_start3A_526, %dma_start3A_527] : memref<2x8x1024xf32, #tpu.memory_space<vmem>> -> memref<1x8x1024xf32, #tpu.memory_space<vmem>>
    %dma_start3A_529 = tpu.memref_squeeze %dma_start3A_528 : memref<1x8x1024xf32, #tpu.memory_space<vmem>> -> memref<8x1024xf32, #tpu.memory_space<vmem>>
    %dma_start3A_530 = arith.constant 0 : i32
    %dma_start3A_531 = tpu.memref_slice %arg3[%add3A_515, %dma_start3A_530] : memref<4096x1024xf32, #tpu.memory_space<hbm>> -> memref<8x1024xf32, #tpu.memory_space<hbm>>
    tpu.enqueue_dma source(%dma_start3A_531 : memref<8x1024xf32, #tpu.memory_space<hbm>>) target(%dma_start3A_529 : memref<8x1024xf32, #tpu.memory_space<vmem>>) target_semaphore(%dma_start3A_525 : memref<!tpu.dma_semaphore, #tpu.memory_space<semaphore_mem>>)
    %add3A_532 = arith.constant 40 : i32
    %add3A_533 = arith.addi %mul3A_2, %add3A_532 : i32
    %dma_start3A_534 = arith.constant 2 : i32
    %dma_start3A_535 = arith.constant 2 : i32
    %dma_start3A_536 = arith.constant 0 : i32
    %dma_start3A_537 = arith.constant 0 : i32
    %dma_start3A_538 = arith.constant 0 : i32
    %dma_start3A_539 = tpu.memref_slice %arg8[%dma_start3A_534, %dma_start3A_536, %dma_start3A_537, %dma_start3A_538] : memref<3x4x8x1024xf32, #tpu.memory_space<vmem>> -> memref<1x4x8x1024xf32, #tpu.memory_space<vmem>>
    %dma_start3A_540 = tpu.memref_squeeze %dma_start3A_539 : memref<1x4x8x1024xf32, #tpu.memory_space<vmem>> -> memref<4x8x1024xf32, #tpu.memory_space<vmem>>
    %dma_start3A_541 = arith.constant 0 : i32
    %dma_start3A_542 = arith.constant 0 : i32
    %dma_start3A_543 = tpu.memref_slice %arg2[%dma_start3A_541, %add3A_533, %dma_start3A_542] : memref<4x4096x1024xf32, #tpu.memory_space<hbm>> -> memref<4x8x1024xf32, #tpu.memory_space<hbm>>
    %dma_start3A_544 = tpu.memref_slice %arg10[%dma_start3A_535] : memref<3x!tpu.dma_semaphore, #tpu.memory_space<semaphore_mem>> -> memref<1x!tpu.dma_semaphore, #tpu.memory_space<semaphore_mem>>
    %dma_start3A_545 = tpu.memref_squeeze %dma_start3A_544 : memref<1x!tpu.dma_semaphore, #tpu.memory_space<semaphore_mem>> -> memref<!tpu.dma_semaphore, #tpu.memory_space<semaphore_mem>>
    %dma_start3A_546 = arith.constant 0 : i32
    %dma_start3A_547 = arith.constant 0 : i32
    %dma_start3A_548 = arith.constant 0 : i32
    %dma_start3A_549 = tpu.memref_slice %arg8[%dma_start3A_534, %dma_start3A_546, %dma_start3A_547, %dma_start3A_548] : memref<3x4x8x1024xf32, #tpu.memory_space<vmem>> -> memref<1x4x8x1024xf32, #tpu.memory_space<vmem>>
    %dma_start3A_550 = tpu.memref_squeeze %dma_start3A_549 : memref<1x4x8x1024xf32, #tpu.memory_space<vmem>> -> memref<4x8x1024xf32, #tpu.memory_space<vmem>>
    %dma_start3A_551 = arith.constant 0 : i32
    %dma_start3A_552 = arith.constant 0 : i32
    %dma_start3A_553 = tpu.memref_slice %arg2[%dma_start3A_551, %add3A_533, %dma_start3A_552] : memref<4x4096x1024xf32, #tpu.memory_space<hbm>> -> memref<4x8x1024xf32, #tpu.memory_space<hbm>>
    tpu.enqueue_dma source(%dma_start3A_553 : memref<4x8x1024xf32, #tpu.memory_space<hbm>>) target(%dma_start3A_550 : memref<4x8x1024xf32, #tpu.memory_space<vmem>>) target_semaphore(%dma_start3A_545 : memref<!tpu.dma_semaphore, #tpu.memory_space<semaphore_mem>>)
    %dma_wait3A_554 = arith.constant 0 : i32
    %dma_wait3A_555 = arith.constant 0 : i32
    %dma_wait3A_556 = arith.constant 0 : i32
    %dma_wait3A_557 = arith.constant 0 : i32
    %dma_wait3A_558 = tpu.memref_slice %arg7[%dma_wait3A_554, %dma_wait3A_556, %dma_wait3A_557] : memref<2x8x1024xf32, #tpu.memory_space<vmem>> -> memref<1x8x1024xf32, #tpu.memory_space<vmem>>
    %dma_wait3A_559 = tpu.memref_squeeze %dma_wait3A_558 : memref<1x8x1024xf32, #tpu.memory_space<vmem>> -> memref<8x1024xf32, #tpu.memory_space<vmem>>
    %dma_wait3A_560 = arith.constant 0 : i32
    %dma_wait3A_561 = tpu.memref_slice %arg3[%add3A_392, %dma_wait3A_560] : memref<4096x1024xf32, #tpu.memory_space<hbm>> -> memref<8x1024xf32, #tpu.memory_space<hbm>>
    %dma_wait3A_562 = tpu.memref_slice %arg9[%dma_wait3A_555] : memref<2x!tpu.dma_semaphore, #tpu.memory_space<semaphore_mem>> -> memref<1x!tpu.dma_semaphore, #tpu.memory_space<semaphore_mem>>
    %dma_wait3A_563 = tpu.memref_squeeze %dma_wait3A_562 : memref<1x!tpu.dma_semaphore, #tpu.memory_space<semaphore_mem>> -> memref<!tpu.dma_semaphore, #tpu.memory_space<semaphore_mem>>
    %dma_wait3A_564 = arith.constant 0 : i32
    %dma_wait3A_565 = arith.constant 0 : i32
    %dma_wait3A_566 = tpu.memref_slice %arg7[%dma_wait3A_554, %dma_wait3A_564, %dma_wait3A_565] : memref<2x8x1024xf32, #tpu.memory_space<vmem>> -> memref<1x8x1024xf32, #tpu.memory_space<vmem>>
    %dma_wait3A_567 = tpu.memref_squeeze %dma_wait3A_566 : memref<1x8x1024xf32, #tpu.memory_space<vmem>> -> memref<8x1024xf32, #tpu.memory_space<vmem>>
    %dma_wait3A_568 = arith.constant 0 : i32
    %dma_wait3A_569 = tpu.memref_slice %arg3[%add3A_392, %dma_wait3A_568] : memref<4096x1024xf32, #tpu.memory_space<hbm>> -> memref<8x1024xf32, #tpu.memory_space<hbm>>
    tpu.wait_dma2 semaphore(%dma_wait3A_563 : memref<!tpu.dma_semaphore, #tpu.memory_space<semaphore_mem>>) src(%dma_wait3A_569 : memref<8x1024xf32, #tpu.memory_space<hbm>>) dst(%dma_wait3A_567 : memref<8x1024xf32, #tpu.memory_space<vmem>>)
    %dma_wait3A_570 = arith.constant 1 : i32
    %dma_wait3A_571 = arith.constant 1 : i32
    %dma_wait3A_572 = arith.constant 0 : i32
    %dma_wait3A_573 = arith.constant 0 : i32
    %dma_wait3A_574 = arith.constant 0 : i32
    %dma_wait3A_575 = tpu.memref_slice %arg8[%dma_wait3A_570, %dma_wait3A_572, %dma_wait3A_573, %dma_wait3A_574] : memref<3x4x8x1024xf32, #tpu.memory_space<vmem>> -> memref<1x4x8x1024xf32, #tpu.memory_space<vmem>>
    %dma_wait3A_576 = tpu.memref_squeeze %dma_wait3A_575 : memref<1x4x8x1024xf32, #tpu.memory_space<vmem>> -> memref<4x8x1024xf32, #tpu.memory_space<vmem>>
    %dma_wait3A_577 = arith.constant 0 : i32
    %dma_wait3A_578 = arith.constant 0 : i32
    %dma_wait3A_579 = tpu.memref_slice %arg2[%dma_wait3A_577, %add3A_410, %dma_wait3A_578] : memref<4x4096x1024xf32, #tpu.memory_space<hbm>> -> memref<4x8x1024xf32, #tpu.memory_space<hbm>>
    %dma_wait3A_580 = tpu.memref_slice %arg10[%dma_wait3A_571] : memref<3x!tpu.dma_semaphore, #tpu.memory_space<semaphore_mem>> -> memref<1x!tpu.dma_semaphore, #tpu.memory_space<semaphore_mem>>
    %dma_wait3A_581 = tpu.memref_squeeze %dma_wait3A_580 : memref<1x!tpu.dma_semaphore, #tpu.memory_space<semaphore_mem>> -> memref<!tpu.dma_semaphore, #tpu.memory_space<semaphore_mem>>
    %dma_wait3A_582 = arith.constant 0 : i32
    %dma_wait3A_583 = arith.constant 0 : i32
    %dma_wait3A_584 = arith.constant 0 : i32
    %dma_wait3A_585 = tpu.memref_slice %arg8[%dma_wait3A_570, %dma_wait3A_582, %dma_wait3A_583, %dma_wait3A_584] : memref<3x4x8x1024xf32, #tpu.memory_space<vmem>> -> memref<1x4x8x1024xf32, #tpu.memory_space<vmem>>
    %dma_wait3A_586 = tpu.memref_squeeze %dma_wait3A_585 : memref<1x4x8x1024xf32, #tpu.memory_space<vmem>> -> memref<4x8x1024xf32, #tpu.memory_space<vmem>>
    %dma_wait3A_587 = arith.constant 0 : i32
    %dma_wait3A_588 = arith.constant 0 : i32
    %dma_wait3A_589 = tpu.memref_slice %arg2[%dma_wait3A_587, %add3A_410, %dma_wait3A_588] : memref<4x4096x1024xf32, #tpu.memory_space<hbm>> -> memref<4x8x1024xf32, #tpu.memory_space<hbm>>
    tpu.wait_dma2 semaphore(%dma_wait3A_581 : memref<!tpu.dma_semaphore, #tpu.memory_space<semaphore_mem>>) src(%dma_wait3A_589 : memref<4x8x1024xf32, #tpu.memory_space<hbm>>) dst(%dma_wait3A_586 : memref<4x8x1024xf32, #tpu.memory_space<vmem>>)
    %scan3A_590 = arith.constant 0 : i32
    %scan3A_591 = arith.constant 8 : i32
    %scan3A_592 = arith.addi %scan3A_590, %scan3A_591 : i32
    %scan3A_593 = arith.constant 1 : i32
    scf.for %scan3A_1970 = %scan3A_590 to %scan3A_592 step %scan3A_593  : i32 {
      %mul3A_1971 = arith.constant 1 : i32
      %mul3A_1972 = arith.muli %scan3A_1970, %mul3A_1971 : i32
      %add3A_1973 = arith.constant 0 : i32
      %add3A_1974 = arith.addi %add3A_1973, %mul3A_1972 : i32
      %parallel_loop3A = arith.constant 0 : i32
      %parallel_loop3A_1975 = arith.constant 64 : i32
      %parallel_loop3A_1976 = arith.constant 1 : i32
      scf.for %parallel_loop3A_1977 = %parallel_loop3A to %parallel_loop3A_1975 step %parallel_loop3A_1976  : i32 {
        %parallel_loop3A_1978 = arith.constant 16 : i32
        %parallel_loop3A_1979 = arith.muli %parallel_loop3A_1977, %parallel_loop3A_1978 : i32
        %parallel_loop3A_1980 = arith.constant 0 : i32
        %parallel_loop3A_1981 = arith.index_cast %parallel_loop3A_1980 : i32 to index
        %parallel_loop3A_1982 = arith.index_cast %add3A_1974 : i32 to index
        %parallel_loop3A_1983 = arith.index_cast %parallel_loop3A_1979 : i32 to index
        %parallel_loop3A_1984 = tpu.vector_load %arg7[%parallel_loop3A_1981, %parallel_loop3A_1982, %parallel_loop3A_1983] {strides = array<i32>} : memref<2x8x1024xf32, #tpu.memory_space<vmem>>, vector<1x1x16xf32>,
        %parallel_loop3A_1985 = vector.shape_cast %parallel_loop3A_1984 : vector<1x1x16xf32> to vector<16xf32>
        %parallel_loop3A_1986 = arith.mulf %get3A_4, %parallel_loop3A_1985 : vector<16xf32>
        %parallel_loop3A_1987 = arith.constant 1 : i32
        %parallel_loop3A_1988 = arith.constant 0 : i32
        %parallel_loop3A_1989 = arith.index_cast %parallel_loop3A_1987 : i32 to index
        %parallel_loop3A_1990 = arith.index_cast %parallel_loop3A_1988 : i32 to index
        %parallel_loop3A_1991 = arith.index_cast %add3A_1974 : i32 to index
        %parallel_loop3A_1992 = arith.index_cast %parallel_loop3A_1979 : i32 to index
        %parallel_loop3A_1993 = tpu.vector_load %arg8[%parallel_loop3A_1989, %parallel_loop3A_1990, %parallel_loop3A_1991, %parallel_loop3A_1992] {strides = array<i32>} : memref<3x4x8x1024xf32, #tpu.memory_space<vmem>>, vector<1x1x1x16xf32>,
        %parallel_loop3A_1994 = vector.shape_cast %parallel_loop3A_1993 : vector<1x1x1x16xf32> to vector<16xf32>
        %parallel_loop3A_1995 = vector.shape_cast %parallel_loop3A_1986 : vector<16xf32> to vector<1x1x1x16xf32>
        tpu.vector_store %arg8[%parallel_loop3A_1989, %parallel_loop3A_1990, %parallel_loop3A_1991, %parallel_loop3A_1992], %parallel_loop3A_1995 {add = true, strides = array<i32>} : memref<3x4x8x1024xf32, #tpu.memory_space<vmem>>, vector<1x1x1x16xf32>,
        %parallel_loop3A_1996 = arith.constant 1 : i32
        %parallel_loop3A_1997 = arith.constant 1 : i32
        %parallel_loop3A_1998 = arith.index_cast %parallel_loop3A_1996 : i32 to index
        %parallel_loop3A_1999 = arith.index_cast %parallel_loop3A_1997 : i32 to index
        %parallel_loop3A_2000 = arith.index_cast %add3A_1974 : i32 to index
        %parallel_loop3A_2001 = arith.index_cast %parallel_loop3A_1979 : i32 to index
        %parallel_loop3A_2002 = tpu.vector_load %arg8[%parallel_loop3A_1998, %parallel_loop3A_1999, %parallel_loop3A_2000, %parallel_loop3A_2001] {strides = array<i32>} : memref<3x4x8x1024xf32, #tpu.memory_space<vmem>>, vector<1x1x1x16xf32>,
        %parallel_loop3A_2003 = vector.shape_cast %parallel_loop3A_2002 : vector<1x1x1x16xf32> to vector<16xf32>
        %parallel_loop3A_2004 = vector.shape_cast %parallel_loop3A_1986 : vector<16xf32> to vector<1x1x1x16xf32>
        tpu.vector_store %arg8[%parallel_loop3A_1998, %parallel_loop3A_1999, %parallel_loop3A_2000, %parallel_loop3A_2001], %parallel_loop3A_2004 {add = true, strides = array<i32>} : memref<3x4x8x1024xf32, #tpu.memory_space<vmem>>, vector<1x1x1x16xf32>,
        %parallel_loop3A_2005 = arith.constant 1 : i32
        %parallel_loop3A_2006 = arith.constant 2 : i32
        %parallel_loop3A_2007 = arith.index_cast %parallel_loop3A_2005 : i32 to index
        %parallel_loop3A_2008 = arith.index_cast %parallel_loop3A_2006 : i32 to index
        %parallel_loop3A_2009 = arith.index_cast %add3A_1974 : i32 to index
        %parallel_loop3A_2010 = arith.index_cast %parallel_loop3A_1979 : i32 to index
        %parallel_loop3A_2011 = tpu.vector_load %arg8[%parallel_loop3A_2007, %parallel_loop3A_2008, %parallel_loop3A_2009, %parallel_loop3A_2010] {strides = array<i32>} : memref<3x4x8x1024xf32, #tpu.memory_space<vmem>>, vector<1x1x1x16xf32>,
        %parallel_loop3A_2012 = vector.shape_cast %parallel_loop3A_2011 : vector<1x1x1x16xf32> to vector<16xf32>
        %parallel_loop3A_2013 = vector.shape_cast %parallel_loop3A_1986 : vector<16xf32> to vector<1x1x1x16xf32>
        tpu.vector_store %arg8[%parallel_loop3A_2007, %parallel_loop3A_2008, %parallel_loop3A_2009, %parallel_loop3A_2010], %parallel_loop3A_2013 {add = true, strides = array<i32>} : memref<3x4x8x1024xf32, #tpu.memory_space<vmem>>, vector<1x1x1x16xf32>,
        %parallel_loop3A_2014 = arith.constant 1 : i32
        %parallel_loop3A_2015 = arith.constant 3 : i32
        %parallel_loop3A_2016 = arith.index_cast %parallel_loop3A_2014 : i32 to index
        %parallel_loop3A_2017 = arith.index_cast %parallel_loop3A_2015 : i32 to index
        %parallel_loop3A_2018 = arith.index_cast %add3A_1974 : i32 to index
        %parallel_loop3A_2019 = arith.index_cast %parallel_loop3A_1979 : i32 to index
        %parallel_loop3A_2020 = tpu.vector_load %arg8[%parallel_loop3A_2016, %parallel_loop3A_2017, %parallel_loop3A_2018, %parallel_loop3A_2019] {strides = array<i32>} : memref<3x4x8x1024xf32, #tpu.memory_space<vmem>>, vector<1x1x1x16xf32>,
        %parallel_loop3A_2021 = vector.shape_cast %parallel_loop3A_2020 : vector<1x1x1x16xf32> to vector<16xf32>
        %parallel_loop3A_2022 = vector.shape_cast %parallel_loop3A_1986 : vector<16xf32> to vector<1x1x1x16xf32>
        tpu.vector_store %arg8[%parallel_loop3A_2016, %parallel_loop3A_2017, %parallel_loop3A_2018, %parallel_loop3A_2019], %parallel_loop3A_2022 {add = true, strides = array<i32>} : memref<3x4x8x1024xf32, #tpu.memory_space<vmem>>, vector<1x1x1x16xf32>,
      } {sc.loop_unroll_factor = 8 : i64, sc.parallel_access}
    }
    %scan3A_594 = arith.constant 8 : i32
    %add3A_595 = arith.constant 32 : i32
    %add3A_596 = arith.addi %mul3A_2, %add3A_595 : i32
    %dma_start3A_597 = arith.constant 1 : i32
    %dma_start3A_598 = arith.constant 1 : i32
    %dma_start3A_599 = arith.constant 0 : i32
    %dma_start3A_600 = arith.constant 0 : i32
    %dma_start3A_601 = arith.constant 0 : i32
    %dma_start3A_602 = tpu.memref_slice %arg8[%dma_start3A_597, %dma_start3A_599, %dma_start3A_600, %dma_start3A_601] : memref<3x4x8x1024xf32, #tpu.memory_space<vmem>> -> memref<1x4x8x1024xf32, #tpu.memory_space<vmem>>
    %dma_start3A_603 = tpu.memref_squeeze %dma_start3A_602 : memref<1x4x8x1024xf32, #tpu.memory_space<vmem>> -> memref<4x8x1024xf32, #tpu.memory_space<vmem>>
    %dma_start3A_604 = arith.constant 0 : i32
    %dma_start3A_605 = arith.constant 0 : i32
    %dma_start3A_606 = tpu.memref_slice %arg5[%dma_start3A_604, %add3A_596, %dma_start3A_605] : memref<4x4096x1024xf32, #tpu.memory_space<hbm>> -> memref<4x8x1024xf32, #tpu.memory_space<hbm>>
    %dma_start3A_607 = tpu.memref_slice %arg11[%dma_start3A_598] : memref<3x!tpu.dma_semaphore, #tpu.memory_space<semaphore_mem>> -> memref<1x!tpu.dma_semaphore, #tpu.memory_space<semaphore_mem>>
    %dma_start3A_608 = tpu.memref_squeeze %dma_start3A_607 : memref<1x!tpu.dma_semaphore, #tpu.memory_space<semaphore_mem>> -> memref<!tpu.dma_semaphore, #tpu.memory_space<semaphore_mem>>
    %dma_start3A_609 = arith.constant 0 : i32
    %dma_start3A_610 = arith.constant 0 : i32
    %dma_start3A_611 = tpu.memref_slice %arg5[%dma_start3A_609, %add3A_596, %dma_start3A_610] : memref<4x4096x1024xf32, #tpu.memory_space<hbm>> -> memref<4x8x1024xf32, #tpu.memory_space<hbm>>
    %dma_start3A_612 = arith.constant 0 : i32
    %dma_start3A_613 = arith.constant 0 : i32
    %dma_start3A_614 = arith.constant 0 : i32
    %dma_start3A_615 = tpu.memref_slice %arg8[%dma_start3A_597, %dma_start3A_612, %dma_start3A_613, %dma_start3A_614] : memref<3x4x8x1024xf32, #tpu.memory_space<vmem>> -> memref<1x4x8x1024xf32, #tpu.memory_space<vmem>>
    %dma_start3A_616 = tpu.memref_squeeze %dma_start3A_615 : memref<1x4x8x1024xf32, #tpu.memory_space<vmem>> -> memref<4x8x1024xf32, #tpu.memory_space<vmem>>
    tpu.enqueue_dma source(%dma_start3A_616 : memref<4x8x1024xf32, #tpu.memory_space<vmem>>) target(%dma_start3A_611 : memref<4x8x1024xf32, #tpu.memory_space<hbm>>) target_semaphore(%dma_start3A_608 : memref<!tpu.dma_semaphore, #tpu.memory_space<semaphore_mem>>)
    %dma_wait3A_617 = arith.constant 0 : i32
    %dma_wait3A_618 = arith.constant 0 : i32
    %dma_wait3A_619 = arith.constant 0 : i32
    %dma_wait3A_620 = arith.constant 0 : i32
    %dma_wait3A_621 = arith.constant 0 : i32
    %dma_wait3A_622 = tpu.memref_slice %arg8[%dma_wait3A_617, %dma_wait3A_619, %dma_wait3A_620, %dma_wait3A_621] : memref<3x4x8x1024xf32, #tpu.memory_space<vmem>> -> memref<1x4x8x1024xf32, #tpu.memory_space<vmem>>
    %dma_wait3A_623 = tpu.memref_squeeze %dma_wait3A_622 : memref<1x4x8x1024xf32, #tpu.memory_space<vmem>> -> memref<4x8x1024xf32, #tpu.memory_space<vmem>>
    %dma_wait3A_624 = arith.constant 0 : i32
    %dma_wait3A_625 = arith.constant 0 : i32
    %dma_wait3A_626 = tpu.memref_slice %arg5[%dma_wait3A_624, %add3A_473, %dma_wait3A_625] : memref<4x4096x1024xf32, #tpu.memory_space<hbm>> -> memref<4x8x1024xf32, #tpu.memory_space<hbm>>
    %dma_wait3A_627 = tpu.memref_slice %arg11[%dma_wait3A_618] : memref<3x!tpu.dma_semaphore, #tpu.memory_space<semaphore_mem>> -> memref<1x!tpu.dma_semaphore, #tpu.memory_space<semaphore_mem>>
    %dma_wait3A_628 = tpu.memref_squeeze %dma_wait3A_627 : memref<1x!tpu.dma_semaphore, #tpu.memory_space<semaphore_mem>> -> memref<!tpu.dma_semaphore, #tpu.memory_space<semaphore_mem>>
    %dma_wait3A_629 = arith.constant 0 : i32
    %dma_wait3A_630 = arith.constant 0 : i32
    %dma_wait3A_631 = tpu.memref_slice %arg5[%dma_wait3A_629, %add3A_473, %dma_wait3A_630] : memref<4x4096x1024xf32, #tpu.memory_space<hbm>> -> memref<4x8x1024xf32, #tpu.memory_space<hbm>>
    %dma_wait3A_632 = arith.constant 0 : i32
    %dma_wait3A_633 = arith.constant 0 : i32
    %dma_wait3A_634 = arith.constant 0 : i32
    %dma_wait3A_635 = tpu.memref_slice %arg8[%dma_wait3A_617, %dma_wait3A_632, %dma_wait3A_633, %dma_wait3A_634] : memref<3x4x8x1024xf32, #tpu.memory_space<vmem>> -> memref<1x4x8x1024xf32, #tpu.memory_space<vmem>>
    %dma_wait3A_636 = tpu.memref_squeeze %dma_wait3A_635 : memref<1x4x8x1024xf32, #tpu.memory_space<vmem>> -> memref<4x8x1024xf32, #tpu.memory_space<vmem>>
    tpu.wait_dma2 semaphore(%dma_wait3A_628 : memref<!tpu.dma_semaphore, #tpu.memory_space<semaphore_mem>>) src(%dma_wait3A_636 : memref<4x8x1024xf32, #tpu.memory_space<vmem>>) dst(%dma_wait3A_631 : memref<4x8x1024xf32, #tpu.memory_space<hbm>>)
    %add3A_637 = arith.constant 48 : i32
    %add3A_638 = arith.addi %mul3A_2, %add3A_637 : i32
    %dma_start3A_639 = arith.constant 0 : i32
    %dma_start3A_640 = arith.constant 0 : i32
    %dma_start3A_641 = arith.constant 0 : i32
    %dma_start3A_642 = arith.constant 0 : i32
    %dma_start3A_643 = tpu.memref_slice %arg7[%dma_start3A_639, %dma_start3A_641, %dma_start3A_642] : memref<2x8x1024xf32, #tpu.memory_space<vmem>> -> memref<1x8x1024xf32, #tpu.memory_space<vmem>>
    %dma_start3A_644 = tpu.memref_squeeze %dma_start3A_643 : memref<1x8x1024xf32, #tpu.memory_space<vmem>> -> memref<8x1024xf32, #tpu.memory_space<vmem>>
    %dma_start3A_645 = arith.constant 0 : i32
    %dma_start3A_646 = tpu.memref_slice %arg3[%add3A_638, %dma_start3A_645] : memref<4096x1024xf32, #tpu.memory_space<hbm>> -> memref<8x1024xf32, #tpu.memory_space<hbm>>
    %dma_start3A_647 = tpu.memref_slice %arg9[%dma_start3A_640] : memref<2x!tpu.dma_semaphore, #tpu.memory_space<semaphore_mem>> -> memref<1x!tpu.dma_semaphore, #tpu.memory_space<semaphore_mem>>
    %dma_start3A_648 = tpu.memref_squeeze %dma_start3A_647 : memref<1x!tpu.dma_semaphore, #tpu.memory_space<semaphore_mem>> -> memref<!tpu.dma_semaphore, #tpu.memory_space<semaphore_mem>>
    %dma_start3A_649 = arith.constant 0 : i32
    %dma_start3A_650 = arith.constant 0 : i32
    %dma_start3A_651 = tpu.memref_slice %arg7[%dma_start3A_639, %dma_start3A_649, %dma_start3A_650] : memref<2x8x1024xf32, #tpu.memory_space<vmem>> -> memref<1x8x1024xf32, #tpu.memory_space<vmem>>
    %dma_start3A_652 = tpu.memref_squeeze %dma_start3A_651 : memref<1x8x1024xf32, #tpu.memory_space<vmem>> -> memref<8x1024xf32, #tpu.memory_space<vmem>>
    %dma_start3A_653 = arith.constant 0 : i32
    %dma_start3A_654 = tpu.memref_slice %arg3[%add3A_638, %dma_start3A_653] : memref<4096x1024xf32, #tpu.memory_space<hbm>> -> memref<8x1024xf32, #tpu.memory_space<hbm>>
    tpu.enqueue_dma source(%dma_start3A_654 : memref<8x1024xf32, #tpu.memory_space<hbm>>) target(%dma_start3A_652 : memref<8x1024xf32, #tpu.memory_space<vmem>>) target_semaphore(%dma_start3A_648 : memref<!tpu.dma_semaphore, #tpu.memory_space<semaphore_mem>>)
    %add3A_655 = arith.constant 48 : i32
    %add3A_656 = arith.addi %mul3A_2, %add3A_655 : i32
    %dma_start3A_657 = arith.constant 0 : i32
    %dma_start3A_658 = arith.constant 0 : i32
    %dma_start3A_659 = arith.constant 0 : i32
    %dma_start3A_660 = arith.constant 0 : i32
    %dma_start3A_661 = arith.constant 0 : i32
    %dma_start3A_662 = tpu.memref_slice %arg8[%dma_start3A_657, %dma_start3A_659, %dma_start3A_660, %dma_start3A_661] : memref<3x4x8x1024xf32, #tpu.memory_space<vmem>> -> memref<1x4x8x1024xf32, #tpu.memory_space<vmem>>
    %dma_start3A_663 = tpu.memref_squeeze %dma_start3A_662 : memref<1x4x8x1024xf32, #tpu.memory_space<vmem>> -> memref<4x8x1024xf32, #tpu.memory_space<vmem>>
    %dma_start3A_664 = arith.constant 0 : i32
    %dma_start3A_665 = arith.constant 0 : i32
    %dma_start3A_666 = tpu.memref_slice %arg2[%dma_start3A_664, %add3A_656, %dma_start3A_665] : memref<4x4096x1024xf32, #tpu.memory_space<hbm>> -> memref<4x8x1024xf32, #tpu.memory_space<hbm>>
    %dma_start3A_667 = tpu.memref_slice %arg10[%dma_start3A_658] : memref<3x!tpu.dma_semaphore, #tpu.memory_space<semaphore_mem>> -> memref<1x!tpu.dma_semaphore, #tpu.memory_space<semaphore_mem>>
    %dma_start3A_668 = tpu.memref_squeeze %dma_start3A_667 : memref<1x!tpu.dma_semaphore, #tpu.memory_space<semaphore_mem>> -> memref<!tpu.dma_semaphore, #tpu.memory_space<semaphore_mem>>
    %dma_start3A_669 = arith.constant 0 : i32
    %dma_start3A_670 = arith.constant 0 : i32
    %dma_start3A_671 = arith.constant 0 : i32
    %dma_start3A_672 = tpu.memref_slice %arg8[%dma_start3A_657, %dma_start3A_669, %dma_start3A_670, %dma_start3A_671] : memref<3x4x8x1024xf32, #tpu.memory_space<vmem>> -> memref<1x4x8x1024xf32, #tpu.memory_space<vmem>>
    %dma_start3A_673 = tpu.memref_squeeze %dma_start3A_672 : memref<1x4x8x1024xf32, #tpu.memory_space<vmem>> -> memref<4x8x1024xf32, #tpu.memory_space<vmem>>
    %dma_start3A_674 = arith.constant 0 : i32
    %dma_start3A_675 = arith.constant 0 : i32
    %dma_start3A_676 = tpu.memref_slice %arg2[%dma_start3A_674, %add3A_656, %dma_start3A_675] : memref<4x4096x1024xf32, #tpu.memory_space<hbm>> -> memref<4x8x1024xf32, #tpu.memory_space<hbm>>
    tpu.enqueue_dma source(%dma_start3A_676 : memref<4x8x1024xf32, #tpu.memory_space<hbm>>) target(%dma_start3A_673 : memref<4x8x1024xf32, #tpu.memory_space<vmem>>) target_semaphore(%dma_start3A_668 : memref<!tpu.dma_semaphore, #tpu.memory_space<semaphore_mem>>)
    %dma_wait3A_677 = arith.constant 1 : i32
    %dma_wait3A_678 = arith.constant 1 : i32
    %dma_wait3A_679 = arith.constant 0 : i32
    %dma_wait3A_680 = arith.constant 0 : i32
    %dma_wait3A_681 = tpu.memref_slice %arg7[%dma_wait3A_677, %dma_wait3A_679, %dma_wait3A_680] : memref<2x8x1024xf32, #tpu.memory_space<vmem>> -> memref<1x8x1024xf32, #tpu.memory_space<vmem>>
    %dma_wait3A_682 = tpu.memref_squeeze %dma_wait3A_681 : memref<1x8x1024xf32, #tpu.memory_space<vmem>> -> memref<8x1024xf32, #tpu.memory_space<vmem>>
    %dma_wait3A_683 = arith.constant 0 : i32
    %dma_wait3A_684 = tpu.memref_slice %arg3[%add3A_515, %dma_wait3A_683] : memref<4096x1024xf32, #tpu.memory_space<hbm>> -> memref<8x1024xf32, #tpu.memory_space<hbm>>
    %dma_wait3A_685 = tpu.memref_slice %arg9[%dma_wait3A_678] : memref<2x!tpu.dma_semaphore, #tpu.memory_space<semaphore_mem>> -> memref<1x!tpu.dma_semaphore, #tpu.memory_space<semaphore_mem>>
    %dma_wait3A_686 = tpu.memref_squeeze %dma_wait3A_685 : memref<1x!tpu.dma_semaphore, #tpu.memory_space<semaphore_mem>> -> memref<!tpu.dma_semaphore, #tpu.memory_space<semaphore_mem>>
    %dma_wait3A_687 = arith.constant 0 : i32
    %dma_wait3A_688 = arith.constant 0 : i32
    %dma_wait3A_689 = tpu.memref_slice %arg7[%dma_wait3A_677, %dma_wait3A_687, %dma_wait3A_688] : memref<2x8x1024xf32, #tpu.memory_space<vmem>> -> memref<1x8x1024xf32, #tpu.memory_space<vmem>>
    %dma_wait3A_690 = tpu.memref_squeeze %dma_wait3A_689 : memref<1x8x1024xf32, #tpu.memory_space<vmem>> -> memref<8x1024xf32, #tpu.memory_space<vmem>>
    %dma_wait3A_691 = arith.constant 0 : i32
    %dma_wait3A_692 = tpu.memref_slice %arg3[%add3A_515, %dma_wait3A_691] : memref<4096x1024xf32, #tpu.memory_space<hbm>> -> memref<8x1024xf32, #tpu.memory_space<hbm>>
    tpu.wait_dma2 semaphore(%dma_wait3A_686 : memref<!tpu.dma_semaphore, #tpu.memory_space<semaphore_mem>>) src(%dma_wait3A_692 : memref<8x1024xf32, #tpu.memory_space<hbm>>) dst(%dma_wait3A_690 : memref<8x1024xf32, #tpu.memory_space<vmem>>)
    %dma_wait3A_693 = arith.constant 2 : i32
    %dma_wait3A_694 = arith.constant 2 : i32
    %dma_wait3A_695 = arith.constant 0 : i32
    %dma_wait3A_696 = arith.constant 0 : i32
    %dma_wait3A_697 = arith.constant 0 : i32
    %dma_wait3A_698 = tpu.memref_slice %arg8[%dma_wait3A_693, %dma_wait3A_695, %dma_wait3A_696, %dma_wait3A_697] : memref<3x4x8x1024xf32, #tpu.memory_space<vmem>> -> memref<1x4x8x1024xf32, #tpu.memory_space<vmem>>
    %dma_wait3A_699 = tpu.memref_squeeze %dma_wait3A_698 : memref<1x4x8x1024xf32, #tpu.memory_space<vmem>> -> memref<4x8x1024xf32, #tpu.memory_space<vmem>>
    %dma_wait3A_700 = arith.constant 0 : i32
    %dma_wait3A_701 = arith.constant 0 : i32
    %dma_wait3A_702 = tpu.memref_slice %arg2[%dma_wait3A_700, %add3A_533, %dma_wait3A_701] : memref<4x4096x1024xf32, #tpu.memory_space<hbm>> -> memref<4x8x1024xf32, #tpu.memory_space<hbm>>
    %dma_wait3A_703 = tpu.memref_slice %arg10[%dma_wait3A_694] : memref<3x!tpu.dma_semaphore, #tpu.memory_space<semaphore_mem>> -> memref<1x!tpu.dma_semaphore, #tpu.memory_space<semaphore_mem>>
    %dma_wait3A_704 = tpu.memref_squeeze %dma_wait3A_703 : memref<1x!tpu.dma_semaphore, #tpu.memory_space<semaphore_mem>> -> memref<!tpu.dma_semaphore, #tpu.memory_space<semaphore_mem>>
    %dma_wait3A_705 = arith.constant 0 : i32
    %dma_wait3A_706 = arith.constant 0 : i32
    %dma_wait3A_707 = arith.constant 0 : i32
    %dma_wait3A_708 = tpu.memref_slice %arg8[%dma_wait3A_693, %dma_wait3A_705, %dma_wait3A_706, %dma_wait3A_707] : memref<3x4x8x1024xf32, #tpu.memory_space<vmem>> -> memref<1x4x8x1024xf32, #tpu.memory_space<vmem>>
    %dma_wait3A_709 = tpu.memref_squeeze %dma_wait3A_708 : memref<1x4x8x1024xf32, #tpu.memory_space<vmem>> -> memref<4x8x1024xf32, #tpu.memory_space<vmem>>
    %dma_wait3A_710 = arith.constant 0 : i32
    %dma_wait3A_711 = arith.constant 0 : i32
    %dma_wait3A_712 = tpu.memref_slice %arg2[%dma_wait3A_710, %add3A_533, %dma_wait3A_711] : memref<4x4096x1024xf32, #tpu.memory_space<hbm>> -> memref<4x8x1024xf32, #tpu.memory_space<hbm>>
    tpu.wait_dma2 semaphore(%dma_wait3A_704 : memref<!tpu.dma_semaphore, #tpu.memory_space<semaphore_mem>>) src(%dma_wait3A_712 : memref<4x8x1024xf32, #tpu.memory_space<hbm>>) dst(%dma_wait3A_709 : memref<4x8x1024xf32, #tpu.memory_space<vmem>>)
    %scan3A_713 = arith.constant 0 : i32
    %scan3A_714 = arith.constant 8 : i32
    %scan3A_715 = arith.addi %scan3A_713, %scan3A_714 : i32
    %scan3A_716 = arith.constant 1 : i32
    scf.for %scan3A_1970 = %scan3A_713 to %scan3A_715 step %scan3A_716  : i32 {
      %mul3A_1971 = arith.constant 1 : i32
      %mul3A_1972 = arith.muli %scan3A_1970, %mul3A_1971 : i32
      %add3A_1973 = arith.constant 0 : i32
      %add3A_1974 = arith.addi %add3A_1973, %mul3A_1972 : i32
      %parallel_loop3A = arith.constant 0 : i32
      %parallel_loop3A_1975 = arith.constant 64 : i32
      %parallel_loop3A_1976 = arith.constant 1 : i32
      scf.for %parallel_loop3A_1977 = %parallel_loop3A to %parallel_loop3A_1975 step %parallel_loop3A_1976  : i32 {
        %parallel_loop3A_1978 = arith.constant 16 : i32
        %parallel_loop3A_1979 = arith.muli %parallel_loop3A_1977, %parallel_loop3A_1978 : i32
        %parallel_loop3A_1980 = arith.constant 1 : i32
        %parallel_loop3A_1981 = arith.index_cast %parallel_loop3A_1980 : i32 to index
        %parallel_loop3A_1982 = arith.index_cast %add3A_1974 : i32 to index
        %parallel_loop3A_1983 = arith.index_cast %parallel_loop3A_1979 : i32 to index
        %parallel_loop3A_1984 = tpu.vector_load %arg7[%parallel_loop3A_1981, %parallel_loop3A_1982, %parallel_loop3A_1983] {strides = array<i32>} : memref<2x8x1024xf32, #tpu.memory_space<vmem>>, vector<1x1x16xf32>,
        %parallel_loop3A_1985 = vector.shape_cast %parallel_loop3A_1984 : vector<1x1x16xf32> to vector<16xf32>
        %parallel_loop3A_1986 = arith.mulf %get3A_4, %parallel_loop3A_1985 : vector<16xf32>
        %parallel_loop3A_1987 = arith.constant 2 : i32
        %parallel_loop3A_1988 = arith.constant 0 : i32
        %parallel_loop3A_1989 = arith.index_cast %parallel_loop3A_1987 : i32 to index
        %parallel_loop3A_1990 = arith.index_cast %parallel_loop3A_1988 : i32 to index
        %parallel_loop3A_1991 = arith.index_cast %add3A_1974 : i32 to index
        %parallel_loop3A_1992 = arith.index_cast %parallel_loop3A_1979 : i32 to index
        %parallel_loop3A_1993 = tpu.vector_load %arg8[%parallel_loop3A_1989, %parallel_loop3A_1990, %parallel_loop3A_1991, %parallel_loop3A_1992] {strides = array<i32>} : memref<3x4x8x1024xf32, #tpu.memory_space<vmem>>, vector<1x1x1x16xf32>,
        %parallel_loop3A_1994 = vector.shape_cast %parallel_loop3A_1993 : vector<1x1x1x16xf32> to vector<16xf32>
        %parallel_loop3A_1995 = vector.shape_cast %parallel_loop3A_1986 : vector<16xf32> to vector<1x1x1x16xf32>
        tpu.vector_store %arg8[%parallel_loop3A_1989, %parallel_loop3A_1990, %parallel_loop3A_1991, %parallel_loop3A_1992], %parallel_loop3A_1995 {add = true, strides = array<i32>} : memref<3x4x8x1024xf32, #tpu.memory_space<vmem>>, vector<1x1x1x16xf32>,
        %parallel_loop3A_1996 = arith.constant 2 : i32
        %parallel_loop3A_1997 = arith.constant 1 : i32
        %parallel_loop3A_1998 = arith.index_cast %parallel_loop3A_1996 : i32 to index
        %parallel_loop3A_1999 = arith.index_cast %parallel_loop3A_1997 : i32 to index
        %parallel_loop3A_2000 = arith.index_cast %add3A_1974 : i32 to index
        %parallel_loop3A_2001 = arith.index_cast %parallel_loop3A_1979 : i32 to index
        %parallel_loop3A_2002 = tpu.vector_load %arg8[%parallel_loop3A_1998, %parallel_loop3A_1999, %parallel_loop3A_2000, %parallel_loop3A_2001] {strides = array<i32>} : memref<3x4x8x1024xf32, #tpu.memory_space<vmem>>, vector<1x1x1x16xf32>,
        %parallel_loop3A_2003 = vector.shape_cast %parallel_loop3A_2002 : vector<1x1x1x16xf32> to vector<16xf32>
        %parallel_loop3A_2004 = vector.shape_cast %parallel_loop3A_1986 : vector<16xf32> to vector<1x1x1x16xf32>
        tpu.vector_store %arg8[%parallel_loop3A_1998, %parallel_loop3A_1999, %parallel_loop3A_2000, %parallel_loop3A_2001], %parallel_loop3A_2004 {add = true, strides = array<i32>} : memref<3x4x8x1024xf32, #tpu.memory_space<vmem>>, vector<1x1x1x16xf32>,
        %parallel_loop3A_2005 = arith.constant 2 : i32
        %parallel_loop3A_2006 = arith.constant 2 : i32
        %parallel_loop3A_2007 = arith.index_cast %parallel_loop3A_2005 : i32 to index
        %parallel_loop3A_2008 = arith.index_cast %parallel_loop3A_2006 : i32 to index
        %parallel_loop3A_2009 = arith.index_cast %add3A_1974 : i32 to index
        %parallel_loop3A_2010 = arith.index_cast %parallel_loop3A_1979 : i32 to index
        %parallel_loop3A_2011 = tpu.vector_load %arg8[%parallel_loop3A_2007, %parallel_loop3A_2008, %parallel_loop3A_2009, %parallel_loop3A_2010] {strides = array<i32>} : memref<3x4x8x1024xf32, #tpu.memory_space<vmem>>, vector<1x1x1x16xf32>,
        %parallel_loop3A_2012 = vector.shape_cast %parallel_loop3A_2011 : vector<1x1x1x16xf32> to vector<16xf32>
        %parallel_loop3A_2013 = vector.shape_cast %parallel_loop3A_1986 : vector<16xf32> to vector<1x1x1x16xf32>
        tpu.vector_store %arg8[%parallel_loop3A_2007, %parallel_loop3A_2008, %parallel_loop3A_2009, %parallel_loop3A_2010], %parallel_loop3A_2013 {add = true, strides = array<i32>} : memref<3x4x8x1024xf32, #tpu.memory_space<vmem>>, vector<1x1x1x16xf32>,
        %parallel_loop3A_2014 = arith.constant 2 : i32
        %parallel_loop3A_2015 = arith.constant 3 : i32
        %parallel_loop3A_2016 = arith.index_cast %parallel_loop3A_2014 : i32 to index
        %parallel_loop3A_2017 = arith.index_cast %parallel_loop3A_2015 : i32 to index
        %parallel_loop3A_2018 = arith.index_cast %add3A_1974 : i32 to index
        %parallel_loop3A_2019 = arith.index_cast %parallel_loop3A_1979 : i32 to index
        %parallel_loop3A_2020 = tpu.vector_load %arg8[%parallel_loop3A_2016, %parallel_loop3A_2017, %parallel_loop3A_2018, %parallel_loop3A_2019] {strides = array<i32>} : memref<3x4x8x1024xf32, #tpu.memory_space<vmem>>, vector<1x1x1x16xf32>,
        %parallel_loop3A_2021 = vector.shape_cast %parallel_loop3A_2020 : vector<1x1x1x16xf32> to vector<16xf32>
        %parallel_loop3A_2022 = vector.shape_cast %parallel_loop3A_1986 : vector<16xf32> to vector<1x1x1x16xf32>
        tpu.vector_store %arg8[%parallel_loop3A_2016, %parallel_loop3A_2017, %parallel_loop3A_2018, %parallel_loop3A_2019], %parallel_loop3A_2022 {add = true, strides = array<i32>} : memref<3x4x8x1024xf32, #tpu.memory_space<vmem>>, vector<1x1x1x16xf32>,
      } {sc.loop_unroll_factor = 8 : i64, sc.parallel_access}
    }
    %scan3A_717 = arith.constant 8 : i32
    %add3A_718 = arith.constant 40 : i32
    %add3A_719 = arith.addi %mul3A_2, %add3A_718 : i32
    %dma_start3A_720 = arith.constant 2 : i32
    %dma_start3A_721 = arith.constant 2 : i32
    %dma_start3A_722 = arith.constant 0 : i32
    %dma_start3A_723 = arith.constant 0 : i32
    %dma_start3A_724 = arith.constant 0 : i32
    %dma_start3A_725 = tpu.memref_slice %arg8[%dma_start3A_720, %dma_start3A_722, %dma_start3A_723, %dma_start3A_724] : memref<3x4x8x1024xf32, #tpu.memory_space<vmem>> -> memref<1x4x8x1024xf32, #tpu.memory_space<vmem>>
    %dma_start3A_726 = tpu.memref_squeeze %dma_start3A_725 : memref<1x4x8x1024xf32, #tpu.memory_space<vmem>> -> memref<4x8x1024xf32, #tpu.memory_space<vmem>>
    %dma_start3A_727 = arith.constant 0 : i32
    %dma_start3A_728 = arith.constant 0 : i32
    %dma_start3A_729 = tpu.memref_slice %arg5[%dma_start3A_727, %add3A_719, %dma_start3A_728] : memref<4x4096x1024xf32, #tpu.memory_space<hbm>> -> memref<4x8x1024xf32, #tpu.memory_space<hbm>>
    %dma_start3A_730 = tpu.memref_slice %arg11[%dma_start3A_721] : memref<3x!tpu.dma_semaphore, #tpu.memory_space<semaphore_mem>> -> memref<1x!tpu.dma_semaphore, #tpu.memory_space<semaphore_mem>>
    %dma_start3A_731 = tpu.memref_squeeze %dma_start3A_730 : memref<1x!tpu.dma_semaphore, #tpu.memory_space<semaphore_mem>> -> memref<!tpu.dma_semaphore, #tpu.memory_space<semaphore_mem>>
    %dma_start3A_732 = arith.constant 0 : i32
    %dma_start3A_733 = arith.constant 0 : i32
    %dma_start3A_734 = tpu.memref_slice %arg5[%dma_start3A_732, %add3A_719, %dma_start3A_733] : memref<4x4096x1024xf32, #tpu.memory_space<hbm>> -> memref<4x8x1024xf32, #tpu.memory_space<hbm>>
    %dma_start3A_735 = arith.constant 0 : i32
    %dma_start3A_736 = arith.constant 0 : i32
    %dma_start3A_737 = arith.constant 0 : i32
    %dma_start3A_738 = tpu.memref_slice %arg8[%dma_start3A_720, %dma_start3A_735, %dma_start3A_736, %dma_start3A_737] : memref<3x4x8x1024xf32, #tpu.memory_space<vmem>> -> memref<1x4x8x1024xf32, #tpu.memory_space<vmem>>
    %dma_start3A_739 = tpu.memref_squeeze %dma_start3A_738 : memref<1x4x8x1024xf32, #tpu.memory_space<vmem>> -> memref<4x8x1024xf32, #tpu.memory_space<vmem>>
    tpu.enqueue_dma source(%dma_start3A_739 : memref<4x8x1024xf32, #tpu.memory_space<vmem>>) target(%dma_start3A_734 : memref<4x8x1024xf32, #tpu.memory_space<hbm>>) target_semaphore(%dma_start3A_731 : memref<!tpu.dma_semaphore, #tpu.memory_space<semaphore_mem>>)
    %dma_wait3A_740 = arith.constant 1 : i32
    %dma_wait3A_741 = arith.constant 1 : i32
    %dma_wait3A_742 = arith.constant 0 : i32
    %dma_wait3A_743 = arith.constant 0 : i32
    %dma_wait3A_744 = arith.constant 0 : i32
    %dma_wait3A_745 = tpu.memref_slice %arg8[%dma_wait3A_740, %dma_wait3A_742, %dma_wait3A_743, %dma_wait3A_744] : memref<3x4x8x1024xf32, #tpu.memory_space<vmem>> -> memref<1x4x8x1024xf32, #tpu.memory_space<vmem>>
    %dma_wait3A_746 = tpu.memref_squeeze %dma_wait3A_745 : memref<1x4x8x1024xf32, #tpu.memory_space<vmem>> -> memref<4x8x1024xf32, #tpu.memory_space<vmem>>
    %dma_wait3A_747 = arith.constant 0 : i32
    %dma_wait3A_748 = arith.constant 0 : i32
    %dma_wait3A_749 = tpu.memref_slice %arg5[%dma_wait3A_747, %add3A_596, %dma_wait3A_748] : memref<4x4096x1024xf32, #tpu.memory_space<hbm>> -> memref<4x8x1024xf32, #tpu.memory_space<hbm>>
    %dma_wait3A_750 = tpu.memref_slice %arg11[%dma_wait3A_741] : memref<3x!tpu.dma_semaphore, #tpu.memory_space<semaphore_mem>> -> memref<1x!tpu.dma_semaphore, #tpu.memory_space<semaphore_mem>>
    %dma_wait3A_751 = tpu.memref_squeeze %dma_wait3A_750 : memref<1x!tpu.dma_semaphore, #tpu.memory_space<semaphore_mem>> -> memref<!tpu.dma_semaphore, #tpu.memory_space<semaphore_mem>>
    %dma_wait3A_752 = arith.constant 0 : i32
    %dma_wait3A_753 = arith.constant 0 : i32
    %dma_wait3A_754 = tpu.memref_slice %arg5[%dma_wait3A_752, %add3A_596, %dma_wait3A_753] : memref<4x4096x1024xf32, #tpu.memory_space<hbm>> -> memref<4x8x1024xf32, #tpu.memory_space<hbm>>
    %dma_wait3A_755 = arith.constant 0 : i32
    %dma_wait3A_756 = arith.constant 0 : i32
    %dma_wait3A_757 = arith.constant 0 : i32
    %dma_wait3A_758 = tpu.memref_slice %arg8[%dma_wait3A_740, %dma_wait3A_755, %dma_wait3A_756, %dma_wait3A_757] : memref<3x4x8x1024xf32, #tpu.memory_space<vmem>> -> memref<1x4x8x1024xf32, #tpu.memory_space<vmem>>
    %dma_wait3A_759 = tpu.memref_squeeze %dma_wait3A_758 : memref<1x4x8x1024xf32, #tpu.memory_space<vmem>> -> memref<4x8x1024xf32, #tpu.memory_space<vmem>>
    tpu.wait_dma2 semaphore(%dma_wait3A_751 : memref<!tpu.dma_semaphore, #tpu.memory_space<semaphore_mem>>) src(%dma_wait3A_759 : memref<4x8x1024xf32, #tpu.memory_space<vmem>>) dst(%dma_wait3A_754 : memref<4x8x1024xf32, #tpu.memory_space<hbm>>)
    %add3A_760 = arith.constant 56 : i32
    %add3A_761 = arith.addi %mul3A_2, %add3A_760 : i32
    %dma_start3A_762 = arith.constant 1 : i32
    %dma_start3A_763 = arith.constant 1 : i32
    %dma_start3A_764 = arith.constant 0 : i32
    %dma_start3A_765 = arith.constant 0 : i32
    %dma_start3A_766 = tpu.memref_slice %arg7[%dma_start3A_762, %dma_start3A_764, %dma_start3A_765] : memref<2x8x1024xf32, #tpu.memory_space<vmem>> -> memref<1x8x1024xf32, #tpu.memory_space<vmem>>
    %dma_start3A_767 = tpu.memref_squeeze %dma_start3A_766 : memref<1x8x1024xf32, #tpu.memory_space<vmem>> -> memref<8x1024xf32, #tpu.memory_space<vmem>>
    %dma_start3A_768 = arith.constant 0 : i32
    %dma_start3A_769 = tpu.memref_slice %arg3[%add3A_761, %dma_start3A_768] : memref<4096x1024xf32, #tpu.memory_space<hbm>> -> memref<8x1024xf32, #tpu.memory_space<hbm>>
    %dma_start3A_770 = tpu.memref_slice %arg9[%dma_start3A_763] : memref<2x!tpu.dma_semaphore, #tpu.memory_space<semaphore_mem>> -> memref<1x!tpu.dma_semaphore, #tpu.memory_space<semaphore_mem>>
    %dma_start3A_771 = tpu.memref_squeeze %dma_start3A_770 : memref<1x!tpu.dma_semaphore, #tpu.memory_space<semaphore_mem>> -> memref<!tpu.dma_semaphore, #tpu.memory_space<semaphore_mem>>
    %dma_start3A_772 = arith.constant 0 : i32
    %dma_start3A_773 = arith.constant 0 : i32
    %dma_start3A_774 = tpu.memref_slice %arg7[%dma_start3A_762, %dma_start3A_772, %dma_start3A_773] : memref<2x8x1024xf32, #tpu.memory_space<vmem>> -> memref<1x8x1024xf32, #tpu.memory_space<vmem>>
    %dma_start3A_775 = tpu.memref_squeeze %dma_start3A_774 : memref<1x8x1024xf32, #tpu.memory_space<vmem>> -> memref<8x1024xf32, #tpu.memory_space<vmem>>
    %dma_start3A_776 = arith.constant 0 : i32
    %dma_start3A_777 = tpu.memref_slice %arg3[%add3A_761, %dma_start3A_776] : memref<4096x1024xf32, #tpu.memory_space<hbm>> -> memref<8x1024xf32, #tpu.memory_space<hbm>>
    tpu.enqueue_dma source(%dma_start3A_777 : memref<8x1024xf32, #tpu.memory_space<hbm>>) target(%dma_start3A_775 : memref<8x1024xf32, #tpu.memory_space<vmem>>) target_semaphore(%dma_start3A_771 : memref<!tpu.dma_semaphore, #tpu.memory_space<semaphore_mem>>)
    %add3A_778 = arith.constant 56 : i32
    %add3A_779 = arith.addi %mul3A_2, %add3A_778 : i32
    %dma_start3A_780 = arith.constant 1 : i32
    %dma_start3A_781 = arith.constant 1 : i32
    %dma_start3A_782 = arith.constant 0 : i32
    %dma_start3A_783 = arith.constant 0 : i32
    %dma_start3A_784 = arith.constant 0 : i32
    %dma_start3A_785 = tpu.memref_slice %arg8[%dma_start3A_780, %dma_start3A_782, %dma_start3A_783, %dma_start3A_784] : memref<3x4x8x1024xf32, #tpu.memory_space<vmem>> -> memref<1x4x8x1024xf32, #tpu.memory_space<vmem>>
    %dma_start3A_786 = tpu.memref_squeeze %dma_start3A_785 : memref<1x4x8x1024xf32, #tpu.memory_space<vmem>> -> memref<4x8x1024xf32, #tpu.memory_space<vmem>>
    %dma_start3A_787 = arith.constant 0 : i32
    %dma_start3A_788 = arith.constant 0 : i32
    %dma_start3A_789 = tpu.memref_slice %arg2[%dma_start3A_787, %add3A_779, %dma_start3A_788] : memref<4x4096x1024xf32, #tpu.memory_space<hbm>> -> memref<4x8x1024xf32, #tpu.memory_space<hbm>>
    %dma_start3A_790 = tpu.memref_slice %arg10[%dma_start3A_781] : memref<3x!tpu.dma_semaphore, #tpu.memory_space<semaphore_mem>> -> memref<1x!tpu.dma_semaphore, #tpu.memory_space<semaphore_mem>>
    %dma_start3A_791 = tpu.memref_squeeze %dma_start3A_790 : memref<1x!tpu.dma_semaphore, #tpu.memory_space<semaphore_mem>> -> memref<!tpu.dma_semaphore, #tpu.memory_space<semaphore_mem>>
    %dma_start3A_792 = arith.constant 0 : i32
    %dma_start3A_793 = arith.constant 0 : i32
    %dma_start3A_794 = arith.constant 0 : i32
    %dma_start3A_795 = tpu.memref_slice %arg8[%dma_start3A_780, %dma_start3A_792, %dma_start3A_793, %dma_start3A_794] : memref<3x4x8x1024xf32, #tpu.memory_space<vmem>> -> memref<1x4x8x1024xf32, #tpu.memory_space<vmem>>
    %dma_start3A_796 = tpu.memref_squeeze %dma_start3A_795 : memref<1x4x8x1024xf32, #tpu.memory_space<vmem>> -> memref<4x8x1024xf32, #tpu.memory_space<vmem>>
    %dma_start3A_797 = arith.constant 0 : i32
    %dma_start3A_798 = arith.constant 0 : i32
    %dma_start3A_799 = tpu.memref_slice %arg2[%dma_start3A_797, %add3A_779, %dma_start3A_798] : memref<4x4096x1024xf32, #tpu.memory_space<hbm>> -> memref<4x8x1024xf32, #tpu.memory_space<hbm>>
    tpu.enqueue_dma source(%dma_start3A_799 : memref<4x8x1024xf32, #tpu.memory_space<hbm>>) target(%dma_start3A_796 : memref<4x8x1024xf32, #tpu.memory_space<vmem>>) target_semaphore(%dma_start3A_791 : memref<!tpu.dma_semaphore, #tpu.memory_space<semaphore_mem>>)
    %dma_wait3A_800 = arith.constant 0 : i32
    %dma_wait3A_801 = arith.constant 0 : i32
    %dma_wait3A_802 = arith.constant 0 : i32
    %dma_wait3A_803 = arith.constant 0 : i32
    %dma_wait3A_804 = tpu.memref_slice %arg7[%dma_wait3A_800, %dma_wait3A_802, %dma_wait3A_803] : memref<2x8x1024xf32, #tpu.memory_space<vmem>> -> memref<1x8x1024xf32, #tpu.memory_space<vmem>>
    %dma_wait3A_805 = tpu.memref_squeeze %dma_wait3A_804 : memref<1x8x1024xf32, #tpu.memory_space<vmem>> -> memref<8x1024xf32, #tpu.memory_space<vmem>>
    %dma_wait3A_806 = arith.constant 0 : i32
    %dma_wait3A_807 = tpu.memref_slice %arg3[%add3A_638, %dma_wait3A_806] : memref<4096x1024xf32, #tpu.memory_space<hbm>> -> memref<8x1024xf32, #tpu.memory_space<hbm>>
    %dma_wait3A_808 = tpu.memref_slice %arg9[%dma_wait3A_801] : memref<2x!tpu.dma_semaphore, #tpu.memory_space<semaphore_mem>> -> memref<1x!tpu.dma_semaphore, #tpu.memory_space<semaphore_mem>>
    %dma_wait3A_809 = tpu.memref_squeeze %dma_wait3A_808 : memref<1x!tpu.dma_semaphore, #tpu.memory_space<semaphore_mem>> -> memref<!tpu.dma_semaphore, #tpu.memory_space<semaphore_mem>>
    %dma_wait3A_810 = arith.constant 0 : i32
    %dma_wait3A_811 = arith.constant 0 : i32
    %dma_wait3A_812 = tpu.memref_slice %arg7[%dma_wait3A_800, %dma_wait3A_810, %dma_wait3A_811] : memref<2x8x1024xf32, #tpu.memory_space<vmem>> -> memref<1x8x1024xf32, #tpu.memory_space<vmem>>
    %dma_wait3A_813 = tpu.memref_squeeze %dma_wait3A_812 : memref<1x8x1024xf32, #tpu.memory_space<vmem>> -> memref<8x1024xf32, #tpu.memory_space<vmem>>
    %dma_wait3A_814 = arith.constant 0 : i32
    %dma_wait3A_815 = tpu.memref_slice %arg3[%add3A_638, %dma_wait3A_814] : memref<4096x1024xf32, #tpu.memory_space<hbm>> -> memref<8x1024xf32, #tpu.memory_space<hbm>>
    tpu.wait_dma2 semaphore(%dma_wait3A_809 : memref<!tpu.dma_semaphore, #tpu.memory_space<semaphore_mem>>) src(%dma_wait3A_815 : memref<8x1024xf32, #tpu.memory_space<hbm>>) dst(%dma_wait3A_813 : memref<8x1024xf32, #tpu.memory_space<vmem>>)
    %dma_wait3A_816 = arith.constant 0 : i32
    %dma_wait3A_817 = arith.constant 0 : i32
    %dma_wait3A_818 = arith.constant 0 : i32
    %dma_wait3A_819 = arith.constant 0 : i32
    %dma_wait3A_820 = arith.constant 0 : i32
    %dma_wait3A_821 = tpu.memref_slice %arg8[%dma_wait3A_816, %dma_wait3A_818, %dma_wait3A_819, %dma_wait3A_820] : memref<3x4x8x1024xf32, #tpu.memory_space<vmem>> -> memref<1x4x8x1024xf32, #tpu.memory_space<vmem>>
    %dma_wait3A_822 = tpu.memref_squeeze %dma_wait3A_821 : memref<1x4x8x1024xf32, #tpu.memory_space<vmem>> -> memref<4x8x1024xf32, #tpu.memory_space<vmem>>
    %dma_wait3A_823 = arith.constant 0 : i32
    %dma_wait3A_824 = arith.constant 0 : i32
    %dma_wait3A_825 = tpu.memref_slice %arg2[%dma_wait3A_823, %add3A_656, %dma_wait3A_824] : memref<4x4096x1024xf32, #tpu.memory_space<hbm>> -> memref<4x8x1024xf32, #tpu.memory_space<hbm>>
    %dma_wait3A_826 = tpu.memref_slice %arg10[%dma_wait3A_817] : memref<3x!tpu.dma_semaphore, #tpu.memory_space<semaphore_mem>> -> memref<1x!tpu.dma_semaphore, #tpu.memory_space<semaphore_mem>>
    %dma_wait3A_827 = tpu.memref_squeeze %dma_wait3A_826 : memref<1x!tpu.dma_semaphore, #tpu.memory_space<semaphore_mem>> -> memref<!tpu.dma_semaphore, #tpu.memory_space<semaphore_mem>>
    %dma_wait3A_828 = arith.constant 0 : i32
    %dma_wait3A_829 = arith.constant 0 : i32
    %dma_wait3A_830 = arith.constant 0 : i32
    %dma_wait3A_831 = tpu.memref_slice %arg8[%dma_wait3A_816, %dma_wait3A_828, %dma_wait3A_829, %dma_wait3A_830] : memref<3x4x8x1024xf32, #tpu.memory_space<vmem>> -> memref<1x4x8x1024xf32, #tpu.memory_space<vmem>>
    %dma_wait3A_832 = tpu.memref_squeeze %dma_wait3A_831 : memref<1x4x8x1024xf32, #tpu.memory_space<vmem>> -> memref<4x8x1024xf32, #tpu.memory_space<vmem>>
    %dma_wait3A_833 = arith.constant 0 : i32
    %dma_wait3A_834 = arith.constant 0 : i32
    %dma_wait3A_835 = tpu.memref_slice %arg2[%dma_wait3A_833, %add3A_656, %dma_wait3A_834] : memref<4x4096x1024xf32, #tpu.memory_space<hbm>> -> memref<4x8x1024xf32, #tpu.memory_space<hbm>>
    tpu.wait_dma2 semaphore(%dma_wait3A_827 : memref<!tpu.dma_semaphore, #tpu.memory_space<semaphore_mem>>) src(%dma_wait3A_835 : memref<4x8x1024xf32, #tpu.memory_space<hbm>>) dst(%dma_wait3A_832 : memref<4x8x1024xf32, #tpu.memory_space<vmem>>)
    %scan3A_836 = arith.constant 0 : i32
    %scan3A_837 = arith.constant 8 : i32
    %scan3A_838 = arith.addi %scan3A_836, %scan3A_837 : i32
    %scan3A_839 = arith.constant 1 : i32
    scf.for %scan3A_1970 = %scan3A_836 to %scan3A_838 step %scan3A_839  : i32 {
      %mul3A_1971 = arith.constant 1 : i32
      %mul3A_1972 = arith.muli %scan3A_1970, %mul3A_1971 : i32
      %add3A_1973 = arith.constant 0 : i32
      %add3A_1974 = arith.addi %add3A_1973, %mul3A_1972 : i32
      %parallel_loop3A = arith.constant 0 : i32
      %parallel_loop3A_1975 = arith.constant 64 : i32
      %parallel_loop3A_1976 = arith.constant 1 : i32
      scf.for %parallel_loop3A_1977 = %parallel_loop3A to %parallel_loop3A_1975 step %parallel_loop3A_1976  : i32 {
        %parallel_loop3A_1978 = arith.constant 16 : i32
        %parallel_loop3A_1979 = arith.muli %parallel_loop3A_1977, %parallel_loop3A_1978 : i32
        %parallel_loop3A_1980 = arith.constant 0 : i32
        %parallel_loop3A_1981 = arith.index_cast %parallel_loop3A_1980 : i32 to index
        %parallel_loop3A_1982 = arith.index_cast %add3A_1974 : i32 to index
        %parallel_loop3A_1983 = arith.index_cast %parallel_loop3A_1979 : i32 to index
        %parallel_loop3A_1984 = tpu.vector_load %arg7[%parallel_loop3A_1981, %parallel_loop3A_1982, %parallel_loop3A_1983] {strides = array<i32>} : memref<2x8x1024xf32, #tpu.memory_space<vmem>>, vector<1x1x16xf32>,
        %parallel_loop3A_1985 = vector.shape_cast %parallel_loop3A_1984 : vector<1x1x16xf32> to vector<16xf32>
        %parallel_loop3A_1986 = arith.mulf %get3A_4, %parallel_loop3A_1985 : vector<16xf32>
        %parallel_loop3A_1987 = arith.constant 0 : i32
        %parallel_loop3A_1988 = arith.constant 0 : i32
        %parallel_loop3A_1989 = arith.index_cast %parallel_loop3A_1987 : i32 to index
        %parallel_loop3A_1990 = arith.index_cast %parallel_loop3A_1988 : i32 to index
        %parallel_loop3A_1991 = arith.index_cast %add3A_1974 : i32 to index
        %parallel_loop3A_1992 = arith.index_cast %parallel_loop3A_1979 : i32 to index
        %parallel_loop3A_1993 = tpu.vector_load %arg8[%parallel_loop3A_1989, %parallel_loop3A_1990, %parallel_loop3A_1991, %parallel_loop3A_1992] {strides = array<i32>} : memref<3x4x8x1024xf32, #tpu.memory_space<vmem>>, vector<1x1x1x16xf32>,
        %parallel_loop3A_1994 = vector.shape_cast %parallel_loop3A_1993 : vector<1x1x1x16xf32> to vector<16xf32>
        %parallel_loop3A_1995 = vector.shape_cast %parallel_loop3A_1986 : vector<16xf32> to vector<1x1x1x16xf32>
        tpu.vector_store %arg8[%parallel_loop3A_1989, %parallel_loop3A_1990, %parallel_loop3A_1991, %parallel_loop3A_1992], %parallel_loop3A_1995 {add = true, strides = array<i32>} : memref<3x4x8x1024xf32, #tpu.memory_space<vmem>>, vector<1x1x1x16xf32>,
        %parallel_loop3A_1996 = arith.constant 0 : i32
        %parallel_loop3A_1997 = arith.constant 1 : i32
        %parallel_loop3A_1998 = arith.index_cast %parallel_loop3A_1996 : i32 to index
        %parallel_loop3A_1999 = arith.index_cast %parallel_loop3A_1997 : i32 to index
        %parallel_loop3A_2000 = arith.index_cast %add3A_1974 : i32 to index
        %parallel_loop3A_2001 = arith.index_cast %parallel_loop3A_1979 : i32 to index
        %parallel_loop3A_2002 = tpu.vector_load %arg8[%parallel_loop3A_1998, %parallel_loop3A_1999, %parallel_loop3A_2000, %parallel_loop3A_2001] {strides = array<i32>} : memref<3x4x8x1024xf32, #tpu.memory_space<vmem>>, vector<1x1x1x16xf32>,
        %parallel_loop3A_2003 = vector.shape_cast %parallel_loop3A_2002 : vector<1x1x1x16xf32> to vector<16xf32>
        %parallel_loop3A_2004 = vector.shape_cast %parallel_loop3A_1986 : vector<16xf32> to vector<1x1x1x16xf32>
        tpu.vector_store %arg8[%parallel_loop3A_1998, %parallel_loop3A_1999, %parallel_loop3A_2000, %parallel_loop3A_2001], %parallel_loop3A_2004 {add = true, strides = array<i32>} : memref<3x4x8x1024xf32, #tpu.memory_space<vmem>>, vector<1x1x1x16xf32>,
        %parallel_loop3A_2005 = arith.constant 0 : i32
        %parallel_loop3A_2006 = arith.constant 2 : i32
        %parallel_loop3A_2007 = arith.index_cast %parallel_loop3A_2005 : i32 to index
        %parallel_loop3A_2008 = arith.index_cast %parallel_loop3A_2006 : i32 to index
        %parallel_loop3A_2009 = arith.index_cast %add3A_1974 : i32 to index
        %parallel_loop3A_2010 = arith.index_cast %parallel_loop3A_1979 : i32 to index
        %parallel_loop3A_2011 = tpu.vector_load %arg8[%parallel_loop3A_2007, %parallel_loop3A_2008, %parallel_loop3A_2009, %parallel_loop3A_2010] {strides = array<i32>} : memref<3x4x8x1024xf32, #tpu.memory_space<vmem>>, vector<1x1x1x16xf32>,
        %parallel_loop3A_2012 = vector.shape_cast %parallel_loop3A_2011 : vector<1x1x1x16xf32> to vector<16xf32>
        %parallel_loop3A_2013 = vector.shape_cast %parallel_loop3A_1986 : vector<16xf32> to vector<1x1x1x16xf32>
        tpu.vector_store %arg8[%parallel_loop3A_2007, %parallel_loop3A_2008, %parallel_loop3A_2009, %parallel_loop3A_2010], %parallel_loop3A_2013 {add = true, strides = array<i32>} : memref<3x4x8x1024xf32, #tpu.memory_space<vmem>>, vector<1x1x1x16xf32>,
        %parallel_loop3A_2014 = arith.constant 0 : i32
        %parallel_loop3A_2015 = arith.constant 3 : i32
        %parallel_loop3A_2016 = arith.index_cast %parallel_loop3A_2014 : i32 to index
        %parallel_loop3A_2017 = arith.index_cast %parallel_loop3A_2015 : i32 to index
        %parallel_loop3A_2018 = arith.index_cast %add3A_1974 : i32 to index
        %parallel_loop3A_2019 = arith.index_cast %parallel_loop3A_1979 : i32 to index
        %parallel_loop3A_2020 = tpu.vector_load %arg8[%parallel_loop3A_2016, %parallel_loop3A_2017, %parallel_loop3A_2018, %parallel_loop3A_2019] {strides = array<i32>} : memref<3x4x8x1024xf32, #tpu.memory_space<vmem>>, vector<1x1x1x16xf32>,
        %parallel_loop3A_2021 = vector.shape_cast %parallel_loop3A_2020 : vector<1x1x1x16xf32> to vector<16xf32>
        %parallel_loop3A_2022 = vector.shape_cast %parallel_loop3A_1986 : vector<16xf32> to vector<1x1x1x16xf32>
        tpu.vector_store %arg8[%parallel_loop3A_2016, %parallel_loop3A_2017, %parallel_loop3A_2018, %parallel_loop3A_2019], %parallel_loop3A_2022 {add = true, strides = array<i32>} : memref<3x4x8x1024xf32, #tpu.memory_space<vmem>>, vector<1x1x1x16xf32>,
      } {sc.loop_unroll_factor = 8 : i64, sc.parallel_access}
    }
    %scan3A_840 = arith.constant 8 : i32
    %add3A_841 = arith.constant 48 : i32
    %add3A_842 = arith.addi %mul3A_2, %add3A_841 : i32
    %dma_start3A_843 = arith.constant 0 : i32
    %dma_start3A_844 = arith.constant 0 : i32
    %dma_start3A_845 = arith.constant 0 : i32
    %dma_start3A_846 = arith.constant 0 : i32
    %dma_start3A_847 = arith.constant 0 : i32
    %dma_start3A_848 = tpu.memref_slice %arg8[%dma_start3A_843, %dma_start3A_845, %dma_start3A_846, %dma_start3A_847] : memref<3x4x8x1024xf32, #tpu.memory_space<vmem>> -> memref<1x4x8x1024xf32, #tpu.memory_space<vmem>>
    %dma_start3A_849 = tpu.memref_squeeze %dma_start3A_848 : memref<1x4x8x1024xf32, #tpu.memory_space<vmem>> -> memref<4x8x1024xf32, #tpu.memory_space<vmem>>
    %dma_start3A_850 = arith.constant 0 : i32
    %dma_start3A_851 = arith.constant 0 : i32
    %dma_start3A_852 = tpu.memref_slice %arg5[%dma_start3A_850, %add3A_842, %dma_start3A_851] : memref<4x4096x1024xf32, #tpu.memory_space<hbm>> -> memref<4x8x1024xf32, #tpu.memory_space<hbm>>
    %dma_start3A_853 = tpu.memref_slice %arg11[%dma_start3A_844] : memref<3x!tpu.dma_semaphore, #tpu.memory_space<semaphore_mem>> -> memref<1x!tpu.dma_semaphore, #tpu.memory_space<semaphore_mem>>
    %dma_start3A_854 = tpu.memref_squeeze %dma_start3A_853 : memref<1x!tpu.dma_semaphore, #tpu.memory_space<semaphore_mem>> -> memref<!tpu.dma_semaphore, #tpu.memory_space<semaphore_mem>>
    %dma_start3A_855 = arith.constant 0 : i32
    %dma_start3A_856 = arith.constant 0 : i32
    %dma_start3A_857 = tpu.memref_slice %arg5[%dma_start3A_855, %add3A_842, %dma_start3A_856] : memref<4x4096x1024xf32, #tpu.memory_space<hbm>> -> memref<4x8x1024xf32, #tpu.memory_space<hbm>>
    %dma_start3A_858 = arith.constant 0 : i32
    %dma_start3A_859 = arith.constant 0 : i32
    %dma_start3A_860 = arith.constant 0 : i32
    %dma_start3A_861 = tpu.memref_slice %arg8[%dma_start3A_843, %dma_start3A_858, %dma_start3A_859, %dma_start3A_860] : memref<3x4x8x1024xf32, #tpu.memory_space<vmem>> -> memref<1x4x8x1024xf32, #tpu.memory_space<vmem>>
    %dma_start3A_862 = tpu.memref_squeeze %dma_start3A_861 : memref<1x4x8x1024xf32, #tpu.memory_space<vmem>> -> memref<4x8x1024xf32, #tpu.memory_space<vmem>>
    tpu.enqueue_dma source(%dma_start3A_862 : memref<4x8x1024xf32, #tpu.memory_space<vmem>>) target(%dma_start3A_857 : memref<4x8x1024xf32, #tpu.memory_space<hbm>>) target_semaphore(%dma_start3A_854 : memref<!tpu.dma_semaphore, #tpu.memory_space<semaphore_mem>>)
    %dma_wait3A_863 = arith.constant 2 : i32
    %dma_wait3A_864 = arith.constant 2 : i32
    %dma_wait3A_865 = arith.constant 0 : i32
    %dma_wait3A_866 = arith.constant 0 : i32
    %dma_wait3A_867 = arith.constant 0 : i32
    %dma_wait3A_868 = tpu.memref_slice %arg8[%dma_wait3A_863, %dma_wait3A_865, %dma_wait3A_866, %dma_wait3A_867] : memref<3x4x8x1024xf32, #tpu.memory_space<vmem>> -> memref<1x4x8x1024xf32, #tpu.memory_space<vmem>>
    %dma_wait3A_869 = tpu.memref_squeeze %dma_wait3A_868 : memref<1x4x8x1024xf32, #tpu.memory_space<vmem>> -> memref<4x8x1024xf32, #tpu.memory_space<vmem>>
    %dma_wait3A_870 = arith.constant 0 : i32
    %dma_wait3A_871 = arith.constant 0 : i32
    %dma_wait3A_872 = tpu.memref_slice %arg5[%dma_wait3A_870, %add3A_719, %dma_wait3A_871] : memref<4x4096x1024xf32, #tpu.memory_space<hbm>> -> memref<4x8x1024xf32, #tpu.memory_space<hbm>>
    %dma_wait3A_873 = tpu.memref_slice %arg11[%dma_wait3A_864] : memref<3x!tpu.dma_semaphore, #tpu.memory_space<semaphore_mem>> -> memref<1x!tpu.dma_semaphore, #tpu.memory_space<semaphore_mem>>
    %dma_wait3A_874 = tpu.memref_squeeze %dma_wait3A_873 : memref<1x!tpu.dma_semaphore, #tpu.memory_space<semaphore_mem>> -> memref<!tpu.dma_semaphore, #tpu.memory_space<semaphore_mem>>
    %dma_wait3A_875 = arith.constant 0 : i32
    %dma_wait3A_876 = arith.constant 0 : i32
    %dma_wait3A_877 = tpu.memref_slice %arg5[%dma_wait3A_875, %add3A_719, %dma_wait3A_876] : memref<4x4096x1024xf32, #tpu.memory_space<hbm>> -> memref<4x8x1024xf32, #tpu.memory_space<hbm>>
    %dma_wait3A_878 = arith.constant 0 : i32
    %dma_wait3A_879 = arith.constant 0 : i32
    %dma_wait3A_880 = arith.constant 0 : i32
    %dma_wait3A_881 = tpu.memref_slice %arg8[%dma_wait3A_863, %dma_wait3A_878, %dma_wait3A_879, %dma_wait3A_880] : memref<3x4x8x1024xf32, #tpu.memory_space<vmem>> -> memref<1x4x8x1024xf32, #tpu.memory_space<vmem>>
    %dma_wait3A_882 = tpu.memref_squeeze %dma_wait3A_881 : memref<1x4x8x1024xf32, #tpu.memory_space<vmem>> -> memref<4x8x1024xf32, #tpu.memory_space<vmem>>
    tpu.wait_dma2 semaphore(%dma_wait3A_874 : memref<!tpu.dma_semaphore, #tpu.memory_space<semaphore_mem>>) src(%dma_wait3A_882 : memref<4x8x1024xf32, #tpu.memory_space<vmem>>) dst(%dma_wait3A_877 : memref<4x8x1024xf32, #tpu.memory_space<hbm>>)
    %add3A_883 = arith.constant 64 : i32
    %add3A_884 = arith.addi %mul3A_2, %add3A_883 : i32
    %dma_start3A_885 = arith.constant 0 : i32
    %dma_start3A_886 = arith.constant 0 : i32
    %dma_start3A_887 = arith.constant 0 : i32
    %dma_start3A_888 = arith.constant 0 : i32
    %dma_start3A_889 = tpu.memref_slice %arg7[%dma_start3A_885, %dma_start3A_887, %dma_start3A_888] : memref<2x8x1024xf32, #tpu.memory_space<vmem>> -> memref<1x8x1024xf32, #tpu.memory_space<vmem>>
    %dma_start3A_890 = tpu.memref_squeeze %dma_start3A_889 : memref<1x8x1024xf32, #tpu.memory_space<vmem>> -> memref<8x1024xf32, #tpu.memory_space<vmem>>
    %dma_start3A_891 = arith.constant 0 : i32
    %dma_start3A_892 = tpu.memref_slice %arg3[%add3A_884, %dma_start3A_891] : memref<4096x1024xf32, #tpu.memory_space<hbm>> -> memref<8x1024xf32, #tpu.memory_space<hbm>>
    %dma_start3A_893 = tpu.memref_slice %arg9[%dma_start3A_886] : memref<2x!tpu.dma_semaphore, #tpu.memory_space<semaphore_mem>> -> memref<1x!tpu.dma_semaphore, #tpu.memory_space<semaphore_mem>>
    %dma_start3A_894 = tpu.memref_squeeze %dma_start3A_893 : memref<1x!tpu.dma_semaphore, #tpu.memory_space<semaphore_mem>> -> memref<!tpu.dma_semaphore, #tpu.memory_space<semaphore_mem>>
    %dma_start3A_895 = arith.constant 0 : i32
    %dma_start3A_896 = arith.constant 0 : i32
    %dma_start3A_897 = tpu.memref_slice %arg7[%dma_start3A_885, %dma_start3A_895, %dma_start3A_896] : memref<2x8x1024xf32, #tpu.memory_space<vmem>> -> memref<1x8x1024xf32, #tpu.memory_space<vmem>>
    %dma_start3A_898 = tpu.memref_squeeze %dma_start3A_897 : memref<1x8x1024xf32, #tpu.memory_space<vmem>> -> memref<8x1024xf32, #tpu.memory_space<vmem>>
    %dma_start3A_899 = arith.constant 0 : i32
    %dma_start3A_900 = tpu.memref_slice %arg3[%add3A_884, %dma_start3A_899] : memref<4096x1024xf32, #tpu.memory_space<hbm>> -> memref<8x1024xf32, #tpu.memory_space<hbm>>
    tpu.enqueue_dma source(%dma_start3A_900 : memref<8x1024xf32, #tpu.memory_space<hbm>>) target(%dma_start3A_898 : memref<8x1024xf32, #tpu.memory_space<vmem>>) target_semaphore(%dma_start3A_894 : memref<!tpu.dma_semaphore, #tpu.memory_space<semaphore_mem>>)
    %add3A_901 = arith.constant 64 : i32
    %add3A_902 = arith.addi %mul3A_2, %add3A_901 : i32
    %dma_start3A_903 = arith.constant 2 : i32
    %dma_start3A_904 = arith.constant 2 : i32
    %dma_start3A_905 = arith.constant 0 : i32
    %dma_start3A_906 = arith.constant 0 : i32
    %dma_start3A_907 = arith.constant 0 : i32
    %dma_start3A_908 = tpu.memref_slice %arg8[%dma_start3A_903, %dma_start3A_905, %dma_start3A_906, %dma_start3A_907] : memref<3x4x8x1024xf32, #tpu.memory_space<vmem>> -> memref<1x4x8x1024xf32, #tpu.memory_space<vmem>>
    %dma_start3A_909 = tpu.memref_squeeze %dma_start3A_908 : memref<1x4x8x1024xf32, #tpu.memory_space<vmem>> -> memref<4x8x1024xf32, #tpu.memory_space<vmem>>
    %dma_start3A_910 = arith.constant 0 : i32
    %dma_start3A_911 = arith.constant 0 : i32
    %dma_start3A_912 = tpu.memref_slice %arg2[%dma_start3A_910, %add3A_902, %dma_start3A_911] : memref<4x4096x1024xf32, #tpu.memory_space<hbm>> -> memref<4x8x1024xf32, #tpu.memory_space<hbm>>
    %dma_start3A_913 = tpu.memref_slice %arg10[%dma_start3A_904] : memref<3x!tpu.dma_semaphore, #tpu.memory_space<semaphore_mem>> -> memref<1x!tpu.dma_semaphore, #tpu.memory_space<semaphore_mem>>
    %dma_start3A_914 = tpu.memref_squeeze %dma_start3A_913 : memref<1x!tpu.dma_semaphore, #tpu.memory_space<semaphore_mem>> -> memref<!tpu.dma_semaphore, #tpu.memory_space<semaphore_mem>>
    %dma_start3A_915 = arith.constant 0 : i32
    %dma_start3A_916 = arith.constant 0 : i32
    %dma_start3A_917 = arith.constant 0 : i32
    %dma_start3A_918 = tpu.memref_slice %arg8[%dma_start3A_903, %dma_start3A_915, %dma_start3A_916, %dma_start3A_917] : memref<3x4x8x1024xf32, #tpu.memory_space<vmem>> -> memref<1x4x8x1024xf32, #tpu.memory_space<vmem>>
    %dma_start3A_919 = tpu.memref_squeeze %dma_start3A_918 : memref<1x4x8x1024xf32, #tpu.memory_space<vmem>> -> memref<4x8x1024xf32, #tpu.memory_space<vmem>>
    %dma_start3A_920 = arith.constant 0 : i32
    %dma_start3A_921 = arith.constant 0 : i32
    %dma_start3A_922 = tpu.memref_slice %arg2[%dma_start3A_920, %add3A_902, %dma_start3A_921] : memref<4x4096x1024xf32, #tpu.memory_space<hbm>> -> memref<4x8x1024xf32, #tpu.memory_space<hbm>>
    tpu.enqueue_dma source(%dma_start3A_922 : memref<4x8x1024xf32, #tpu.memory_space<hbm>>) target(%dma_start3A_919 : memref<4x8x1024xf32, #tpu.memory_space<vmem>>) target_semaphore(%dma_start3A_914 : memref<!tpu.dma_semaphore, #tpu.memory_space<semaphore_mem>>)
    %dma_wait3A_923 = arith.constant 1 : i32
    %dma_wait3A_924 = arith.constant 1 : i32
    %dma_wait3A_925 = arith.constant 0 : i32
    %dma_wait3A_926 = arith.constant 0 : i32
    %dma_wait3A_927 = tpu.memref_slice %arg7[%dma_wait3A_923, %dma_wait3A_925, %dma_wait3A_926] : memref<2x8x1024xf32, #tpu.memory_space<vmem>> -> memref<1x8x1024xf32, #tpu.memory_space<vmem>>
    %dma_wait3A_928 = tpu.memref_squeeze %dma_wait3A_927 : memref<1x8x1024xf32, #tpu.memory_space<vmem>> -> memref<8x1024xf32, #tpu.memory_space<vmem>>
    %dma_wait3A_929 = arith.constant 0 : i32
    %dma_wait3A_930 = tpu.memref_slice %arg3[%add3A_761, %dma_wait3A_929] : memref<4096x1024xf32, #tpu.memory_space<hbm>> -> memref<8x1024xf32, #tpu.memory_space<hbm>>
    %dma_wait3A_931 = tpu.memref_slice %arg9[%dma_wait3A_924] : memref<2x!tpu.dma_semaphore, #tpu.memory_space<semaphore_mem>> -> memref<1x!tpu.dma_semaphore, #tpu.memory_space<semaphore_mem>>
    %dma_wait3A_932 = tpu.memref_squeeze %dma_wait3A_931 : memref<1x!tpu.dma_semaphore, #tpu.memory_space<semaphore_mem>> -> memref<!tpu.dma_semaphore, #tpu.memory_space<semaphore_mem>>
    %dma_wait3A_933 = arith.constant 0 : i32
    %dma_wait3A_934 = arith.constant 0 : i32
    %dma_wait3A_935 = tpu.memref_slice %arg7[%dma_wait3A_923, %dma_wait3A_933, %dma_wait3A_934] : memref<2x8x1024xf32, #tpu.memory_space<vmem>> -> memref<1x8x1024xf32, #tpu.memory_space<vmem>>
    %dma_wait3A_936 = tpu.memref_squeeze %dma_wait3A_935 : memref<1x8x1024xf32, #tpu.memory_space<vmem>> -> memref<8x1024xf32, #tpu.memory_space<vmem>>
    %dma_wait3A_937 = arith.constant 0 : i32
    %dma_wait3A_938 = tpu.memref_slice %arg3[%add3A_761, %dma_wait3A_937] : memref<4096x1024xf32, #tpu.memory_space<hbm>> -> memref<8x1024xf32, #tpu.memory_space<hbm>>
    tpu.wait_dma2 semaphore(%dma_wait3A_932 : memref<!tpu.dma_semaphore, #tpu.memory_space<semaphore_mem>>) src(%dma_wait3A_938 : memref<8x1024xf32, #tpu.memory_space<hbm>>) dst(%dma_wait3A_936 : memref<8x1024xf32, #tpu.memory_space<vmem>>)
    %dma_wait3A_939 = arith.constant 1 : i32
    %dma_wait3A_940 = arith.constant 1 : i32
    %dma_wait3A_941 = arith.constant 0 : i32
    %dma_wait3A_942 = arith.constant 0 : i32
    %dma_wait3A_943 = arith.constant 0 : i32
    %dma_wait3A_944 = tpu.memref_slice %arg8[%dma_wait3A_939, %dma_wait3A_941, %dma_wait3A_942, %dma_wait3A_943] : memref<3x4x8x1024xf32, #tpu.memory_space<vmem>> -> memref<1x4x8x1024xf32, #tpu.memory_space<vmem>>
    %dma_wait3A_945 = tpu.memref_squeeze %dma_wait3A_944 : memref<1x4x8x1024xf32, #tpu.memory_space<vmem>> -> memref<4x8x1024xf32, #tpu.memory_space<vmem>>
    %dma_wait3A_946 = arith.constant 0 : i32
    %dma_wait3A_947 = arith.constant 0 : i32
    %dma_wait3A_948 = tpu.memref_slice %arg2[%dma_wait3A_946, %add3A_779, %dma_wait3A_947] : memref<4x4096x1024xf32, #tpu.memory_space<hbm>> -> memref<4x8x1024xf32, #tpu.memory_space<hbm>>
    %dma_wait3A_949 = tpu.memref_slice %arg10[%dma_wait3A_940] : memref<3x!tpu.dma_semaphore, #tpu.memory_space<semaphore_mem>> -> memref<1x!tpu.dma_semaphore, #tpu.memory_space<semaphore_mem>>
    %dma_wait3A_950 = tpu.memref_squeeze %dma_wait3A_949 : memref<1x!tpu.dma_semaphore, #tpu.memory_space<semaphore_mem>> -> memref<!tpu.dma_semaphore, #tpu.memory_space<semaphore_mem>>
    %dma_wait3A_951 = arith.constant 0 : i32
    %dma_wait3A_952 = arith.constant 0 : i32
    %dma_wait3A_953 = arith.constant 0 : i32
    %dma_wait3A_954 = tpu.memref_slice %arg8[%dma_wait3A_939, %dma_wait3A_951, %dma_wait3A_952, %dma_wait3A_953] : memref<3x4x8x1024xf32, #tpu.memory_space<vmem>> -> memref<1x4x8x1024xf32, #tpu.memory_space<vmem>>
    %dma_wait3A_955 = tpu.memref_squeeze %dma_wait3A_954 : memref<1x4x8x1024xf32, #tpu.memory_space<vmem>> -> memref<4x8x1024xf32, #tpu.memory_space<vmem>>
    %dma_wait3A_956 = arith.constant 0 : i32
    %dma_wait3A_957 = arith.constant 0 : i32
    %dma_wait3A_958 = tpu.memref_slice %arg2[%dma_wait3A_956, %add3A_779, %dma_wait3A_957] : memref<4x4096x1024xf32, #tpu.memory_space<hbm>> -> memref<4x8x1024xf32, #tpu.memory_space<hbm>>
    tpu.wait_dma2 semaphore(%dma_wait3A_950 : memref<!tpu.dma_semaphore, #tpu.memory_space<semaphore_mem>>) src(%dma_wait3A_958 : memref<4x8x1024xf32, #tpu.memory_space<hbm>>) dst(%dma_wait3A_955 : memref<4x8x1024xf32, #tpu.memory_space<vmem>>)
    %scan3A_959 = arith.constant 0 : i32
    %scan3A_960 = arith.constant 8 : i32
    %scan3A_961 = arith.addi %scan3A_959, %scan3A_960 : i32
    %scan3A_962 = arith.constant 1 : i32
    scf.for %scan3A_1970 = %scan3A_959 to %scan3A_961 step %scan3A_962  : i32 {
      %mul3A_1971 = arith.constant 1 : i32
      %mul3A_1972 = arith.muli %scan3A_1970, %mul3A_1971 : i32
      %add3A_1973 = arith.constant 0 : i32
      %add3A_1974 = arith.addi %add3A_1973, %mul3A_1972 : i32
      %parallel_loop3A = arith.constant 0 : i32
      %parallel_loop3A_1975 = arith.constant 64 : i32
      %parallel_loop3A_1976 = arith.constant 1 : i32
      scf.for %parallel_loop3A_1977 = %parallel_loop3A to %parallel_loop3A_1975 step %parallel_loop3A_1976  : i32 {
        %parallel_loop3A_1978 = arith.constant 16 : i32
        %parallel_loop3A_1979 = arith.muli %parallel_loop3A_1977, %parallel_loop3A_1978 : i32
        %parallel_loop3A_1980 = arith.constant 1 : i32
        %parallel_loop3A_1981 = arith.index_cast %parallel_loop3A_1980 : i32 to index
        %parallel_loop3A_1982 = arith.index_cast %add3A_1974 : i32 to index
        %parallel_loop3A_1983 = arith.index_cast %parallel_loop3A_1979 : i32 to index
        %parallel_loop3A_1984 = tpu.vector_load %arg7[%parallel_loop3A_1981, %parallel_loop3A_1982, %parallel_loop3A_1983] {strides = array<i32>} : memref<2x8x1024xf32, #tpu.memory_space<vmem>>, vector<1x1x16xf32>,
        %parallel_loop3A_1985 = vector.shape_cast %parallel_loop3A_1984 : vector<1x1x16xf32> to vector<16xf32>
        %parallel_loop3A_1986 = arith.mulf %get3A_4, %parallel_loop3A_1985 : vector<16xf32>
        %parallel_loop3A_1987 = arith.constant 1 : i32
        %parallel_loop3A_1988 = arith.constant 0 : i32
        %parallel_loop3A_1989 = arith.index_cast %parallel_loop3A_1987 : i32 to index
        %parallel_loop3A_1990 = arith.index_cast %parallel_loop3A_1988 : i32 to index
        %parallel_loop3A_1991 = arith.index_cast %add3A_1974 : i32 to index
        %parallel_loop3A_1992 = arith.index_cast %parallel_loop3A_1979 : i32 to index
        %parallel_loop3A_1993 = tpu.vector_load %arg8[%parallel_loop3A_1989, %parallel_loop3A_1990, %parallel_loop3A_1991, %parallel_loop3A_1992] {strides = array<i32>} : memref<3x4x8x1024xf32, #tpu.memory_space<vmem>>, vector<1x1x1x16xf32>,
        %parallel_loop3A_1994 = vector.shape_cast %parallel_loop3A_1993 : vector<1x1x1x16xf32> to vector<16xf32>
        %parallel_loop3A_1995 = vector.shape_cast %parallel_loop3A_1986 : vector<16xf32> to vector<1x1x1x16xf32>
        tpu.vector_store %arg8[%parallel_loop3A_1989, %parallel_loop3A_1990, %parallel_loop3A_1991, %parallel_loop3A_1992], %parallel_loop3A_1995 {add = true, strides = array<i32>} : memref<3x4x8x1024xf32, #tpu.memory_space<vmem>>, vector<1x1x1x16xf32>,
        %parallel_loop3A_1996 = arith.constant 1 : i32
        %parallel_loop3A_1997 = arith.constant 1 : i32
        %parallel_loop3A_1998 = arith.index_cast %parallel_loop3A_1996 : i32 to index
        %parallel_loop3A_1999 = arith.index_cast %parallel_loop3A_1997 : i32 to index
        %parallel_loop3A_2000 = arith.index_cast %add3A_1974 : i32 to index
        %parallel_loop3A_2001 = arith.index_cast %parallel_loop3A_1979 : i32 to index
        %parallel_loop3A_2002 = tpu.vector_load %arg8[%parallel_loop3A_1998, %parallel_loop3A_1999, %parallel_loop3A_2000, %parallel_loop3A_2001] {strides = array<i32>} : memref<3x4x8x1024xf32, #tpu.memory_space<vmem>>, vector<1x1x1x16xf32>,
        %parallel_loop3A_2003 = vector.shape_cast %parallel_loop3A_2002 : vector<1x1x1x16xf32> to vector<16xf32>
        %parallel_loop3A_2004 = vector.shape_cast %parallel_loop3A_1986 : vector<16xf32> to vector<1x1x1x16xf32>
        tpu.vector_store %arg8[%parallel_loop3A_1998, %parallel_loop3A_1999, %parallel_loop3A_2000, %parallel_loop3A_2001], %parallel_loop3A_2004 {add = true, strides = array<i32>} : memref<3x4x8x1024xf32, #tpu.memory_space<vmem>>, vector<1x1x1x16xf32>,
        %parallel_loop3A_2005 = arith.constant 1 : i32
        %parallel_loop3A_2006 = arith.constant 2 : i32
        %parallel_loop3A_2007 = arith.index_cast %parallel_loop3A_2005 : i32 to index
        %parallel_loop3A_2008 = arith.index_cast %parallel_loop3A_2006 : i32 to index
        %parallel_loop3A_2009 = arith.index_cast %add3A_1974 : i32 to index
        %parallel_loop3A_2010 = arith.index_cast %parallel_loop3A_1979 : i32 to index
        %parallel_loop3A_2011 = tpu.vector_load %arg8[%parallel_loop3A_2007, %parallel_loop3A_2008, %parallel_loop3A_2009, %parallel_loop3A_2010] {strides = array<i32>} : memref<3x4x8x1024xf32, #tpu.memory_space<vmem>>, vector<1x1x1x16xf32>,
        %parallel_loop3A_2012 = vector.shape_cast %parallel_loop3A_2011 : vector<1x1x1x16xf32> to vector<16xf32>
        %parallel_loop3A_2013 = vector.shape_cast %parallel_loop3A_1986 : vector<16xf32> to vector<1x1x1x16xf32>
        tpu.vector_store %arg8[%parallel_loop3A_2007, %parallel_loop3A_2008, %parallel_loop3A_2009, %parallel_loop3A_2010], %parallel_loop3A_2013 {add = true, strides = array<i32>} : memref<3x4x8x1024xf32, #tpu.memory_space<vmem>>, vector<1x1x1x16xf32>,
        %parallel_loop3A_2014 = arith.constant 1 : i32
        %parallel_loop3A_2015 = arith.constant 3 : i32
        %parallel_loop3A_2016 = arith.index_cast %parallel_loop3A_2014 : i32 to index
        %parallel_loop3A_2017 = arith.index_cast %parallel_loop3A_2015 : i32 to index
        %parallel_loop3A_2018 = arith.index_cast %add3A_1974 : i32 to index
        %parallel_loop3A_2019 = arith.index_cast %parallel_loop3A_1979 : i32 to index
        %parallel_loop3A_2020 = tpu.vector_load %arg8[%parallel_loop3A_2016, %parallel_loop3A_2017, %parallel_loop3A_2018, %parallel_loop3A_2019] {strides = array<i32>} : memref<3x4x8x1024xf32, #tpu.memory_space<vmem>>, vector<1x1x1x16xf32>,
        %parallel_loop3A_2021 = vector.shape_cast %parallel_loop3A_2020 : vector<1x1x1x16xf32> to vector<16xf32>
        %parallel_loop3A_2022 = vector.shape_cast %parallel_loop3A_1986 : vector<16xf32> to vector<1x1x1x16xf32>
        tpu.vector_store %arg8[%parallel_loop3A_2016, %parallel_loop3A_2017, %parallel_loop3A_2018, %parallel_loop3A_2019], %parallel_loop3A_2022 {add = true, strides = array<i32>} : memref<3x4x8x1024xf32, #tpu.memory_space<vmem>>, vector<1x1x1x16xf32>,
      } {sc.loop_unroll_factor = 8 : i64, sc.parallel_access}
    }
    %scan3A_963 = arith.constant 8 : i32
    %add3A_964 = arith.constant 56 : i32
    %add3A_965 = arith.addi %mul3A_2, %add3A_964 : i32
    %dma_start3A_966 = arith.constant 1 : i32
    %dma_start3A_967 = arith.constant 1 : i32
    %dma_start3A_968 = arith.constant 0 : i32
    %dma_start3A_969 = arith.constant 0 : i32
    %dma_start3A_970 = arith.constant 0 : i32
    %dma_start3A_971 = tpu.memref_slice %arg8[%dma_start3A_966, %dma_start3A_968, %dma_start3A_969, %dma_start3A_970] : memref<3x4x8x1024xf32, #tpu.memory_space<vmem>> -> memref<1x4x8x1024xf32, #tpu.memory_space<vmem>>
    %dma_start3A_972 = tpu.memref_squeeze %dma_start3A_971 : memref<1x4x8x1024xf32, #tpu.memory_space<vmem>> -> memref<4x8x1024xf32, #tpu.memory_space<vmem>>
    %dma_start3A_973 = arith.constant 0 : i32
    %dma_start3A_974 = arith.constant 0 : i32
    %dma_start3A_975 = tpu.memref_slice %arg5[%dma_start3A_973, %add3A_965, %dma_start3A_974] : memref<4x4096x1024xf32, #tpu.memory_space<hbm>> -> memref<4x8x1024xf32, #tpu.memory_space<hbm>>
    %dma_start3A_976 = tpu.memref_slice %arg11[%dma_start3A_967] : memref<3x!tpu.dma_semaphore, #tpu.memory_space<semaphore_mem>> -> memref<1x!tpu.dma_semaphore, #tpu.memory_space<semaphore_mem>>
    %dma_start3A_977 = tpu.memref_squeeze %dma_start3A_976 : memref<1x!tpu.dma_semaphore, #tpu.memory_space<semaphore_mem>> -> memref<!tpu.dma_semaphore, #tpu.memory_space<semaphore_mem>>
    %dma_start3A_978 = arith.constant 0 : i32
    %dma_start3A_979 = arith.constant 0 : i32
    %dma_start3A_980 = tpu.memref_slice %arg5[%dma_start3A_978, %add3A_965, %dma_start3A_979] : memref<4x4096x1024xf32, #tpu.memory_space<hbm>> -> memref<4x8x1024xf32, #tpu.memory_space<hbm>>
    %dma_start3A_981 = arith.constant 0 : i32
    %dma_start3A_982 = arith.constant 0 : i32
    %dma_start3A_983 = arith.constant 0 : i32
    %dma_start3A_984 = tpu.memref_slice %arg8[%dma_start3A_966, %dma_start3A_981, %dma_start3A_982, %dma_start3A_983] : memref<3x4x8x1024xf32, #tpu.memory_space<vmem>> -> memref<1x4x8x1024xf32, #tpu.memory_space<vmem>>
    %dma_start3A_985 = tpu.memref_squeeze %dma_start3A_984 : memref<1x4x8x1024xf32, #tpu.memory_space<vmem>> -> memref<4x8x1024xf32, #tpu.memory_space<vmem>>
    tpu.enqueue_dma source(%dma_start3A_985 : memref<4x8x1024xf32, #tpu.memory_space<vmem>>) target(%dma_start3A_980 : memref<4x8x1024xf32, #tpu.memory_space<hbm>>) target_semaphore(%dma_start3A_977 : memref<!tpu.dma_semaphore, #tpu.memory_space<semaphore_mem>>)
    %dma_wait3A_986 = arith.constant 0 : i32
    %dma_wait3A_987 = arith.constant 0 : i32
    %dma_wait3A_988 = arith.constant 0 : i32
    %dma_wait3A_989 = arith.constant 0 : i32
    %dma_wait3A_990 = arith.constant 0 : i32
    %dma_wait3A_991 = tpu.memref_slice %arg8[%dma_wait3A_986, %dma_wait3A_988, %dma_wait3A_989, %dma_wait3A_990] : memref<3x4x8x1024xf32, #tpu.memory_space<vmem>> -> memref<1x4x8x1024xf32, #tpu.memory_space<vmem>>
    %dma_wait3A_992 = tpu.memref_squeeze %dma_wait3A_991 : memref<1x4x8x1024xf32, #tpu.memory_space<vmem>> -> memref<4x8x1024xf32, #tpu.memory_space<vmem>>
    %dma_wait3A_993 = arith.constant 0 : i32
    %dma_wait3A_994 = arith.constant 0 : i32
    %dma_wait3A_995 = tpu.memref_slice %arg5[%dma_wait3A_993, %add3A_842, %dma_wait3A_994] : memref<4x4096x1024xf32, #tpu.memory_space<hbm>> -> memref<4x8x1024xf32, #tpu.memory_space<hbm>>
    %dma_wait3A_996 = tpu.memref_slice %arg11[%dma_wait3A_987] : memref<3x!tpu.dma_semaphore, #tpu.memory_space<semaphore_mem>> -> memref<1x!tpu.dma_semaphore, #tpu.memory_space<semaphore_mem>>
    %dma_wait3A_997 = tpu.memref_squeeze %dma_wait3A_996 : memref<1x!tpu.dma_semaphore, #tpu.memory_space<semaphore_mem>> -> memref<!tpu.dma_semaphore, #tpu.memory_space<semaphore_mem>>
    %dma_wait3A_998 = arith.constant 0 : i32
    %dma_wait3A_999 = arith.constant 0 : i32
    %dma_wait3A_1000 = tpu.memref_slice %arg5[%dma_wait3A_998, %add3A_842, %dma_wait3A_999] : memref<4x4096x1024xf32, #tpu.memory_space<hbm>> -> memref<4x8x1024xf32, #tpu.memory_space<hbm>>
    %dma_wait3A_1001 = arith.constant 0 : i32
    %dma_wait3A_1002 = arith.constant 0 : i32
    %dma_wait3A_1003 = arith.constant 0 : i32
    %dma_wait3A_1004 = tpu.memref_slice %arg8[%dma_wait3A_986, %dma_wait3A_1001, %dma_wait3A_1002, %dma_wait3A_1003] : memref<3x4x8x1024xf32, #tpu.memory_space<vmem>> -> memref<1x4x8x1024xf32, #tpu.memory_space<vmem>>
    %dma_wait3A_1005 = tpu.memref_squeeze %dma_wait3A_1004 : memref<1x4x8x1024xf32, #tpu.memory_space<vmem>> -> memref<4x8x1024xf32, #tpu.memory_space<vmem>>
    tpu.wait_dma2 semaphore(%dma_wait3A_997 : memref<!tpu.dma_semaphore, #tpu.memory_space<semaphore_mem>>) src(%dma_wait3A_1005 : memref<4x8x1024xf32, #tpu.memory_space<vmem>>) dst(%dma_wait3A_1000 : memref<4x8x1024xf32, #tpu.memory_space<hbm>>)
    %add3A_1006 = arith.constant 72 : i32
    %add3A_1007 = arith.addi %mul3A_2, %add3A_1006 : i32
    %dma_start3A_1008 = arith.constant 1 : i32
    %dma_start3A_1009 = arith.constant 1 : i32
    %dma_start3A_1010 = arith.constant 0 : i32
    %dma_start3A_1011 = arith.constant 0 : i32
    %dma_start3A_1012 = tpu.memref_slice %arg7[%dma_start3A_1008, %dma_start3A_1010, %dma_start3A_1011] : memref<2x8x1024xf32, #tpu.memory_space<vmem>> -> memref<1x8x1024xf32, #tpu.memory_space<vmem>>
    %dma_start3A_1013 = tpu.memref_squeeze %dma_start3A_1012 : memref<1x8x1024xf32, #tpu.memory_space<vmem>> -> memref<8x1024xf32, #tpu.memory_space<vmem>>
    %dma_start3A_1014 = arith.constant 0 : i32
    %dma_start3A_1015 = tpu.memref_slice %arg3[%add3A_1007, %dma_start3A_1014] : memref<4096x1024xf32, #tpu.memory_space<hbm>> -> memref<8x1024xf32, #tpu.memory_space<hbm>>
    %dma_start3A_1016 = tpu.memref_slice %arg9[%dma_start3A_1009] : memref<2x!tpu.dma_semaphore, #tpu.memory_space<semaphore_mem>> -> memref<1x!tpu.dma_semaphore, #tpu.memory_space<semaphore_mem>>
    %dma_start3A_1017 = tpu.memref_squeeze %dma_start3A_1016 : memref<1x!tpu.dma_semaphore, #tpu.memory_space<semaphore_mem>> -> memref<!tpu.dma_semaphore, #tpu.memory_space<semaphore_mem>>
    %dma_start3A_1018 = arith.constant 0 : i32
    %dma_start3A_1019 = arith.constant 0 : i32
    %dma_start3A_1020 = tpu.memref_slice %arg7[%dma_start3A_1008, %dma_start3A_1018, %dma_start3A_1019] : memref<2x8x1024xf32, #tpu.memory_space<vmem>> -> memref<1x8x1024xf32, #tpu.memory_space<vmem>>
    %dma_start3A_1021 = tpu.memref_squeeze %dma_start3A_1020 : memref<1x8x1024xf32, #tpu.memory_space<vmem>> -> memref<8x1024xf32, #tpu.memory_space<vmem>>
    %dma_start3A_1022 = arith.constant 0 : i32
    %dma_start3A_1023 = tpu.memref_slice %arg3[%add3A_1007, %dma_start3A_1022] : memref<4096x1024xf32, #tpu.memory_space<hbm>> -> memref<8x1024xf32, #tpu.memory_space<hbm>>
    tpu.enqueue_dma source(%dma_start3A_1023 : memref<8x1024xf32, #tpu.memory_space<hbm>>) target(%dma_start3A_1021 : memref<8x1024xf32, #tpu.memory_space<vmem>>) target_semaphore(%dma_start3A_1017 : memref<!tpu.dma_semaphore, #tpu.memory_space<semaphore_mem>>)
    %add3A_1024 = arith.constant 72 : i32
    %add3A_1025 = arith.addi %mul3A_2, %add3A_1024 : i32
    %dma_start3A_1026 = arith.constant 0 : i32
    %dma_start3A_1027 = arith.constant 0 : i32
    %dma_start3A_1028 = arith.constant 0 : i32
    %dma_start3A_1029 = arith.constant 0 : i32
    %dma_start3A_1030 = arith.constant 0 : i32
    %dma_start3A_1031 = tpu.memref_slice %arg8[%dma_start3A_1026, %dma_start3A_1028, %dma_start3A_1029, %dma_start3A_1030] : memref<3x4x8x1024xf32, #tpu.memory_space<vmem>> -> memref<1x4x8x1024xf32, #tpu.memory_space<vmem>>
    %dma_start3A_1032 = tpu.memref_squeeze %dma_start3A_1031 : memref<1x4x8x1024xf32, #tpu.memory_space<vmem>> -> memref<4x8x1024xf32, #tpu.memory_space<vmem>>
    %dma_start3A_1033 = arith.constant 0 : i32
    %dma_start3A_1034 = arith.constant 0 : i32
    %dma_start3A_1035 = tpu.memref_slice %arg2[%dma_start3A_1033, %add3A_1025, %dma_start3A_1034] : memref<4x4096x1024xf32, #tpu.memory_space<hbm>> -> memref<4x8x1024xf32, #tpu.memory_space<hbm>>
    %dma_start3A_1036 = tpu.memref_slice %arg10[%dma_start3A_1027] : memref<3x!tpu.dma_semaphore, #tpu.memory_space<semaphore_mem>> -> memref<1x!tpu.dma_semaphore, #tpu.memory_space<semaphore_mem>>
    %dma_start3A_1037 = tpu.memref_squeeze %dma_start3A_1036 : memref<1x!tpu.dma_semaphore, #tpu.memory_space<semaphore_mem>> -> memref<!tpu.dma_semaphore, #tpu.memory_space<semaphore_mem>>
    %dma_start3A_1038 = arith.constant 0 : i32
    %dma_start3A_1039 = arith.constant 0 : i32
    %dma_start3A_1040 = arith.constant 0 : i32
    %dma_start3A_1041 = tpu.memref_slice %arg8[%dma_start3A_1026, %dma_start3A_1038, %dma_start3A_1039, %dma_start3A_1040] : memref<3x4x8x1024xf32, #tpu.memory_space<vmem>> -> memref<1x4x8x1024xf32, #tpu.memory_space<vmem>>
    %dma_start3A_1042 = tpu.memref_squeeze %dma_start3A_1041 : memref<1x4x8x1024xf32, #tpu.memory_space<vmem>> -> memref<4x8x1024xf32, #tpu.memory_space<vmem>>
    %dma_start3A_1043 = arith.constant 0 : i32
    %dma_start3A_1044 = arith.constant 0 : i32
    %dma_start3A_1045 = tpu.memref_slice %arg2[%dma_start3A_1043, %add3A_1025, %dma_start3A_1044] : memref<4x4096x1024xf32, #tpu.memory_space<hbm>> -> memref<4x8x1024xf32, #tpu.memory_space<hbm>>
    tpu.enqueue_dma source(%dma_start3A_1045 : memref<4x8x1024xf32, #tpu.memory_space<hbm>>) target(%dma_start3A_1042 : memref<4x8x1024xf32, #tpu.memory_space<vmem>>) target_semaphore(%dma_start3A_1037 : memref<!tpu.dma_semaphore, #tpu.memory_space<semaphore_mem>>)
    %dma_wait3A_1046 = arith.constant 0 : i32
    %dma_wait3A_1047 = arith.constant 0 : i32
    %dma_wait3A_1048 = arith.constant 0 : i32
    %dma_wait3A_1049 = arith.constant 0 : i32
    %dma_wait3A_1050 = tpu.memref_slice %arg7[%dma_wait3A_1046, %dma_wait3A_1048, %dma_wait3A_1049] : memref<2x8x1024xf32, #tpu.memory_space<vmem>> -> memref<1x8x1024xf32, #tpu.memory_space<vmem>>
    %dma_wait3A_1051 = tpu.memref_squeeze %dma_wait3A_1050 : memref<1x8x1024xf32, #tpu.memory_space<vmem>> -> memref<8x1024xf32, #tpu.memory_space<vmem>>
    %dma_wait3A_1052 = arith.constant 0 : i32
    %dma_wait3A_1053 = tpu.memref_slice %arg3[%add3A_884, %dma_wait3A_1052] : memref<4096x1024xf32, #tpu.memory_space<hbm>> -> memref<8x1024xf32, #tpu.memory_space<hbm>>
    %dma_wait3A_1054 = tpu.memref_slice %arg9[%dma_wait3A_1047] : memref<2x!tpu.dma_semaphore, #tpu.memory_space<semaphore_mem>> -> memref<1x!tpu.dma_semaphore, #tpu.memory_space<semaphore_mem>>
    %dma_wait3A_1055 = tpu.memref_squeeze %dma_wait3A_1054 : memref<1x!tpu.dma_semaphore, #tpu.memory_space<semaphore_mem>> -> memref<!tpu.dma_semaphore, #tpu.memory_space<semaphore_mem>>
    %dma_wait3A_1056 = arith.constant 0 : i32
    %dma_wait3A_1057 = arith.constant 0 : i32
    %dma_wait3A_1058 = tpu.memref_slice %arg7[%dma_wait3A_1046, %dma_wait3A_1056, %dma_wait3A_1057] : memref<2x8x1024xf32, #tpu.memory_space<vmem>> -> memref<1x8x1024xf32, #tpu.memory_space<vmem>>
    %dma_wait3A_1059 = tpu.memref_squeeze %dma_wait3A_1058 : memref<1x8x1024xf32, #tpu.memory_space<vmem>> -> memref<8x1024xf32, #tpu.memory_space<vmem>>
    %dma_wait3A_1060 = arith.constant 0 : i32
    %dma_wait3A_1061 = tpu.memref_slice %arg3[%add3A_884, %dma_wait3A_1060] : memref<4096x1024xf32, #tpu.memory_space<hbm>> -> memref<8x1024xf32, #tpu.memory_space<hbm>>
    tpu.wait_dma2 semaphore(%dma_wait3A_1055 : memref<!tpu.dma_semaphore, #tpu.memory_space<semaphore_mem>>) src(%dma_wait3A_1061 : memref<8x1024xf32, #tpu.memory_space<hbm>>) dst(%dma_wait3A_1059 : memref<8x1024xf32, #tpu.memory_space<vmem>>)
    %dma_wait3A_1062 = arith.constant 2 : i32
    %dma_wait3A_1063 = arith.constant 2 : i32
    %dma_wait3A_1064 = arith.constant 0 : i32
    %dma_wait3A_1065 = arith.constant 0 : i32
    %dma_wait3A_1066 = arith.constant 0 : i32
    %dma_wait3A_1067 = tpu.memref_slice %arg8[%dma_wait3A_1062, %dma_wait3A_1064, %dma_wait3A_1065, %dma_wait3A_1066] : memref<3x4x8x1024xf32, #tpu.memory_space<vmem>> -> memref<1x4x8x1024xf32, #tpu.memory_space<vmem>>
    %dma_wait3A_1068 = tpu.memref_squeeze %dma_wait3A_1067 : memref<1x4x8x1024xf32, #tpu.memory_space<vmem>> -> memref<4x8x1024xf32, #tpu.memory_space<vmem>>
    %dma_wait3A_1069 = arith.constant 0 : i32
    %dma_wait3A_1070 = arith.constant 0 : i32
    %dma_wait3A_1071 = tpu.memref_slice %arg2[%dma_wait3A_1069, %add3A_902, %dma_wait3A_1070] : memref<4x4096x1024xf32, #tpu.memory_space<hbm>> -> memref<4x8x1024xf32, #tpu.memory_space<hbm>>
    %dma_wait3A_1072 = tpu.memref_slice %arg10[%dma_wait3A_1063] : memref<3x!tpu.dma_semaphore, #tpu.memory_space<semaphore_mem>> -> memref<1x!tpu.dma_semaphore, #tpu.memory_space<semaphore_mem>>
    %dma_wait3A_1073 = tpu.memref_squeeze %dma_wait3A_1072 : memref<1x!tpu.dma_semaphore, #tpu.memory_space<semaphore_mem>> -> memref<!tpu.dma_semaphore, #tpu.memory_space<semaphore_mem>>
    %dma_wait3A_1074 = arith.constant 0 : i32
    %dma_wait3A_1075 = arith.constant 0 : i32
    %dma_wait3A_1076 = arith.constant 0 : i32
    %dma_wait3A_1077 = tpu.memref_slice %arg8[%dma_wait3A_1062, %dma_wait3A_1074, %dma_wait3A_1075, %dma_wait3A_1076] : memref<3x4x8x1024xf32, #tpu.memory_space<vmem>> -> memref<1x4x8x1024xf32, #tpu.memory_space<vmem>>
    %dma_wait3A_1078 = tpu.memref_squeeze %dma_wait3A_1077 : memref<1x4x8x1024xf32, #tpu.memory_space<vmem>> -> memref<4x8x1024xf32, #tpu.memory_space<vmem>>
    %dma_wait3A_1079 = arith.constant 0 : i32
    %dma_wait3A_1080 = arith.constant 0 : i32
    %dma_wait3A_1081 = tpu.memref_slice %arg2[%dma_wait3A_1079, %add3A_902, %dma_wait3A_1080] : memref<4x4096x1024xf32, #tpu.memory_space<hbm>> -> memref<4x8x1024xf32, #tpu.memory_space<hbm>>
    tpu.wait_dma2 semaphore(%dma_wait3A_1073 : memref<!tpu.dma_semaphore, #tpu.memory_space<semaphore_mem>>) src(%dma_wait3A_1081 : memref<4x8x1024xf32, #tpu.memory_space<hbm>>) dst(%dma_wait3A_1078 : memref<4x8x1024xf32, #tpu.memory_space<vmem>>)
    %scan3A_1082 = arith.constant 0 : i32
    %scan3A_1083 = arith.constant 8 : i32
    %scan3A_1084 = arith.addi %scan3A_1082, %scan3A_1083 : i32
    %scan3A_1085 = arith.constant 1 : i32
    scf.for %scan3A_1970 = %scan3A_1082 to %scan3A_1084 step %scan3A_1085  : i32 {
      %mul3A_1971 = arith.constant 1 : i32
      %mul3A_1972 = arith.muli %scan3A_1970, %mul3A_1971 : i32
      %add3A_1973 = arith.constant 0 : i32
      %add3A_1974 = arith.addi %add3A_1973, %mul3A_1972 : i32
      %parallel_loop3A = arith.constant 0 : i32
      %parallel_loop3A_1975 = arith.constant 64 : i32
      %parallel_loop3A_1976 = arith.constant 1 : i32
      scf.for %parallel_loop3A_1977 = %parallel_loop3A to %parallel_loop3A_1975 step %parallel_loop3A_1976  : i32 {
        %parallel_loop3A_1978 = arith.constant 16 : i32
        %parallel_loop3A_1979 = arith.muli %parallel_loop3A_1977, %parallel_loop3A_1978 : i32
        %parallel_loop3A_1980 = arith.constant 0 : i32
        %parallel_loop3A_1981 = arith.index_cast %parallel_loop3A_1980 : i32 to index
        %parallel_loop3A_1982 = arith.index_cast %add3A_1974 : i32 to index
        %parallel_loop3A_1983 = arith.index_cast %parallel_loop3A_1979 : i32 to index
        %parallel_loop3A_1984 = tpu.vector_load %arg7[%parallel_loop3A_1981, %parallel_loop3A_1982, %parallel_loop3A_1983] {strides = array<i32>} : memref<2x8x1024xf32, #tpu.memory_space<vmem>>, vector<1x1x16xf32>,
        %parallel_loop3A_1985 = vector.shape_cast %parallel_loop3A_1984 : vector<1x1x16xf32> to vector<16xf32>
        %parallel_loop3A_1986 = arith.mulf %get3A_4, %parallel_loop3A_1985 : vector<16xf32>
        %parallel_loop3A_1987 = arith.constant 2 : i32
        %parallel_loop3A_1988 = arith.constant 0 : i32
        %parallel_loop3A_1989 = arith.index_cast %parallel_loop3A_1987 : i32 to index
        %parallel_loop3A_1990 = arith.index_cast %parallel_loop3A_1988 : i32 to index
        %parallel_loop3A_1991 = arith.index_cast %add3A_1974 : i32 to index
        %parallel_loop3A_1992 = arith.index_cast %parallel_loop3A_1979 : i32 to index
        %parallel_loop3A_1993 = tpu.vector_load %arg8[%parallel_loop3A_1989, %parallel_loop3A_1990, %parallel_loop3A_1991, %parallel_loop3A_1992] {strides = array<i32>} : memref<3x4x8x1024xf32, #tpu.memory_space<vmem>>, vector<1x1x1x16xf32>,
        %parallel_loop3A_1994 = vector.shape_cast %parallel_loop3A_1993 : vector<1x1x1x16xf32> to vector<16xf32>
        %parallel_loop3A_1995 = vector.shape_cast %parallel_loop3A_1986 : vector<16xf32> to vector<1x1x1x16xf32>
        tpu.vector_store %arg8[%parallel_loop3A_1989, %parallel_loop3A_1990, %parallel_loop3A_1991, %parallel_loop3A_1992], %parallel_loop3A_1995 {add = true, strides = array<i32>} : memref<3x4x8x1024xf32, #tpu.memory_space<vmem>>, vector<1x1x1x16xf32>,
        %parallel_loop3A_1996 = arith.constant 2 : i32
        %parallel_loop3A_1997 = arith.constant 1 : i32
        %parallel_loop3A_1998 = arith.index_cast %parallel_loop3A_1996 : i32 to index
        %parallel_loop3A_1999 = arith.index_cast %parallel_loop3A_1997 : i32 to index
        %parallel_loop3A_2000 = arith.index_cast %add3A_1974 : i32 to index
        %parallel_loop3A_2001 = arith.index_cast %parallel_loop3A_1979 : i32 to index
        %parallel_loop3A_2002 = tpu.vector_load %arg8[%parallel_loop3A_1998, %parallel_loop3A_1999, %parallel_loop3A_2000, %parallel_loop3A_2001] {strides = array<i32>} : memref<3x4x8x1024xf32, #tpu.memory_space<vmem>>, vector<1x1x1x16xf32>,
        %parallel_loop3A_2003 = vector.shape_cast %parallel_loop3A_2002 : vector<1x1x1x16xf32> to vector<16xf32>
        %parallel_loop3A_2004 = vector.shape_cast %parallel_loop3A_1986 : vector<16xf32> to vector<1x1x1x16xf32>
        tpu.vector_store %arg8[%parallel_loop3A_1998, %parallel_loop3A_1999, %parallel_loop3A_2000, %parallel_loop3A_2001], %parallel_loop3A_2004 {add = true, strides = array<i32>} : memref<3x4x8x1024xf32, #tpu.memory_space<vmem>>, vector<1x1x1x16xf32>,
        %parallel_loop3A_2005 = arith.constant 2 : i32
        %parallel_loop3A_2006 = arith.constant 2 : i32
        %parallel_loop3A_2007 = arith.index_cast %parallel_loop3A_2005 : i32 to index
        %parallel_loop3A_2008 = arith.index_cast %parallel_loop3A_2006 : i32 to index
        %parallel_loop3A_2009 = arith.index_cast %add3A_1974 : i32 to index
        %parallel_loop3A_2010 = arith.index_cast %parallel_loop3A_1979 : i32 to index
        %parallel_loop3A_2011 = tpu.vector_load %arg8[%parallel_loop3A_2007, %parallel_loop3A_2008, %parallel_loop3A_2009, %parallel_loop3A_2010] {strides = array<i32>} : memref<3x4x8x1024xf32, #tpu.memory_space<vmem>>, vector<1x1x1x16xf32>,
        %parallel_loop3A_2012 = vector.shape_cast %parallel_loop3A_2011 : vector<1x1x1x16xf32> to vector<16xf32>
        %parallel_loop3A_2013 = vector.shape_cast %parallel_loop3A_1986 : vector<16xf32> to vector<1x1x1x16xf32>
        tpu.vector_store %arg8[%parallel_loop3A_2007, %parallel_loop3A_2008, %parallel_loop3A_2009, %parallel_loop3A_2010], %parallel_loop3A_2013 {add = true, strides = array<i32>} : memref<3x4x8x1024xf32, #tpu.memory_space<vmem>>, vector<1x1x1x16xf32>,
        %parallel_loop3A_2014 = arith.constant 2 : i32
        %parallel_loop3A_2015 = arith.constant 3 : i32
        %parallel_loop3A_2016 = arith.index_cast %parallel_loop3A_2014 : i32 to index
        %parallel_loop3A_2017 = arith.index_cast %parallel_loop3A_2015 : i32 to index
        %parallel_loop3A_2018 = arith.index_cast %add3A_1974 : i32 to index
        %parallel_loop3A_2019 = arith.index_cast %parallel_loop3A_1979 : i32 to index
        %parallel_loop3A_2020 = tpu.vector_load %arg8[%parallel_loop3A_2016, %parallel_loop3A_2017, %parallel_loop3A_2018, %parallel_loop3A_2019] {strides = array<i32>} : memref<3x4x8x1024xf32, #tpu.memory_space<vmem>>, vector<1x1x1x16xf32>,
        %parallel_loop3A_2021 = vector.shape_cast %parallel_loop3A_2020 : vector<1x1x1x16xf32> to vector<16xf32>
        %parallel_loop3A_2022 = vector.shape_cast %parallel_loop3A_1986 : vector<16xf32> to vector<1x1x1x16xf32>
        tpu.vector_store %arg8[%parallel_loop3A_2016, %parallel_loop3A_2017, %parallel_loop3A_2018, %parallel_loop3A_2019], %parallel_loop3A_2022 {add = true, strides = array<i32>} : memref<3x4x8x1024xf32, #tpu.memory_space<vmem>>, vector<1x1x1x16xf32>,
      } {sc.loop_unroll_factor = 8 : i64, sc.parallel_access}
    }
    %scan3A_1086 = arith.constant 8 : i32
    %add3A_1087 = arith.constant 64 : i32
    %add3A_1088 = arith.addi %mul3A_2, %add3A_1087 : i32
    %dma_start3A_1089 = arith.constant 2 : i32
    %dma_start3A_1090 = arith.constant 2 : i32
    %dma_start3A_1091 = arith.constant 0 : i32
    %dma_start3A_1092 = arith.constant 0 : i32
    %dma_start3A_1093 = arith.constant 0 : i32
    %dma_start3A_1094 = tpu.memref_slice %arg8[%dma_start3A_1089, %dma_start3A_1091, %dma_start3A_1092, %dma_start3A_1093] : memref<3x4x8x1024xf32, #tpu.memory_space<vmem>> -> memref<1x4x8x1024xf32, #tpu.memory_space<vmem>>
    %dma_start3A_1095 = tpu.memref_squeeze %dma_start3A_1094 : memref<1x4x8x1024xf32, #tpu.memory_space<vmem>> -> memref<4x8x1024xf32, #tpu.memory_space<vmem>>
    %dma_start3A_1096 = arith.constant 0 : i32
    %dma_start3A_1097 = arith.constant 0 : i32
    %dma_start3A_1098 = tpu.memref_slice %arg5[%dma_start3A_1096, %add3A_1088, %dma_start3A_1097] : memref<4x4096x1024xf32, #tpu.memory_space<hbm>> -> memref<4x8x1024xf32, #tpu.memory_space<hbm>>
    %dma_start3A_1099 = tpu.memref_slice %arg11[%dma_start3A_1090] : memref<3x!tpu.dma_semaphore, #tpu.memory_space<semaphore_mem>> -> memref<1x!tpu.dma_semaphore, #tpu.memory_space<semaphore_mem>>
    %dma_start3A_1100 = tpu.memref_squeeze %dma_start3A_1099 : memref<1x!tpu.dma_semaphore, #tpu.memory_space<semaphore_mem>> -> memref<!tpu.dma_semaphore, #tpu.memory_space<semaphore_mem>>
    %dma_start3A_1101 = arith.constant 0 : i32
    %dma_start3A_1102 = arith.constant 0 : i32
    %dma_start3A_1103 = tpu.memref_slice %arg5[%dma_start3A_1101, %add3A_1088, %dma_start3A_1102] : memref<4x4096x1024xf32, #tpu.memory_space<hbm>> -> memref<4x8x1024xf32, #tpu.memory_space<hbm>>
    %dma_start3A_1104 = arith.constant 0 : i32
    %dma_start3A_1105 = arith.constant 0 : i32
    %dma_start3A_1106 = arith.constant 0 : i32
    %dma_start3A_1107 = tpu.memref_slice %arg8[%dma_start3A_1089, %dma_start3A_1104, %dma_start3A_1105, %dma_start3A_1106] : memref<3x4x8x1024xf32, #tpu.memory_space<vmem>> -> memref<1x4x8x1024xf32, #tpu.memory_space<vmem>>
    %dma_start3A_1108 = tpu.memref_squeeze %dma_start3A_1107 : memref<1x4x8x1024xf32, #tpu.memory_space<vmem>> -> memref<4x8x1024xf32, #tpu.memory_space<vmem>>
    tpu.enqueue_dma source(%dma_start3A_1108 : memref<4x8x1024xf32, #tpu.memory_space<vmem>>) target(%dma_start3A_1103 : memref<4x8x1024xf32, #tpu.memory_space<hbm>>) target_semaphore(%dma_start3A_1100 : memref<!tpu.dma_semaphore, #tpu.memory_space<semaphore_mem>>)
    %dma_wait3A_1109 = arith.constant 1 : i32
    %dma_wait3A_1110 = arith.constant 1 : i32
    %dma_wait3A_1111 = arith.constant 0 : i32
    %dma_wait3A_1112 = arith.constant 0 : i32
    %dma_wait3A_1113 = arith.constant 0 : i32
    %dma_wait3A_1114 = tpu.memref_slice %arg8[%dma_wait3A_1109, %dma_wait3A_1111, %dma_wait3A_1112, %dma_wait3A_1113] : memref<3x4x8x1024xf32, #tpu.memory_space<vmem>> -> memref<1x4x8x1024xf32, #tpu.memory_space<vmem>>
    %dma_wait3A_1115 = tpu.memref_squeeze %dma_wait3A_1114 : memref<1x4x8x1024xf32, #tpu.memory_space<vmem>> -> memref<4x8x1024xf32, #tpu.memory_space<vmem>>
    %dma_wait3A_1116 = arith.constant 0 : i32
    %dma_wait3A_1117 = arith.constant 0 : i32
    %dma_wait3A_1118 = tpu.memref_slice %arg5[%dma_wait3A_1116, %add3A_965, %dma_wait3A_1117] : memref<4x4096x1024xf32, #tpu.memory_space<hbm>> -> memref<4x8x1024xf32, #tpu.memory_space<hbm>>
    %dma_wait3A_1119 = tpu.memref_slice %arg11[%dma_wait3A_1110] : memref<3x!tpu.dma_semaphore, #tpu.memory_space<semaphore_mem>> -> memref<1x!tpu.dma_semaphore, #tpu.memory_space<semaphore_mem>>
    %dma_wait3A_1120 = tpu.memref_squeeze %dma_wait3A_1119 : memref<1x!tpu.dma_semaphore, #tpu.memory_space<semaphore_mem>> -> memref<!tpu.dma_semaphore, #tpu.memory_space<semaphore_mem>>
    %dma_wait3A_1121 = arith.constant 0 : i32
    %dma_wait3A_1122 = arith.constant 0 : i32
    %dma_wait3A_1123 = tpu.memref_slice %arg5[%dma_wait3A_1121, %add3A_965, %dma_wait3A_1122] : memref<4x4096x1024xf32, #tpu.memory_space<hbm>> -> memref<4x8x1024xf32, #tpu.memory_space<hbm>>
    %dma_wait3A_1124 = arith.constant 0 : i32
    %dma_wait3A_1125 = arith.constant 0 : i32
    %dma_wait3A_1126 = arith.constant 0 : i32
    %dma_wait3A_1127 = tpu.memref_slice %arg8[%dma_wait3A_1109, %dma_wait3A_1124, %dma_wait3A_1125, %dma_wait3A_1126] : memref<3x4x8x1024xf32, #tpu.memory_space<vmem>> -> memref<1x4x8x1024xf32, #tpu.memory_space<vmem>>
    %dma_wait3A_1128 = tpu.memref_squeeze %dma_wait3A_1127 : memref<1x4x8x1024xf32, #tpu.memory_space<vmem>> -> memref<4x8x1024xf32, #tpu.memory_space<vmem>>
    tpu.wait_dma2 semaphore(%dma_wait3A_1120 : memref<!tpu.dma_semaphore, #tpu.memory_space<semaphore_mem>>) src(%dma_wait3A_1128 : memref<4x8x1024xf32, #tpu.memory_space<vmem>>) dst(%dma_wait3A_1123 : memref<4x8x1024xf32, #tpu.memory_space<hbm>>)
    %add3A_1129 = arith.constant 80 : i32
    %add3A_1130 = arith.addi %mul3A_2, %add3A_1129 : i32
    %dma_start3A_1131 = arith.constant 0 : i32
    %dma_start3A_1132 = arith.constant 0 : i32
    %dma_start3A_1133 = arith.constant 0 : i32
    %dma_start3A_1134 = arith.constant 0 : i32
    %dma_start3A_1135 = tpu.memref_slice %arg7[%dma_start3A_1131, %dma_start3A_1133, %dma_start3A_1134] : memref<2x8x1024xf32, #tpu.memory_space<vmem>> -> memref<1x8x1024xf32, #tpu.memory_space<vmem>>
    %dma_start3A_1136 = tpu.memref_squeeze %dma_start3A_1135 : memref<1x8x1024xf32, #tpu.memory_space<vmem>> -> memref<8x1024xf32, #tpu.memory_space<vmem>>
    %dma_start3A_1137 = arith.constant 0 : i32
    %dma_start3A_1138 = tpu.memref_slice %arg3[%add3A_1130, %dma_start3A_1137] : memref<4096x1024xf32, #tpu.memory_space<hbm>> -> memref<8x1024xf32, #tpu.memory_space<hbm>>
    %dma_start3A_1139 = tpu.memref_slice %arg9[%dma_start3A_1132] : memref<2x!tpu.dma_semaphore, #tpu.memory_space<semaphore_mem>> -> memref<1x!tpu.dma_semaphore, #tpu.memory_space<semaphore_mem>>
    %dma_start3A_1140 = tpu.memref_squeeze %dma_start3A_1139 : memref<1x!tpu.dma_semaphore, #tpu.memory_space<semaphore_mem>> -> memref<!tpu.dma_semaphore, #tpu.memory_space<semaphore_mem>>
    %dma_start3A_1141 = arith.constant 0 : i32
    %dma_start3A_1142 = arith.constant 0 : i32
    %dma_start3A_1143 = tpu.memref_slice %arg7[%dma_start3A_1131, %dma_start3A_1141, %dma_start3A_1142] : memref<2x8x1024xf32, #tpu.memory_space<vmem>> -> memref<1x8x1024xf32, #tpu.memory_space<vmem>>
    %dma_start3A_1144 = tpu.memref_squeeze %dma_start3A_1143 : memref<1x8x1024xf32, #tpu.memory_space<vmem>> -> memref<8x1024xf32, #tpu.memory_space<vmem>>
    %dma_start3A_1145 = arith.constant 0 : i32
    %dma_start3A_1146 = tpu.memref_slice %arg3[%add3A_1130, %dma_start3A_1145] : memref<4096x1024xf32, #tpu.memory_space<hbm>> -> memref<8x1024xf32, #tpu.memory_space<hbm>>
    tpu.enqueue_dma source(%dma_start3A_1146 : memref<8x1024xf32, #tpu.memory_space<hbm>>) target(%dma_start3A_1144 : memref<8x1024xf32, #tpu.memory_space<vmem>>) target_semaphore(%dma_start3A_1140 : memref<!tpu.dma_semaphore, #tpu.memory_space<semaphore_mem>>)
    %add3A_1147 = arith.constant 80 : i32
    %add3A_1148 = arith.addi %mul3A_2, %add3A_1147 : i32
    %dma_start3A_1149 = arith.constant 1 : i32
    %dma_start3A_1150 = arith.constant 1 : i32
    %dma_start3A_1151 = arith.constant 0 : i32
    %dma_start3A_1152 = arith.constant 0 : i32
    %dma_start3A_1153 = arith.constant 0 : i32
    %dma_start3A_1154 = tpu.memref_slice %arg8[%dma_start3A_1149, %dma_start3A_1151, %dma_start3A_1152, %dma_start3A_1153] : memref<3x4x8x1024xf32, #tpu.memory_space<vmem>> -> memref<1x4x8x1024xf32, #tpu.memory_space<vmem>>
    %dma_start3A_1155 = tpu.memref_squeeze %dma_start3A_1154 : memref<1x4x8x1024xf32, #tpu.memory_space<vmem>> -> memref<4x8x1024xf32, #tpu.memory_space<vmem>>
    %dma_start3A_1156 = arith.constant 0 : i32
    %dma_start3A_1157 = arith.constant 0 : i32
    %dma_start3A_1158 = tpu.memref_slice %arg2[%dma_start3A_1156, %add3A_1148, %dma_start3A_1157] : memref<4x4096x1024xf32, #tpu.memory_space<hbm>> -> memref<4x8x1024xf32, #tpu.memory_space<hbm>>
    %dma_start3A_1159 = tpu.memref_slice %arg10[%dma_start3A_1150] : memref<3x!tpu.dma_semaphore, #tpu.memory_space<semaphore_mem>> -> memref<1x!tpu.dma_semaphore, #tpu.memory_space<semaphore_mem>>
    %dma_start3A_1160 = tpu.memref_squeeze %dma_start3A_1159 : memref<1x!tpu.dma_semaphore, #tpu.memory_space<semaphore_mem>> -> memref<!tpu.dma_semaphore, #tpu.memory_space<semaphore_mem>>
    %dma_start3A_1161 = arith.constant 0 : i32
    %dma_start3A_1162 = arith.constant 0 : i32
    %dma_start3A_1163 = arith.constant 0 : i32
    %dma_start3A_1164 = tpu.memref_slice %arg8[%dma_start3A_1149, %dma_start3A_1161, %dma_start3A_1162, %dma_start3A_1163] : memref<3x4x8x1024xf32, #tpu.memory_space<vmem>> -> memref<1x4x8x1024xf32, #tpu.memory_space<vmem>>
    %dma_start3A_1165 = tpu.memref_squeeze %dma_start3A_1164 : memref<1x4x8x1024xf32, #tpu.memory_space<vmem>> -> memref<4x8x1024xf32, #tpu.memory_space<vmem>>
    %dma_start3A_1166 = arith.constant 0 : i32
    %dma_start3A_1167 = arith.constant 0 : i32
    %dma_start3A_1168 = tpu.memref_slice %arg2[%dma_start3A_1166, %add3A_1148, %dma_start3A_1167] : memref<4x4096x1024xf32, #tpu.memory_space<hbm>> -> memref<4x8x1024xf32, #tpu.memory_space<hbm>>
    tpu.enqueue_dma source(%dma_start3A_1168 : memref<4x8x1024xf32, #tpu.memory_space<hbm>>) target(%dma_start3A_1165 : memref<4x8x1024xf32, #tpu.memory_space<vmem>>) target_semaphore(%dma_start3A_1160 : memref<!tpu.dma_semaphore, #tpu.memory_space<semaphore_mem>>)
    %dma_wait3A_1169 = arith.constant 1 : i32
    %dma_wait3A_1170 = arith.constant 1 : i32
    %dma_wait3A_1171 = arith.constant 0 : i32
    %dma_wait3A_1172 = arith.constant 0 : i32
    %dma_wait3A_1173 = tpu.memref_slice %arg7[%dma_wait3A_1169, %dma_wait3A_1171, %dma_wait3A_1172] : memref<2x8x1024xf32, #tpu.memory_space<vmem>> -> memref<1x8x1024xf32, #tpu.memory_space<vmem>>
    %dma_wait3A_1174 = tpu.memref_squeeze %dma_wait3A_1173 : memref<1x8x1024xf32, #tpu.memory_space<vmem>> -> memref<8x1024xf32, #tpu.memory_space<vmem>>
    %dma_wait3A_1175 = arith.constant 0 : i32
    %dma_wait3A_1176 = tpu.memref_slice %arg3[%add3A_1007, %dma_wait3A_1175] : memref<4096x1024xf32, #tpu.memory_space<hbm>> -> memref<8x1024xf32, #tpu.memory_space<hbm>>
    %dma_wait3A_1177 = tpu.memref_slice %arg9[%dma_wait3A_1170] : memref<2x!tpu.dma_semaphore, #tpu.memory_space<semaphore_mem>> -> memref<1x!tpu.dma_semaphore, #tpu.memory_space<semaphore_mem>>
    %dma_wait3A_1178 = tpu.memref_squeeze %dma_wait3A_1177 : memref<1x!tpu.dma_semaphore, #tpu.memory_space<semaphore_mem>> -> memref<!tpu.dma_semaphore, #tpu.memory_space<semaphore_mem>>
    %dma_wait3A_1179 = arith.constant 0 : i32
    %dma_wait3A_1180 = arith.constant 0 : i32
    %dma_wait3A_1181 = tpu.memref_slice %arg7[%dma_wait3A_1169, %dma_wait3A_1179, %dma_wait3A_1180] : memref<2x8x1024xf32, #tpu.memory_space<vmem>> -> memref<1x8x1024xf32, #tpu.memory_space<vmem>>
    %dma_wait3A_1182 = tpu.memref_squeeze %dma_wait3A_1181 : memref<1x8x1024xf32, #tpu.memory_space<vmem>> -> memref<8x1024xf32, #tpu.memory_space<vmem>>
    %dma_wait3A_1183 = arith.constant 0 : i32
    %dma_wait3A_1184 = tpu.memref_slice %arg3[%add3A_1007, %dma_wait3A_1183] : memref<4096x1024xf32, #tpu.memory_space<hbm>> -> memref<8x1024xf32, #tpu.memory_space<hbm>>
    tpu.wait_dma2 semaphore(%dma_wait3A_1178 : memref<!tpu.dma_semaphore, #tpu.memory_space<semaphore_mem>>) src(%dma_wait3A_1184 : memref<8x1024xf32, #tpu.memory_space<hbm>>) dst(%dma_wait3A_1182 : memref<8x1024xf32, #tpu.memory_space<vmem>>)
    %dma_wait3A_1185 = arith.constant 0 : i32
    %dma_wait3A_1186 = arith.constant 0 : i32
    %dma_wait3A_1187 = arith.constant 0 : i32
    %dma_wait3A_1188 = arith.constant 0 : i32
    %dma_wait3A_1189 = arith.constant 0 : i32
    %dma_wait3A_1190 = tpu.memref_slice %arg8[%dma_wait3A_1185, %dma_wait3A_1187, %dma_wait3A_1188, %dma_wait3A_1189] : memref<3x4x8x1024xf32, #tpu.memory_space<vmem>> -> memref<1x4x8x1024xf32, #tpu.memory_space<vmem>>
    %dma_wait3A_1191 = tpu.memref_squeeze %dma_wait3A_1190 : memref<1x4x8x1024xf32, #tpu.memory_space<vmem>> -> memref<4x8x1024xf32, #tpu.memory_space<vmem>>
    %dma_wait3A_1192 = arith.constant 0 : i32
    %dma_wait3A_1193 = arith.constant 0 : i32
    %dma_wait3A_1194 = tpu.memref_slice %arg2[%dma_wait3A_1192, %add3A_1025, %dma_wait3A_1193] : memref<4x4096x1024xf32, #tpu.memory_space<hbm>> -> memref<4x8x1024xf32, #tpu.memory_space<hbm>>
    %dma_wait3A_1195 = tpu.memref_slice %arg10[%dma_wait3A_1186] : memref<3x!tpu.dma_semaphore, #tpu.memory_space<semaphore_mem>> -> memref<1x!tpu.dma_semaphore, #tpu.memory_space<semaphore_mem>>
    %dma_wait3A_1196 = tpu.memref_squeeze %dma_wait3A_1195 : memref<1x!tpu.dma_semaphore, #tpu.memory_space<semaphore_mem>> -> memref<!tpu.dma_semaphore, #tpu.memory_space<semaphore_mem>>
    %dma_wait3A_1197 = arith.constant 0 : i32
    %dma_wait3A_1198 = arith.constant 0 : i32
    %dma_wait3A_1199 = arith.constant 0 : i32
    %dma_wait3A_1200 = tpu.memref_slice %arg8[%dma_wait3A_1185, %dma_wait3A_1197, %dma_wait3A_1198, %dma_wait3A_1199] : memref<3x4x8x1024xf32, #tpu.memory_space<vmem>> -> memref<1x4x8x1024xf32, #tpu.memory_space<vmem>>
    %dma_wait3A_1201 = tpu.memref_squeeze %dma_wait3A_1200 : memref<1x4x8x1024xf32, #tpu.memory_space<vmem>> -> memref<4x8x1024xf32, #tpu.memory_space<vmem>>
    %dma_wait3A_1202 = arith.constant 0 : i32
    %dma_wait3A_1203 = arith.constant 0 : i32
    %dma_wait3A_1204 = tpu.memref_slice %arg2[%dma_wait3A_1202, %add3A_1025, %dma_wait3A_1203] : memref<4x4096x1024xf32, #tpu.memory_space<hbm>> -> memref<4x8x1024xf32, #tpu.memory_space<hbm>>
    tpu.wait_dma2 semaphore(%dma_wait3A_1196 : memref<!tpu.dma_semaphore, #tpu.memory_space<semaphore_mem>>) src(%dma_wait3A_1204 : memref<4x8x1024xf32, #tpu.memory_space<hbm>>) dst(%dma_wait3A_1201 : memref<4x8x1024xf32, #tpu.memory_space<vmem>>)
    %scan3A_1205 = arith.constant 0 : i32
    %scan3A_1206 = arith.constant 8 : i32
    %scan3A_1207 = arith.addi %scan3A_1205, %scan3A_1206 : i32
    %scan3A_1208 = arith.constant 1 : i32
    scf.for %scan3A_1970 = %scan3A_1205 to %scan3A_1207 step %scan3A_1208  : i32 {
      %mul3A_1971 = arith.constant 1 : i32
      %mul3A_1972 = arith.muli %scan3A_1970, %mul3A_1971 : i32
      %add3A_1973 = arith.constant 0 : i32
      %add3A_1974 = arith.addi %add3A_1973, %mul3A_1972 : i32
      %parallel_loop3A = arith.constant 0 : i32
      %parallel_loop3A_1975 = arith.constant 64 : i32
      %parallel_loop3A_1976 = arith.constant 1 : i32
      scf.for %parallel_loop3A_1977 = %parallel_loop3A to %parallel_loop3A_1975 step %parallel_loop3A_1976  : i32 {
        %parallel_loop3A_1978 = arith.constant 16 : i32
        %parallel_loop3A_1979 = arith.muli %parallel_loop3A_1977, %parallel_loop3A_1978 : i32
        %parallel_loop3A_1980 = arith.constant 1 : i32
        %parallel_loop3A_1981 = arith.index_cast %parallel_loop3A_1980 : i32 to index
        %parallel_loop3A_1982 = arith.index_cast %add3A_1974 : i32 to index
        %parallel_loop3A_1983 = arith.index_cast %parallel_loop3A_1979 : i32 to index
        %parallel_loop3A_1984 = tpu.vector_load %arg7[%parallel_loop3A_1981, %parallel_loop3A_1982, %parallel_loop3A_1983] {strides = array<i32>} : memref<2x8x1024xf32, #tpu.memory_space<vmem>>, vector<1x1x16xf32>,
        %parallel_loop3A_1985 = vector.shape_cast %parallel_loop3A_1984 : vector<1x1x16xf32> to vector<16xf32>
        %parallel_loop3A_1986 = arith.mulf %get3A_4, %parallel_loop3A_1985 : vector<16xf32>
        %parallel_loop3A_1987 = arith.constant 0 : i32
        %parallel_loop3A_1988 = arith.constant 0 : i32
        %parallel_loop3A_1989 = arith.index_cast %parallel_loop3A_1987 : i32 to index
        %parallel_loop3A_1990 = arith.index_cast %parallel_loop3A_1988 : i32 to index
        %parallel_loop3A_1991 = arith.index_cast %add3A_1974 : i32 to index
        %parallel_loop3A_1992 = arith.index_cast %parallel_loop3A_1979 : i32 to index
        %parallel_loop3A_1993 = tpu.vector_load %arg8[%parallel_loop3A_1989, %parallel_loop3A_1990, %parallel_loop3A_1991, %parallel_loop3A_1992] {strides = array<i32>} : memref<3x4x8x1024xf32, #tpu.memory_space<vmem>>, vector<1x1x1x16xf32>,
        %parallel_loop3A_1994 = vector.shape_cast %parallel_loop3A_1993 : vector<1x1x1x16xf32> to vector<16xf32>
        %parallel_loop3A_1995 = vector.shape_cast %parallel_loop3A_1986 : vector<16xf32> to vector<1x1x1x16xf32>
        tpu.vector_store %arg8[%parallel_loop3A_1989, %parallel_loop3A_1990, %parallel_loop3A_1991, %parallel_loop3A_1992], %parallel_loop3A_1995 {add = true, strides = array<i32>} : memref<3x4x8x1024xf32, #tpu.memory_space<vmem>>, vector<1x1x1x16xf32>,
        %parallel_loop3A_1996 = arith.constant 0 : i32
        %parallel_loop3A_1997 = arith.constant 1 : i32
        %parallel_loop3A_1998 = arith.index_cast %parallel_loop3A_1996 : i32 to index
        %parallel_loop3A_1999 = arith.index_cast %parallel_loop3A_1997 : i32 to index
        %parallel_loop3A_2000 = arith.index_cast %add3A_1974 : i32 to index
        %parallel_loop3A_2001 = arith.index_cast %parallel_loop3A_1979 : i32 to index
        %parallel_loop3A_2002 = tpu.vector_load %arg8[%parallel_loop3A_1998, %parallel_loop3A_1999, %parallel_loop3A_2000, %parallel_loop3A_2001] {strides = array<i32>} : memref<3x4x8x1024xf32, #tpu.memory_space<vmem>>, vector<1x1x1x16xf32>,
        %parallel_loop3A_2003 = vector.shape_cast %parallel_loop3A_2002 : vector<1x1x1x16xf32> to vector<16xf32>
        %parallel_loop3A_2004 = vector.shape_cast %parallel_loop3A_1986 : vector<16xf32> to vector<1x1x1x16xf32>
        tpu.vector_store %arg8[%parallel_loop3A_1998, %parallel_loop3A_1999, %parallel_loop3A_2000, %parallel_loop3A_2001], %parallel_loop3A_2004 {add = true, strides = array<i32>} : memref<3x4x8x1024xf32, #tpu.memory_space<vmem>>, vector<1x1x1x16xf32>,
        %parallel_loop3A_2005 = arith.constant 0 : i32
        %parallel_loop3A_2006 = arith.constant 2 : i32
        %parallel_loop3A_2007 = arith.index_cast %parallel_loop3A_2005 : i32 to index
        %parallel_loop3A_2008 = arith.index_cast %parallel_loop3A_2006 : i32 to index
        %parallel_loop3A_2009 = arith.index_cast %add3A_1974 : i32 to index
        %parallel_loop3A_2010 = arith.index_cast %parallel_loop3A_1979 : i32 to index
        %parallel_loop3A_2011 = tpu.vector_load %arg8[%parallel_loop3A_2007, %parallel_loop3A_2008, %parallel_loop3A_2009, %parallel_loop3A_2010] {strides = array<i32>} : memref<3x4x8x1024xf32, #tpu.memory_space<vmem>>, vector<1x1x1x16xf32>,
        %parallel_loop3A_2012 = vector.shape_cast %parallel_loop3A_2011 : vector<1x1x1x16xf32> to vector<16xf32>
        %parallel_loop3A_2013 = vector.shape_cast %parallel_loop3A_1986 : vector<16xf32> to vector<1x1x1x16xf32>
        tpu.vector_store %arg8[%parallel_loop3A_2007, %parallel_loop3A_2008, %parallel_loop3A_2009, %parallel_loop3A_2010], %parallel_loop3A_2013 {add = true, strides = array<i32>} : memref<3x4x8x1024xf32, #tpu.memory_space<vmem>>, vector<1x1x1x16xf32>,
        %parallel_loop3A_2014 = arith.constant 0 : i32
        %parallel_loop3A_2015 = arith.constant 3 : i32
        %parallel_loop3A_2016 = arith.index_cast %parallel_loop3A_2014 : i32 to index
        %parallel_loop3A_2017 = arith.index_cast %parallel_loop3A_2015 : i32 to index
        %parallel_loop3A_2018 = arith.index_cast %add3A_1974 : i32 to index
        %parallel_loop3A_2019 = arith.index_cast %parallel_loop3A_1979 : i32 to index
        %parallel_loop3A_2020 = tpu.vector_load %arg8[%parallel_loop3A_2016, %parallel_loop3A_2017, %parallel_loop3A_2018, %parallel_loop3A_2019] {strides = array<i32>} : memref<3x4x8x1024xf32, #tpu.memory_space<vmem>>, vector<1x1x1x16xf32>,
        %parallel_loop3A_2021 = vector.shape_cast %parallel_loop3A_2020 : vector<1x1x1x16xf32> to vector<16xf32>
        %parallel_loop3A_2022 = vector.shape_cast %parallel_loop3A_1986 : vector<16xf32> to vector<1x1x1x16xf32>
        tpu.vector_store %arg8[%parallel_loop3A_2016, %parallel_loop3A_2017, %parallel_loop3A_2018, %parallel_loop3A_2019], %parallel_loop3A_2022 {add = true, strides = array<i32>} : memref<3x4x8x1024xf32, #tpu.memory_space<vmem>>, vector<1x1x1x16xf32>,
      } {sc.loop_unroll_factor = 8 : i64, sc.parallel_access}
    }
    %scan3A_1209 = arith.constant 8 : i32
    %add3A_1210 = arith.constant 72 : i32
    %add3A_1211 = arith.addi %mul3A_2, %add3A_1210 : i32
    %dma_start3A_1212 = arith.constant 0 : i32
    %dma_start3A_1213 = arith.constant 0 : i32
    %dma_start3A_1214 = arith.constant 0 : i32
    %dma_start3A_1215 = arith.constant 0 : i32
    %dma_start3A_1216 = arith.constant 0 : i32
    %dma_start3A_1217 = tpu.memref_slice %arg8[%dma_start3A_1212, %dma_start3A_1214, %dma_start3A_1215, %dma_start3A_1216] : memref<3x4x8x1024xf32, #tpu.memory_space<vmem>> -> memref<1x4x8x1024xf32, #tpu.memory_space<vmem>>
    %dma_start3A_1218 = tpu.memref_squeeze %dma_start3A_1217 : memref<1x4x8x1024xf32, #tpu.memory_space<vmem>> -> memref<4x8x1024xf32, #tpu.memory_space<vmem>>
    %dma_start3A_1219 = arith.constant 0 : i32
    %dma_start3A_1220 = arith.constant 0 : i32
    %dma_start3A_1221 = tpu.memref_slice %arg5[%dma_start3A_1219, %add3A_1211, %dma_start3A_1220] : memref<4x4096x1024xf32, #tpu.memory_space<hbm>> -> memref<4x8x1024xf32, #tpu.memory_space<hbm>>
    %dma_start3A_1222 = tpu.memref_slice %arg11[%dma_start3A_1213] : memref<3x!tpu.dma_semaphore, #tpu.memory_space<semaphore_mem>> -> memref<1x!tpu.dma_semaphore, #tpu.memory_space<semaphore_mem>>
    %dma_start3A_1223 = tpu.memref_squeeze %dma_start3A_1222 : memref<1x!tpu.dma_semaphore, #tpu.memory_space<semaphore_mem>> -> memref<!tpu.dma_semaphore, #tpu.memory_space<semaphore_mem>>
    %dma_start3A_1224 = arith.constant 0 : i32
    %dma_start3A_1225 = arith.constant 0 : i32
    %dma_start3A_1226 = tpu.memref_slice %arg5[%dma_start3A_1224, %add3A_1211, %dma_start3A_1225] : memref<4x4096x1024xf32, #tpu.memory_space<hbm>> -> memref<4x8x1024xf32, #tpu.memory_space<hbm>>
    %dma_start3A_1227 = arith.constant 0 : i32
    %dma_start3A_1228 = arith.constant 0 : i32
    %dma_start3A_1229 = arith.constant 0 : i32
    %dma_start3A_1230 = tpu.memref_slice %arg8[%dma_start3A_1212, %dma_start3A_1227, %dma_start3A_1228, %dma_start3A_1229] : memref<3x4x8x1024xf32, #tpu.memory_space<vmem>> -> memref<1x4x8x1024xf32, #tpu.memory_space<vmem>>
    %dma_start3A_1231 = tpu.memref_squeeze %dma_start3A_1230 : memref<1x4x8x1024xf32, #tpu.memory_space<vmem>> -> memref<4x8x1024xf32, #tpu.memory_space<vmem>>
    tpu.enqueue_dma source(%dma_start3A_1231 : memref<4x8x1024xf32, #tpu.memory_space<vmem>>) target(%dma_start3A_1226 : memref<4x8x1024xf32, #tpu.memory_space<hbm>>) target_semaphore(%dma_start3A_1223 : memref<!tpu.dma_semaphore, #tpu.memory_space<semaphore_mem>>)
    %dma_wait3A_1232 = arith.constant 2 : i32
    %dma_wait3A_1233 = arith.constant 2 : i32
    %dma_wait3A_1234 = arith.constant 0 : i32
    %dma_wait3A_1235 = arith.constant 0 : i32
    %dma_wait3A_1236 = arith.constant 0 : i32
    %dma_wait3A_1237 = tpu.memref_slice %arg8[%dma_wait3A_1232, %dma_wait3A_1234, %dma_wait3A_1235, %dma_wait3A_1236] : memref<3x4x8x1024xf32, #tpu.memory_space<vmem>> -> memref<1x4x8x1024xf32, #tpu.memory_space<vmem>>
    %dma_wait3A_1238 = tpu.memref_squeeze %dma_wait3A_1237 : memref<1x4x8x1024xf32, #tpu.memory_space<vmem>> -> memref<4x8x1024xf32, #tpu.memory_space<vmem>>
    %dma_wait3A_1239 = arith.constant 0 : i32
    %dma_wait3A_1240 = arith.constant 0 : i32
    %dma_wait3A_1241 = tpu.memref_slice %arg5[%dma_wait3A_1239, %add3A_1088, %dma_wait3A_1240] : memref<4x4096x1024xf32, #tpu.memory_space<hbm>> -> memref<4x8x1024xf32, #tpu.memory_space<hbm>>
    %dma_wait3A_1242 = tpu.memref_slice %arg11[%dma_wait3A_1233] : memref<3x!tpu.dma_semaphore, #tpu.memory_space<semaphore_mem>> -> memref<1x!tpu.dma_semaphore, #tpu.memory_space<semaphore_mem>>
    %dma_wait3A_1243 = tpu.memref_squeeze %dma_wait3A_1242 : memref<1x!tpu.dma_semaphore, #tpu.memory_space<semaphore_mem>> -> memref<!tpu.dma_semaphore, #tpu.memory_space<semaphore_mem>>
    %dma_wait3A_1244 = arith.constant 0 : i32
    %dma_wait3A_1245 = arith.constant 0 : i32
    %dma_wait3A_1246 = tpu.memref_slice %arg5[%dma_wait3A_1244, %add3A_1088, %dma_wait3A_1245] : memref<4x4096x1024xf32, #tpu.memory_space<hbm>> -> memref<4x8x1024xf32, #tpu.memory_space<hbm>>
    %dma_wait3A_1247 = arith.constant 0 : i32
    %dma_wait3A_1248 = arith.constant 0 : i32
    %dma_wait3A_1249 = arith.constant 0 : i32
    %dma_wait3A_1250 = tpu.memref_slice %arg8[%dma_wait3A_1232, %dma_wait3A_1247, %dma_wait3A_1248, %dma_wait3A_1249] : memref<3x4x8x1024xf32, #tpu.memory_space<vmem>> -> memref<1x4x8x1024xf32, #tpu.memory_space<vmem>>
    %dma_wait3A_1251 = tpu.memref_squeeze %dma_wait3A_1250 : memref<1x4x8x1024xf32, #tpu.memory_space<vmem>> -> memref<4x8x1024xf32, #tpu.memory_space<vmem>>
    tpu.wait_dma2 semaphore(%dma_wait3A_1243 : memref<!tpu.dma_semaphore, #tpu.memory_space<semaphore_mem>>) src(%dma_wait3A_1251 : memref<4x8x1024xf32, #tpu.memory_space<vmem>>) dst(%dma_wait3A_1246 : memref<4x8x1024xf32, #tpu.memory_space<hbm>>)
    %add3A_1252 = arith.constant 88 : i32
    %add3A_1253 = arith.addi %mul3A_2, %add3A_1252 : i32
    %dma_start3A_1254 = arith.constant 1 : i32
    %dma_start3A_1255 = arith.constant 1 : i32
    %dma_start3A_1256 = arith.constant 0 : i32
    %dma_start3A_1257 = arith.constant 0 : i32
    %dma_start3A_1258 = tpu.memref_slice %arg7[%dma_start3A_1254, %dma_start3A_1256, %dma_start3A_1257] : memref<2x8x1024xf32, #tpu.memory_space<vmem>> -> memref<1x8x1024xf32, #tpu.memory_space<vmem>>
    %dma_start3A_1259 = tpu.memref_squeeze %dma_start3A_1258 : memref<1x8x1024xf32, #tpu.memory_space<vmem>> -> memref<8x1024xf32, #tpu.memory_space<vmem>>
    %dma_start3A_1260 = arith.constant 0 : i32
    %dma_start3A_1261 = tpu.memref_slice %arg3[%add3A_1253, %dma_start3A_1260] : memref<4096x1024xf32, #tpu.memory_space<hbm>> -> memref<8x1024xf32, #tpu.memory_space<hbm>>
    %dma_start3A_1262 = tpu.memref_slice %arg9[%dma_start3A_1255] : memref<2x!tpu.dma_semaphore, #tpu.memory_space<semaphore_mem>> -> memref<1x!tpu.dma_semaphore, #tpu.memory_space<semaphore_mem>>
    %dma_start3A_1263 = tpu.memref_squeeze %dma_start3A_1262 : memref<1x!tpu.dma_semaphore, #tpu.memory_space<semaphore_mem>> -> memref<!tpu.dma_semaphore, #tpu.memory_space<semaphore_mem>>
    %dma_start3A_1264 = arith.constant 0 : i32
    %dma_start3A_1265 = arith.constant 0 : i32
    %dma_start3A_1266 = tpu.memref_slice %arg7[%dma_start3A_1254, %dma_start3A_1264, %dma_start3A_1265] : memref<2x8x1024xf32, #tpu.memory_space<vmem>> -> memref<1x8x1024xf32, #tpu.memory_space<vmem>>
    %dma_start3A_1267 = tpu.memref_squeeze %dma_start3A_1266 : memref<1x8x1024xf32, #tpu.memory_space<vmem>> -> memref<8x1024xf32, #tpu.memory_space<vmem>>
    %dma_start3A_1268 = arith.constant 0 : i32
    %dma_start3A_1269 = tpu.memref_slice %arg3[%add3A_1253, %dma_start3A_1268] : memref<4096x1024xf32, #tpu.memory_space<hbm>> -> memref<8x1024xf32, #tpu.memory_space<hbm>>
    tpu.enqueue_dma source(%dma_start3A_1269 : memref<8x1024xf32, #tpu.memory_space<hbm>>) target(%dma_start3A_1267 : memref<8x1024xf32, #tpu.memory_space<vmem>>) target_semaphore(%dma_start3A_1263 : memref<!tpu.dma_semaphore, #tpu.memory_space<semaphore_mem>>)
    %add3A_1270 = arith.constant 88 : i32
    %add3A_1271 = arith.addi %mul3A_2, %add3A_1270 : i32
    %dma_start3A_1272 = arith.constant 2 : i32
    %dma_start3A_1273 = arith.constant 2 : i32
    %dma_start3A_1274 = arith.constant 0 : i32
    %dma_start3A_1275 = arith.constant 0 : i32
    %dma_start3A_1276 = arith.constant 0 : i32
    %dma_start3A_1277 = tpu.memref_slice %arg8[%dma_start3A_1272, %dma_start3A_1274, %dma_start3A_1275, %dma_start3A_1276] : memref<3x4x8x1024xf32, #tpu.memory_space<vmem>> -> memref<1x4x8x1024xf32, #tpu.memory_space<vmem>>
    %dma_start3A_1278 = tpu.memref_squeeze %dma_start3A_1277 : memref<1x4x8x1024xf32, #tpu.memory_space<vmem>> -> memref<4x8x1024xf32, #tpu.memory_space<vmem>>
    %dma_start3A_1279 = arith.constant 0 : i32
    %dma_start3A_1280 = arith.constant 0 : i32
    %dma_start3A_1281 = tpu.memref_slice %arg2[%dma_start3A_1279, %add3A_1271, %dma_start3A_1280] : memref<4x4096x1024xf32, #tpu.memory_space<hbm>> -> memref<4x8x1024xf32, #tpu.memory_space<hbm>>
    %dma_start3A_1282 = tpu.memref_slice %arg10[%dma_start3A_1273] : memref<3x!tpu.dma_semaphore, #tpu.memory_space<semaphore_mem>> -> memref<1x!tpu.dma_semaphore, #tpu.memory_space<semaphore_mem>>
    %dma_start3A_1283 = tpu.memref_squeeze %dma_start3A_1282 : memref<1x!tpu.dma_semaphore, #tpu.memory_space<semaphore_mem>> -> memref<!tpu.dma_semaphore, #tpu.memory_space<semaphore_mem>>
    %dma_start3A_1284 = arith.constant 0 : i32
    %dma_start3A_1285 = arith.constant 0 : i32
    %dma_start3A_1286 = arith.constant 0 : i32
    %dma_start3A_1287 = tpu.memref_slice %arg8[%dma_start3A_1272, %dma_start3A_1284, %dma_start3A_1285, %dma_start3A_1286] : memref<3x4x8x1024xf32, #tpu.memory_space<vmem>> -> memref<1x4x8x1024xf32, #tpu.memory_space<vmem>>
    %dma_start3A_1288 = tpu.memref_squeeze %dma_start3A_1287 : memref<1x4x8x1024xf32, #tpu.memory_space<vmem>> -> memref<4x8x1024xf32, #tpu.memory_space<vmem>>
    %dma_start3A_1289 = arith.constant 0 : i32
    %dma_start3A_1290 = arith.constant 0 : i32
    %dma_start3A_1291 = tpu.memref_slice %arg2[%dma_start3A_1289, %add3A_1271, %dma_start3A_1290] : memref<4x4096x1024xf32, #tpu.memory_space<hbm>> -> memref<4x8x1024xf32, #tpu.memory_space<hbm>>
    tpu.enqueue_dma source(%dma_start3A_1291 : memref<4x8x1024xf32, #tpu.memory_space<hbm>>) target(%dma_start3A_1288 : memref<4x8x1024xf32, #tpu.memory_space<vmem>>) target_semaphore(%dma_start3A_1283 : memref<!tpu.dma_semaphore, #tpu.memory_space<semaphore_mem>>)
    %dma_wait3A_1292 = arith.constant 0 : i32
    %dma_wait3A_1293 = arith.constant 0 : i32
    %dma_wait3A_1294 = arith.constant 0 : i32
    %dma_wait3A_1295 = arith.constant 0 : i32
    %dma_wait3A_1296 = tpu.memref_slice %arg7[%dma_wait3A_1292, %dma_wait3A_1294, %dma_wait3A_1295] : memref<2x8x1024xf32, #tpu.memory_space<vmem>> -> memref<1x8x1024xf32, #tpu.memory_space<vmem>>
    %dma_wait3A_1297 = tpu.memref_squeeze %dma_wait3A_1296 : memref<1x8x1024xf32, #tpu.memory_space<vmem>> -> memref<8x1024xf32, #tpu.memory_space<vmem>>
    %dma_wait3A_1298 = arith.constant 0 : i32
    %dma_wait3A_1299 = tpu.memref_slice %arg3[%add3A_1130, %dma_wait3A_1298] : memref<4096x1024xf32, #tpu.memory_space<hbm>> -> memref<8x1024xf32, #tpu.memory_space<hbm>>
    %dma_wait3A_1300 = tpu.memref_slice %arg9[%dma_wait3A_1293] : memref<2x!tpu.dma_semaphore, #tpu.memory_space<semaphore_mem>> -> memref<1x!tpu.dma_semaphore, #tpu.memory_space<semaphore_mem>>
    %dma_wait3A_1301 = tpu.memref_squeeze %dma_wait3A_1300 : memref<1x!tpu.dma_semaphore, #tpu.memory_space<semaphore_mem>> -> memref<!tpu.dma_semaphore, #tpu.memory_space<semaphore_mem>>
    %dma_wait3A_1302 = arith.constant 0 : i32
    %dma_wait3A_1303 = arith.constant 0 : i32
    %dma_wait3A_1304 = tpu.memref_slice %arg7[%dma_wait3A_1292, %dma_wait3A_1302, %dma_wait3A_1303] : memref<2x8x1024xf32, #tpu.memory_space<vmem>> -> memref<1x8x1024xf32, #tpu.memory_space<vmem>>
    %dma_wait3A_1305 = tpu.memref_squeeze %dma_wait3A_1304 : memref<1x8x1024xf32, #tpu.memory_space<vmem>> -> memref<8x1024xf32, #tpu.memory_space<vmem>>
    %dma_wait3A_1306 = arith.constant 0 : i32
    %dma_wait3A_1307 = tpu.memref_slice %arg3[%add3A_1130, %dma_wait3A_1306] : memref<4096x1024xf32, #tpu.memory_space<hbm>> -> memref<8x1024xf32, #tpu.memory_space<hbm>>
    tpu.wait_dma2 semaphore(%dma_wait3A_1301 : memref<!tpu.dma_semaphore, #tpu.memory_space<semaphore_mem>>) src(%dma_wait3A_1307 : memref<8x1024xf32, #tpu.memory_space<hbm>>) dst(%dma_wait3A_1305 : memref<8x1024xf32, #tpu.memory_space<vmem>>)
    %dma_wait3A_1308 = arith.constant 1 : i32
    %dma_wait3A_1309 = arith.constant 1 : i32
    %dma_wait3A_1310 = arith.constant 0 : i32
    %dma_wait3A_1311 = arith.constant 0 : i32
    %dma_wait3A_1312 = arith.constant 0 : i32
    %dma_wait3A_1313 = tpu.memref_slice %arg8[%dma_wait3A_1308, %dma_wait3A_1310, %dma_wait3A_1311, %dma_wait3A_1312] : memref<3x4x8x1024xf32, #tpu.memory_space<vmem>> -> memref<1x4x8x1024xf32, #tpu.memory_space<vmem>>
    %dma_wait3A_1314 = tpu.memref_squeeze %dma_wait3A_1313 : memref<1x4x8x1024xf32, #tpu.memory_space<vmem>> -> memref<4x8x1024xf32, #tpu.memory_space<vmem>>
    %dma_wait3A_1315 = arith.constant 0 : i32
    %dma_wait3A_1316 = arith.constant 0 : i32
    %dma_wait3A_1317 = tpu.memref_slice %arg2[%dma_wait3A_1315, %add3A_1148, %dma_wait3A_1316] : memref<4x4096x1024xf32, #tpu.memory_space<hbm>> -> memref<4x8x1024xf32, #tpu.memory_space<hbm>>
    %dma_wait3A_1318 = tpu.memref_slice %arg10[%dma_wait3A_1309] : memref<3x!tpu.dma_semaphore, #tpu.memory_space<semaphore_mem>> -> memref<1x!tpu.dma_semaphore, #tpu.memory_space<semaphore_mem>>
    %dma_wait3A_1319 = tpu.memref_squeeze %dma_wait3A_1318 : memref<1x!tpu.dma_semaphore, #tpu.memory_space<semaphore_mem>> -> memref<!tpu.dma_semaphore, #tpu.memory_space<semaphore_mem>>
    %dma_wait3A_1320 = arith.constant 0 : i32
    %dma_wait3A_1321 = arith.constant 0 : i32
    %dma_wait3A_1322 = arith.constant 0 : i32
    %dma_wait3A_1323 = tpu.memref_slice %arg8[%dma_wait3A_1308, %dma_wait3A_1320, %dma_wait3A_1321, %dma_wait3A_1322] : memref<3x4x8x1024xf32, #tpu.memory_space<vmem>> -> memref<1x4x8x1024xf32, #tpu.memory_space<vmem>>
    %dma_wait3A_1324 = tpu.memref_squeeze %dma_wait3A_1323 : memref<1x4x8x1024xf32, #tpu.memory_space<vmem>> -> memref<4x8x1024xf32, #tpu.memory_space<vmem>>
    %dma_wait3A_1325 = arith.constant 0 : i32
    %dma_wait3A_1326 = arith.constant 0 : i32
    %dma_wait3A_1327 = tpu.memref_slice %arg2[%dma_wait3A_1325, %add3A_1148, %dma_wait3A_1326] : memref<4x4096x1024xf32, #tpu.memory_space<hbm>> -> memref<4x8x1024xf32, #tpu.memory_space<hbm>>
    tpu.wait_dma2 semaphore(%dma_wait3A_1319 : memref<!tpu.dma_semaphore, #tpu.memory_space<semaphore_mem>>) src(%dma_wait3A_1327 : memref<4x8x1024xf32, #tpu.memory_space<hbm>>) dst(%dma_wait3A_1324 : memref<4x8x1024xf32, #tpu.memory_space<vmem>>)
    %scan3A_1328 = arith.constant 0 : i32
    %scan3A_1329 = arith.constant 8 : i32
    %scan3A_1330 = arith.addi %scan3A_1328, %scan3A_1329 : i32
    %scan3A_1331 = arith.constant 1 : i32
    scf.for %scan3A_1970 = %scan3A_1328 to %scan3A_1330 step %scan3A_1331  : i32 {
      %mul3A_1971 = arith.constant 1 : i32
      %mul3A_1972 = arith.muli %scan3A_1970, %mul3A_1971 : i32
      %add3A_1973 = arith.constant 0 : i32
      %add3A_1974 = arith.addi %add3A_1973, %mul3A_1972 : i32
      %parallel_loop3A = arith.constant 0 : i32
      %parallel_loop3A_1975 = arith.constant 64 : i32
      %parallel_loop3A_1976 = arith.constant 1 : i32
      scf.for %parallel_loop3A_1977 = %parallel_loop3A to %parallel_loop3A_1975 step %parallel_loop3A_1976  : i32 {
        %parallel_loop3A_1978 = arith.constant 16 : i32
        %parallel_loop3A_1979 = arith.muli %parallel_loop3A_1977, %parallel_loop3A_1978 : i32
        %parallel_loop3A_1980 = arith.constant 0 : i32
        %parallel_loop3A_1981 = arith.index_cast %parallel_loop3A_1980 : i32 to index
        %parallel_loop3A_1982 = arith.index_cast %add3A_1974 : i32 to index
        %parallel_loop3A_1983 = arith.index_cast %parallel_loop3A_1979 : i32 to index
        %parallel_loop3A_1984 = tpu.vector_load %arg7[%parallel_loop3A_1981, %parallel_loop3A_1982, %parallel_loop3A_1983] {strides = array<i32>} : memref<2x8x1024xf32, #tpu.memory_space<vmem>>, vector<1x1x16xf32>,
        %parallel_loop3A_1985 = vector.shape_cast %parallel_loop3A_1984 : vector<1x1x16xf32> to vector<16xf32>
        %parallel_loop3A_1986 = arith.mulf %get3A_4, %parallel_loop3A_1985 : vector<16xf32>
        %parallel_loop3A_1987 = arith.constant 1 : i32
        %parallel_loop3A_1988 = arith.constant 0 : i32
        %parallel_loop3A_1989 = arith.index_cast %parallel_loop3A_1987 : i32 to index
        %parallel_loop3A_1990 = arith.index_cast %parallel_loop3A_1988 : i32 to index
        %parallel_loop3A_1991 = arith.index_cast %add3A_1974 : i32 to index
        %parallel_loop3A_1992 = arith.index_cast %parallel_loop3A_1979 : i32 to index
        %parallel_loop3A_1993 = tpu.vector_load %arg8[%parallel_loop3A_1989, %parallel_loop3A_1990, %parallel_loop3A_1991, %parallel_loop3A_1992] {strides = array<i32>} : memref<3x4x8x1024xf32, #tpu.memory_space<vmem>>, vector<1x1x1x16xf32>,
        %parallel_loop3A_1994 = vector.shape_cast %parallel_loop3A_1993 : vector<1x1x1x16xf32> to vector<16xf32>
        %parallel_loop3A_1995 = vector.shape_cast %parallel_loop3A_1986 : vector<16xf32> to vector<1x1x1x16xf32>
        tpu.vector_store %arg8[%parallel_loop3A_1989, %parallel_loop3A_1990, %parallel_loop3A_1991, %parallel_loop3A_1992], %parallel_loop3A_1995 {add = true, strides = array<i32>} : memref<3x4x8x1024xf32, #tpu.memory_space<vmem>>, vector<1x1x1x16xf32>,
        %parallel_loop3A_1996 = arith.constant 1 : i32
        %parallel_loop3A_1997 = arith.constant 1 : i32
        %parallel_loop3A_1998 = arith.index_cast %parallel_loop3A_1996 : i32 to index
        %parallel_loop3A_1999 = arith.index_cast %parallel_loop3A_1997 : i32 to index
        %parallel_loop3A_2000 = arith.index_cast %add3A_1974 : i32 to index
        %parallel_loop3A_2001 = arith.index_cast %parallel_loop3A_1979 : i32 to index
        %parallel_loop3A_2002 = tpu.vector_load %arg8[%parallel_loop3A_1998, %parallel_loop3A_1999, %parallel_loop3A_2000, %parallel_loop3A_2001] {strides = array<i32>} : memref<3x4x8x1024xf32, #tpu.memory_space<vmem>>, vector<1x1x1x16xf32>,
        %parallel_loop3A_2003 = vector.shape_cast %parallel_loop3A_2002 : vector<1x1x1x16xf32> to vector<16xf32>
        %parallel_loop3A_2004 = vector.shape_cast %parallel_loop3A_1986 : vector<16xf32> to vector<1x1x1x16xf32>
        tpu.vector_store %arg8[%parallel_loop3A_1998, %parallel_loop3A_1999, %parallel_loop3A_2000, %parallel_loop3A_2001], %parallel_loop3A_2004 {add = true, strides = array<i32>} : memref<3x4x8x1024xf32, #tpu.memory_space<vmem>>, vector<1x1x1x16xf32>,
        %parallel_loop3A_2005 = arith.constant 1 : i32
        %parallel_loop3A_2006 = arith.constant 2 : i32
        %parallel_loop3A_2007 = arith.index_cast %parallel_loop3A_2005 : i32 to index
        %parallel_loop3A_2008 = arith.index_cast %parallel_loop3A_2006 : i32 to index
        %parallel_loop3A_2009 = arith.index_cast %add3A_1974 : i32 to index
        %parallel_loop3A_2010 = arith.index_cast %parallel_loop3A_1979 : i32 to index
        %parallel_loop3A_2011 = tpu.vector_load %arg8[%parallel_loop3A_2007, %parallel_loop3A_2008, %parallel_loop3A_2009, %parallel_loop3A_2010] {strides = array<i32>} : memref<3x4x8x1024xf32, #tpu.memory_space<vmem>>, vector<1x1x1x16xf32>,
        %parallel_loop3A_2012 = vector.shape_cast %parallel_loop3A_2011 : vector<1x1x1x16xf32> to vector<16xf32>
        %parallel_loop3A_2013 = vector.shape_cast %parallel_loop3A_1986 : vector<16xf32> to vector<1x1x1x16xf32>
        tpu.vector_store %arg8[%parallel_loop3A_2007, %parallel_loop3A_2008, %parallel_loop3A_2009, %parallel_loop3A_2010], %parallel_loop3A_2013 {add = true, strides = array<i32>} : memref<3x4x8x1024xf32, #tpu.memory_space<vmem>>, vector<1x1x1x16xf32>,
        %parallel_loop3A_2014 = arith.constant 1 : i32
        %parallel_loop3A_2015 = arith.constant 3 : i32
        %parallel_loop3A_2016 = arith.index_cast %parallel_loop3A_2014 : i32 to index
        %parallel_loop3A_2017 = arith.index_cast %parallel_loop3A_2015 : i32 to index
        %parallel_loop3A_2018 = arith.index_cast %add3A_1974 : i32 to index
        %parallel_loop3A_2019 = arith.index_cast %parallel_loop3A_1979 : i32 to index
        %parallel_loop3A_2020 = tpu.vector_load %arg8[%parallel_loop3A_2016, %parallel_loop3A_2017, %parallel_loop3A_2018, %parallel_loop3A_2019] {strides = array<i32>} : memref<3x4x8x1024xf32, #tpu.memory_space<vmem>>, vector<1x1x1x16xf32>,
        %parallel_loop3A_2021 = vector.shape_cast %parallel_loop3A_2020 : vector<1x1x1x16xf32> to vector<16xf32>
        %parallel_loop3A_2022 = vector.shape_cast %parallel_loop3A_1986 : vector<16xf32> to vector<1x1x1x16xf32>
        tpu.vector_store %arg8[%parallel_loop3A_2016, %parallel_loop3A_2017, %parallel_loop3A_2018, %parallel_loop3A_2019], %parallel_loop3A_2022 {add = true, strides = array<i32>} : memref<3x4x8x1024xf32, #tpu.memory_space<vmem>>, vector<1x1x1x16xf32>,
      } {sc.loop_unroll_factor = 8 : i64, sc.parallel_access}
    }
    %scan3A_1332 = arith.constant 8 : i32
    %add3A_1333 = arith.constant 80 : i32
    %add3A_1334 = arith.addi %mul3A_2, %add3A_1333 : i32
    %dma_start3A_1335 = arith.constant 1 : i32
    %dma_start3A_1336 = arith.constant 1 : i32
    %dma_start3A_1337 = arith.constant 0 : i32
    %dma_start3A_1338 = arith.constant 0 : i32
    %dma_start3A_1339 = arith.constant 0 : i32
    %dma_start3A_1340 = tpu.memref_slice %arg8[%dma_start3A_1335, %dma_start3A_1337, %dma_start3A_1338, %dma_start3A_1339] : memref<3x4x8x1024xf32, #tpu.memory_space<vmem>> -> memref<1x4x8x1024xf32, #tpu.memory_space<vmem>>
    %dma_start3A_1341 = tpu.memref_squeeze %dma_start3A_1340 : memref<1x4x8x1024xf32, #tpu.memory_space<vmem>> -> memref<4x8x1024xf32, #tpu.memory_space<vmem>>
    %dma_start3A_1342 = arith.constant 0 : i32
    %dma_start3A_1343 = arith.constant 0 : i32
    %dma_start3A_1344 = tpu.memref_slice %arg5[%dma_start3A_1342, %add3A_1334, %dma_start3A_1343] : memref<4x4096x1024xf32, #tpu.memory_space<hbm>> -> memref<4x8x1024xf32, #tpu.memory_space<hbm>>
    %dma_start3A_1345 = tpu.memref_slice %arg11[%dma_start3A_1336] : memref<3x!tpu.dma_semaphore, #tpu.memory_space<semaphore_mem>> -> memref<1x!tpu.dma_semaphore, #tpu.memory_space<semaphore_mem>>
    %dma_start3A_1346 = tpu.memref_squeeze %dma_start3A_1345 : memref<1x!tpu.dma_semaphore, #tpu.memory_space<semaphore_mem>> -> memref<!tpu.dma_semaphore, #tpu.memory_space<semaphore_mem>>
    %dma_start3A_1347 = arith.constant 0 : i32
    %dma_start3A_1348 = arith.constant 0 : i32
    %dma_start3A_1349 = tpu.memref_slice %arg5[%dma_start3A_1347, %add3A_1334, %dma_start3A_1348] : memref<4x4096x1024xf32, #tpu.memory_space<hbm>> -> memref<4x8x1024xf32, #tpu.memory_space<hbm>>
    %dma_start3A_1350 = arith.constant 0 : i32
    %dma_start3A_1351 = arith.constant 0 : i32
    %dma_start3A_1352 = arith.constant 0 : i32
    %dma_start3A_1353 = tpu.memref_slice %arg8[%dma_start3A_1335, %dma_start3A_1350, %dma_start3A_1351, %dma_start3A_1352] : memref<3x4x8x1024xf32, #tpu.memory_space<vmem>> -> memref<1x4x8x1024xf32, #tpu.memory_space<vmem>>
    %dma_start3A_1354 = tpu.memref_squeeze %dma_start3A_1353 : memref<1x4x8x1024xf32, #tpu.memory_space<vmem>> -> memref<4x8x1024xf32, #tpu.memory_space<vmem>>
    tpu.enqueue_dma source(%dma_start3A_1354 : memref<4x8x1024xf32, #tpu.memory_space<vmem>>) target(%dma_start3A_1349 : memref<4x8x1024xf32, #tpu.memory_space<hbm>>) target_semaphore(%dma_start3A_1346 : memref<!tpu.dma_semaphore, #tpu.memory_space<semaphore_mem>>)
    %dma_wait3A_1355 = arith.constant 0 : i32
    %dma_wait3A_1356 = arith.constant 0 : i32
    %dma_wait3A_1357 = arith.constant 0 : i32
    %dma_wait3A_1358 = arith.constant 0 : i32
    %dma_wait3A_1359 = arith.constant 0 : i32
    %dma_wait3A_1360 = tpu.memref_slice %arg8[%dma_wait3A_1355, %dma_wait3A_1357, %dma_wait3A_1358, %dma_wait3A_1359] : memref<3x4x8x1024xf32, #tpu.memory_space<vmem>> -> memref<1x4x8x1024xf32, #tpu.memory_space<vmem>>
    %dma_wait3A_1361 = tpu.memref_squeeze %dma_wait3A_1360 : memref<1x4x8x1024xf32, #tpu.memory_space<vmem>> -> memref<4x8x1024xf32, #tpu.memory_space<vmem>>
    %dma_wait3A_1362 = arith.constant 0 : i32
    %dma_wait3A_1363 = arith.constant 0 : i32
    %dma_wait3A_1364 = tpu.memref_slice %arg5[%dma_wait3A_1362, %add3A_1211, %dma_wait3A_1363] : memref<4x4096x1024xf32, #tpu.memory_space<hbm>> -> memref<4x8x1024xf32, #tpu.memory_space<hbm>>
    %dma_wait3A_1365 = tpu.memref_slice %arg11[%dma_wait3A_1356] : memref<3x!tpu.dma_semaphore, #tpu.memory_space<semaphore_mem>> -> memref<1x!tpu.dma_semaphore, #tpu.memory_space<semaphore_mem>>
    %dma_wait3A_1366 = tpu.memref_squeeze %dma_wait3A_1365 : memref<1x!tpu.dma_semaphore, #tpu.memory_space<semaphore_mem>> -> memref<!tpu.dma_semaphore, #tpu.memory_space<semaphore_mem>>
    %dma_wait3A_1367 = arith.constant 0 : i32
    %dma_wait3A_1368 = arith.constant 0 : i32
    %dma_wait3A_1369 = tpu.memref_slice %arg5[%dma_wait3A_1367, %add3A_1211, %dma_wait3A_1368] : memref<4x4096x1024xf32, #tpu.memory_space<hbm>> -> memref<4x8x1024xf32, #tpu.memory_space<hbm>>
    %dma_wait3A_1370 = arith.constant 0 : i32
    %dma_wait3A_1371 = arith.constant 0 : i32
    %dma_wait3A_1372 = arith.constant 0 : i32
    %dma_wait3A_1373 = tpu.memref_slice %arg8[%dma_wait3A_1355, %dma_wait3A_1370, %dma_wait3A_1371, %dma_wait3A_1372] : memref<3x4x8x1024xf32, #tpu.memory_space<vmem>> -> memref<1x4x8x1024xf32, #tpu.memory_space<vmem>>
    %dma_wait3A_1374 = tpu.memref_squeeze %dma_wait3A_1373 : memref<1x4x8x1024xf32, #tpu.memory_space<vmem>> -> memref<4x8x1024xf32, #tpu.memory_space<vmem>>
    tpu.wait_dma2 semaphore(%dma_wait3A_1366 : memref<!tpu.dma_semaphore, #tpu.memory_space<semaphore_mem>>) src(%dma_wait3A_1374 : memref<4x8x1024xf32, #tpu.memory_space<vmem>>) dst(%dma_wait3A_1369 : memref<4x8x1024xf32, #tpu.memory_space<hbm>>)
    %add3A_1375 = arith.constant 96 : i32
    %add3A_1376 = arith.addi %mul3A_2, %add3A_1375 : i32
    %dma_start3A_1377 = arith.constant 0 : i32
    %dma_start3A_1378 = arith.constant 0 : i32
    %dma_start3A_1379 = arith.constant 0 : i32
    %dma_start3A_1380 = arith.constant 0 : i32
    %dma_start3A_1381 = tpu.memref_slice %arg7[%dma_start3A_1377, %dma_start3A_1379, %dma_start3A_1380] : memref<2x8x1024xf32, #tpu.memory_space<vmem>> -> memref<1x8x1024xf32, #tpu.memory_space<vmem>>
    %dma_start3A_1382 = tpu.memref_squeeze %dma_start3A_1381 : memref<1x8x1024xf32, #tpu.memory_space<vmem>> -> memref<8x1024xf32, #tpu.memory_space<vmem>>
    %dma_start3A_1383 = arith.constant 0 : i32
    %dma_start3A_1384 = tpu.memref_slice %arg3[%add3A_1376, %dma_start3A_1383] : memref<4096x1024xf32, #tpu.memory_space<hbm>> -> memref<8x1024xf32, #tpu.memory_space<hbm>>
    %dma_start3A_1385 = tpu.memref_slice %arg9[%dma_start3A_1378] : memref<2x!tpu.dma_semaphore, #tpu.memory_space<semaphore_mem>> -> memref<1x!tpu.dma_semaphore, #tpu.memory_space<semaphore_mem>>
    %dma_start3A_1386 = tpu.memref_squeeze %dma_start3A_1385 : memref<1x!tpu.dma_semaphore, #tpu.memory_space<semaphore_mem>> -> memref<!tpu.dma_semaphore, #tpu.memory_space<semaphore_mem>>
    %dma_start3A_1387 = arith.constant 0 : i32
    %dma_start3A_1388 = arith.constant 0 : i32
    %dma_start3A_1389 = tpu.memref_slice %arg7[%dma_start3A_1377, %dma_start3A_1387, %dma_start3A_1388] : memref<2x8x1024xf32, #tpu.memory_space<vmem>> -> memref<1x8x1024xf32, #tpu.memory_space<vmem>>
    %dma_start3A_1390 = tpu.memref_squeeze %dma_start3A_1389 : memref<1x8x1024xf32, #tpu.memory_space<vmem>> -> memref<8x1024xf32, #tpu.memory_space<vmem>>
    %dma_start3A_1391 = arith.constant 0 : i32
    %dma_start3A_1392 = tpu.memref_slice %arg3[%add3A_1376, %dma_start3A_1391] : memref<4096x1024xf32, #tpu.memory_space<hbm>> -> memref<8x1024xf32, #tpu.memory_space<hbm>>
    tpu.enqueue_dma source(%dma_start3A_1392 : memref<8x1024xf32, #tpu.memory_space<hbm>>) target(%dma_start3A_1390 : memref<8x1024xf32, #tpu.memory_space<vmem>>) target_semaphore(%dma_start3A_1386 : memref<!tpu.dma_semaphore, #tpu.memory_space<semaphore_mem>>)
    %add3A_1393 = arith.constant 96 : i32
    %add3A_1394 = arith.addi %mul3A_2, %add3A_1393 : i32
    %dma_start3A_1395 = arith.constant 0 : i32
    %dma_start3A_1396 = arith.constant 0 : i32
    %dma_start3A_1397 = arith.constant 0 : i32
    %dma_start3A_1398 = arith.constant 0 : i32
    %dma_start3A_1399 = arith.constant 0 : i32
    %dma_start3A_1400 = tpu.memref_slice %arg8[%dma_start3A_1395, %dma_start3A_1397, %dma_start3A_1398, %dma_start3A_1399] : memref<3x4x8x1024xf32, #tpu.memory_space<vmem>> -> memref<1x4x8x1024xf32, #tpu.memory_space<vmem>>
    %dma_start3A_1401 = tpu.memref_squeeze %dma_start3A_1400 : memref<1x4x8x1024xf32, #tpu.memory_space<vmem>> -> memref<4x8x1024xf32, #tpu.memory_space<vmem>>
    %dma_start3A_1402 = arith.constant 0 : i32
    %dma_start3A_1403 = arith.constant 0 : i32
    %dma_start3A_1404 = tpu.memref_slice %arg2[%dma_start3A_1402, %add3A_1394, %dma_start3A_1403] : memref<4x4096x1024xf32, #tpu.memory_space<hbm>> -> memref<4x8x1024xf32, #tpu.memory_space<hbm>>
    %dma_start3A_1405 = tpu.memref_slice %arg10[%dma_start3A_1396] : memref<3x!tpu.dma_semaphore, #tpu.memory_space<semaphore_mem>> -> memref<1x!tpu.dma_semaphore, #tpu.memory_space<semaphore_mem>>
    %dma_start3A_1406 = tpu.memref_squeeze %dma_start3A_1405 : memref<1x!tpu.dma_semaphore, #tpu.memory_space<semaphore_mem>> -> memref<!tpu.dma_semaphore, #tpu.memory_space<semaphore_mem>>
    %dma_start3A_1407 = arith.constant 0 : i32
    %dma_start3A_1408 = arith.constant 0 : i32
    %dma_start3A_1409 = arith.constant 0 : i32
    %dma_start3A_1410 = tpu.memref_slice %arg8[%dma_start3A_1395, %dma_start3A_1407, %dma_start3A_1408, %dma_start3A_1409] : memref<3x4x8x1024xf32, #tpu.memory_space<vmem>> -> memref<1x4x8x1024xf32, #tpu.memory_space<vmem>>
    %dma_start3A_1411 = tpu.memref_squeeze %dma_start3A_1410 : memref<1x4x8x1024xf32, #tpu.memory_space<vmem>> -> memref<4x8x1024xf32, #tpu.memory_space<vmem>>
    %dma_start3A_1412 = arith.constant 0 : i32
    %dma_start3A_1413 = arith.constant 0 : i32
    %dma_start3A_1414 = tpu.memref_slice %arg2[%dma_start3A_1412, %add3A_1394, %dma_start3A_1413] : memref<4x4096x1024xf32, #tpu.memory_space<hbm>> -> memref<4x8x1024xf32, #tpu.memory_space<hbm>>
    tpu.enqueue_dma source(%dma_start3A_1414 : memref<4x8x1024xf32, #tpu.memory_space<hbm>>) target(%dma_start3A_1411 : memref<4x8x1024xf32, #tpu.memory_space<vmem>>) target_semaphore(%dma_start3A_1406 : memref<!tpu.dma_semaphore, #tpu.memory_space<semaphore_mem>>)
    %dma_wait3A_1415 = arith.constant 1 : i32
    %dma_wait3A_1416 = arith.constant 1 : i32
    %dma_wait3A_1417 = arith.constant 0 : i32
    %dma_wait3A_1418 = arith.constant 0 : i32
    %dma_wait3A_1419 = tpu.memref_slice %arg7[%dma_wait3A_1415, %dma_wait3A_1417, %dma_wait3A_1418] : memref<2x8x1024xf32, #tpu.memory_space<vmem>> -> memref<1x8x1024xf32, #tpu.memory_space<vmem>>
    %dma_wait3A_1420 = tpu.memref_squeeze %dma_wait3A_1419 : memref<1x8x1024xf32, #tpu.memory_space<vmem>> -> memref<8x1024xf32, #tpu.memory_space<vmem>>
    %dma_wait3A_1421 = arith.constant 0 : i32
    %dma_wait3A_1422 = tpu.memref_slice %arg3[%add3A_1253, %dma_wait3A_1421] : memref<4096x1024xf32, #tpu.memory_space<hbm>> -> memref<8x1024xf32, #tpu.memory_space<hbm>>
    %dma_wait3A_1423 = tpu.memref_slice %arg9[%dma_wait3A_1416] : memref<2x!tpu.dma_semaphore, #tpu.memory_space<semaphore_mem>> -> memref<1x!tpu.dma_semaphore, #tpu.memory_space<semaphore_mem>>
    %dma_wait3A_1424 = tpu.memref_squeeze %dma_wait3A_1423 : memref<1x!tpu.dma_semaphore, #tpu.memory_space<semaphore_mem>> -> memref<!tpu.dma_semaphore, #tpu.memory_space<semaphore_mem>>
    %dma_wait3A_1425 = arith.constant 0 : i32
    %dma_wait3A_1426 = arith.constant 0 : i32
    %dma_wait3A_1427 = tpu.memref_slice %arg7[%dma_wait3A_1415, %dma_wait3A_1425, %dma_wait3A_1426] : memref<2x8x1024xf32, #tpu.memory_space<vmem>> -> memref<1x8x1024xf32, #tpu.memory_space<vmem>>
    %dma_wait3A_1428 = tpu.memref_squeeze %dma_wait3A_1427 : memref<1x8x1024xf32, #tpu.memory_space<vmem>> -> memref<8x1024xf32, #tpu.memory_space<vmem>>
    %dma_wait3A_1429 = arith.constant 0 : i32
    %dma_wait3A_1430 = tpu.memref_slice %arg3[%add3A_1253, %dma_wait3A_1429] : memref<4096x1024xf32, #tpu.memory_space<hbm>> -> memref<8x1024xf32, #tpu.memory_space<hbm>>
    tpu.wait_dma2 semaphore(%dma_wait3A_1424 : memref<!tpu.dma_semaphore, #tpu.memory_space<semaphore_mem>>) src(%dma_wait3A_1430 : memref<8x1024xf32, #tpu.memory_space<hbm>>) dst(%dma_wait3A_1428 : memref<8x1024xf32, #tpu.memory_space<vmem>>)
    %dma_wait3A_1431 = arith.constant 2 : i32
    %dma_wait3A_1432 = arith.constant 2 : i32
    %dma_wait3A_1433 = arith.constant 0 : i32
    %dma_wait3A_1434 = arith.constant 0 : i32
    %dma_wait3A_1435 = arith.constant 0 : i32
    %dma_wait3A_1436 = tpu.memref_slice %arg8[%dma_wait3A_1431, %dma_wait3A_1433, %dma_wait3A_1434, %dma_wait3A_1435] : memref<3x4x8x1024xf32, #tpu.memory_space<vmem>> -> memref<1x4x8x1024xf32, #tpu.memory_space<vmem>>
    %dma_wait3A_1437 = tpu.memref_squeeze %dma_wait3A_1436 : memref<1x4x8x1024xf32, #tpu.memory_space<vmem>> -> memref<4x8x1024xf32, #tpu.memory_space<vmem>>
    %dma_wait3A_1438 = arith.constant 0 : i32
    %dma_wait3A_1439 = arith.constant 0 : i32
    %dma_wait3A_1440 = tpu.memref_slice %arg2[%dma_wait3A_1438, %add3A_1271, %dma_wait3A_1439] : memref<4x4096x1024xf32, #tpu.memory_space<hbm>> -> memref<4x8x1024xf32, #tpu.memory_space<hbm>>
    %dma_wait3A_1441 = tpu.memref_slice %arg10[%dma_wait3A_1432] : memref<3x!tpu.dma_semaphore, #tpu.memory_space<semaphore_mem>> -> memref<1x!tpu.dma_semaphore, #tpu.memory_space<semaphore_mem>>
    %dma_wait3A_1442 = tpu.memref_squeeze %dma_wait3A_1441 : memref<1x!tpu.dma_semaphore, #tpu.memory_space<semaphore_mem>> -> memref<!tpu.dma_semaphore, #tpu.memory_space<semaphore_mem>>
    %dma_wait3A_1443 = arith.constant 0 : i32
    %dma_wait3A_1444 = arith.constant 0 : i32
    %dma_wait3A_1445 = arith.constant 0 : i32
    %dma_wait3A_1446 = tpu.memref_slice %arg8[%dma_wait3A_1431, %dma_wait3A_1443, %dma_wait3A_1444, %dma_wait3A_1445] : memref<3x4x8x1024xf32, #tpu.memory_space<vmem>> -> memref<1x4x8x1024xf32, #tpu.memory_space<vmem>>
    %dma_wait3A_1447 = tpu.memref_squeeze %dma_wait3A_1446 : memref<1x4x8x1024xf32, #tpu.memory_space<vmem>> -> memref<4x8x1024xf32, #tpu.memory_space<vmem>>
    %dma_wait3A_1448 = arith.constant 0 : i32
    %dma_wait3A_1449 = arith.constant 0 : i32
    %dma_wait3A_1450 = tpu.memref_slice %arg2[%dma_wait3A_1448, %add3A_1271, %dma_wait3A_1449] : memref<4x4096x1024xf32, #tpu.memory_space<hbm>> -> memref<4x8x1024xf32, #tpu.memory_space<hbm>>
    tpu.wait_dma2 semaphore(%dma_wait3A_1442 : memref<!tpu.dma_semaphore, #tpu.memory_space<semaphore_mem>>) src(%dma_wait3A_1450 : memref<4x8x1024xf32, #tpu.memory_space<hbm>>) dst(%dma_wait3A_1447 : memref<4x8x1024xf32, #tpu.memory_space<vmem>>)
    %scan3A_1451 = arith.constant 0 : i32
    %scan3A_1452 = arith.constant 8 : i32
    %scan3A_1453 = arith.addi %scan3A_1451, %scan3A_1452 : i32
    %scan3A_1454 = arith.constant 1 : i32
    scf.for %scan3A_1970 = %scan3A_1451 to %scan3A_1453 step %scan3A_1454  : i32 {
      %mul3A_1971 = arith.constant 1 : i32
      %mul3A_1972 = arith.muli %scan3A_1970, %mul3A_1971 : i32
      %add3A_1973 = arith.constant 0 : i32
      %add3A_1974 = arith.addi %add3A_1973, %mul3A_1972 : i32
      %parallel_loop3A = arith.constant 0 : i32
      %parallel_loop3A_1975 = arith.constant 64 : i32
      %parallel_loop3A_1976 = arith.constant 1 : i32
      scf.for %parallel_loop3A_1977 = %parallel_loop3A to %parallel_loop3A_1975 step %parallel_loop3A_1976  : i32 {
        %parallel_loop3A_1978 = arith.constant 16 : i32
        %parallel_loop3A_1979 = arith.muli %parallel_loop3A_1977, %parallel_loop3A_1978 : i32
        %parallel_loop3A_1980 = arith.constant 1 : i32
        %parallel_loop3A_1981 = arith.index_cast %parallel_loop3A_1980 : i32 to index
        %parallel_loop3A_1982 = arith.index_cast %add3A_1974 : i32 to index
        %parallel_loop3A_1983 = arith.index_cast %parallel_loop3A_1979 : i32 to index
        %parallel_loop3A_1984 = tpu.vector_load %arg7[%parallel_loop3A_1981, %parallel_loop3A_1982, %parallel_loop3A_1983] {strides = array<i32>} : memref<2x8x1024xf32, #tpu.memory_space<vmem>>, vector<1x1x16xf32>,
        %parallel_loop3A_1985 = vector.shape_cast %parallel_loop3A_1984 : vector<1x1x16xf32> to vector<16xf32>
        %parallel_loop3A_1986 = arith.mulf %get3A_4, %parallel_loop3A_1985 : vector<16xf32>
        %parallel_loop3A_1987 = arith.constant 2 : i32
        %parallel_loop3A_1988 = arith.constant 0 : i32
        %parallel_loop3A_1989 = arith.index_cast %parallel_loop3A_1987 : i32 to index
        %parallel_loop3A_1990 = arith.index_cast %parallel_loop3A_1988 : i32 to index
        %parallel_loop3A_1991 = arith.index_cast %add3A_1974 : i32 to index
        %parallel_loop3A_1992 = arith.index_cast %parallel_loop3A_1979 : i32 to index
        %parallel_loop3A_1993 = tpu.vector_load %arg8[%parallel_loop3A_1989, %parallel_loop3A_1990, %parallel_loop3A_1991, %parallel_loop3A_1992] {strides = array<i32>} : memref<3x4x8x1024xf32, #tpu.memory_space<vmem>>, vector<1x1x1x16xf32>,
        %parallel_loop3A_1994 = vector.shape_cast %parallel_loop3A_1993 : vector<1x1x1x16xf32> to vector<16xf32>
        %parallel_loop3A_1995 = vector.shape_cast %parallel_loop3A_1986 : vector<16xf32> to vector<1x1x1x16xf32>
        tpu.vector_store %arg8[%parallel_loop3A_1989, %parallel_loop3A_1990, %parallel_loop3A_1991, %parallel_loop3A_1992], %parallel_loop3A_1995 {add = true, strides = array<i32>} : memref<3x4x8x1024xf32, #tpu.memory_space<vmem>>, vector<1x1x1x16xf32>,
        %parallel_loop3A_1996 = arith.constant 2 : i32
        %parallel_loop3A_1997 = arith.constant 1 : i32
        %parallel_loop3A_1998 = arith.index_cast %parallel_loop3A_1996 : i32 to index
        %parallel_loop3A_1999 = arith.index_cast %parallel_loop3A_1997 : i32 to index
        %parallel_loop3A_2000 = arith.index_cast %add3A_1974 : i32 to index
        %parallel_loop3A_2001 = arith.index_cast %parallel_loop3A_1979 : i32 to index
        %parallel_loop3A_2002 = tpu.vector_load %arg8[%parallel_loop3A_1998, %parallel_loop3A_1999, %parallel_loop3A_2000, %parallel_loop3A_2001] {strides = array<i32>} : memref<3x4x8x1024xf32, #tpu.memory_space<vmem>>, vector<1x1x1x16xf32>,
        %parallel_loop3A_2003 = vector.shape_cast %parallel_loop3A_2002 : vector<1x1x1x16xf32> to vector<16xf32>
        %parallel_loop3A_2004 = vector.shape_cast %parallel_loop3A_1986 : vector<16xf32> to vector<1x1x1x16xf32>
        tpu.vector_store %arg8[%parallel_loop3A_1998, %parallel_loop3A_1999, %parallel_loop3A_2000, %parallel_loop3A_2001], %parallel_loop3A_2004 {add = true, strides = array<i32>} : memref<3x4x8x1024xf32, #tpu.memory_space<vmem>>, vector<1x1x1x16xf32>,
        %parallel_loop3A_2005 = arith.constant 2 : i32
        %parallel_loop3A_2006 = arith.constant 2 : i32
        %parallel_loop3A_2007 = arith.index_cast %parallel_loop3A_2005 : i32 to index
        %parallel_loop3A_2008 = arith.index_cast %parallel_loop3A_2006 : i32 to index
        %parallel_loop3A_2009 = arith.index_cast %add3A_1974 : i32 to index
        %parallel_loop3A_2010 = arith.index_cast %parallel_loop3A_1979 : i32 to index
        %parallel_loop3A_2011 = tpu.vector_load %arg8[%parallel_loop3A_2007, %parallel_loop3A_2008, %parallel_loop3A_2009, %parallel_loop3A_2010] {strides = array<i32>} : memref<3x4x8x1024xf32, #tpu.memory_space<vmem>>, vector<1x1x1x16xf32>,
        %parallel_loop3A_2012 = vector.shape_cast %parallel_loop3A_2011 : vector<1x1x1x16xf32> to vector<16xf32>
        %parallel_loop3A_2013 = vector.shape_cast %parallel_loop3A_1986 : vector<16xf32> to vector<1x1x1x16xf32>
        tpu.vector_store %arg8[%parallel_loop3A_2007, %parallel_loop3A_2008, %parallel_loop3A_2009, %parallel_loop3A_2010], %parallel_loop3A_2013 {add = true, strides = array<i32>} : memref<3x4x8x1024xf32, #tpu.memory_space<vmem>>, vector<1x1x1x16xf32>,
        %parallel_loop3A_2014 = arith.constant 2 : i32
        %parallel_loop3A_2015 = arith.constant 3 : i32
        %parallel_loop3A_2016 = arith.index_cast %parallel_loop3A_2014 : i32 to index
        %parallel_loop3A_2017 = arith.index_cast %parallel_loop3A_2015 : i32 to index
        %parallel_loop3A_2018 = arith.index_cast %add3A_1974 : i32 to index
        %parallel_loop3A_2019 = arith.index_cast %parallel_loop3A_1979 : i32 to index
        %parallel_loop3A_2020 = tpu.vector_load %arg8[%parallel_loop3A_2016, %parallel_loop3A_2017, %parallel_loop3A_2018, %parallel_loop3A_2019] {strides = array<i32>} : memref<3x4x8x1024xf32, #tpu.memory_space<vmem>>, vector<1x1x1x16xf32>,
        %parallel_loop3A_2021 = vector.shape_cast %parallel_loop3A_2020 : vector<1x1x1x16xf32> to vector<16xf32>
        %parallel_loop3A_2022 = vector.shape_cast %parallel_loop3A_1986 : vector<16xf32> to vector<1x1x1x16xf32>
        tpu.vector_store %arg8[%parallel_loop3A_2016, %parallel_loop3A_2017, %parallel_loop3A_2018, %parallel_loop3A_2019], %parallel_loop3A_2022 {add = true, strides = array<i32>} : memref<3x4x8x1024xf32, #tpu.memory_space<vmem>>, vector<1x1x1x16xf32>,
      } {sc.loop_unroll_factor = 8 : i64, sc.parallel_access}
    }
    %scan3A_1455 = arith.constant 8 : i32
    %add3A_1456 = arith.constant 88 : i32
    %add3A_1457 = arith.addi %mul3A_2, %add3A_1456 : i32
    %dma_start3A_1458 = arith.constant 2 : i32
    %dma_start3A_1459 = arith.constant 2 : i32
    %dma_start3A_1460 = arith.constant 0 : i32
    %dma_start3A_1461 = arith.constant 0 : i32
    %dma_start3A_1462 = arith.constant 0 : i32
    %dma_start3A_1463 = tpu.memref_slice %arg8[%dma_start3A_1458, %dma_start3A_1460, %dma_start3A_1461, %dma_start3A_1462] : memref<3x4x8x1024xf32, #tpu.memory_space<vmem>> -> memref<1x4x8x1024xf32, #tpu.memory_space<vmem>>
    %dma_start3A_1464 = tpu.memref_squeeze %dma_start3A_1463 : memref<1x4x8x1024xf32, #tpu.memory_space<vmem>> -> memref<4x8x1024xf32, #tpu.memory_space<vmem>>
    %dma_start3A_1465 = arith.constant 0 : i32
    %dma_start3A_1466 = arith.constant 0 : i32
    %dma_start3A_1467 = tpu.memref_slice %arg5[%dma_start3A_1465, %add3A_1457, %dma_start3A_1466] : memref<4x4096x1024xf32, #tpu.memory_space<hbm>> -> memref<4x8x1024xf32, #tpu.memory_space<hbm>>
    %dma_start3A_1468 = tpu.memref_slice %arg11[%dma_start3A_1459] : memref<3x!tpu.dma_semaphore, #tpu.memory_space<semaphore_mem>> -> memref<1x!tpu.dma_semaphore, #tpu.memory_space<semaphore_mem>>
    %dma_start3A_1469 = tpu.memref_squeeze %dma_start3A_1468 : memref<1x!tpu.dma_semaphore, #tpu.memory_space<semaphore_mem>> -> memref<!tpu.dma_semaphore, #tpu.memory_space<semaphore_mem>>
    %dma_start3A_1470 = arith.constant 0 : i32
    %dma_start3A_1471 = arith.constant 0 : i32
    %dma_start3A_1472 = tpu.memref_slice %arg5[%dma_start3A_1470, %add3A_1457, %dma_start3A_1471] : memref<4x4096x1024xf32, #tpu.memory_space<hbm>> -> memref<4x8x1024xf32, #tpu.memory_space<hbm>>
    %dma_start3A_1473 = arith.constant 0 : i32
    %dma_start3A_1474 = arith.constant 0 : i32
    %dma_start3A_1475 = arith.constant 0 : i32
    %dma_start3A_1476 = tpu.memref_slice %arg8[%dma_start3A_1458, %dma_start3A_1473, %dma_start3A_1474, %dma_start3A_1475] : memref<3x4x8x1024xf32, #tpu.memory_space<vmem>> -> memref<1x4x8x1024xf32, #tpu.memory_space<vmem>>
    %dma_start3A_1477 = tpu.memref_squeeze %dma_start3A_1476 : memref<1x4x8x1024xf32, #tpu.memory_space<vmem>> -> memref<4x8x1024xf32, #tpu.memory_space<vmem>>
    tpu.enqueue_dma source(%dma_start3A_1477 : memref<4x8x1024xf32, #tpu.memory_space<vmem>>) target(%dma_start3A_1472 : memref<4x8x1024xf32, #tpu.memory_space<hbm>>) target_semaphore(%dma_start3A_1469 : memref<!tpu.dma_semaphore, #tpu.memory_space<semaphore_mem>>)
    %dma_wait3A_1478 = arith.constant 1 : i32
    %dma_wait3A_1479 = arith.constant 1 : i32
    %dma_wait3A_1480 = arith.constant 0 : i32
    %dma_wait3A_1481 = arith.constant 0 : i32
    %dma_wait3A_1482 = arith.constant 0 : i32
    %dma_wait3A_1483 = tpu.memref_slice %arg8[%dma_wait3A_1478, %dma_wait3A_1480, %dma_wait3A_1481, %dma_wait3A_1482] : memref<3x4x8x1024xf32, #tpu.memory_space<vmem>> -> memref<1x4x8x1024xf32, #tpu.memory_space<vmem>>
    %dma_wait3A_1484 = tpu.memref_squeeze %dma_wait3A_1483 : memref<1x4x8x1024xf32, #tpu.memory_space<vmem>> -> memref<4x8x1024xf32, #tpu.memory_space<vmem>>
    %dma_wait3A_1485 = arith.constant 0 : i32
    %dma_wait3A_1486 = arith.constant 0 : i32
    %dma_wait3A_1487 = tpu.memref_slice %arg5[%dma_wait3A_1485, %add3A_1334, %dma_wait3A_1486] : memref<4x4096x1024xf32, #tpu.memory_space<hbm>> -> memref<4x8x1024xf32, #tpu.memory_space<hbm>>
    %dma_wait3A_1488 = tpu.memref_slice %arg11[%dma_wait3A_1479] : memref<3x!tpu.dma_semaphore, #tpu.memory_space<semaphore_mem>> -> memref<1x!tpu.dma_semaphore, #tpu.memory_space<semaphore_mem>>
    %dma_wait3A_1489 = tpu.memref_squeeze %dma_wait3A_1488 : memref<1x!tpu.dma_semaphore, #tpu.memory_space<semaphore_mem>> -> memref<!tpu.dma_semaphore, #tpu.memory_space<semaphore_mem>>
    %dma_wait3A_1490 = arith.constant 0 : i32
    %dma_wait3A_1491 = arith.constant 0 : i32
    %dma_wait3A_1492 = tpu.memref_slice %arg5[%dma_wait3A_1490, %add3A_1334, %dma_wait3A_1491] : memref<4x4096x1024xf32, #tpu.memory_space<hbm>> -> memref<4x8x1024xf32, #tpu.memory_space<hbm>>
    %dma_wait3A_1493 = arith.constant 0 : i32
    %dma_wait3A_1494 = arith.constant 0 : i32
    %dma_wait3A_1495 = arith.constant 0 : i32
    %dma_wait3A_1496 = tpu.memref_slice %arg8[%dma_wait3A_1478, %dma_wait3A_1493, %dma_wait3A_1494, %dma_wait3A_1495] : memref<3x4x8x1024xf32, #tpu.memory_space<vmem>> -> memref<1x4x8x1024xf32, #tpu.memory_space<vmem>>
    %dma_wait3A_1497 = tpu.memref_squeeze %dma_wait3A_1496 : memref<1x4x8x1024xf32, #tpu.memory_space<vmem>> -> memref<4x8x1024xf32, #tpu.memory_space<vmem>>
    tpu.wait_dma2 semaphore(%dma_wait3A_1489 : memref<!tpu.dma_semaphore, #tpu.memory_space<semaphore_mem>>) src(%dma_wait3A_1497 : memref<4x8x1024xf32, #tpu.memory_space<vmem>>) dst(%dma_wait3A_1492 : memref<4x8x1024xf32, #tpu.memory_space<hbm>>)
    %add3A_1498 = arith.constant 104 : i32
    %add3A_1499 = arith.addi %mul3A_2, %add3A_1498 : i32
    %dma_start3A_1500 = arith.constant 1 : i32
    %dma_start3A_1501 = arith.constant 1 : i32
    %dma_start3A_1502 = arith.constant 0 : i32
    %dma_start3A_1503 = arith.constant 0 : i32
    %dma_start3A_1504 = tpu.memref_slice %arg7[%dma_start3A_1500, %dma_start3A_1502, %dma_start3A_1503] : memref<2x8x1024xf32, #tpu.memory_space<vmem>> -> memref<1x8x1024xf32, #tpu.memory_space<vmem>>
    %dma_start3A_1505 = tpu.memref_squeeze %dma_start3A_1504 : memref<1x8x1024xf32, #tpu.memory_space<vmem>> -> memref<8x1024xf32, #tpu.memory_space<vmem>>
    %dma_start3A_1506 = arith.constant 0 : i32
    %dma_start3A_1507 = tpu.memref_slice %arg3[%add3A_1499, %dma_start3A_1506] : memref<4096x1024xf32, #tpu.memory_space<hbm>> -> memref<8x1024xf32, #tpu.memory_space<hbm>>
    %dma_start3A_1508 = tpu.memref_slice %arg9[%dma_start3A_1501] : memref<2x!tpu.dma_semaphore, #tpu.memory_space<semaphore_mem>> -> memref<1x!tpu.dma_semaphore, #tpu.memory_space<semaphore_mem>>
    %dma_start3A_1509 = tpu.memref_squeeze %dma_start3A_1508 : memref<1x!tpu.dma_semaphore, #tpu.memory_space<semaphore_mem>> -> memref<!tpu.dma_semaphore, #tpu.memory_space<semaphore_mem>>
    %dma_start3A_1510 = arith.constant 0 : i32
    %dma_start3A_1511 = arith.constant 0 : i32
    %dma_start3A_1512 = tpu.memref_slice %arg7[%dma_start3A_1500, %dma_start3A_1510, %dma_start3A_1511] : memref<2x8x1024xf32, #tpu.memory_space<vmem>> -> memref<1x8x1024xf32, #tpu.memory_space<vmem>>
    %dma_start3A_1513 = tpu.memref_squeeze %dma_start3A_1512 : memref<1x8x1024xf32, #tpu.memory_space<vmem>> -> memref<8x1024xf32, #tpu.memory_space<vmem>>
    %dma_start3A_1514 = arith.constant 0 : i32
    %dma_start3A_1515 = tpu.memref_slice %arg3[%add3A_1499, %dma_start3A_1514] : memref<4096x1024xf32, #tpu.memory_space<hbm>> -> memref<8x1024xf32, #tpu.memory_space<hbm>>
    tpu.enqueue_dma source(%dma_start3A_1515 : memref<8x1024xf32, #tpu.memory_space<hbm>>) target(%dma_start3A_1513 : memref<8x1024xf32, #tpu.memory_space<vmem>>) target_semaphore(%dma_start3A_1509 : memref<!tpu.dma_semaphore, #tpu.memory_space<semaphore_mem>>)
    %add3A_1516 = arith.constant 104 : i32
    %add3A_1517 = arith.addi %mul3A_2, %add3A_1516 : i32
    %dma_start3A_1518 = arith.constant 1 : i32
    %dma_start3A_1519 = arith.constant 1 : i32
    %dma_start3A_1520 = arith.constant 0 : i32
    %dma_start3A_1521 = arith.constant 0 : i32
    %dma_start3A_1522 = arith.constant 0 : i32
    %dma_start3A_1523 = tpu.memref_slice %arg8[%dma_start3A_1518, %dma_start3A_1520, %dma_start3A_1521, %dma_start3A_1522] : memref<3x4x8x1024xf32, #tpu.memory_space<vmem>> -> memref<1x4x8x1024xf32, #tpu.memory_space<vmem>>
    %dma_start3A_1524 = tpu.memref_squeeze %dma_start3A_1523 : memref<1x4x8x1024xf32, #tpu.memory_space<vmem>> -> memref<4x8x1024xf32, #tpu.memory_space<vmem>>
    %dma_start3A_1525 = arith.constant 0 : i32
    %dma_start3A_1526 = arith.constant 0 : i32
    %dma_start3A_1527 = tpu.memref_slice %arg2[%dma_start3A_1525, %add3A_1517, %dma_start3A_1526] : memref<4x4096x1024xf32, #tpu.memory_space<hbm>> -> memref<4x8x1024xf32, #tpu.memory_space<hbm>>
    %dma_start3A_1528 = tpu.memref_slice %arg10[%dma_start3A_1519] : memref<3x!tpu.dma_semaphore, #tpu.memory_space<semaphore_mem>> -> memref<1x!tpu.dma_semaphore, #tpu.memory_space<semaphore_mem>>
    %dma_start3A_1529 = tpu.memref_squeeze %dma_start3A_1528 : memref<1x!tpu.dma_semaphore, #tpu.memory_space<semaphore_mem>> -> memref<!tpu.dma_semaphore, #tpu.memory_space<semaphore_mem>>
    %dma_start3A_1530 = arith.constant 0 : i32
    %dma_start3A_1531 = arith.constant 0 : i32
    %dma_start3A_1532 = arith.constant 0 : i32
    %dma_start3A_1533 = tpu.memref_slice %arg8[%dma_start3A_1518, %dma_start3A_1530, %dma_start3A_1531, %dma_start3A_1532] : memref<3x4x8x1024xf32, #tpu.memory_space<vmem>> -> memref<1x4x8x1024xf32, #tpu.memory_space<vmem>>
    %dma_start3A_1534 = tpu.memref_squeeze %dma_start3A_1533 : memref<1x4x8x1024xf32, #tpu.memory_space<vmem>> -> memref<4x8x1024xf32, #tpu.memory_space<vmem>>
    %dma_start3A_1535 = arith.constant 0 : i32
    %dma_start3A_1536 = arith.constant 0 : i32
    %dma_start3A_1537 = tpu.memref_slice %arg2[%dma_start3A_1535, %add3A_1517, %dma_start3A_1536] : memref<4x4096x1024xf32, #tpu.memory_space<hbm>> -> memref<4x8x1024xf32, #tpu.memory_space<hbm>>
    tpu.enqueue_dma source(%dma_start3A_1537 : memref<4x8x1024xf32, #tpu.memory_space<hbm>>) target(%dma_start3A_1534 : memref<4x8x1024xf32, #tpu.memory_space<vmem>>) target_semaphore(%dma_start3A_1529 : memref<!tpu.dma_semaphore, #tpu.memory_space<semaphore_mem>>)
    %dma_wait3A_1538 = arith.constant 0 : i32
    %dma_wait3A_1539 = arith.constant 0 : i32
    %dma_wait3A_1540 = arith.constant 0 : i32
    %dma_wait3A_1541 = arith.constant 0 : i32
    %dma_wait3A_1542 = tpu.memref_slice %arg7[%dma_wait3A_1538, %dma_wait3A_1540, %dma_wait3A_1541] : memref<2x8x1024xf32, #tpu.memory_space<vmem>> -> memref<1x8x1024xf32, #tpu.memory_space<vmem>>
    %dma_wait3A_1543 = tpu.memref_squeeze %dma_wait3A_1542 : memref<1x8x1024xf32, #tpu.memory_space<vmem>> -> memref<8x1024xf32, #tpu.memory_space<vmem>>
    %dma_wait3A_1544 = arith.constant 0 : i32
    %dma_wait3A_1545 = tpu.memref_slice %arg3[%add3A_1376, %dma_wait3A_1544] : memref<4096x1024xf32, #tpu.memory_space<hbm>> -> memref<8x1024xf32, #tpu.memory_space<hbm>>
    %dma_wait3A_1546 = tpu.memref_slice %arg9[%dma_wait3A_1539] : memref<2x!tpu.dma_semaphore, #tpu.memory_space<semaphore_mem>> -> memref<1x!tpu.dma_semaphore, #tpu.memory_space<semaphore_mem>>
    %dma_wait3A_1547 = tpu.memref_squeeze %dma_wait3A_1546 : memref<1x!tpu.dma_semaphore, #tpu.memory_space<semaphore_mem>> -> memref<!tpu.dma_semaphore, #tpu.memory_space<semaphore_mem>>
    %dma_wait3A_1548 = arith.constant 0 : i32
    %dma_wait3A_1549 = arith.constant 0 : i32
    %dma_wait3A_1550 = tpu.memref_slice %arg7[%dma_wait3A_1538, %dma_wait3A_1548, %dma_wait3A_1549] : memref<2x8x1024xf32, #tpu.memory_space<vmem>> -> memref<1x8x1024xf32, #tpu.memory_space<vmem>>
    %dma_wait3A_1551 = tpu.memref_squeeze %dma_wait3A_1550 : memref<1x8x1024xf32, #tpu.memory_space<vmem>> -> memref<8x1024xf32, #tpu.memory_space<vmem>>
    %dma_wait3A_1552 = arith.constant 0 : i32
    %dma_wait3A_1553 = tpu.memref_slice %arg3[%add3A_1376, %dma_wait3A_1552] : memref<4096x1024xf32, #tpu.memory_space<hbm>> -> memref<8x1024xf32, #tpu.memory_space<hbm>>
    tpu.wait_dma2 semaphore(%dma_wait3A_1547 : memref<!tpu.dma_semaphore, #tpu.memory_space<semaphore_mem>>) src(%dma_wait3A_1553 : memref<8x1024xf32, #tpu.memory_space<hbm>>) dst(%dma_wait3A_1551 : memref<8x1024xf32, #tpu.memory_space<vmem>>)
    %dma_wait3A_1554 = arith.constant 0 : i32
    %dma_wait3A_1555 = arith.constant 0 : i32
    %dma_wait3A_1556 = arith.constant 0 : i32
    %dma_wait3A_1557 = arith.constant 0 : i32
    %dma_wait3A_1558 = arith.constant 0 : i32
    %dma_wait3A_1559 = tpu.memref_slice %arg8[%dma_wait3A_1554, %dma_wait3A_1556, %dma_wait3A_1557, %dma_wait3A_1558] : memref<3x4x8x1024xf32, #tpu.memory_space<vmem>> -> memref<1x4x8x1024xf32, #tpu.memory_space<vmem>>
    %dma_wait3A_1560 = tpu.memref_squeeze %dma_wait3A_1559 : memref<1x4x8x1024xf32, #tpu.memory_space<vmem>> -> memref<4x8x1024xf32, #tpu.memory_space<vmem>>
    %dma_wait3A_1561 = arith.constant 0 : i32
    %dma_wait3A_1562 = arith.constant 0 : i32
    %dma_wait3A_1563 = tpu.memref_slice %arg2[%dma_wait3A_1561, %add3A_1394, %dma_wait3A_1562] : memref<4x4096x1024xf32, #tpu.memory_space<hbm>> -> memref<4x8x1024xf32, #tpu.memory_space<hbm>>
    %dma_wait3A_1564 = tpu.memref_slice %arg10[%dma_wait3A_1555] : memref<3x!tpu.dma_semaphore, #tpu.memory_space<semaphore_mem>> -> memref<1x!tpu.dma_semaphore, #tpu.memory_space<semaphore_mem>>
    %dma_wait3A_1565 = tpu.memref_squeeze %dma_wait3A_1564 : memref<1x!tpu.dma_semaphore, #tpu.memory_space<semaphore_mem>> -> memref<!tpu.dma_semaphore, #tpu.memory_space<semaphore_mem>>
    %dma_wait3A_1566 = arith.constant 0 : i32
    %dma_wait3A_1567 = arith.constant 0 : i32
    %dma_wait3A_1568 = arith.constant 0 : i32
    %dma_wait3A_1569 = tpu.memref_slice %arg8[%dma_wait3A_1554, %dma_wait3A_1566, %dma_wait3A_1567, %dma_wait3A_1568] : memref<3x4x8x1024xf32, #tpu.memory_space<vmem>> -> memref<1x4x8x1024xf32, #tpu.memory_space<vmem>>
    %dma_wait3A_1570 = tpu.memref_squeeze %dma_wait3A_1569 : memref<1x4x8x1024xf32, #tpu.memory_space<vmem>> -> memref<4x8x1024xf32, #tpu.memory_space<vmem>>
    %dma_wait3A_1571 = arith.constant 0 : i32
    %dma_wait3A_1572 = arith.constant 0 : i32
    %dma_wait3A_1573 = tpu.memref_slice %arg2[%dma_wait3A_1571, %add3A_1394, %dma_wait3A_1572] : memref<4x4096x1024xf32, #tpu.memory_space<hbm>> -> memref<4x8x1024xf32, #tpu.memory_space<hbm>>
    tpu.wait_dma2 semaphore(%dma_wait3A_1565 : memref<!tpu.dma_semaphore, #tpu.memory_space<semaphore_mem>>) src(%dma_wait3A_1573 : memref<4x8x1024xf32, #tpu.memory_space<hbm>>) dst(%dma_wait3A_1570 : memref<4x8x1024xf32, #tpu.memory_space<vmem>>)
    %scan3A_1574 = arith.constant 0 : i32
    %scan3A_1575 = arith.constant 8 : i32
    %scan3A_1576 = arith.addi %scan3A_1574, %scan3A_1575 : i32
    %scan3A_1577 = arith.constant 1 : i32
    scf.for %scan3A_1970 = %scan3A_1574 to %scan3A_1576 step %scan3A_1577  : i32 {
      %mul3A_1971 = arith.constant 1 : i32
      %mul3A_1972 = arith.muli %scan3A_1970, %mul3A_1971 : i32
      %add3A_1973 = arith.constant 0 : i32
      %add3A_1974 = arith.addi %add3A_1973, %mul3A_1972 : i32
      %parallel_loop3A = arith.constant 0 : i32
      %parallel_loop3A_1975 = arith.constant 64 : i32
      %parallel_loop3A_1976 = arith.constant 1 : i32
      scf.for %parallel_loop3A_1977 = %parallel_loop3A to %parallel_loop3A_1975 step %parallel_loop3A_1976  : i32 {
        %parallel_loop3A_1978 = arith.constant 16 : i32
        %parallel_loop3A_1979 = arith.muli %parallel_loop3A_1977, %parallel_loop3A_1978 : i32
        %parallel_loop3A_1980 = arith.constant 0 : i32
        %parallel_loop3A_1981 = arith.index_cast %parallel_loop3A_1980 : i32 to index
        %parallel_loop3A_1982 = arith.index_cast %add3A_1974 : i32 to index
        %parallel_loop3A_1983 = arith.index_cast %parallel_loop3A_1979 : i32 to index
        %parallel_loop3A_1984 = tpu.vector_load %arg7[%parallel_loop3A_1981, %parallel_loop3A_1982, %parallel_loop3A_1983] {strides = array<i32>} : memref<2x8x1024xf32, #tpu.memory_space<vmem>>, vector<1x1x16xf32>,
        %parallel_loop3A_1985 = vector.shape_cast %parallel_loop3A_1984 : vector<1x1x16xf32> to vector<16xf32>
        %parallel_loop3A_1986 = arith.mulf %get3A_4, %parallel_loop3A_1985 : vector<16xf32>
        %parallel_loop3A_1987 = arith.constant 0 : i32
        %parallel_loop3A_1988 = arith.constant 0 : i32
        %parallel_loop3A_1989 = arith.index_cast %parallel_loop3A_1987 : i32 to index
        %parallel_loop3A_1990 = arith.index_cast %parallel_loop3A_1988 : i32 to index
        %parallel_loop3A_1991 = arith.index_cast %add3A_1974 : i32 to index
        %parallel_loop3A_1992 = arith.index_cast %parallel_loop3A_1979 : i32 to index
        %parallel_loop3A_1993 = tpu.vector_load %arg8[%parallel_loop3A_1989, %parallel_loop3A_1990, %parallel_loop3A_1991, %parallel_loop3A_1992] {strides = array<i32>} : memref<3x4x8x1024xf32, #tpu.memory_space<vmem>>, vector<1x1x1x16xf32>,
        %parallel_loop3A_1994 = vector.shape_cast %parallel_loop3A_1993 : vector<1x1x1x16xf32> to vector<16xf32>
        %parallel_loop3A_1995 = vector.shape_cast %parallel_loop3A_1986 : vector<16xf32> to vector<1x1x1x16xf32>
        tpu.vector_store %arg8[%parallel_loop3A_1989, %parallel_loop3A_1990, %parallel_loop3A_1991, %parallel_loop3A_1992], %parallel_loop3A_1995 {add = true, strides = array<i32>} : memref<3x4x8x1024xf32, #tpu.memory_space<vmem>>, vector<1x1x1x16xf32>,
        %parallel_loop3A_1996 = arith.constant 0 : i32
        %parallel_loop3A_1997 = arith.constant 1 : i32
        %parallel_loop3A_1998 = arith.index_cast %parallel_loop3A_1996 : i32 to index
        %parallel_loop3A_1999 = arith.index_cast %parallel_loop3A_1997 : i32 to index
        %parallel_loop3A_2000 = arith.index_cast %add3A_1974 : i32 to index
        %parallel_loop3A_2001 = arith.index_cast %parallel_loop3A_1979 : i32 to index
        %parallel_loop3A_2002 = tpu.vector_load %arg8[%parallel_loop3A_1998, %parallel_loop3A_1999, %parallel_loop3A_2000, %parallel_loop3A_2001] {strides = array<i32>} : memref<3x4x8x1024xf32, #tpu.memory_space<vmem>>, vector<1x1x1x16xf32>,
        %parallel_loop3A_2003 = vector.shape_cast %parallel_loop3A_2002 : vector<1x1x1x16xf32> to vector<16xf32>
        %parallel_loop3A_2004 = vector.shape_cast %parallel_loop3A_1986 : vector<16xf32> to vector<1x1x1x16xf32>
        tpu.vector_store %arg8[%parallel_loop3A_1998, %parallel_loop3A_1999, %parallel_loop3A_2000, %parallel_loop3A_2001], %parallel_loop3A_2004 {add = true, strides = array<i32>} : memref<3x4x8x1024xf32, #tpu.memory_space<vmem>>, vector<1x1x1x16xf32>,
        %parallel_loop3A_2005 = arith.constant 0 : i32
        %parallel_loop3A_2006 = arith.constant 2 : i32
        %parallel_loop3A_2007 = arith.index_cast %parallel_loop3A_2005 : i32 to index
        %parallel_loop3A_2008 = arith.index_cast %parallel_loop3A_2006 : i32 to index
        %parallel_loop3A_2009 = arith.index_cast %add3A_1974 : i32 to index
        %parallel_loop3A_2010 = arith.index_cast %parallel_loop3A_1979 : i32 to index
        %parallel_loop3A_2011 = tpu.vector_load %arg8[%parallel_loop3A_2007, %parallel_loop3A_2008, %parallel_loop3A_2009, %parallel_loop3A_2010] {strides = array<i32>} : memref<3x4x8x1024xf32, #tpu.memory_space<vmem>>, vector<1x1x1x16xf32>,
        %parallel_loop3A_2012 = vector.shape_cast %parallel_loop3A_2011 : vector<1x1x1x16xf32> to vector<16xf32>
        %parallel_loop3A_2013 = vector.shape_cast %parallel_loop3A_1986 : vector<16xf32> to vector<1x1x1x16xf32>
        tpu.vector_store %arg8[%parallel_loop3A_2007, %parallel_loop3A_2008, %parallel_loop3A_2009, %parallel_loop3A_2010], %parallel_loop3A_2013 {add = true, strides = array<i32>} : memref<3x4x8x1024xf32, #tpu.memory_space<vmem>>, vector<1x1x1x16xf32>,
        %parallel_loop3A_2014 = arith.constant 0 : i32
        %parallel_loop3A_2015 = arith.constant 3 : i32
        %parallel_loop3A_2016 = arith.index_cast %parallel_loop3A_2014 : i32 to index
        %parallel_loop3A_2017 = arith.index_cast %parallel_loop3A_2015 : i32 to index
        %parallel_loop3A_2018 = arith.index_cast %add3A_1974 : i32 to index
        %parallel_loop3A_2019 = arith.index_cast %parallel_loop3A_1979 : i32 to index
        %parallel_loop3A_2020 = tpu.vector_load %arg8[%parallel_loop3A_2016, %parallel_loop3A_2017, %parallel_loop3A_2018, %parallel_loop3A_2019] {strides = array<i32>} : memref<3x4x8x1024xf32, #tpu.memory_space<vmem>>, vector<1x1x1x16xf32>,
        %parallel_loop3A_2021 = vector.shape_cast %parallel_loop3A_2020 : vector<1x1x1x16xf32> to vector<16xf32>
        %parallel_loop3A_2022 = vector.shape_cast %parallel_loop3A_1986 : vector<16xf32> to vector<1x1x1x16xf32>
        tpu.vector_store %arg8[%parallel_loop3A_2016, %parallel_loop3A_2017, %parallel_loop3A_2018, %parallel_loop3A_2019], %parallel_loop3A_2022 {add = true, strides = array<i32>} : memref<3x4x8x1024xf32, #tpu.memory_space<vmem>>, vector<1x1x1x16xf32>,
      } {sc.loop_unroll_factor = 8 : i64, sc.parallel_access}
    }
    %scan3A_1578 = arith.constant 8 : i32
    %add3A_1579 = arith.constant 96 : i32
    %add3A_1580 = arith.addi %mul3A_2, %add3A_1579 : i32
    %dma_start3A_1581 = arith.constant 0 : i32
    %dma_start3A_1582 = arith.constant 0 : i32
    %dma_start3A_1583 = arith.constant 0 : i32
    %dma_start3A_1584 = arith.constant 0 : i32
    %dma_start3A_1585 = arith.constant 0 : i32
    %dma_start3A_1586 = tpu.memref_slice %arg8[%dma_start3A_1581, %dma_start3A_1583, %dma_start3A_1584, %dma_start3A_1585] : memref<3x4x8x1024xf32, #tpu.memory_space<vmem>> -> memref<1x4x8x1024xf32, #tpu.memory_space<vmem>>
    %dma_start3A_1587 = tpu.memref_squeeze %dma_start3A_1586 : memref<1x4x8x1024xf32, #tpu.memory_space<vmem>> -> memref<4x8x1024xf32, #tpu.memory_space<vmem>>
    %dma_start3A_1588 = arith.constant 0 : i32
    %dma_start3A_1589 = arith.constant 0 : i32
    %dma_start3A_1590 = tpu.memref_slice %arg5[%dma_start3A_1588, %add3A_1580, %dma_start3A_1589] : memref<4x4096x1024xf32, #tpu.memory_space<hbm>> -> memref<4x8x1024xf32, #tpu.memory_space<hbm>>
    %dma_start3A_1591 = tpu.memref_slice %arg11[%dma_start3A_1582] : memref<3x!tpu.dma_semaphore, #tpu.memory_space<semaphore_mem>> -> memref<1x!tpu.dma_semaphore, #tpu.memory_space<semaphore_mem>>
    %dma_start3A_1592 = tpu.memref_squeeze %dma_start3A_1591 : memref<1x!tpu.dma_semaphore, #tpu.memory_space<semaphore_mem>> -> memref<!tpu.dma_semaphore, #tpu.memory_space<semaphore_mem>>
    %dma_start3A_1593 = arith.constant 0 : i32
    %dma_start3A_1594 = arith.constant 0 : i32
    %dma_start3A_1595 = tpu.memref_slice %arg5[%dma_start3A_1593, %add3A_1580, %dma_start3A_1594] : memref<4x4096x1024xf32, #tpu.memory_space<hbm>> -> memref<4x8x1024xf32, #tpu.memory_space<hbm>>
    %dma_start3A_1596 = arith.constant 0 : i32
    %dma_start3A_1597 = arith.constant 0 : i32
    %dma_start3A_1598 = arith.constant 0 : i32
    %dma_start3A_1599 = tpu.memref_slice %arg8[%dma_start3A_1581, %dma_start3A_1596, %dma_start3A_1597, %dma_start3A_1598] : memref<3x4x8x1024xf32, #tpu.memory_space<vmem>> -> memref<1x4x8x1024xf32, #tpu.memory_space<vmem>>
    %dma_start3A_1600 = tpu.memref_squeeze %dma_start3A_1599 : memref<1x4x8x1024xf32, #tpu.memory_space<vmem>> -> memref<4x8x1024xf32, #tpu.memory_space<vmem>>
    tpu.enqueue_dma source(%dma_start3A_1600 : memref<4x8x1024xf32, #tpu.memory_space<vmem>>) target(%dma_start3A_1595 : memref<4x8x1024xf32, #tpu.memory_space<hbm>>) target_semaphore(%dma_start3A_1592 : memref<!tpu.dma_semaphore, #tpu.memory_space<semaphore_mem>>)
    %dma_wait3A_1601 = arith.constant 2 : i32
    %dma_wait3A_1602 = arith.constant 2 : i32
    %dma_wait3A_1603 = arith.constant 0 : i32
    %dma_wait3A_1604 = arith.constant 0 : i32
    %dma_wait3A_1605 = arith.constant 0 : i32
    %dma_wait3A_1606 = tpu.memref_slice %arg8[%dma_wait3A_1601, %dma_wait3A_1603, %dma_wait3A_1604, %dma_wait3A_1605] : memref<3x4x8x1024xf32, #tpu.memory_space<vmem>> -> memref<1x4x8x1024xf32, #tpu.memory_space<vmem>>
    %dma_wait3A_1607 = tpu.memref_squeeze %dma_wait3A_1606 : memref<1x4x8x1024xf32, #tpu.memory_space<vmem>> -> memref<4x8x1024xf32, #tpu.memory_space<vmem>>
    %dma_wait3A_1608 = arith.constant 0 : i32
    %dma_wait3A_1609 = arith.constant 0 : i32
    %dma_wait3A_1610 = tpu.memref_slice %arg5[%dma_wait3A_1608, %add3A_1457, %dma_wait3A_1609] : memref<4x4096x1024xf32, #tpu.memory_space<hbm>> -> memref<4x8x1024xf32, #tpu.memory_space<hbm>>
    %dma_wait3A_1611 = tpu.memref_slice %arg11[%dma_wait3A_1602] : memref<3x!tpu.dma_semaphore, #tpu.memory_space<semaphore_mem>> -> memref<1x!tpu.dma_semaphore, #tpu.memory_space<semaphore_mem>>
    %dma_wait3A_1612 = tpu.memref_squeeze %dma_wait3A_1611 : memref<1x!tpu.dma_semaphore, #tpu.memory_space<semaphore_mem>> -> memref<!tpu.dma_semaphore, #tpu.memory_space<semaphore_mem>>
    %dma_wait3A_1613 = arith.constant 0 : i32
    %dma_wait3A_1614 = arith.constant 0 : i32
    %dma_wait3A_1615 = tpu.memref_slice %arg5[%dma_wait3A_1613, %add3A_1457, %dma_wait3A_1614] : memref<4x4096x1024xf32, #tpu.memory_space<hbm>> -> memref<4x8x1024xf32, #tpu.memory_space<hbm>>
    %dma_wait3A_1616 = arith.constant 0 : i32
    %dma_wait3A_1617 = arith.constant 0 : i32
    %dma_wait3A_1618 = arith.constant 0 : i32
    %dma_wait3A_1619 = tpu.memref_slice %arg8[%dma_wait3A_1601, %dma_wait3A_1616, %dma_wait3A_1617, %dma_wait3A_1618] : memref<3x4x8x1024xf32, #tpu.memory_space<vmem>> -> memref<1x4x8x1024xf32, #tpu.memory_space<vmem>>
    %dma_wait3A_1620 = tpu.memref_squeeze %dma_wait3A_1619 : memref<1x4x8x1024xf32, #tpu.memory_space<vmem>> -> memref<4x8x1024xf32, #tpu.memory_space<vmem>>
    tpu.wait_dma2 semaphore(%dma_wait3A_1612 : memref<!tpu.dma_semaphore, #tpu.memory_space<semaphore_mem>>) src(%dma_wait3A_1620 : memref<4x8x1024xf32, #tpu.memory_space<vmem>>) dst(%dma_wait3A_1615 : memref<4x8x1024xf32, #tpu.memory_space<hbm>>)
    %add3A_1621 = arith.constant 112 : i32
    %add3A_1622 = arith.addi %mul3A_2, %add3A_1621 : i32
    %dma_start3A_1623 = arith.constant 0 : i32
    %dma_start3A_1624 = arith.constant 0 : i32
    %dma_start3A_1625 = arith.constant 0 : i32
    %dma_start3A_1626 = arith.constant 0 : i32
    %dma_start3A_1627 = tpu.memref_slice %arg7[%dma_start3A_1623, %dma_start3A_1625, %dma_start3A_1626] : memref<2x8x1024xf32, #tpu.memory_space<vmem>> -> memref<1x8x1024xf32, #tpu.memory_space<vmem>>
    %dma_start3A_1628 = tpu.memref_squeeze %dma_start3A_1627 : memref<1x8x1024xf32, #tpu.memory_space<vmem>> -> memref<8x1024xf32, #tpu.memory_space<vmem>>
    %dma_start3A_1629 = arith.constant 0 : i32
    %dma_start3A_1630 = tpu.memref_slice %arg3[%add3A_1622, %dma_start3A_1629] : memref<4096x1024xf32, #tpu.memory_space<hbm>> -> memref<8x1024xf32, #tpu.memory_space<hbm>>
    %dma_start3A_1631 = tpu.memref_slice %arg9[%dma_start3A_1624] : memref<2x!tpu.dma_semaphore, #tpu.memory_space<semaphore_mem>> -> memref<1x!tpu.dma_semaphore, #tpu.memory_space<semaphore_mem>>
    %dma_start3A_1632 = tpu.memref_squeeze %dma_start3A_1631 : memref<1x!tpu.dma_semaphore, #tpu.memory_space<semaphore_mem>> -> memref<!tpu.dma_semaphore, #tpu.memory_space<semaphore_mem>>
    %dma_start3A_1633 = arith.constant 0 : i32
    %dma_start3A_1634 = arith.constant 0 : i32
    %dma_start3A_1635 = tpu.memref_slice %arg7[%dma_start3A_1623, %dma_start3A_1633, %dma_start3A_1634] : memref<2x8x1024xf32, #tpu.memory_space<vmem>> -> memref<1x8x1024xf32, #tpu.memory_space<vmem>>
    %dma_start3A_1636 = tpu.memref_squeeze %dma_start3A_1635 : memref<1x8x1024xf32, #tpu.memory_space<vmem>> -> memref<8x1024xf32, #tpu.memory_space<vmem>>
    %dma_start3A_1637 = arith.constant 0 : i32
    %dma_start3A_1638 = tpu.memref_slice %arg3[%add3A_1622, %dma_start3A_1637] : memref<4096x1024xf32, #tpu.memory_space<hbm>> -> memref<8x1024xf32, #tpu.memory_space<hbm>>
    tpu.enqueue_dma source(%dma_start3A_1638 : memref<8x1024xf32, #tpu.memory_space<hbm>>) target(%dma_start3A_1636 : memref<8x1024xf32, #tpu.memory_space<vmem>>) target_semaphore(%dma_start3A_1632 : memref<!tpu.dma_semaphore, #tpu.memory_space<semaphore_mem>>)
    %add3A_1639 = arith.constant 112 : i32
    %add3A_1640 = arith.addi %mul3A_2, %add3A_1639 : i32
    %dma_start3A_1641 = arith.constant 2 : i32
    %dma_start3A_1642 = arith.constant 2 : i32
    %dma_start3A_1643 = arith.constant 0 : i32
    %dma_start3A_1644 = arith.constant 0 : i32
    %dma_start3A_1645 = arith.constant 0 : i32
    %dma_start3A_1646 = tpu.memref_slice %arg8[%dma_start3A_1641, %dma_start3A_1643, %dma_start3A_1644, %dma_start3A_1645] : memref<3x4x8x1024xf32, #tpu.memory_space<vmem>> -> memref<1x4x8x1024xf32, #tpu.memory_space<vmem>>
    %dma_start3A_1647 = tpu.memref_squeeze %dma_start3A_1646 : memref<1x4x8x1024xf32, #tpu.memory_space<vmem>> -> memref<4x8x1024xf32, #tpu.memory_space<vmem>>
    %dma_start3A_1648 = arith.constant 0 : i32
    %dma_start3A_1649 = arith.constant 0 : i32
    %dma_start3A_1650 = tpu.memref_slice %arg2[%dma_start3A_1648, %add3A_1640, %dma_start3A_1649] : memref<4x4096x1024xf32, #tpu.memory_space<hbm>> -> memref<4x8x1024xf32, #tpu.memory_space<hbm>>
    %dma_start3A_1651 = tpu.memref_slice %arg10[%dma_start3A_1642] : memref<3x!tpu.dma_semaphore, #tpu.memory_space<semaphore_mem>> -> memref<1x!tpu.dma_semaphore, #tpu.memory_space<semaphore_mem>>
    %dma_start3A_1652 = tpu.memref_squeeze %dma_start3A_1651 : memref<1x!tpu.dma_semaphore, #tpu.memory_space<semaphore_mem>> -> memref<!tpu.dma_semaphore, #tpu.memory_space<semaphore_mem>>
    %dma_start3A_1653 = arith.constant 0 : i32
    %dma_start3A_1654 = arith.constant 0 : i32
    %dma_start3A_1655 = arith.constant 0 : i32
    %dma_start3A_1656 = tpu.memref_slice %arg8[%dma_start3A_1641, %dma_start3A_1653, %dma_start3A_1654, %dma_start3A_1655] : memref<3x4x8x1024xf32, #tpu.memory_space<vmem>> -> memref<1x4x8x1024xf32, #tpu.memory_space<vmem>>
    %dma_start3A_1657 = tpu.memref_squeeze %dma_start3A_1656 : memref<1x4x8x1024xf32, #tpu.memory_space<vmem>> -> memref<4x8x1024xf32, #tpu.memory_space<vmem>>
    %dma_start3A_1658 = arith.constant 0 : i32
    %dma_start3A_1659 = arith.constant 0 : i32
    %dma_start3A_1660 = tpu.memref_slice %arg2[%dma_start3A_1658, %add3A_1640, %dma_start3A_1659] : memref<4x4096x1024xf32, #tpu.memory_space<hbm>> -> memref<4x8x1024xf32, #tpu.memory_space<hbm>>
    tpu.enqueue_dma source(%dma_start3A_1660 : memref<4x8x1024xf32, #tpu.memory_space<hbm>>) target(%dma_start3A_1657 : memref<4x8x1024xf32, #tpu.memory_space<vmem>>) target_semaphore(%dma_start3A_1652 : memref<!tpu.dma_semaphore, #tpu.memory_space<semaphore_mem>>)
    %dma_wait3A_1661 = arith.constant 1 : i32
    %dma_wait3A_1662 = arith.constant 1 : i32
    %dma_wait3A_1663 = arith.constant 0 : i32
    %dma_wait3A_1664 = arith.constant 0 : i32
    %dma_wait3A_1665 = tpu.memref_slice %arg7[%dma_wait3A_1661, %dma_wait3A_1663, %dma_wait3A_1664] : memref<2x8x1024xf32, #tpu.memory_space<vmem>> -> memref<1x8x1024xf32, #tpu.memory_space<vmem>>
    %dma_wait3A_1666 = tpu.memref_squeeze %dma_wait3A_1665 : memref<1x8x1024xf32, #tpu.memory_space<vmem>> -> memref<8x1024xf32, #tpu.memory_space<vmem>>
    %dma_wait3A_1667 = arith.constant 0 : i32
    %dma_wait3A_1668 = tpu.memref_slice %arg3[%add3A_1499, %dma_wait3A_1667] : memref<4096x1024xf32, #tpu.memory_space<hbm>> -> memref<8x1024xf32, #tpu.memory_space<hbm>>
    %dma_wait3A_1669 = tpu.memref_slice %arg9[%dma_wait3A_1662] : memref<2x!tpu.dma_semaphore, #tpu.memory_space<semaphore_mem>> -> memref<1x!tpu.dma_semaphore, #tpu.memory_space<semaphore_mem>>
    %dma_wait3A_1670 = tpu.memref_squeeze %dma_wait3A_1669 : memref<1x!tpu.dma_semaphore, #tpu.memory_space<semaphore_mem>> -> memref<!tpu.dma_semaphore, #tpu.memory_space<semaphore_mem>>
    %dma_wait3A_1671 = arith.constant 0 : i32
    %dma_wait3A_1672 = arith.constant 0 : i32
    %dma_wait3A_1673 = tpu.memref_slice %arg7[%dma_wait3A_1661, %dma_wait3A_1671, %dma_wait3A_1672] : memref<2x8x1024xf32, #tpu.memory_space<vmem>> -> memref<1x8x1024xf32, #tpu.memory_space<vmem>>
    %dma_wait3A_1674 = tpu.memref_squeeze %dma_wait3A_1673 : memref<1x8x1024xf32, #tpu.memory_space<vmem>> -> memref<8x1024xf32, #tpu.memory_space<vmem>>
    %dma_wait3A_1675 = arith.constant 0 : i32
    %dma_wait3A_1676 = tpu.memref_slice %arg3[%add3A_1499, %dma_wait3A_1675] : memref<4096x1024xf32, #tpu.memory_space<hbm>> -> memref<8x1024xf32, #tpu.memory_space<hbm>>
    tpu.wait_dma2 semaphore(%dma_wait3A_1670 : memref<!tpu.dma_semaphore, #tpu.memory_space<semaphore_mem>>) src(%dma_wait3A_1676 : memref<8x1024xf32, #tpu.memory_space<hbm>>) dst(%dma_wait3A_1674 : memref<8x1024xf32, #tpu.memory_space<vmem>>)
    %dma_wait3A_1677 = arith.constant 1 : i32
    %dma_wait3A_1678 = arith.constant 1 : i32
    %dma_wait3A_1679 = arith.constant 0 : i32
    %dma_wait3A_1680 = arith.constant 0 : i32
    %dma_wait3A_1681 = arith.constant 0 : i32
    %dma_wait3A_1682 = tpu.memref_slice %arg8[%dma_wait3A_1677, %dma_wait3A_1679, %dma_wait3A_1680, %dma_wait3A_1681] : memref<3x4x8x1024xf32, #tpu.memory_space<vmem>> -> memref<1x4x8x1024xf32, #tpu.memory_space<vmem>>
    %dma_wait3A_1683 = tpu.memref_squeeze %dma_wait3A_1682 : memref<1x4x8x1024xf32, #tpu.memory_space<vmem>> -> memref<4x8x1024xf32, #tpu.memory_space<vmem>>
    %dma_wait3A_1684 = arith.constant 0 : i32
    %dma_wait3A_1685 = arith.constant 0 : i32
    %dma_wait3A_1686 = tpu.memref_slice %arg2[%dma_wait3A_1684, %add3A_1517, %dma_wait3A_1685] : memref<4x4096x1024xf32, #tpu.memory_space<hbm>> -> memref<4x8x1024xf32, #tpu.memory_space<hbm>>
    %dma_wait3A_1687 = tpu.memref_slice %arg10[%dma_wait3A_1678] : memref<3x!tpu.dma_semaphore, #tpu.memory_space<semaphore_mem>> -> memref<1x!tpu.dma_semaphore, #tpu.memory_space<semaphore_mem>>
    %dma_wait3A_1688 = tpu.memref_squeeze %dma_wait3A_1687 : memref<1x!tpu.dma_semaphore, #tpu.memory_space<semaphore_mem>> -> memref<!tpu.dma_semaphore, #tpu.memory_space<semaphore_mem>>
    %dma_wait3A_1689 = arith.constant 0 : i32
    %dma_wait3A_1690 = arith.constant 0 : i32
    %dma_wait3A_1691 = arith.constant 0 : i32
    %dma_wait3A_1692 = tpu.memref_slice %arg8[%dma_wait3A_1677, %dma_wait3A_1689, %dma_wait3A_1690, %dma_wait3A_1691] : memref<3x4x8x1024xf32, #tpu.memory_space<vmem>> -> memref<1x4x8x1024xf32, #tpu.memory_space<vmem>>
    %dma_wait3A_1693 = tpu.memref_squeeze %dma_wait3A_1692 : memref<1x4x8x1024xf32, #tpu.memory_space<vmem>> -> memref<4x8x1024xf32, #tpu.memory_space<vmem>>
    %dma_wait3A_1694 = arith.constant 0 : i32
    %dma_wait3A_1695 = arith.constant 0 : i32
    %dma_wait3A_1696 = tpu.memref_slice %arg2[%dma_wait3A_1694, %add3A_1517, %dma_wait3A_1695] : memref<4x4096x1024xf32, #tpu.memory_space<hbm>> -> memref<4x8x1024xf32, #tpu.memory_space<hbm>>
    tpu.wait_dma2 semaphore(%dma_wait3A_1688 : memref<!tpu.dma_semaphore, #tpu.memory_space<semaphore_mem>>) src(%dma_wait3A_1696 : memref<4x8x1024xf32, #tpu.memory_space<hbm>>) dst(%dma_wait3A_1693 : memref<4x8x1024xf32, #tpu.memory_space<vmem>>)
    %scan3A_1697 = arith.constant 0 : i32
    %scan3A_1698 = arith.constant 8 : i32
    %scan3A_1699 = arith.addi %scan3A_1697, %scan3A_1698 : i32
    %scan3A_1700 = arith.constant 1 : i32
    scf.for %scan3A_1970 = %scan3A_1697 to %scan3A_1699 step %scan3A_1700  : i32 {
      %mul3A_1971 = arith.constant 1 : i32
      %mul3A_1972 = arith.muli %scan3A_1970, %mul3A_1971 : i32
      %add3A_1973 = arith.constant 0 : i32
      %add3A_1974 = arith.addi %add3A_1973, %mul3A_1972 : i32
      %parallel_loop3A = arith.constant 0 : i32
      %parallel_loop3A_1975 = arith.constant 64 : i32
      %parallel_loop3A_1976 = arith.constant 1 : i32
      scf.for %parallel_loop3A_1977 = %parallel_loop3A to %parallel_loop3A_1975 step %parallel_loop3A_1976  : i32 {
        %parallel_loop3A_1978 = arith.constant 16 : i32
        %parallel_loop3A_1979 = arith.muli %parallel_loop3A_1977, %parallel_loop3A_1978 : i32
        %parallel_loop3A_1980 = arith.constant 1 : i32
        %parallel_loop3A_1981 = arith.index_cast %parallel_loop3A_1980 : i32 to index
        %parallel_loop3A_1982 = arith.index_cast %add3A_1974 : i32 to index
        %parallel_loop3A_1983 = arith.index_cast %parallel_loop3A_1979 : i32 to index
        %parallel_loop3A_1984 = tpu.vector_load %arg7[%parallel_loop3A_1981, %parallel_loop3A_1982, %parallel_loop3A_1983] {strides = array<i32>} : memref<2x8x1024xf32, #tpu.memory_space<vmem>>, vector<1x1x16xf32>,
        %parallel_loop3A_1985 = vector.shape_cast %parallel_loop3A_1984 : vector<1x1x16xf32> to vector<16xf32>
        %parallel_loop3A_1986 = arith.mulf %get3A_4, %parallel_loop3A_1985 : vector<16xf32>
        %parallel_loop3A_1987 = arith.constant 1 : i32
        %parallel_loop3A_1988 = arith.constant 0 : i32
        %parallel_loop3A_1989 = arith.index_cast %parallel_loop3A_1987 : i32 to index
        %parallel_loop3A_1990 = arith.index_cast %parallel_loop3A_1988 : i32 to index
        %parallel_loop3A_1991 = arith.index_cast %add3A_1974 : i32 to index
        %parallel_loop3A_1992 = arith.index_cast %parallel_loop3A_1979 : i32 to index
        %parallel_loop3A_1993 = tpu.vector_load %arg8[%parallel_loop3A_1989, %parallel_loop3A_1990, %parallel_loop3A_1991, %parallel_loop3A_1992] {strides = array<i32>} : memref<3x4x8x1024xf32, #tpu.memory_space<vmem>>, vector<1x1x1x16xf32>,
        %parallel_loop3A_1994 = vector.shape_cast %parallel_loop3A_1993 : vector<1x1x1x16xf32> to vector<16xf32>
        %parallel_loop3A_1995 = vector.shape_cast %parallel_loop3A_1986 : vector<16xf32> to vector<1x1x1x16xf32>
        tpu.vector_store %arg8[%parallel_loop3A_1989, %parallel_loop3A_1990, %parallel_loop3A_1991, %parallel_loop3A_1992], %parallel_loop3A_1995 {add = true, strides = array<i32>} : memref<3x4x8x1024xf32, #tpu.memory_space<vmem>>, vector<1x1x1x16xf32>,
        %parallel_loop3A_1996 = arith.constant 1 : i32
        %parallel_loop3A_1997 = arith.constant 1 : i32
        %parallel_loop3A_1998 = arith.index_cast %parallel_loop3A_1996 : i32 to index
        %parallel_loop3A_1999 = arith.index_cast %parallel_loop3A_1997 : i32 to index
        %parallel_loop3A_2000 = arith.index_cast %add3A_1974 : i32 to index
        %parallel_loop3A_2001 = arith.index_cast %parallel_loop3A_1979 : i32 to index
        %parallel_loop3A_2002 = tpu.vector_load %arg8[%parallel_loop3A_1998, %parallel_loop3A_1999, %parallel_loop3A_2000, %parallel_loop3A_2001] {strides = array<i32>} : memref<3x4x8x1024xf32, #tpu.memory_space<vmem>>, vector<1x1x1x16xf32>,
        %parallel_loop3A_2003 = vector.shape_cast %parallel_loop3A_2002 : vector<1x1x1x16xf32> to vector<16xf32>
        %parallel_loop3A_2004 = vector.shape_cast %parallel_loop3A_1986 : vector<16xf32> to vector<1x1x1x16xf32>
        tpu.vector_store %arg8[%parallel_loop3A_1998, %parallel_loop3A_1999, %parallel_loop3A_2000, %parallel_loop3A_2001], %parallel_loop3A_2004 {add = true, strides = array<i32>} : memref<3x4x8x1024xf32, #tpu.memory_space<vmem>>, vector<1x1x1x16xf32>,
        %parallel_loop3A_2005 = arith.constant 1 : i32
        %parallel_loop3A_2006 = arith.constant 2 : i32
        %parallel_loop3A_2007 = arith.index_cast %parallel_loop3A_2005 : i32 to index
        %parallel_loop3A_2008 = arith.index_cast %parallel_loop3A_2006 : i32 to index
        %parallel_loop3A_2009 = arith.index_cast %add3A_1974 : i32 to index
        %parallel_loop3A_2010 = arith.index_cast %parallel_loop3A_1979 : i32 to index
        %parallel_loop3A_2011 = tpu.vector_load %arg8[%parallel_loop3A_2007, %parallel_loop3A_2008, %parallel_loop3A_2009, %parallel_loop3A_2010] {strides = array<i32>} : memref<3x4x8x1024xf32, #tpu.memory_space<vmem>>, vector<1x1x1x16xf32>,
        %parallel_loop3A_2012 = vector.shape_cast %parallel_loop3A_2011 : vector<1x1x1x16xf32> to vector<16xf32>
        %parallel_loop3A_2013 = vector.shape_cast %parallel_loop3A_1986 : vector<16xf32> to vector<1x1x1x16xf32>
        tpu.vector_store %arg8[%parallel_loop3A_2007, %parallel_loop3A_2008, %parallel_loop3A_2009, %parallel_loop3A_2010], %parallel_loop3A_2013 {add = true, strides = array<i32>} : memref<3x4x8x1024xf32, #tpu.memory_space<vmem>>, vector<1x1x1x16xf32>,
        %parallel_loop3A_2014 = arith.constant 1 : i32
        %parallel_loop3A_2015 = arith.constant 3 : i32
        %parallel_loop3A_2016 = arith.index_cast %parallel_loop3A_2014 : i32 to index
        %parallel_loop3A_2017 = arith.index_cast %parallel_loop3A_2015 : i32 to index
        %parallel_loop3A_2018 = arith.index_cast %add3A_1974 : i32 to index
        %parallel_loop3A_2019 = arith.index_cast %parallel_loop3A_1979 : i32 to index
        %parallel_loop3A_2020 = tpu.vector_load %arg8[%parallel_loop3A_2016, %parallel_loop3A_2017, %parallel_loop3A_2018, %parallel_loop3A_2019] {strides = array<i32>} : memref<3x4x8x1024xf32, #tpu.memory_space<vmem>>, vector<1x1x1x16xf32>,
        %parallel_loop3A_2021 = vector.shape_cast %parallel_loop3A_2020 : vector<1x1x1x16xf32> to vector<16xf32>
        %parallel_loop3A_2022 = vector.shape_cast %parallel_loop3A_1986 : vector<16xf32> to vector<1x1x1x16xf32>
        tpu.vector_store %arg8[%parallel_loop3A_2016, %parallel_loop3A_2017, %parallel_loop3A_2018, %parallel_loop3A_2019], %parallel_loop3A_2022 {add = true, strides = array<i32>} : memref<3x4x8x1024xf32, #tpu.memory_space<vmem>>, vector<1x1x1x16xf32>,
      } {sc.loop_unroll_factor = 8 : i64, sc.parallel_access}
    }
    %scan3A_1701 = arith.constant 8 : i32
    %add3A_1702 = arith.constant 104 : i32
    %add3A_1703 = arith.addi %mul3A_2, %add3A_1702 : i32
    %dma_start3A_1704 = arith.constant 1 : i32
    %dma_start3A_1705 = arith.constant 1 : i32
    %dma_start3A_1706 = arith.constant 0 : i32
    %dma_start3A_1707 = arith.constant 0 : i32
    %dma_start3A_1708 = arith.constant 0 : i32
    %dma_start3A_1709 = tpu.memref_slice %arg8[%dma_start3A_1704, %dma_start3A_1706, %dma_start3A_1707, %dma_start3A_1708] : memref<3x4x8x1024xf32, #tpu.memory_space<vmem>> -> memref<1x4x8x1024xf32, #tpu.memory_space<vmem>>
    %dma_start3A_1710 = tpu.memref_squeeze %dma_start3A_1709 : memref<1x4x8x1024xf32, #tpu.memory_space<vmem>> -> memref<4x8x1024xf32, #tpu.memory_space<vmem>>
    %dma_start3A_1711 = arith.constant 0 : i32
    %dma_start3A_1712 = arith.constant 0 : i32
    %dma_start3A_1713 = tpu.memref_slice %arg5[%dma_start3A_1711, %add3A_1703, %dma_start3A_1712] : memref<4x4096x1024xf32, #tpu.memory_space<hbm>> -> memref<4x8x1024xf32, #tpu.memory_space<hbm>>
    %dma_start3A_1714 = tpu.memref_slice %arg11[%dma_start3A_1705] : memref<3x!tpu.dma_semaphore, #tpu.memory_space<semaphore_mem>> -> memref<1x!tpu.dma_semaphore, #tpu.memory_space<semaphore_mem>>
    %dma_start3A_1715 = tpu.memref_squeeze %dma_start3A_1714 : memref<1x!tpu.dma_semaphore, #tpu.memory_space<semaphore_mem>> -> memref<!tpu.dma_semaphore, #tpu.memory_space<semaphore_mem>>
    %dma_start3A_1716 = arith.constant 0 : i32
    %dma_start3A_1717 = arith.constant 0 : i32
    %dma_start3A_1718 = tpu.memref_slice %arg5[%dma_start3A_1716, %add3A_1703, %dma_start3A_1717] : memref<4x4096x1024xf32, #tpu.memory_space<hbm>> -> memref<4x8x1024xf32, #tpu.memory_space<hbm>>
    %dma_start3A_1719 = arith.constant 0 : i32
    %dma_start3A_1720 = arith.constant 0 : i32
    %dma_start3A_1721 = arith.constant 0 : i32
    %dma_start3A_1722 = tpu.memref_slice %arg8[%dma_start3A_1704, %dma_start3A_1719, %dma_start3A_1720, %dma_start3A_1721] : memref<3x4x8x1024xf32, #tpu.memory_space<vmem>> -> memref<1x4x8x1024xf32, #tpu.memory_space<vmem>>
    %dma_start3A_1723 = tpu.memref_squeeze %dma_start3A_1722 : memref<1x4x8x1024xf32, #tpu.memory_space<vmem>> -> memref<4x8x1024xf32, #tpu.memory_space<vmem>>
    tpu.enqueue_dma source(%dma_start3A_1723 : memref<4x8x1024xf32, #tpu.memory_space<vmem>>) target(%dma_start3A_1718 : memref<4x8x1024xf32, #tpu.memory_space<hbm>>) target_semaphore(%dma_start3A_1715 : memref<!tpu.dma_semaphore, #tpu.memory_space<semaphore_mem>>)
    %dma_wait3A_1724 = arith.constant 0 : i32
    %dma_wait3A_1725 = arith.constant 0 : i32
    %dma_wait3A_1726 = arith.constant 0 : i32
    %dma_wait3A_1727 = arith.constant 0 : i32
    %dma_wait3A_1728 = arith.constant 0 : i32
    %dma_wait3A_1729 = tpu.memref_slice %arg8[%dma_wait3A_1724, %dma_wait3A_1726, %dma_wait3A_1727, %dma_wait3A_1728] : memref<3x4x8x1024xf32, #tpu.memory_space<vmem>> -> memref<1x4x8x1024xf32, #tpu.memory_space<vmem>>
    %dma_wait3A_1730 = tpu.memref_squeeze %dma_wait3A_1729 : memref<1x4x8x1024xf32, #tpu.memory_space<vmem>> -> memref<4x8x1024xf32, #tpu.memory_space<vmem>>
    %dma_wait3A_1731 = arith.constant 0 : i32
    %dma_wait3A_1732 = arith.constant 0 : i32
    %dma_wait3A_1733 = tpu.memref_slice %arg5[%dma_wait3A_1731, %add3A_1580, %dma_wait3A_1732] : memref<4x4096x1024xf32, #tpu.memory_space<hbm>> -> memref<4x8x1024xf32, #tpu.memory_space<hbm>>
    %dma_wait3A_1734 = tpu.memref_slice %arg11[%dma_wait3A_1725] : memref<3x!tpu.dma_semaphore, #tpu.memory_space<semaphore_mem>> -> memref<1x!tpu.dma_semaphore, #tpu.memory_space<semaphore_mem>>
    %dma_wait3A_1735 = tpu.memref_squeeze %dma_wait3A_1734 : memref<1x!tpu.dma_semaphore, #tpu.memory_space<semaphore_mem>> -> memref<!tpu.dma_semaphore, #tpu.memory_space<semaphore_mem>>
    %dma_wait3A_1736 = arith.constant 0 : i32
    %dma_wait3A_1737 = arith.constant 0 : i32
    %dma_wait3A_1738 = tpu.memref_slice %arg5[%dma_wait3A_1736, %add3A_1580, %dma_wait3A_1737] : memref<4x4096x1024xf32, #tpu.memory_space<hbm>> -> memref<4x8x1024xf32, #tpu.memory_space<hbm>>
    %dma_wait3A_1739 = arith.constant 0 : i32
    %dma_wait3A_1740 = arith.constant 0 : i32
    %dma_wait3A_1741 = arith.constant 0 : i32
    %dma_wait3A_1742 = tpu.memref_slice %arg8[%dma_wait3A_1724, %dma_wait3A_1739, %dma_wait3A_1740, %dma_wait3A_1741] : memref<3x4x8x1024xf32, #tpu.memory_space<vmem>> -> memref<1x4x8x1024xf32, #tpu.memory_space<vmem>>
    %dma_wait3A_1743 = tpu.memref_squeeze %dma_wait3A_1742 : memref<1x4x8x1024xf32, #tpu.memory_space<vmem>> -> memref<4x8x1024xf32, #tpu.memory_space<vmem>>
    tpu.wait_dma2 semaphore(%dma_wait3A_1735 : memref<!tpu.dma_semaphore, #tpu.memory_space<semaphore_mem>>) src(%dma_wait3A_1743 : memref<4x8x1024xf32, #tpu.memory_space<vmem>>) dst(%dma_wait3A_1738 : memref<4x8x1024xf32, #tpu.memory_space<hbm>>)
    %add3A_1744 = arith.constant 120 : i32
    %add3A_1745 = arith.addi %mul3A_2, %add3A_1744 : i32
    %dma_start3A_1746 = arith.constant 1 : i32
    %dma_start3A_1747 = arith.constant 1 : i32
    %dma_start3A_1748 = arith.constant 0 : i32
    %dma_start3A_1749 = arith.constant 0 : i32
    %dma_start3A_1750 = tpu.memref_slice %arg7[%dma_start3A_1746, %dma_start3A_1748, %dma_start3A_1749] : memref<2x8x1024xf32, #tpu.memory_space<vmem>> -> memref<1x8x1024xf32, #tpu.memory_space<vmem>>
    %dma_start3A_1751 = tpu.memref_squeeze %dma_start3A_1750 : memref<1x8x1024xf32, #tpu.memory_space<vmem>> -> memref<8x1024xf32, #tpu.memory_space<vmem>>
    %dma_start3A_1752 = arith.constant 0 : i32
    %dma_start3A_1753 = tpu.memref_slice %arg3[%add3A_1745, %dma_start3A_1752] : memref<4096x1024xf32, #tpu.memory_space<hbm>> -> memref<8x1024xf32, #tpu.memory_space<hbm>>
    %dma_start3A_1754 = tpu.memref_slice %arg9[%dma_start3A_1747] : memref<2x!tpu.dma_semaphore, #tpu.memory_space<semaphore_mem>> -> memref<1x!tpu.dma_semaphore, #tpu.memory_space<semaphore_mem>>
    %dma_start3A_1755 = tpu.memref_squeeze %dma_start3A_1754 : memref<1x!tpu.dma_semaphore, #tpu.memory_space<semaphore_mem>> -> memref<!tpu.dma_semaphore, #tpu.memory_space<semaphore_mem>>
    %dma_start3A_1756 = arith.constant 0 : i32
    %dma_start3A_1757 = arith.constant 0 : i32
    %dma_start3A_1758 = tpu.memref_slice %arg7[%dma_start3A_1746, %dma_start3A_1756, %dma_start3A_1757] : memref<2x8x1024xf32, #tpu.memory_space<vmem>> -> memref<1x8x1024xf32, #tpu.memory_space<vmem>>
    %dma_start3A_1759 = tpu.memref_squeeze %dma_start3A_1758 : memref<1x8x1024xf32, #tpu.memory_space<vmem>> -> memref<8x1024xf32, #tpu.memory_space<vmem>>
    %dma_start3A_1760 = arith.constant 0 : i32
    %dma_start3A_1761 = tpu.memref_slice %arg3[%add3A_1745, %dma_start3A_1760] : memref<4096x1024xf32, #tpu.memory_space<hbm>> -> memref<8x1024xf32, #tpu.memory_space<hbm>>
    tpu.enqueue_dma source(%dma_start3A_1761 : memref<8x1024xf32, #tpu.memory_space<hbm>>) target(%dma_start3A_1759 : memref<8x1024xf32, #tpu.memory_space<vmem>>) target_semaphore(%dma_start3A_1755 : memref<!tpu.dma_semaphore, #tpu.memory_space<semaphore_mem>>)
    %add3A_1762 = arith.constant 120 : i32
    %add3A_1763 = arith.addi %mul3A_2, %add3A_1762 : i32
    %dma_start3A_1764 = arith.constant 0 : i32
    %dma_start3A_1765 = arith.constant 0 : i32
    %dma_start3A_1766 = arith.constant 0 : i32
    %dma_start3A_1767 = arith.constant 0 : i32
    %dma_start3A_1768 = arith.constant 0 : i32
    %dma_start3A_1769 = tpu.memref_slice %arg8[%dma_start3A_1764, %dma_start3A_1766, %dma_start3A_1767, %dma_start3A_1768] : memref<3x4x8x1024xf32, #tpu.memory_space<vmem>> -> memref<1x4x8x1024xf32, #tpu.memory_space<vmem>>
    %dma_start3A_1770 = tpu.memref_squeeze %dma_start3A_1769 : memref<1x4x8x1024xf32, #tpu.memory_space<vmem>> -> memref<4x8x1024xf32, #tpu.memory_space<vmem>>
    %dma_start3A_1771 = arith.constant 0 : i32
    %dma_start3A_1772 = arith.constant 0 : i32
    %dma_start3A_1773 = tpu.memref_slice %arg2[%dma_start3A_1771, %add3A_1763, %dma_start3A_1772] : memref<4x4096x1024xf32, #tpu.memory_space<hbm>> -> memref<4x8x1024xf32, #tpu.memory_space<hbm>>
    %dma_start3A_1774 = tpu.memref_slice %arg10[%dma_start3A_1765] : memref<3x!tpu.dma_semaphore, #tpu.memory_space<semaphore_mem>> -> memref<1x!tpu.dma_semaphore, #tpu.memory_space<semaphore_mem>>
    %dma_start3A_1775 = tpu.memref_squeeze %dma_start3A_1774 : memref<1x!tpu.dma_semaphore, #tpu.memory_space<semaphore_mem>> -> memref<!tpu.dma_semaphore, #tpu.memory_space<semaphore_mem>>
    %dma_start3A_1776 = arith.constant 0 : i32
    %dma_start3A_1777 = arith.constant 0 : i32
    %dma_start3A_1778 = arith.constant 0 : i32
    %dma_start3A_1779 = tpu.memref_slice %arg8[%dma_start3A_1764, %dma_start3A_1776, %dma_start3A_1777, %dma_start3A_1778] : memref<3x4x8x1024xf32, #tpu.memory_space<vmem>> -> memref<1x4x8x1024xf32, #tpu.memory_space<vmem>>
    %dma_start3A_1780 = tpu.memref_squeeze %dma_start3A_1779 : memref<1x4x8x1024xf32, #tpu.memory_space<vmem>> -> memref<4x8x1024xf32, #tpu.memory_space<vmem>>
    %dma_start3A_1781 = arith.constant 0 : i32
    %dma_start3A_1782 = arith.constant 0 : i32
    %dma_start3A_1783 = tpu.memref_slice %arg2[%dma_start3A_1781, %add3A_1763, %dma_start3A_1782] : memref<4x4096x1024xf32, #tpu.memory_space<hbm>> -> memref<4x8x1024xf32, #tpu.memory_space<hbm>>
    tpu.enqueue_dma source(%dma_start3A_1783 : memref<4x8x1024xf32, #tpu.memory_space<hbm>>) target(%dma_start3A_1780 : memref<4x8x1024xf32, #tpu.memory_space<vmem>>) target_semaphore(%dma_start3A_1775 : memref<!tpu.dma_semaphore, #tpu.memory_space<semaphore_mem>>)
    %dma_wait3A_1784 = arith.constant 0 : i32
    %dma_wait3A_1785 = arith.constant 0 : i32
    %dma_wait3A_1786 = arith.constant 0 : i32
    %dma_wait3A_1787 = arith.constant 0 : i32
    %dma_wait3A_1788 = tpu.memref_slice %arg7[%dma_wait3A_1784, %dma_wait3A_1786, %dma_wait3A_1787] : memref<2x8x1024xf32, #tpu.memory_space<vmem>> -> memref<1x8x1024xf32, #tpu.memory_space<vmem>>
    %dma_wait3A_1789 = tpu.memref_squeeze %dma_wait3A_1788 : memref<1x8x1024xf32, #tpu.memory_space<vmem>> -> memref<8x1024xf32, #tpu.memory_space<vmem>>
    %dma_wait3A_1790 = arith.constant 0 : i32
    %dma_wait3A_1791 = tpu.memref_slice %arg3[%add3A_1622, %dma_wait3A_1790] : memref<4096x1024xf32, #tpu.memory_space<hbm>> -> memref<8x1024xf32, #tpu.memory_space<hbm>>
    %dma_wait3A_1792 = tpu.memref_slice %arg9[%dma_wait3A_1785] : memref<2x!tpu.dma_semaphore, #tpu.memory_space<semaphore_mem>> -> memref<1x!tpu.dma_semaphore, #tpu.memory_space<semaphore_mem>>
    %dma_wait3A_1793 = tpu.memref_squeeze %dma_wait3A_1792 : memref<1x!tpu.dma_semaphore, #tpu.memory_space<semaphore_mem>> -> memref<!tpu.dma_semaphore, #tpu.memory_space<semaphore_mem>>
    %dma_wait3A_1794 = arith.constant 0 : i32
    %dma_wait3A_1795 = arith.constant 0 : i32
    %dma_wait3A_1796 = tpu.memref_slice %arg7[%dma_wait3A_1784, %dma_wait3A_1794, %dma_wait3A_1795] : memref<2x8x1024xf32, #tpu.memory_space<vmem>> -> memref<1x8x1024xf32, #tpu.memory_space<vmem>>
    %dma_wait3A_1797 = tpu.memref_squeeze %dma_wait3A_1796 : memref<1x8x1024xf32, #tpu.memory_space<vmem>> -> memref<8x1024xf32, #tpu.memory_space<vmem>>
    %dma_wait3A_1798 = arith.constant 0 : i32
    %dma_wait3A_1799 = tpu.memref_slice %arg3[%add3A_1622, %dma_wait3A_1798] : memref<4096x1024xf32, #tpu.memory_space<hbm>> -> memref<8x1024xf32, #tpu.memory_space<hbm>>
    tpu.wait_dma2 semaphore(%dma_wait3A_1793 : memref<!tpu.dma_semaphore, #tpu.memory_space<semaphore_mem>>) src(%dma_wait3A_1799 : memref<8x1024xf32, #tpu.memory_space<hbm>>) dst(%dma_wait3A_1797 : memref<8x1024xf32, #tpu.memory_space<vmem>>)
    %dma_wait3A_1800 = arith.constant 2 : i32
    %dma_wait3A_1801 = arith.constant 2 : i32
    %dma_wait3A_1802 = arith.constant 0 : i32
    %dma_wait3A_1803 = arith.constant 0 : i32
    %dma_wait3A_1804 = arith.constant 0 : i32
    %dma_wait3A_1805 = tpu.memref_slice %arg8[%dma_wait3A_1800, %dma_wait3A_1802, %dma_wait3A_1803, %dma_wait3A_1804] : memref<3x4x8x1024xf32, #tpu.memory_space<vmem>> -> memref<1x4x8x1024xf32, #tpu.memory_space<vmem>>
    %dma_wait3A_1806 = tpu.memref_squeeze %dma_wait3A_1805 : memref<1x4x8x1024xf32, #tpu.memory_space<vmem>> -> memref<4x8x1024xf32, #tpu.memory_space<vmem>>
    %dma_wait3A_1807 = arith.constant 0 : i32
    %dma_wait3A_1808 = arith.constant 0 : i32
    %dma_wait3A_1809 = tpu.memref_slice %arg2[%dma_wait3A_1807, %add3A_1640, %dma_wait3A_1808] : memref<4x4096x1024xf32, #tpu.memory_space<hbm>> -> memref<4x8x1024xf32, #tpu.memory_space<hbm>>
    %dma_wait3A_1810 = tpu.memref_slice %arg10[%dma_wait3A_1801] : memref<3x!tpu.dma_semaphore, #tpu.memory_space<semaphore_mem>> -> memref<1x!tpu.dma_semaphore, #tpu.memory_space<semaphore_mem>>
    %dma_wait3A_1811 = tpu.memref_squeeze %dma_wait3A_1810 : memref<1x!tpu.dma_semaphore, #tpu.memory_space<semaphore_mem>> -> memref<!tpu.dma_semaphore, #tpu.memory_space<semaphore_mem>>
    %dma_wait3A_1812 = arith.constant 0 : i32
    %dma_wait3A_1813 = arith.constant 0 : i32
    %dma_wait3A_1814 = arith.constant 0 : i32
    %dma_wait3A_1815 = tpu.memref_slice %arg8[%dma_wait3A_1800, %dma_wait3A_1812, %dma_wait3A_1813, %dma_wait3A_1814] : memref<3x4x8x1024xf32, #tpu.memory_space<vmem>> -> memref<1x4x8x1024xf32, #tpu.memory_space<vmem>>
    %dma_wait3A_1816 = tpu.memref_squeeze %dma_wait3A_1815 : memref<1x4x8x1024xf32, #tpu.memory_space<vmem>> -> memref<4x8x1024xf32, #tpu.memory_space<vmem>>
    %dma_wait3A_1817 = arith.constant 0 : i32
    %dma_wait3A_1818 = arith.constant 0 : i32
    %dma_wait3A_1819 = tpu.memref_slice %arg2[%dma_wait3A_1817, %add3A_1640, %dma_wait3A_1818] : memref<4x4096x1024xf32, #tpu.memory_space<hbm>> -> memref<4x8x1024xf32, #tpu.memory_space<hbm>>
    tpu.wait_dma2 semaphore(%dma_wait3A_1811 : memref<!tpu.dma_semaphore, #tpu.memory_space<semaphore_mem>>) src(%dma_wait3A_1819 : memref<4x8x1024xf32, #tpu.memory_space<hbm>>) dst(%dma_wait3A_1816 : memref<4x8x1024xf32, #tpu.memory_space<vmem>>)
    %scan3A_1820 = arith.constant 0 : i32
    %scan3A_1821 = arith.constant 8 : i32
    %scan3A_1822 = arith.addi %scan3A_1820, %scan3A_1821 : i32
    %scan3A_1823 = arith.constant 1 : i32
    scf.for %scan3A_1970 = %scan3A_1820 to %scan3A_1822 step %scan3A_1823  : i32 {
      %mul3A_1971 = arith.constant 1 : i32
      %mul3A_1972 = arith.muli %scan3A_1970, %mul3A_1971 : i32
      %add3A_1973 = arith.constant 0 : i32
      %add3A_1974 = arith.addi %add3A_1973, %mul3A_1972 : i32
      %parallel_loop3A = arith.constant 0 : i32
      %parallel_loop3A_1975 = arith.constant 64 : i32
      %parallel_loop3A_1976 = arith.constant 1 : i32
      scf.for %parallel_loop3A_1977 = %parallel_loop3A to %parallel_loop3A_1975 step %parallel_loop3A_1976  : i32 {
        %parallel_loop3A_1978 = arith.constant 16 : i32
        %parallel_loop3A_1979 = arith.muli %parallel_loop3A_1977, %parallel_loop3A_1978 : i32
        %parallel_loop3A_1980 = arith.constant 0 : i32
        %parallel_loop3A_1981 = arith.index_cast %parallel_loop3A_1980 : i32 to index
        %parallel_loop3A_1982 = arith.index_cast %add3A_1974 : i32 to index
        %parallel_loop3A_1983 = arith.index_cast %parallel_loop3A_1979 : i32 to index
        %parallel_loop3A_1984 = tpu.vector_load %arg7[%parallel_loop3A_1981, %parallel_loop3A_1982, %parallel_loop3A_1983] {strides = array<i32>} : memref<2x8x1024xf32, #tpu.memory_space<vmem>>, vector<1x1x16xf32>,
        %parallel_loop3A_1985 = vector.shape_cast %parallel_loop3A_1984 : vector<1x1x16xf32> to vector<16xf32>
        %parallel_loop3A_1986 = arith.mulf %get3A_4, %parallel_loop3A_1985 : vector<16xf32>
        %parallel_loop3A_1987 = arith.constant 2 : i32
        %parallel_loop3A_1988 = arith.constant 0 : i32
        %parallel_loop3A_1989 = arith.index_cast %parallel_loop3A_1987 : i32 to index
        %parallel_loop3A_1990 = arith.index_cast %parallel_loop3A_1988 : i32 to index
        %parallel_loop3A_1991 = arith.index_cast %add3A_1974 : i32 to index
        %parallel_loop3A_1992 = arith.index_cast %parallel_loop3A_1979 : i32 to index
        %parallel_loop3A_1993 = tpu.vector_load %arg8[%parallel_loop3A_1989, %parallel_loop3A_1990, %parallel_loop3A_1991, %parallel_loop3A_1992] {strides = array<i32>} : memref<3x4x8x1024xf32, #tpu.memory_space<vmem>>, vector<1x1x1x16xf32>,
        %parallel_loop3A_1994 = vector.shape_cast %parallel_loop3A_1993 : vector<1x1x1x16xf32> to vector<16xf32>
        %parallel_loop3A_1995 = vector.shape_cast %parallel_loop3A_1986 : vector<16xf32> to vector<1x1x1x16xf32>
        tpu.vector_store %arg8[%parallel_loop3A_1989, %parallel_loop3A_1990, %parallel_loop3A_1991, %parallel_loop3A_1992], %parallel_loop3A_1995 {add = true, strides = array<i32>} : memref<3x4x8x1024xf32, #tpu.memory_space<vmem>>, vector<1x1x1x16xf32>,
        %parallel_loop3A_1996 = arith.constant 2 : i32
        %parallel_loop3A_1997 = arith.constant 1 : i32
        %parallel_loop3A_1998 = arith.index_cast %parallel_loop3A_1996 : i32 to index
        %parallel_loop3A_1999 = arith.index_cast %parallel_loop3A_1997 : i32 to index
        %parallel_loop3A_2000 = arith.index_cast %add3A_1974 : i32 to index
        %parallel_loop3A_2001 = arith.index_cast %parallel_loop3A_1979 : i32 to index
        %parallel_loop3A_2002 = tpu.vector_load %arg8[%parallel_loop3A_1998, %parallel_loop3A_1999, %parallel_loop3A_2000, %parallel_loop3A_2001] {strides = array<i32>} : memref<3x4x8x1024xf32, #tpu.memory_space<vmem>>, vector<1x1x1x16xf32>,
        %parallel_loop3A_2003 = vector.shape_cast %parallel_loop3A_2002 : vector<1x1x1x16xf32> to vector<16xf32>
        %parallel_loop3A_2004 = vector.shape_cast %parallel_loop3A_1986 : vector<16xf32> to vector<1x1x1x16xf32>
        tpu.vector_store %arg8[%parallel_loop3A_1998, %parallel_loop3A_1999, %parallel_loop3A_2000, %parallel_loop3A_2001], %parallel_loop3A_2004 {add = true, strides = array<i32>} : memref<3x4x8x1024xf32, #tpu.memory_space<vmem>>, vector<1x1x1x16xf32>,
        %parallel_loop3A_2005 = arith.constant 2 : i32
        %parallel_loop3A_2006 = arith.constant 2 : i32
        %parallel_loop3A_2007 = arith.index_cast %parallel_loop3A_2005 : i32 to index
        %parallel_loop3A_2008 = arith.index_cast %parallel_loop3A_2006 : i32 to index
        %parallel_loop3A_2009 = arith.index_cast %add3A_1974 : i32 to index
        %parallel_loop3A_2010 = arith.index_cast %parallel_loop3A_1979 : i32 to index
        %parallel_loop3A_2011 = tpu.vector_load %arg8[%parallel_loop3A_2007, %parallel_loop3A_2008, %parallel_loop3A_2009, %parallel_loop3A_2010] {strides = array<i32>} : memref<3x4x8x1024xf32, #tpu.memory_space<vmem>>, vector<1x1x1x16xf32>,
        %parallel_loop3A_2012 = vector.shape_cast %parallel_loop3A_2011 : vector<1x1x1x16xf32> to vector<16xf32>
        %parallel_loop3A_2013 = vector.shape_cast %parallel_loop3A_1986 : vector<16xf32> to vector<1x1x1x16xf32>
        tpu.vector_store %arg8[%parallel_loop3A_2007, %parallel_loop3A_2008, %parallel_loop3A_2009, %parallel_loop3A_2010], %parallel_loop3A_2013 {add = true, strides = array<i32>} : memref<3x4x8x1024xf32, #tpu.memory_space<vmem>>, vector<1x1x1x16xf32>,
        %parallel_loop3A_2014 = arith.constant 2 : i32
        %parallel_loop3A_2015 = arith.constant 3 : i32
        %parallel_loop3A_2016 = arith.index_cast %parallel_loop3A_2014 : i32 to index
        %parallel_loop3A_2017 = arith.index_cast %parallel_loop3A_2015 : i32 to index
        %parallel_loop3A_2018 = arith.index_cast %add3A_1974 : i32 to index
        %parallel_loop3A_2019 = arith.index_cast %parallel_loop3A_1979 : i32 to index
        %parallel_loop3A_2020 = tpu.vector_load %arg8[%parallel_loop3A_2016, %parallel_loop3A_2017, %parallel_loop3A_2018, %parallel_loop3A_2019] {strides = array<i32>} : memref<3x4x8x1024xf32, #tpu.memory_space<vmem>>, vector<1x1x1x16xf32>,
        %parallel_loop3A_2021 = vector.shape_cast %parallel_loop3A_2020 : vector<1x1x1x16xf32> to vector<16xf32>
        %parallel_loop3A_2022 = vector.shape_cast %parallel_loop3A_1986 : vector<16xf32> to vector<1x1x1x16xf32>
        tpu.vector_store %arg8[%parallel_loop3A_2016, %parallel_loop3A_2017, %parallel_loop3A_2018, %parallel_loop3A_2019], %parallel_loop3A_2022 {add = true, strides = array<i32>} : memref<3x4x8x1024xf32, #tpu.memory_space<vmem>>, vector<1x1x1x16xf32>,
      } {sc.loop_unroll_factor = 8 : i64, sc.parallel_access}
    }
    %scan3A_1824 = arith.constant 8 : i32
    %add3A_1825 = arith.constant 112 : i32
    %add3A_1826 = arith.addi %mul3A_2, %add3A_1825 : i32
    %dma_start3A_1827 = arith.constant 2 : i32
    %dma_start3A_1828 = arith.constant 2 : i32
    %dma_start3A_1829 = arith.constant 0 : i32
    %dma_start3A_1830 = arith.constant 0 : i32
    %dma_start3A_1831 = arith.constant 0 : i32
    %dma_start3A_1832 = tpu.memref_slice %arg8[%dma_start3A_1827, %dma_start3A_1829, %dma_start3A_1830, %dma_start3A_1831] : memref<3x4x8x1024xf32, #tpu.memory_space<vmem>> -> memref<1x4x8x1024xf32, #tpu.memory_space<vmem>>
    %dma_start3A_1833 = tpu.memref_squeeze %dma_start3A_1832 : memref<1x4x8x1024xf32, #tpu.memory_space<vmem>> -> memref<4x8x1024xf32, #tpu.memory_space<vmem>>
    %dma_start3A_1834 = arith.constant 0 : i32
    %dma_start3A_1835 = arith.constant 0 : i32
    %dma_start3A_1836 = tpu.memref_slice %arg5[%dma_start3A_1834, %add3A_1826, %dma_start3A_1835] : memref<4x4096x1024xf32, #tpu.memory_space<hbm>> -> memref<4x8x1024xf32, #tpu.memory_space<hbm>>
    %dma_start3A_1837 = tpu.memref_slice %arg11[%dma_start3A_1828] : memref<3x!tpu.dma_semaphore, #tpu.memory_space<semaphore_mem>> -> memref<1x!tpu.dma_semaphore, #tpu.memory_space<semaphore_mem>>
    %dma_start3A_1838 = tpu.memref_squeeze %dma_start3A_1837 : memref<1x!tpu.dma_semaphore, #tpu.memory_space<semaphore_mem>> -> memref<!tpu.dma_semaphore, #tpu.memory_space<semaphore_mem>>
    %dma_start3A_1839 = arith.constant 0 : i32
    %dma_start3A_1840 = arith.constant 0 : i32
    %dma_start3A_1841 = tpu.memref_slice %arg5[%dma_start3A_1839, %add3A_1826, %dma_start3A_1840] : memref<4x4096x1024xf32, #tpu.memory_space<hbm>> -> memref<4x8x1024xf32, #tpu.memory_space<hbm>>
    %dma_start3A_1842 = arith.constant 0 : i32
    %dma_start3A_1843 = arith.constant 0 : i32
    %dma_start3A_1844 = arith.constant 0 : i32
    %dma_start3A_1845 = tpu.memref_slice %arg8[%dma_start3A_1827, %dma_start3A_1842, %dma_start3A_1843, %dma_start3A_1844] : memref<3x4x8x1024xf32, #tpu.memory_space<vmem>> -> memref<1x4x8x1024xf32, #tpu.memory_space<vmem>>
    %dma_start3A_1846 = tpu.memref_squeeze %dma_start3A_1845 : memref<1x4x8x1024xf32, #tpu.memory_space<vmem>> -> memref<4x8x1024xf32, #tpu.memory_space<vmem>>
    tpu.enqueue_dma source(%dma_start3A_1846 : memref<4x8x1024xf32, #tpu.memory_space<vmem>>) target(%dma_start3A_1841 : memref<4x8x1024xf32, #tpu.memory_space<hbm>>) target_semaphore(%dma_start3A_1838 : memref<!tpu.dma_semaphore, #tpu.memory_space<semaphore_mem>>)
    %dma_wait3A_1847 = arith.constant 1 : i32
    %dma_wait3A_1848 = arith.constant 1 : i32
    %dma_wait3A_1849 = arith.constant 0 : i32
    %dma_wait3A_1850 = arith.constant 0 : i32
    %dma_wait3A_1851 = tpu.memref_slice %arg7[%dma_wait3A_1847, %dma_wait3A_1849, %dma_wait3A_1850] : memref<2x8x1024xf32, #tpu.memory_space<vmem>> -> memref<1x8x1024xf32, #tpu.memory_space<vmem>>
    %dma_wait3A_1852 = tpu.memref_squeeze %dma_wait3A_1851 : memref<1x8x1024xf32, #tpu.memory_space<vmem>> -> memref<8x1024xf32, #tpu.memory_space<vmem>>
    %dma_wait3A_1853 = arith.constant 0 : i32
    %dma_wait3A_1854 = tpu.memref_slice %arg3[%add3A_1745, %dma_wait3A_1853] : memref<4096x1024xf32, #tpu.memory_space<hbm>> -> memref<8x1024xf32, #tpu.memory_space<hbm>>
    %dma_wait3A_1855 = tpu.memref_slice %arg9[%dma_wait3A_1848] : memref<2x!tpu.dma_semaphore, #tpu.memory_space<semaphore_mem>> -> memref<1x!tpu.dma_semaphore, #tpu.memory_space<semaphore_mem>>
    %dma_wait3A_1856 = tpu.memref_squeeze %dma_wait3A_1855 : memref<1x!tpu.dma_semaphore, #tpu.memory_space<semaphore_mem>> -> memref<!tpu.dma_semaphore, #tpu.memory_space<semaphore_mem>>
    %dma_wait3A_1857 = arith.constant 0 : i32
    %dma_wait3A_1858 = arith.constant 0 : i32
    %dma_wait3A_1859 = tpu.memref_slice %arg7[%dma_wait3A_1847, %dma_wait3A_1857, %dma_wait3A_1858] : memref<2x8x1024xf32, #tpu.memory_space<vmem>> -> memref<1x8x1024xf32, #tpu.memory_space<vmem>>
    %dma_wait3A_1860 = tpu.memref_squeeze %dma_wait3A_1859 : memref<1x8x1024xf32, #tpu.memory_space<vmem>> -> memref<8x1024xf32, #tpu.memory_space<vmem>>
    %dma_wait3A_1861 = arith.constant 0 : i32
    %dma_wait3A_1862 = tpu.memref_slice %arg3[%add3A_1745, %dma_wait3A_1861] : memref<4096x1024xf32, #tpu.memory_space<hbm>> -> memref<8x1024xf32, #tpu.memory_space<hbm>>
    tpu.wait_dma2 semaphore(%dma_wait3A_1856 : memref<!tpu.dma_semaphore, #tpu.memory_space<semaphore_mem>>) src(%dma_wait3A_1862 : memref<8x1024xf32, #tpu.memory_space<hbm>>) dst(%dma_wait3A_1860 : memref<8x1024xf32, #tpu.memory_space<vmem>>)
    %dma_wait3A_1863 = arith.constant 0 : i32
    %dma_wait3A_1864 = arith.constant 0 : i32
    %dma_wait3A_1865 = arith.constant 0 : i32
    %dma_wait3A_1866 = arith.constant 0 : i32
    %dma_wait3A_1867 = arith.constant 0 : i32
    %dma_wait3A_1868 = tpu.memref_slice %arg8[%dma_wait3A_1863, %dma_wait3A_1865, %dma_wait3A_1866, %dma_wait3A_1867] : memref<3x4x8x1024xf32, #tpu.memory_space<vmem>> -> memref<1x4x8x1024xf32, #tpu.memory_space<vmem>>
    %dma_wait3A_1869 = tpu.memref_squeeze %dma_wait3A_1868 : memref<1x4x8x1024xf32, #tpu.memory_space<vmem>> -> memref<4x8x1024xf32, #tpu.memory_space<vmem>>
    %dma_wait3A_1870 = arith.constant 0 : i32
    %dma_wait3A_1871 = arith.constant 0 : i32
    %dma_wait3A_1872 = tpu.memref_slice %arg2[%dma_wait3A_1870, %add3A_1763, %dma_wait3A_1871] : memref<4x4096x1024xf32, #tpu.memory_space<hbm>> -> memref<4x8x1024xf32, #tpu.memory_space<hbm>>
    %dma_wait3A_1873 = tpu.memref_slice %arg10[%dma_wait3A_1864] : memref<3x!tpu.dma_semaphore, #tpu.memory_space<semaphore_mem>> -> memref<1x!tpu.dma_semaphore, #tpu.memory_space<semaphore_mem>>
    %dma_wait3A_1874 = tpu.memref_squeeze %dma_wait3A_1873 : memref<1x!tpu.dma_semaphore, #tpu.memory_space<semaphore_mem>> -> memref<!tpu.dma_semaphore, #tpu.memory_space<semaphore_mem>>
    %dma_wait3A_1875 = arith.constant 0 : i32
    %dma_wait3A_1876 = arith.constant 0 : i32
    %dma_wait3A_1877 = arith.constant 0 : i32
    %dma_wait3A_1878 = tpu.memref_slice %arg8[%dma_wait3A_1863, %dma_wait3A_1875, %dma_wait3A_1876, %dma_wait3A_1877] : memref<3x4x8x1024xf32, #tpu.memory_space<vmem>> -> memref<1x4x8x1024xf32, #tpu.memory_space<vmem>>
    %dma_wait3A_1879 = tpu.memref_squeeze %dma_wait3A_1878 : memref<1x4x8x1024xf32, #tpu.memory_space<vmem>> -> memref<4x8x1024xf32, #tpu.memory_space<vmem>>
    %dma_wait3A_1880 = arith.constant 0 : i32
    %dma_wait3A_1881 = arith.constant 0 : i32
    %dma_wait3A_1882 = tpu.memref_slice %arg2[%dma_wait3A_1880, %add3A_1763, %dma_wait3A_1881] : memref<4x4096x1024xf32, #tpu.memory_space<hbm>> -> memref<4x8x1024xf32, #tpu.memory_space<hbm>>
    tpu.wait_dma2 semaphore(%dma_wait3A_1874 : memref<!tpu.dma_semaphore, #tpu.memory_space<semaphore_mem>>) src(%dma_wait3A_1882 : memref<4x8x1024xf32, #tpu.memory_space<hbm>>) dst(%dma_wait3A_1879 : memref<4x8x1024xf32, #tpu.memory_space<vmem>>)
    %scan3A_1883 = arith.constant 0 : i32
    %scan3A_1884 = arith.constant 8 : i32
    %scan3A_1885 = arith.addi %scan3A_1883, %scan3A_1884 : i32
    %scan3A_1886 = arith.constant 1 : i32
    scf.for %scan3A_1970 = %scan3A_1883 to %scan3A_1885 step %scan3A_1886  : i32 {
      %mul3A_1971 = arith.constant 1 : i32
      %mul3A_1972 = arith.muli %scan3A_1970, %mul3A_1971 : i32
      %add3A_1973 = arith.constant 0 : i32
      %add3A_1974 = arith.addi %add3A_1973, %mul3A_1972 : i32
      %parallel_loop3A = arith.constant 0 : i32
      %parallel_loop3A_1975 = arith.constant 64 : i32
      %parallel_loop3A_1976 = arith.constant 1 : i32
      scf.for %parallel_loop3A_1977 = %parallel_loop3A to %parallel_loop3A_1975 step %parallel_loop3A_1976  : i32 {
        %parallel_loop3A_1978 = arith.constant 16 : i32
        %parallel_loop3A_1979 = arith.muli %parallel_loop3A_1977, %parallel_loop3A_1978 : i32
        %parallel_loop3A_1980 = arith.constant 1 : i32
        %parallel_loop3A_1981 = arith.index_cast %parallel_loop3A_1980 : i32 to index
        %parallel_loop3A_1982 = arith.index_cast %add3A_1974 : i32 to index
        %parallel_loop3A_1983 = arith.index_cast %parallel_loop3A_1979 : i32 to index
        %parallel_loop3A_1984 = tpu.vector_load %arg7[%parallel_loop3A_1981, %parallel_loop3A_1982, %parallel_loop3A_1983] {strides = array<i32>} : memref<2x8x1024xf32, #tpu.memory_space<vmem>>, vector<1x1x16xf32>,
        %parallel_loop3A_1985 = vector.shape_cast %parallel_loop3A_1984 : vector<1x1x16xf32> to vector<16xf32>
        %parallel_loop3A_1986 = arith.mulf %get3A_4, %parallel_loop3A_1985 : vector<16xf32>
        %parallel_loop3A_1987 = arith.constant 0 : i32
        %parallel_loop3A_1988 = arith.constant 0 : i32
        %parallel_loop3A_1989 = arith.index_cast %parallel_loop3A_1987 : i32 to index
        %parallel_loop3A_1990 = arith.index_cast %parallel_loop3A_1988 : i32 to index
        %parallel_loop3A_1991 = arith.index_cast %add3A_1974 : i32 to index
        %parallel_loop3A_1992 = arith.index_cast %parallel_loop3A_1979 : i32 to index
        %parallel_loop3A_1993 = tpu.vector_load %arg8[%parallel_loop3A_1989, %parallel_loop3A_1990, %parallel_loop3A_1991, %parallel_loop3A_1992] {strides = array<i32>} : memref<3x4x8x1024xf32, #tpu.memory_space<vmem>>, vector<1x1x1x16xf32>,
        %parallel_loop3A_1994 = vector.shape_cast %parallel_loop3A_1993 : vector<1x1x1x16xf32> to vector<16xf32>
        %parallel_loop3A_1995 = vector.shape_cast %parallel_loop3A_1986 : vector<16xf32> to vector<1x1x1x16xf32>
        tpu.vector_store %arg8[%parallel_loop3A_1989, %parallel_loop3A_1990, %parallel_loop3A_1991, %parallel_loop3A_1992], %parallel_loop3A_1995 {add = true, strides = array<i32>} : memref<3x4x8x1024xf32, #tpu.memory_space<vmem>>, vector<1x1x1x16xf32>,
        %parallel_loop3A_1996 = arith.constant 0 : i32
        %parallel_loop3A_1997 = arith.constant 1 : i32
        %parallel_loop3A_1998 = arith.index_cast %parallel_loop3A_1996 : i32 to index
        %parallel_loop3A_1999 = arith.index_cast %parallel_loop3A_1997 : i32 to index
        %parallel_loop3A_2000 = arith.index_cast %add3A_1974 : i32 to index
        %parallel_loop3A_2001 = arith.index_cast %parallel_loop3A_1979 : i32 to index
        %parallel_loop3A_2002 = tpu.vector_load %arg8[%parallel_loop3A_1998, %parallel_loop3A_1999, %parallel_loop3A_2000, %parallel_loop3A_2001] {strides = array<i32>} : memref<3x4x8x1024xf32, #tpu.memory_space<vmem>>, vector<1x1x1x16xf32>,
        %parallel_loop3A_2003 = vector.shape_cast %parallel_loop3A_2002 : vector<1x1x1x16xf32> to vector<16xf32>
        %parallel_loop3A_2004 = vector.shape_cast %parallel_loop3A_1986 : vector<16xf32> to vector<1x1x1x16xf32>
        tpu.vector_store %arg8[%parallel_loop3A_1998, %parallel_loop3A_1999, %parallel_loop3A_2000, %parallel_loop3A_2001], %parallel_loop3A_2004 {add = true, strides = array<i32>} : memref<3x4x8x1024xf32, #tpu.memory_space<vmem>>, vector<1x1x1x16xf32>,
        %parallel_loop3A_2005 = arith.constant 0 : i32
        %parallel_loop3A_2006 = arith.constant 2 : i32
        %parallel_loop3A_2007 = arith.index_cast %parallel_loop3A_2005 : i32 to index
        %parallel_loop3A_2008 = arith.index_cast %parallel_loop3A_2006 : i32 to index
        %parallel_loop3A_2009 = arith.index_cast %add3A_1974 : i32 to index
        %parallel_loop3A_2010 = arith.index_cast %parallel_loop3A_1979 : i32 to index
        %parallel_loop3A_2011 = tpu.vector_load %arg8[%parallel_loop3A_2007, %parallel_loop3A_2008, %parallel_loop3A_2009, %parallel_loop3A_2010] {strides = array<i32>} : memref<3x4x8x1024xf32, #tpu.memory_space<vmem>>, vector<1x1x1x16xf32>,
        %parallel_loop3A_2012 = vector.shape_cast %parallel_loop3A_2011 : vector<1x1x1x16xf32> to vector<16xf32>
        %parallel_loop3A_2013 = vector.shape_cast %parallel_loop3A_1986 : vector<16xf32> to vector<1x1x1x16xf32>
        tpu.vector_store %arg8[%parallel_loop3A_2007, %parallel_loop3A_2008, %parallel_loop3A_2009, %parallel_loop3A_2010], %parallel_loop3A_2013 {add = true, strides = array<i32>} : memref<3x4x8x1024xf32, #tpu.memory_space<vmem>>, vector<1x1x1x16xf32>,
        %parallel_loop3A_2014 = arith.constant 0 : i32
        %parallel_loop3A_2015 = arith.constant 3 : i32
        %parallel_loop3A_2016 = arith.index_cast %parallel_loop3A_2014 : i32 to index
        %parallel_loop3A_2017 = arith.index_cast %parallel_loop3A_2015 : i32 to index
        %parallel_loop3A_2018 = arith.index_cast %add3A_1974 : i32 to index
        %parallel_loop3A_2019 = arith.index_cast %parallel_loop3A_1979 : i32 to index
        %parallel_loop3A_2020 = tpu.vector_load %arg8[%parallel_loop3A_2016, %parallel_loop3A_2017, %parallel_loop3A_2018, %parallel_loop3A_2019] {strides = array<i32>} : memref<3x4x8x1024xf32, #tpu.memory_space<vmem>>, vector<1x1x1x16xf32>,
        %parallel_loop3A_2021 = vector.shape_cast %parallel_loop3A_2020 : vector<1x1x1x16xf32> to vector<16xf32>
        %parallel_loop3A_2022 = vector.shape_cast %parallel_loop3A_1986 : vector<16xf32> to vector<1x1x1x16xf32>
        tpu.vector_store %arg8[%parallel_loop3A_2016, %parallel_loop3A_2017, %parallel_loop3A_2018, %parallel_loop3A_2019], %parallel_loop3A_2022 {add = true, strides = array<i32>} : memref<3x4x8x1024xf32, #tpu.memory_space<vmem>>, vector<1x1x1x16xf32>,
      } {sc.loop_unroll_factor = 8 : i64, sc.parallel_access}
    }
    %scan3A_1887 = arith.constant 8 : i32
    %add3A_1888 = arith.constant 120 : i32
    %add3A_1889 = arith.addi %mul3A_2, %add3A_1888 : i32
    %dma_start3A_1890 = arith.constant 0 : i32
    %dma_start3A_1891 = arith.constant 0 : i32
    %dma_start3A_1892 = arith.constant 0 : i32
    %dma_start3A_1893 = arith.constant 0 : i32
    %dma_start3A_1894 = arith.constant 0 : i32
    %dma_start3A_1895 = tpu.memref_slice %arg8[%dma_start3A_1890, %dma_start3A_1892, %dma_start3A_1893, %dma_start3A_1894] : memref<3x4x8x1024xf32, #tpu.memory_space<vmem>> -> memref<1x4x8x1024xf32, #tpu.memory_space<vmem>>
    %dma_start3A_1896 = tpu.memref_squeeze %dma_start3A_1895 : memref<1x4x8x1024xf32, #tpu.memory_space<vmem>> -> memref<4x8x1024xf32, #tpu.memory_space<vmem>>
    %dma_start3A_1897 = arith.constant 0 : i32
    %dma_start3A_1898 = arith.constant 0 : i32
    %dma_start3A_1899 = tpu.memref_slice %arg5[%dma_start3A_1897, %add3A_1889, %dma_start3A_1898] : memref<4x4096x1024xf32, #tpu.memory_space<hbm>> -> memref<4x8x1024xf32, #tpu.memory_space<hbm>>
    %dma_start3A_1900 = tpu.memref_slice %arg11[%dma_start3A_1891] : memref<3x!tpu.dma_semaphore, #tpu.memory_space<semaphore_mem>> -> memref<1x!tpu.dma_semaphore, #tpu.memory_space<semaphore_mem>>
    %dma_start3A_1901 = tpu.memref_squeeze %dma_start3A_1900 : memref<1x!tpu.dma_semaphore, #tpu.memory_space<semaphore_mem>> -> memref<!tpu.dma_semaphore, #tpu.memory_space<semaphore_mem>>
    %dma_start3A_1902 = arith.constant 0 : i32
    %dma_start3A_1903 = arith.constant 0 : i32
    %dma_start3A_1904 = tpu.memref_slice %arg5[%dma_start3A_1902, %add3A_1889, %dma_start3A_1903] : memref<4x4096x1024xf32, #tpu.memory_space<hbm>> -> memref<4x8x1024xf32, #tpu.memory_space<hbm>>
    %dma_start3A_1905 = arith.constant 0 : i32
    %dma_start3A_1906 = arith.constant 0 : i32
    %dma_start3A_1907 = arith.constant 0 : i32
    %dma_start3A_1908 = tpu.memref_slice %arg8[%dma_start3A_1890, %dma_start3A_1905, %dma_start3A_1906, %dma_start3A_1907] : memref<3x4x8x1024xf32, #tpu.memory_space<vmem>> -> memref<1x4x8x1024xf32, #tpu.memory_space<vmem>>
    %dma_start3A_1909 = tpu.memref_squeeze %dma_start3A_1908 : memref<1x4x8x1024xf32, #tpu.memory_space<vmem>> -> memref<4x8x1024xf32, #tpu.memory_space<vmem>>
    tpu.enqueue_dma source(%dma_start3A_1909 : memref<4x8x1024xf32, #tpu.memory_space<vmem>>) target(%dma_start3A_1904 : memref<4x8x1024xf32, #tpu.memory_space<hbm>>) target_semaphore(%dma_start3A_1901 : memref<!tpu.dma_semaphore, #tpu.memory_space<semaphore_mem>>)
    %dma_wait3A_1910 = arith.constant 1 : i32
    %dma_wait3A_1911 = arith.constant 1 : i32
    %dma_wait3A_1912 = arith.constant 0 : i32
    %dma_wait3A_1913 = arith.constant 0 : i32
    %dma_wait3A_1914 = arith.constant 0 : i32
    %dma_wait3A_1915 = tpu.memref_slice %arg8[%dma_wait3A_1910, %dma_wait3A_1912, %dma_wait3A_1913, %dma_wait3A_1914] : memref<3x4x8x1024xf32, #tpu.memory_space<vmem>> -> memref<1x4x8x1024xf32, #tpu.memory_space<vmem>>
    %dma_wait3A_1916 = tpu.memref_squeeze %dma_wait3A_1915 : memref<1x4x8x1024xf32, #tpu.memory_space<vmem>> -> memref<4x8x1024xf32, #tpu.memory_space<vmem>>
    %dma_wait3A_1917 = arith.constant 0 : i32
    %dma_wait3A_1918 = arith.constant 0 : i32
    %dma_wait3A_1919 = tpu.memref_slice %arg5[%dma_wait3A_1917, %add3A_1703, %dma_wait3A_1918] : memref<4x4096x1024xf32, #tpu.memory_space<hbm>> -> memref<4x8x1024xf32, #tpu.memory_space<hbm>>
    %dma_wait3A_1920 = tpu.memref_slice %arg11[%dma_wait3A_1911] : memref<3x!tpu.dma_semaphore, #tpu.memory_space<semaphore_mem>> -> memref<1x!tpu.dma_semaphore, #tpu.memory_space<semaphore_mem>>
    %dma_wait3A_1921 = tpu.memref_squeeze %dma_wait3A_1920 : memref<1x!tpu.dma_semaphore, #tpu.memory_space<semaphore_mem>> -> memref<!tpu.dma_semaphore, #tpu.memory_space<semaphore_mem>>
    %dma_wait3A_1922 = arith.constant 0 : i32
    %dma_wait3A_1923 = arith.constant 0 : i32
    %dma_wait3A_1924 = tpu.memref_slice %arg5[%dma_wait3A_1922, %add3A_1703, %dma_wait3A_1923] : memref<4x4096x1024xf32, #tpu.memory_space<hbm>> -> memref<4x8x1024xf32, #tpu.memory_space<hbm>>
    %dma_wait3A_1925 = arith.constant 0 : i32
    %dma_wait3A_1926 = arith.constant 0 : i32
    %dma_wait3A_1927 = arith.constant 0 : i32
    %dma_wait3A_1928 = tpu.memref_slice %arg8[%dma_wait3A_1910, %dma_wait3A_1925, %dma_wait3A_1926, %dma_wait3A_1927] : memref<3x4x8x1024xf32, #tpu.memory_space<vmem>> -> memref<1x4x8x1024xf32, #tpu.memory_space<vmem>>
    %dma_wait3A_1929 = tpu.memref_squeeze %dma_wait3A_1928 : memref<1x4x8x1024xf32, #tpu.memory_space<vmem>> -> memref<4x8x1024xf32, #tpu.memory_space<vmem>>
    tpu.wait_dma2 semaphore(%dma_wait3A_1921 : memref<!tpu.dma_semaphore, #tpu.memory_space<semaphore_mem>>) src(%dma_wait3A_1929 : memref<4x8x1024xf32, #tpu.memory_space<vmem>>) dst(%dma_wait3A_1924 : memref<4x8x1024xf32, #tpu.memory_space<hbm>>)
    %dma_wait3A_1930 = arith.constant 2 : i32
    %dma_wait3A_1931 = arith.constant 2 : i32
    %dma_wait3A_1932 = arith.constant 0 : i32
    %dma_wait3A_1933 = arith.constant 0 : i32
    %dma_wait3A_1934 = arith.constant 0 : i32
    %dma_wait3A_1935 = tpu.memref_slice %arg8[%dma_wait3A_1930, %dma_wait3A_1932, %dma_wait3A_1933, %dma_wait3A_1934] : memref<3x4x8x1024xf32, #tpu.memory_space<vmem>> -> memref<1x4x8x1024xf32, #tpu.memory_space<vmem>>
    %dma_wait3A_1936 = tpu.memref_squeeze %dma_wait3A_1935 : memref<1x4x8x1024xf32, #tpu.memory_space<vmem>> -> memref<4x8x1024xf32, #tpu.memory_space<vmem>>
    %dma_wait3A_1937 = arith.constant 0 : i32
    %dma_wait3A_1938 = arith.constant 0 : i32
    %dma_wait3A_1939 = tpu.memref_slice %arg5[%dma_wait3A_1937, %add3A_1826, %dma_wait3A_1938] : memref<4x4096x1024xf32, #tpu.memory_space<hbm>> -> memref<4x8x1024xf32, #tpu.memory_space<hbm>>
    %dma_wait3A_1940 = tpu.memref_slice %arg11[%dma_wait3A_1931] : memref<3x!tpu.dma_semaphore, #tpu.memory_space<semaphore_mem>> -> memref<1x!tpu.dma_semaphore, #tpu.memory_space<semaphore_mem>>
    %dma_wait3A_1941 = tpu.memref_squeeze %dma_wait3A_1940 : memref<1x!tpu.dma_semaphore, #tpu.memory_space<semaphore_mem>> -> memref<!tpu.dma_semaphore, #tpu.memory_space<semaphore_mem>>
    %dma_wait3A_1942 = arith.constant 0 : i32
    %dma_wait3A_1943 = arith.constant 0 : i32
    %dma_wait3A_1944 = tpu.memref_slice %arg5[%dma_wait3A_1942, %add3A_1826, %dma_wait3A_1943] : memref<4x4096x1024xf32, #tpu.memory_space<hbm>> -> memref<4x8x1024xf32, #tpu.memory_space<hbm>>
    %dma_wait3A_1945 = arith.constant 0 : i32
    %dma_wait3A_1946 = arith.constant 0 : i32
    %dma_wait3A_1947 = arith.constant 0 : i32
    %dma_wait3A_1948 = tpu.memref_slice %arg8[%dma_wait3A_1930, %dma_wait3A_1945, %dma_wait3A_1946, %dma_wait3A_1947] : memref<3x4x8x1024xf32, #tpu.memory_space<vmem>> -> memref<1x4x8x1024xf32, #tpu.memory_space<vmem>>
    %dma_wait3A_1949 = tpu.memref_squeeze %dma_wait3A_1948 : memref<1x4x8x1024xf32, #tpu.memory_space<vmem>> -> memref<4x8x1024xf32, #tpu.memory_space<vmem>>
    tpu.wait_dma2 semaphore(%dma_wait3A_1941 : memref<!tpu.dma_semaphore, #tpu.memory_space<semaphore_mem>>) src(%dma_wait3A_1949 : memref<4x8x1024xf32, #tpu.memory_space<vmem>>) dst(%dma_wait3A_1944 : memref<4x8x1024xf32, #tpu.memory_space<hbm>>)
    %dma_wait3A_1950 = arith.constant 0 : i32
    %dma_wait3A_1951 = arith.constant 0 : i32
    %dma_wait3A_1952 = arith.constant 0 : i32
    %dma_wait3A_1953 = arith.constant 0 : i32
    %dma_wait3A_1954 = arith.constant 0 : i32
    %dma_wait3A_1955 = tpu.memref_slice %arg8[%dma_wait3A_1950, %dma_wait3A_1952, %dma_wait3A_1953, %dma_wait3A_1954] : memref<3x4x8x1024xf32, #tpu.memory_space<vmem>> -> memref<1x4x8x1024xf32, #tpu.memory_space<vmem>>
    %dma_wait3A_1956 = tpu.memref_squeeze %dma_wait3A_1955 : memref<1x4x8x1024xf32, #tpu.memory_space<vmem>> -> memref<4x8x1024xf32, #tpu.memory_space<vmem>>
    %dma_wait3A_1957 = arith.constant 0 : i32
    %dma_wait3A_1958 = arith.constant 0 : i32
    %dma_wait3A_1959 = tpu.memref_slice %arg5[%dma_wait3A_1957, %add3A_1889, %dma_wait3A_1958] : memref<4x4096x1024xf32, #tpu.memory_space<hbm>> -> memref<4x8x1024xf32, #tpu.memory_space<hbm>>
    %dma_wait3A_1960 = tpu.memref_slice %arg11[%dma_wait3A_1951] : memref<3x!tpu.dma_semaphore, #tpu.memory_space<semaphore_mem>> -> memref<1x!tpu.dma_semaphore, #tpu.memory_space<semaphore_mem>>
    %dma_wait3A_1961 = tpu.memref_squeeze %dma_wait3A_1960 : memref<1x!tpu.dma_semaphore, #tpu.memory_space<semaphore_mem>> -> memref<!tpu.dma_semaphore, #tpu.memory_space<semaphore_mem>>
    %dma_wait3A_1962 = arith.constant 0 : i32
    %dma_wait3A_1963 = arith.constant 0 : i32
    %dma_wait3A_1964 = tpu.memref_slice %arg5[%dma_wait3A_1962, %add3A_1889, %dma_wait3A_1963] : memref<4x4096x1024xf32, #tpu.memory_space<hbm>> -> memref<4x8x1024xf32, #tpu.memory_space<hbm>>
    %dma_wait3A_1965 = arith.constant 0 : i32
    %dma_wait3A_1966 = arith.constant 0 : i32
    %dma_wait3A_1967 = arith.constant 0 : i32
    %dma_wait3A_1968 = tpu.memref_slice %arg8[%dma_wait3A_1950, %dma_wait3A_1965, %dma_wait3A_1966, %dma_wait3A_1967] : memref<3x4x8x1024xf32, #tpu.memory_space<vmem>> -> memref<1x4x8x1024xf32, #tpu.memory_space<vmem>>
    %dma_wait3A_1969 = tpu.memref_squeeze %dma_wait3A_1968 : memref<1x4x8x1024xf32, #tpu.memory_space<vmem>> -> memref<4x8x1024xf32, #tpu.memory_space<vmem>>
    tpu.wait_dma2 semaphore(%dma_wait3A_1961 : memref<!tpu.dma_semaphore, #tpu.memory_space<semaphore_mem>>) src(%dma_wait3A_1969 : memref<4x8x1024xf32, #tpu.memory_space<vmem>>) dst(%dma_wait3A_1964 : memref<4x8x1024xf32, #tpu.memory_space<hbm>>)
    return
  }
}

</mosaic_0001>

<sc_bundles>
// kernel: kernel.3.cloned.1.call-start
scs
__scs_entry_jumppad:
0x0: {  	(pc) =	sbr.rel $0x88, $3  }
0x1: {  	(tag) =	ssettag $0x0;
	lr =	simm.s32 $0x1  }
0x2: {  	[smem:$0x3F9E] =	sst lr;
	_ =	strace $0xD0000000  }
0x3: {  	_ = 	snop  }
0x4: {  	_ = 	snop  }
0x5: {  	_ = 	snop  }
0x6: {  	_ = 	snop  }
0x7: {  	_ = 	snop  }
__scs_overlays_trampoline_lowered:
0x8: {  	[smem:$0x3FAD] =	sst s0  }
0x9: {  	[smem:$0x3FAE] =	sst s1  }
0xa: {  	[smem:$0x3FAF] =	sst s2  }
0xb: {  	[smem:$0x3FB0] =	sst s3  }
0xc: {  	[smem:$0x3FB1] =	sst s4  }
0xd: {  	[smem:$0x3FB2] =	sst s5  }
0xe: {  	[smem:$0x3FB3] =	sst s6  }
0xf: {  	[smem:$0x3FB4] =	sst s7  }
0x10: {  	[smem:$0x3FB5] =	sst s8  }
0x11: {  	[smem:$0x3FB6] =	sst s9;
	s0 =	simm.s32 @!p0 $0x0  }
0x12: {  	s1 =	sld [smem:$0x3F9C];
	s0 =	simm.s32 @p0 $0x1  }
0x13: {  	[smem:$0x3FB7] =	sst s0;
	s0 =	simm.s32 @!p1 $0x0  }
0x14: {  	s2 =	sld [smem:$0x3F9B];
	s0 =	simm.s32 @p1 $0x1  }
0x15: {  	[smem:$0x3FB8] =	sst s0;
	s0 =	simm.s32 @!p2 $0x0  }
0x16: {  	s3 =	sld [smem:$0x3FDB];
	s0 =	simm.s32 @p2 $0x1  }
0x17: {  	s4 =	simm.s32 $0x1BF5;
	[smem:$0x3FBA] =	sst s0  }
0x18: {  	s0 =	sld [smem:$0x3F9D];
	_ =	swait.ge [sflag:s4], $0x0  }
0x19: {  	s7 =	sld [smem:$0x3F9E]  }
0x1a: {  	s8 =	sadd.s32 $0xFFFFE003, lr  }
0x1b: {  	s9 =	sadd.s32 $0xFFFFFEF7, lr;
	s5 =	simm.s32 $0xFFFFFFFF;
	p2 =	slt.u32 s8, $0xFFFFF086  }
0x1c: {  	p1 =	slt.u32 s9, $0xF7A;
	s5 =	simm.s32 @!p2 $0x0  }
0x1d: {  	s5 =	simm.s32 @p1 $0x1;
	p0 =	seq.s32 s7, s2  }
0x1e: {  	s7 =	smul.u32 @!p0 $0xF7A, s2;
	p2 =	seq.s32 @!p0 s5, $0x0  }
0x1f: {  	s9 =	smul.u32 $0xF7A, s1;
	s8 =	simm.s32 @!p0 $0x1BF5;
	p2 =	por !p2, p0  }
0x20: {  	[sflag:s8] =	ssyncset.s32 @!p0 $0xFFFFF086;
	s6 =	sadd.s32 @!p0 s3, s7;
	s7 =	simm.s32 @!p0 $0x108  }
0x21: {  	s3 =	sadd.s32 s3, s9;
	s6 =	sadd.s32 @!p0 $0x88, s6;
	s7 =	simm.s32 @p2 $0x1082  }
0x22: {  	[simem:s7], [sflag:s8] =	dma.local @!p0 [hbm:s6], $0xF7A  }
0x23: {  	s9 =	sor.u32 $0xD0000000, s2;
	s6 =	simm.s32 $0x108;
	_ =	swait.ge @!p0 [sflag:s8], $0x0  }
0x24: {  	s3 =	sadd.s32 $0x88, s3;
	s6 =	simm.s32 @!p1 $0x1082;
	[sflag:s4] =	ssyncset.s32 $0xFFFFF086  }
0x25: {  	[simem:s6], [sflag:s4] =	dma.local [hbm:s3], $0xF7A  }
0x26: {  	[smem:$0x3F9E] =	sst s1;
	(tag) =	ssettag s2;
	_ =	strace s9  }
0x27: {  	s1 =	sld [smem:$0x3FAE]  }
0x28: {  	s2 =	sld [smem:$0x3FAF]  }
0x29: {  	s4 =	sld [smem:$0x3FB1]  }
0x2a: {  	p0 =	seq.s32 s5, $0x0;
	s5 =	sld [smem:$0x3FB2]  }
0x2b: {  	s6 =	sld [smem:$0x3FB3]  }
0x2c: {  	s7 =	sld [smem:$0x3FB4]  }
0x2d: {  	s3 =	simm.s32 $0x108;
	s8 =	sld [smem:$0x3FB5]  }
0x2e: {  	s3 =	simm.s32 @!p0 $0x1082;
	s9 =	sld [smem:$0x3FB6]  }
0x2f: {  	lr =	sadd.s32 s0, s3;
	s0 =	sld [smem:$0x3FAD]  }
0x30: {  	s3 =	sld [smem:$0x3FB0]  }
0x31: {  	[smem:$0x3FB9] =	sst s10  }
0x32: {  	s10 =	sld [smem:$0x3FB7];
	_ =	sdelay $0x3  }
0x33: {  	p0 =	seq.s32 s10, $0x1;
	s10 =	sld [smem:$0x3FB9];
	_ =	sdelay $0x3  }
0x34: {  	[smem:$0x3FB9] =	sst s10  }
0x35: {  	s10 =	sld [smem:$0x3FB8];
	_ =	sdelay $0x3  }
0x36: {  	p1 =	seq.s32 s10, $0x1;
	s10 =	sld [smem:$0x3FB9];
	_ =	sdelay $0x3  }
0x37: {  	[smem:$0x3FB9] =	sst s10  }
0x38: {  	s10 =	sld [smem:$0x3FBA]  }
0x39: {  	_ = 	snop;
	(pc) =	sbr.ind lr, $3  }
0x3a: {  	_ = 	snop  }
0x3b: {  	_ = 	snop  }
0x3c: {  	p2 =	seq.s32 s10, $0x1;
	s10 =	sld [smem:$0x3FB9]  }
0x3d: {  	_ =	shalt  }
0x3e: {  	_ =	shalt  }
0x3f: {  	_ =	shalt  }
0x40: {  	_ =	shalt  }
0x41: {  	_ =	shalt  }
0x42: {  	_ =	shalt  }
0x43: {  	_ =	shalt  }
0x44: {  	_ =	shalt  }
0x45: {  	_ =	shalt  }
0x46: {  	_ =	shalt  }
0x47: {  	_ =	shalt  }
0x48: {  	_ =	shalt  }
0x49: {  	_ =	shalt  }
0x4a: {  	_ =	shalt  }
0x4b: {  	_ =	shalt  }
0x4c: {  	_ =	shalt  }
0x4d: {  	_ =	shalt  }
0x4e: {  	_ =	shalt  }
0x4f: {  	_ =	shalt  }
0x50: {  	_ =	shalt  }
0x51: {  	_ =	shalt  }
0x52: {  	_ =	shalt  }
0x53: {  	_ =	shalt  }
0x54: {  	_ =	shalt  }
0x55: {  	_ =	shalt  }
0x56: {  	_ =	shalt  }
0x57: {  	_ =	shalt  }
0x58: {  	_ =	shalt  }
0x59: {  	_ =	shalt  }
0x5a: {  	_ =	shalt  }
0x5b: {  	_ =	shalt  }
0x5c: {  	_ =	shalt  }
0x5d: {  	_ =	shalt  }
0x5e: {  	_ =	shalt  }
0x5f: {  	_ =	shalt  }
0x60: {  	_ =	shalt  }
0x61: {  	_ =	shalt  }
0x62: {  	_ =	shalt  }
0x63: {  	_ =	shalt  }
0x64: {  	_ =	shalt  }
0x65: {  	_ =	shalt  }
0x66: {  	_ =	shalt  }
0x67: {  	_ =	shalt  }
0x68: {  	_ =	shalt  }
0x69: {  	_ =	shalt  }
0x6a: {  	_ =	shalt  }
0x6b: {  	_ =	shalt  }
0x6c: {  	_ =	shalt  }
0x6d: {  	_ =	shalt  }
0x6e: {  	_ =	shalt  }
0x6f: {  	_ =	shalt  }
0x70: {  	_ =	shalt  }
0x71: {  	_ =	shalt  }
0x72: {  	_ =	shalt  }
0x73: {  	_ =	shalt  }
0x74: {  	_ =	shalt  }
0x75: {  	_ =	shalt  }
0x76: {  	_ =	shalt  }
0x77: {  	_ =	shalt  }
0x78: {  	_ =	shalt  }
0x79: {  	_ =	shalt  }
0x7a: {  	_ =	shalt  }
0x7b: {  	_ =	shalt  }
0x7c: {  	_ =	shalt  }
0x7d: {  	_ =	shalt  }
0x7e: {  	_ =	shalt  }
0x7f: {  	_ =	shalt  }
0x80: {  	_ =	shalt  }
0x81: {  	_ =	shalt  }
0x82: {  	_ =	shalt  }
0x83: {  	_ =	shalt  }
0x84: {  	_ =	shalt  }
0x85: {  	_ =	shalt  }
0x86: {  	_ =	shalt  }
0x87: {  	_ =	shalt  }
.Lfunc_end0:
.L_simem_size_0:
called_computation_lowered:
.L_overlay_start_0:
0x88: {  	s2 =	sld [smem:$0x3FD9]  }
0x89: {  	s3 =	sld [smem:$0x3FFE];
	_ =	sdelay $0x1  }
0x8a: {  	s1 =	srdreg.scid  }
0x8b: {  	s0 =	sand.u32 $0x1, s1  }
0x8c: {  	s17 =	sshll.u32 s0, $0xA;
	s2 =	sadd.s32 s3, s2  }
0x8d: {  	s2 =	sadd.s32 s2, s17  }
0x8e: {  	[smem:$0x3FC5] =	sst s2  }
0x8f: {  	_ = 	snop  }
0x90: {  	s2 =	sld [smem:$0x3FC9]  }
0x91: {  	s18 =	sld [smem:$0x3FC8]  }
0x92: {  	s4 =	sld [smem:$0x3FD0];
	(tm) =	ssettm $0x1  }
0x93: {  	s5 =	sld [smem:$0x3FFB];
	_ =	sdelay $0x3  }
0x94: {  	_ =	strace s5  }
0x95: {  	s5 =	sld [smem:$0x3FFC];
	_ =	sdelay $0x3  }
0x96: {  	_ =	strace s5  }
0x97: {  	s5 =	sld [smem:$0x3FFD];
	_ =	sdelay $0x3  }
0x98: {  	_ =	strace s5  }
0x99: {  	_ =	strace $0x8FFFFFFF  }
0x9a: {  	s19 =	sld [smem:$0x3FDB];
	_ =	sdelay $0x1  }
0x9b: {  	s6 =	simm.s32 $_scs_section_size  }
0x9c: {  	s7 =	simm.s32 $_size__tile_overlayer_lowered;
	s8 =	simm.s32 $_tile_overlayer_lowered  }
0x9d: {  	s22 =	simm.s32 $0x1BFF;
	s21 =	sshll.u32 s8, $0x1;
	s5 =	sadd.s32 s6, s19  }
0x9e: {  	s9 =	simm.s32 $0x0;
	s20 =	sshll.u32 s7, $0x1;
	s7 =	sadd.s32 s21, s5  }
0x9f: {  	[timem:s9], [sflag:s22] =	dma.local [hbm:s7], s20  }
0xa0: {  	_ =	swait.ge [sflag:s22], s20  }
0xa1: {  	s6 =	ssub.s32 $0x0, s20;
	[sflag:s22] =	ssyncset.done $0x0  }
0xa2: {  	[sflag:s22] =	ssyncadd.s32 s6;
	_ =	sdelay $0x1  }
0xa3: {  	s23 =	simm.s32 $0x1B8B  }
0xa4: {  	_ =	swait.ge [sflag:s23], $0x1  }
0xa5: {  	[sflag:s23] =	ssyncset.done $0x0  }
0xa6: {  	s25 =	simm.s32 $0x1B8E;
	s24 =	sld [smem:$0x3FFE];
	[sflag:s23] =	ssyncadd.s32 $0xFFFFFFFF  }
0xa7: {  	s26 =	simm.s32 $execute0_lowered;
	[smem:$0x3FD2] =	sst s25  }
0xa8: {  	s7 =	sshll.u32 s26, $0x1;
	_ =	strace $0x80000046;
	[dreg:$0x1] =	wrdreg $0xFFFFFFFF  }
0xa9: {  	s28 =	simm.s32 $_size_execute0_lowered;
	s5 =	sadd.s32 s5, s7;
	[dreg:$0x0] =	wrdreg $0x0  }
0xaa: {  	s7 =	sshll.u32 s28, $0x1;
	[dreg:$0x2] =	wrdreg s5  }
0xab: {  	[dreg:$0x3] =	wrdreg s7  }
0xac: {  	[dreg:$0x4] =	wrdreg $0xC0  }
0xad: {  	_ =	task [dreg:s9], $0x5FFFF  }
0xae: {  	[dreg:$0x1] =	wrdreg $0xFFFFFFFF  }
0xaf: {  	[dreg:$0x0] =	wrdreg $0x60  }
0xb0: {  	[dreg:$0x2] =	wrdreg s2  }
0xb1: {  	[dreg:$0x3] =	wrdreg s18  }
0xb2: {  	[dreg:$0x4] =	wrdreg s24  }
0xb3: {  	[dreg:$0x5] =	wrdreg s4  }
0xb4: {  	[dreg:$0x6] =	wrdreg $0x9  }
0xb5: {  	_ =	task.clear_ibuf [dreg:s9], $0x7FFFF;
	_ =	strace $0x90000046  }
0xb6: {  	s29 =	simm.s32 $0x9;
	_ =	strace $0x80000048  }
0xb7: {  	_ =	swait.ge [sflag:s29], $0x1  }
0xb8: {  	[sflag:s29] =	ssyncadd.s32 $0xFFFFFFFF  }
0xb9: {  	_ =	strace $0x90000048  }
0xba: {  	_ =	sfence  }
0xbb: {  	s30 =	sld [smem:$0x0];
	_ =	sdelay $0x2  }
0xbc: {  	s31 =	sshll.u32 s1, $0xD;
	s1 =	sshrl.u32 s1, $0x2  }
0xbd: {  	s3 =	sand.u32 $0x4000, s31;
	s1 =	sadd.s32 s1, s30  }
0xbe: {  	s0 =	sor.u32 s3, s0;
	s1 =	sshll.u32 s1, $0x11  }
0xbf: {  	s0 =	sor.u32 s1, s0  }
0xc0: {  	s0 =	sadd.s32 $0x8F2B, s0  }
0xc1: {  	[sflag:s0] =	ssyncadd.remote.s32 $0x1  }
0xc2: {  	_ =	sfence.sel $0xFFFF  }
0xc3: {  	[dreg:$0x0] =	wrdreg $0xFFFFFFFF;
	(pc) =	sbr.abs _section_cstart, $3  }
0xc4: {  	[dreg:$0x1] =	wrdreg $0xFFFFFFFF  }
0xc5: {  	_ =	task.clear_ibuf [dreg:s9], $0x2FFFF;
	_ =	strace $0x9FFFFFFF  }
0xc6: {  	(tm) =	ssettm $0x7FFFFFFF  }
0xc7: {  	_ =	shalt  }
tec
execute0_lowered:
.L_overlay_start_1:
0x0: {  	(tag) =	ssettag $0x1  }
0x1: {  	s1 =	srdreg.scid  }
0x2: {  	s0 =	rddreg [dreg:$0x0];
	s5 =	stileid.u32;
	s1 =	sand.u32 $0x1, s1  }
0x3: {  	s3 =	rddreg [dreg:$0x1];
	s5 =	sshll.u32 s5, $0xF;
	s6 =	sshll.u32 s1, $0xE  }
0x4: {  	s2 =	rddreg [dreg:$0x3];
	s5 =	sor.u32 s6, s5  }
0x5: {  	s4 =	ssub.s32 $0x2, s1;
	s1 =	simm.s32 $0x0;
	s6 =	sor.u32 $0x400, s5  }
0x6: {  	[smem:$0x7FF] =	sst s1;
	s20 =	sadd.s32 s3, s6  }
0x7: {  	s22 =	sor.u32 $0x800, s5;
	s21 =	sadd.s32 s0, s6;
	[dreg:$0x5] =	wrdreg s20  }
0x8: {  	s8 =	sadd.s32 s3, s22;
	[dreg:$0x6] =	wrdreg s21  }
0x9: {  	s23 =	sadd.s32 s0, s22;
	[dreg:$0x7] =	wrdreg s8  }
0xa: {  	s24 =	sor.u32 $0xC00, s5;
	s6 =	sadd.s32 s2, s6;
	[dreg:$0x8] =	wrdreg s23  }
0xb: {  	s7 =	sshrl.u32 s4, $0x1;
	s25 =	sadd.s32 s3, s24;
	[dreg:$0x9] =	wrdreg s6  }
0xc: {  	s4 =	ssub.s32 s4, s7;
	s9 =	sadd.s32 s0, s24;
	[dreg:$0xa] =	wrdreg s25  }
0xd: {  	s26 =	sor.u32 $0x1000, s5;
	s7 =	sadd.s32 s2, s22;
	[dreg:$0xb] =	wrdreg s9  }
0xe: {  	s10 =	sadd.s32 s0, s26;
	[dreg:$0xc] =	wrdreg s7  }
0xf: {  	s12 =	sor.u32 $0x1400, s5;
	s11 =	sadd.s32 s2, s24;
	[dreg:$0xe] =	wrdreg s10  }
0x10: {  	s13 =	sadd.s32 s3, s12;
	[dreg:$0xf] =	wrdreg s11  }
0x11: {  	s15 =	sor.u32 $0x1800, s5;
	s14 =	sadd.s32 s0, s12;
	[dreg:$0x10] =	wrdreg s13  }
0x12: {  	s16 =	sadd.s32 s3, s15;
	[dreg:$0x11] =	wrdreg s14  }
0x13: {  	s17 =	sadd.s32 s0, s15;
	[dreg:$0x13] =	wrdreg s16  }
0x14: {  	s19 =	sor.u32 $0x1C00, s5;
	s18 =	sadd.s32 s2, s12;
	[dreg:$0x14] =	wrdreg s17  }
0x15: {  	s22 =	sadd.s32 s0, s19;
	[dreg:$0x15] =	wrdreg s18  }
0x16: {  	s9 =	sadd.s32 s3, s26;
	[dreg:$0x18] =	wrdreg s22  }
0x17: {  	s6 =	sadd.s32 s2, s26;
	[dreg:$0xd] =	wrdreg s9  }
0x18: {  	s20 =	sadd.s32 s2, s15;
	[dreg:$0x12] =	wrdreg s6  }
0x19: {  	s21 =	sadd.s32 s3, s19;
	[dreg:$0x16] =	wrdreg s20  }
0x1a: {  	s22 =	sadd.s32 s3, s5;
	[dreg:$0x17] =	wrdreg s21  }
0x1b: {  	s23 =	sor.u32 $0x2000, s5;
	s6 =	sadd.s32 s2, s19;
	[smem:$0x7FB] =	sst s22  }
0x1c: {  	s24 =	sadd.s32 s3, s23;
	[dreg:$0x19] =	wrdreg s6  }
0x1d: {  	s26 =	sadd.s32 s0, s23;
	[dreg:$0x1a] =	wrdreg s24  }
0x1e: {  	s25 =	sor.u32 $0x2400, s5;
	s7 =	sadd.s32 s2, s23;
	[dreg:$0x1b] =	wrdreg s26  }
0x1f: {  	s8 =	sadd.s32 s3, s25;
	[dreg:$0x1c] =	wrdreg s7  }
0x20: {  	s10 =	sor.u32 $0x2800, s5;
	s9 =	sadd.s32 s0, s25;
	[dreg:$0x1d] =	wrdreg s8  }
0x21: {  	s11 =	sadd.s32 s3, s10;
	[dreg:$0x1e] =	wrdreg s9  }
0x22: {  	s13 =	sor.u32 $0x2C00, s5;
	s12 =	sadd.s32 s0, s10;
	[smem:$0x7EF] =	sst s11  }
0x23: {  	s14 =	sadd.s32 s3, s13;
	[smem:$0x7F0] =	sst s12  }
0x24: {  	s15 =	sor.u32 $0x3000, s5;
	s16 =	sadd.s32 s0, s13;
	[smem:$0x7F2] =	sst s14  }
0x25: {  	s17 =	sadd.s32 s3, s15;
	[smem:$0x7F3] =	sst s16  }
0x26: {  	s28 =	simm.s32 $0x2080;
	s18 =	sadd.s32 s0, s15;
	[smem:$0x7F5] =	sst s17  }
0x27: {  	s29 =	simm.s32 $0xC080;
	s23 =	sadd.s32 s0, s5;
	[smem:$0x7F6] =	sst s18  }
0x28: {  	s30 =	simm.s32 $0x1;
	s31 =	simm.s32 $0x3;
	[smem:$0x7FC] =	sst s23  }
0x29: {  	s19 =	sor.u32 $0x3400, s5;
	s6 =	sadd.s32 s2, s25;
	s26 =	rddreg [dreg:$0x2]  }
0x2a: {  	s22 =	simm.s32 $0x9;
	s7 =	sadd.s32 s2, s13;
	[dreg:$0x1f] =	wrdreg s6  }
0x2b: {  	s20 =	sadd.s32 s3, s19;
	s21 =	sadd.s32 s0, s19;
	[smem:$0x7F4] =	sst s7  }
0x2c: {  	s24 =	sor.u32 $0x3800, s5;
	s25 =	sadd.s32 s2, s5;
	[smem:$0x7F8] =	sst s20  }
0x2d: {  	s5 =	sor.u32 $0x3C00, s5;
	s23 =	simm.s32 $0x80;
	[smem:$0x7F9] =	sst s21  }
0x2e: {  	s8 =	simm.s32 $0x0;
	s6 =	sadd.s32 s2, s10;
	[smem:$0x7FD] =	sst s25  }
0x2f: {  	s14 =	sadd.s32 s3, s24;
	s16 =	sadd.s32 s0, s24;
	s17 =	sadd.s32 s0, s5  }
0x30: {  	s18 =	sadd.s32 s2, s24;
	s20 =	sadd.s32 $0x400, s26;
	s21 =	smax.u32 s4, $0x1  }
0x31: {  	s24 =	simm.s32 $0x2000;
	s25 =	simm.s32 $0x400000;
	s26 =	simm.s32 $0x4080  }
0x32: {  	s0 =	simm.s32 $0x14080;
	s4 =	simm.s32 $0x6;
	s7 =	simm.s32 $0x8  }
0x33: {  	[smem:$0x7F1] =	sst s6;
	s6 =	sadd.s32 s2, s15;
	s15 =	sadd.s32 s3, s5  }
0x34: {  	s3 =	simm.s32 $0x4;
	[smem:$0x7F7] =	sst s6;
	s6 =	sadd.s32 s2, s19  }
0x35: {  	s19 =	sadd.s32 s2, s5;
	s2 =	simm.s32 $0x2;
	[smem:$0x7FA] =	sst s6  }
0x36: {  	s5 =	simm.s32 $0x5;
	s6 =	simm.s32 $0x7;
	_ =	strace $0x80000047  }
.LBB2_1:
0x37: {  	[tilespmem:s1], [sflag:$0x9] =	stream.linear.gather [hbm4b:s20+s1], $0x80, $0x38;
	[tilespmem:$0x1C080] =	vst v63  }
0x38: {  	_ =	swait.ge [sflag:s22], $0x80  }
0x39: {  	s9 =	sld [smem:$0x7FB]  }
0x3a: {  	[sflag:s22] =	ssyncset.done $0x0  }
0x3b: {  	s11 =	sld [smem:$0x7FC];
	[sflag:s22] =	ssyncadd.s32 $0xFFFFFF80  }
0x3c: {  	v0 =	vld [tilespmem:$0x0];
	[tilespmem:s23], [sflag:$0x1] =	stream.linear.gather [hbm4b:s9+s1], $0x2000, $0x38  }
0x3d: {  	_ = 	snop  }
0x3e: {  	[tilespmem:s26], [sflag:$0x3] =	stream.strided.gather [hbm4b:s11+s24], $0x8000, s25, s24, $0x38;
	[tilespmem:$0x1C080] =	vst v63  }
0x3f: {  	s12 =	rddreg [dreg:$0x5]  }
0x40: {  	[tilespmem:s28], [sflag:$0x2] =	stream.linear.gather [hbm4b:s12+s1], $0x2000, $0x38;
	[tilespmem:$0x1C080] =	vst v63  }
0x41: {  	s13 =	rddreg [dreg:$0x6]  }
0x42: {  	[tilespmem:s29], [sflag:$0x4] =	stream.strided.gather [hbm4b:s13+s24], $0x8000, s25, s24, $0x38;
	[tilespmem:$0x1C080] =	vst v63  }
0x43: {  	_ =	swait.ge [sflag:s30], $0x2000  }
0x44: {  	[sflag:s30] =	ssyncset.done $0x0  }
0x45: {  	[sflag:s30] =	ssyncadd.s32 $0xFFFFE000  }
0x46: {  	_ =	swait.ge [sflag:s31], $0x8000  }
0x47: {  	[sflag:s31] =	ssyncset.done $0x0  }
0x48: {  	s10 =	simm.s32 $0x0;
	s9 =	simm.s32 $0x0;
	[sflag:s31] =	ssyncadd.s32 $0xFFFF8000  }
.LBB2_2:
0x49: {  	s11 =	sshra.s32 s9, $0x2  }
0x4a: {  	v1 =	vld [tilespmem:s11+$0xF0]  }
0x4b: {  	v2 =	vld [tilespmem:s11+$0x80]  }
0x4c: {  	v3 =	vld [tilespmem:s11+$0x90]  }
0x4d: {  	v4 =	vld [tilespmem:s11+$0xA0]  }
0x4e: {  	v5 =	vld [tilespmem:s11+$0xB0]  }
0x4f: {  	v6 =	vld [tilespmem:s11+$0xC0]  }
0x50: {  	v7 =	vld [tilespmem:s11+$0xD0];
	v1 =	vmul.f32 v1, v0  }
0x51: {  	v8 =	vld [tilespmem:s11+$0xE0];
	v2 =	vmul.f32 v2, v0  }
0x52: {  	[tilespmem:s11+$0xA0F0] =	vst.add.f32.msk $0xffff, v1  }
0x53: {  	[tilespmem:s11+$0x4080] =	vst.add.f32.msk $0xffff, v2  }
0x54: {  	[tilespmem:s11+$0x6080] =	vst.add.f32.msk $0xffff, v2  }
0x55: {  	v3 =	vmul.f32 v3, v0;
	[tilespmem:s11+$0x8080] =	vst.add.f32.msk $0xffff, v2  }
0x56: {  	[tilespmem:s11+$0xA080] =	vst.add.f32.msk $0xffff, v2  }
0x57: {  	[tilespmem:s11+$0x4090] =	vst.add.f32.msk $0xffff, v3  }
0x58: {  	[tilespmem:s11+$0x6090] =	vst.add.f32.msk $0xffff, v3  }
0x59: {  	[tilespmem:s11+$0x8090] =	vst.add.f32.msk $0xffff, v3  }
0x5a: {  	[tilespmem:s11+$0xA090] =	vst.add.f32.msk $0xffff, v3  }
0x5b: {  	v2 =	vmul.f32 v4, v0;
	[tilespmem:s11+$0x40F0] =	vst.add.f32.msk $0xffff, v1  }
0x5c: {  	[tilespmem:s11+$0x60F0] =	vst.add.f32.msk $0xffff, v1  }
0x5d: {  	[tilespmem:s11+$0x40A0] =	vst.add.f32.msk $0xffff, v2  }
0x5e: {  	[tilespmem:s11+$0x60A0] =	vst.add.f32.msk $0xffff, v2  }
0x5f: {  	v3 =	vmul.f32 v5, v0;
	[tilespmem:s11+$0x80A0] =	vst.add.f32.msk $0xffff, v2  }
0x60: {  	[tilespmem:s11+$0xA0A0] =	vst.add.f32.msk $0xffff, v2  }
0x61: {  	[tilespmem:s11+$0x40B0] =	vst.add.f32.msk $0xffff, v3  }
0x62: {  	[tilespmem:s11+$0x60B0] =	vst.add.f32.msk $0xffff, v3  }
0x63: {  	v2 =	vmul.f32 v6, v0;
	[tilespmem:s11+$0x80B0] =	vst.add.f32.msk $0xffff, v3  }
0x64: {  	[tilespmem:s11+$0xA0B0] =	vst.add.f32.msk $0xffff, v3  }
0x65: {  	[tilespmem:s11+$0x40C0] =	vst.add.f32.msk $0xffff, v2  }
0x66: {  	[tilespmem:s11+$0x60C0] =	vst.add.f32.msk $0xffff, v2  }
0x67: {  	v3 =	vmul.f32 v7, v0;
	[tilespmem:s11+$0x80C0] =	vst.add.f32.msk $0xffff, v2  }
0x68: {  	[tilespmem:s11+$0xA0C0] =	vst.add.f32.msk $0xffff, v2  }
0x69: {  	[tilespmem:s11+$0x40D0] =	vst.add.f32.msk $0xffff, v3  }
0x6a: {  	[tilespmem:s11+$0x60D0] =	vst.add.f32.msk $0xffff, v3  }
0x6b: {  	v2 =	vmul.f32 v8, v0;
	[tilespmem:s11+$0x80D0] =	vst.add.f32.msk $0xffff, v3  }
0x6c: {  	[tilespmem:s11+$0xA0D0] =	vst.add.f32.msk $0xffff, v3  }
0x6d: {  	[tilespmem:s11+$0x40E0] =	vst.add.f32.msk $0xffff, v2  }
0x6e: {  	[tilespmem:s11+$0x60E0] =	vst.add.f32.msk $0xffff, v2  }
0x6f: {  	[tilespmem:s11+$0x80E0] =	vst.add.f32.msk $0xffff, v2  }
0x70: {  	s12 =	simm.s32 $0x0;
	s13 =	sadd.s32 $0x1000, s9;
	[tilespmem:s11+$0xA0E0] =	vst.add.f32.msk $0xffff, v2  }
.LBB2_3:
0x71: {  	s12 =	sadd.s32 $0x8, s12;
	[tilespmem:s11+$0x80F0] =	vst.add.f32.msk $0xffff, v1;
	s11 =	sshra.s32 s13, $0x2  }
0x72: {  	v1 =	vld [tilespmem:s11+$0xF0];
	p0 =	slt.u32 s12, $0x38  }
0x73: {  	v2 =	vld [tilespmem:s11+$0x80]  }
0x74: {  	v3 =	vld [tilespmem:s11+$0x90]  }
0x75: {  	v4 =	vld [tilespmem:s11+$0xA0]  }
0x76: {  	v5 =	vld [tilespmem:s11+$0xB0]  }
0x77: {  	v6 =	vld [tilespmem:s11+$0xC0];
	v1 =	vmul.f32 v1, v0  }
0x78: {  	v2 =	vmul.f32 v2, v0;
	v7 =	vld [tilespmem:s11+$0xD0]  }
0x79: {  	v3 =	vmul.f32 v3, v0;
	[tilespmem:s11+$0xA0F0] =	vst.add.f32.msk $0xffff, v1  }
0x7a: {  	v4 =	vmul.f32 v4, v0;
	v8 =	vld [tilespmem:s11+$0xE0]  }
0x7b: {  	[tilespmem:s11+$0x4080] =	vst.add.f32.msk $0xffff, v2;
	v5 =	vmul.f32 v5, v0  }
0x7c: {  	[tilespmem:s11+$0x6080] =	vst.add.f32.msk $0xffff, v2;
	v6 =	vmul.f32 v6, v0  }
0x7d: {  	[tilespmem:s11+$0x8080] =	vst.add.f32.msk $0xffff, v2;
	v7 =	vmul.f32 v7, v0  }
0x7e: {  	[tilespmem:s11+$0xA080] =	vst.add.f32.msk $0xffff, v2  }
0x7f: {  	[tilespmem:s11+$0x4090] =	vst.add.f32.msk $0xffff, v3;
	v2 =	vmul.f32 v8, v0  }
0x80: {  	[tilespmem:s11+$0x6090] =	vst.add.f32.msk $0xffff, v3  }
0x81: {  	[tilespmem:s11+$0x8090] =	vst.add.f32.msk $0xffff, v3  }
0x82: {  	[tilespmem:s11+$0xA090] =	vst.add.f32.msk $0xffff, v3  }
0x83: {  	[tilespmem:s11+$0x40A0] =	vst.add.f32.msk $0xffff, v4  }
0x84: {  	[tilespmem:s11+$0x60A0] =	vst.add.f32.msk $0xffff, v4  }
0x85: {  	[tilespmem:s11+$0x80A0] =	vst.add.f32.msk $0xffff, v4  }
0x86: {  	[tilespmem:s11+$0xA0A0] =	vst.add.f32.msk $0xffff, v4  }
0x87: {  	[tilespmem:s11+$0x40B0] =	vst.add.f32.msk $0xffff, v5  }
0x88: {  	[tilespmem:s11+$0x60B0] =	vst.add.f32.msk $0xffff, v5  }
0x89: {  	[tilespmem:s11+$0x80B0] =	vst.add.f32.msk $0xffff, v5  }
0x8a: {  	[tilespmem:s11+$0xA0B0] =	vst.add.f32.msk $0xffff, v5  }
0x8b: {  	[tilespmem:s11+$0x40C0] =	vst.add.f32.msk $0xffff, v6  }
0x8c: {  	[tilespmem:s11+$0x60C0] =	vst.add.f32.msk $0xffff, v6  }
0x8d: {  	[tilespmem:s11+$0x80C0] =	vst.add.f32.msk $0xffff, v6  }
0x8e: {  	[tilespmem:s11+$0xA0C0] =	vst.add.f32.msk $0xffff, v6  }
0x8f: {  	[tilespmem:s11+$0x40D0] =	vst.add.f32.msk $0xffff, v7  }
0x90: {  	[tilespmem:s11+$0x60D0] =	vst.add.f32.msk $0xffff, v7  }
0x91: {  	[tilespmem:s11+$0x80D0] =	vst.add.f32.msk $0xffff, v7  }
0x92: {  	[tilespmem:s11+$0xA0D0] =	vst.add.f32.msk $0xffff, v7  }
0x93: {  	[tilespmem:s11+$0x40E0] =	vst.add.f32.msk $0xffff, v2  }
.Ltmp0:
0x94: {  	[tilespmem:s11+$0x60E0] =	vst.add.f32.msk $0xffff, v2;
	(pc) =	sbr.rel @p0 .LBB2_3-.Ltmp0, $4  }
0x95: {  	[tilespmem:s11+$0x80E0] =	vst.add.f32.msk $0xffff, v2  }
0x96: {  	[tilespmem:s11+$0xA0E0] =	vst.add.f32.msk $0xffff, v2  }
0x97: {  	[tilespmem:s11+$0x40F0] =	vst.add.f32.msk $0xffff, v1  }
0x98: {  	s13 =	sadd.s32 $0x1000, s13;
	[tilespmem:s11+$0x60F0] =	vst.add.f32.msk $0xffff, v1  }
0x99: {  	s10 =	sadd.s32 $0x1, s10  }
0x9a: {  	p0 =	sne.s32 s10, $0x8  }
.Ltmp1:
0x9b: {  	_ = 	snop;
	(pc) =	sbr.rel @p0 .LBB2_2-.Ltmp1, $2  }
0x9c: {  	_ =	sdelay $0x2  }
0x9d: {  	[tilespmem:s11+$0x80F0] =	vst.add.f32.msk $0xffff, v1;
	s9 =	sadd.s32 $0x200, s9  }
0x9e: {  	s9 =	sld [smem:$0x7FD];
	_ =	sdelay $0x2  }
0x9f: {  	[hbm4b:s9+s24] =	stream.strided.scatter [tilespmem:s26], [sflag:$0x6], $0x8000, s25, s24, $0x38;
	[tilespmem:$0x1C080] =	vst v63  }
0xa0: {  	s10 =	rddreg [dreg:$0x7];
	s9 =	simm.s32 $0x0  }
0xa1: {  	[tilespmem:s23], [sflag:$0x1] =	stream.linear.gather [hbm4b:s10+s9], $0x2000, $0x38;
	[tilespmem:$0x1C080] =	vst v63  }
0xa2: {  	s13 =	rddreg [dreg:$0x8]  }
0xa3: {  	[tilespmem:s0], [sflag:$0x5] =	stream.strided.gather [hbm4b:s13+s24], $0x8000, s25, s24, $0x38;
	[tilespmem:$0x1C080] =	vst v63  }
0xa4: {  	_ =	swait.ge [sflag:s2], $0x2000  }
0xa5: {  	[sflag:s2] =	ssyncset.done $0x0  }
0xa6: {  	[sflag:s2] =	ssyncadd.s32 $0xFFFFE000  }
0xa7: {  	_ =	swait.ge [sflag:s3], $0x8000  }
0xa8: {  	[sflag:s3] =	ssyncset.done $0x0  }
0xa9: {  	s10 =	simm.s32 $0x0;
	[sflag:s3] =	ssyncadd.s32 $0xFFFF8000  }
.LBB2_6:
0xaa: {  	s11 =	sshra.s32 s9, $0x2  }
0xab: {  	v1 =	vld [tilespmem:s11+$0x20F0]  }
0xac: {  	v2 =	vld [tilespmem:s11+$0x2080]  }
0xad: {  	v3 =	vld [tilespmem:s11+$0x2090]  }
0xae: {  	v4 =	vld [tilespmem:s11+$0x20A0]  }
0xaf: {  	v5 =	vld [tilespmem:s11+$0x20B0]  }
0xb0: {  	v6 =	vld [tilespmem:s11+$0x20C0]  }
0xb1: {  	v7 =	vld [tilespmem:s11+$0x20D0];
	v1 =	vmul.f32 v1, v0  }
0xb2: {  	v8 =	vld [tilespmem:s11+$0x20E0];
	v2 =	vmul.f32 v2, v0  }
0xb3: {  	[tilespmem:s11+$0x120F0] =	vst.add.f32.msk $0xffff, v1  }
0xb4: {  	[tilespmem:s11+$0xC080] =	vst.add.f32.msk $0xffff, v2  }
0xb5: {  	[tilespmem:s11+$0xE080] =	vst.add.f32.msk $0xffff, v2  }
0xb6: {  	v3 =	vmul.f32 v3, v0;
	[tilespmem:s11+$0x10080] =	vst.add.f32.msk $0xffff, v2  }
0xb7: {  	[tilespmem:s11+$0x12080] =	vst.add.f32.msk $0xffff, v2  }
0xb8: {  	[tilespmem:s11+$0xC090] =	vst.add.f32.msk $0xffff, v3  }
0xb9: {  	[tilespmem:s11+$0xE090] =	vst.add.f32.msk $0xffff, v3  }
0xba: {  	[tilespmem:s11+$0x10090] =	vst.add.f32.msk $0xffff, v3  }
0xbb: {  	[tilespmem:s11+$0x12090] =	vst.add.f32.msk $0xffff, v3  }
0xbc: {  	v2 =	vmul.f32 v4, v0;
	[tilespmem:s11+$0xC0F0] =	vst.add.f32.msk $0xffff, v1  }
0xbd: {  	[tilespmem:s11+$0xE0F0] =	vst.add.f32.msk $0xffff, v1  }
0xbe: {  	[tilespmem:s11+$0xC0A0] =	vst.add.f32.msk $0xffff, v2  }
0xbf: {  	[tilespmem:s11+$0xE0A0] =	vst.add.f32.msk $0xffff, v2  }
0xc0: {  	v3 =	vmul.f32 v5, v0;
	[tilespmem:s11+$0x100A0] =	vst.add.f32.msk $0xffff, v2  }
0xc1: {  	[tilespmem:s11+$0x120A0] =	vst.add.f32.msk $0xffff, v2  }
0xc2: {  	[tilespmem:s11+$0xC0B0] =	vst.add.f32.msk $0xffff, v3  }
0xc3: {  	[tilespmem:s11+$0xE0B0] =	vst.add.f32.msk $0xffff, v3  }
0xc4: {  	v2 =	vmul.f32 v6, v0;
	[tilespmem:s11+$0x100B0] =	vst.add.f32.msk $0xffff, v3  }
0xc5: {  	[tilespmem:s11+$0x120B0] =	vst.add.f32.msk $0xffff, v3  }
0xc6: {  	[tilespmem:s11+$0xC0C0] =	vst.add.f32.msk $0xffff, v2  }
0xc7: {  	[tilespmem:s11+$0xE0C0] =	vst.add.f32.msk $0xffff, v2  }
0xc8: {  	v3 =	vmul.f32 v7, v0;
	[tilespmem:s11+$0x100C0] =	vst.add.f32.msk $0xffff, v2  }
0xc9: {  	[tilespmem:s11+$0x120C0] =	vst.add.f32.msk $0xffff, v2  }
0xca: {  	[tilespmem:s11+$0xC0D0] =	vst.add.f32.msk $0xffff, v3  }
0xcb: {  	[tilespmem:s11+$0xE0D0] =	vst.add.f32.msk $0xffff, v3  }
0xcc: {  	v2 =	vmul.f32 v8, v0;
	[tilespmem:s11+$0x100D0] =	vst.add.f32.msk $0xffff, v3  }
0xcd: {  	[tilespmem:s11+$0x120D0] =	vst.add.f32.msk $0xffff, v3  }
0xce: {  	[tilespmem:s11+$0xC0E0] =	vst.add.f32.msk $0xffff, v2  }
0xcf: {  	[tilespmem:s11+$0xE0E0] =	vst.add.f32.msk $0xffff, v2  }
0xd0: {  	[tilespmem:s11+$0x100E0] =	vst.add.f32.msk $0xffff, v2  }
0xd1: {  	s12 =	simm.s32 $0x0;
	s13 =	sadd.s32 $0x1000, s9;
	[tilespmem:s11+$0x120E0] =	vst.add.f32.msk $0xffff, v2  }
.LBB2_7:
0xd2: {  	s12 =	sadd.s32 $0x8, s12;
	[tilespmem:s11+$0x100F0] =	vst.add.f32.msk $0xffff, v1;
	s11 =	sshra.s32 s13, $0x2  }
0xd3: {  	v1 =	vld [tilespmem:s11+$0x20F0];
	p0 =	slt.u32 s12, $0x38  }
0xd4: {  	v2 =	vld [tilespmem:s11+$0x2080]  }
0xd5: {  	v3 =	vld [tilespmem:s11+$0x2090]  }
0xd6: {  	v4 =	vld [tilespmem:s11+$0x20A0]  }
0xd7: {  	v5 =	vld [tilespmem:s11+$0x20B0]  }
0xd8: {  	v6 =	vld [tilespmem:s11+$0x20C0];
	v1 =	vmul.f32 v1, v0  }
0xd9: {  	v2 =	vmul.f32 v2, v0;
	v7 =	vld [tilespmem:s11+$0x20D0]  }
0xda: {  	v3 =	vmul.f32 v3, v0;
	[tilespmem:s11+$0x120F0] =	vst.add.f32.msk $0xffff, v1  }
0xdb: {  	v4 =	vmul.f32 v4, v0;
	v8 =	vld [tilespmem:s11+$0x20E0]  }
0xdc: {  	[tilespmem:s11+$0xC080] =	vst.add.f32.msk $0xffff, v2;
	v5 =	vmul.f32 v5, v0  }
0xdd: {  	[tilespmem:s11+$0xE080] =	vst.add.f32.msk $0xffff, v2;
	v6 =	vmul.f32 v6, v0  }
0xde: {  	[tilespmem:s11+$0x10080] =	vst.add.f32.msk $0xffff, v2;
	v7 =	vmul.f32 v7, v0  }
0xdf: {  	[tilespmem:s11+$0x12080] =	vst.add.f32.msk $0xffff, v2  }
0xe0: {  	[tilespmem:s11+$0xC090] =	vst.add.f32.msk $0xffff, v3;
	v2 =	vmul.f32 v8, v0  }
0xe1: {  	[tilespmem:s11+$0xE090] =	vst.add.f32.msk $0xffff, v3  }
0xe2: {  	[tilespmem:s11+$0x10090] =	vst.add.f32.msk $0xffff, v3  }
0xe3: {  	[tilespmem:s11+$0x12090] =	vst.add.f32.msk $0xffff, v3  }
0xe4: {  	[tilespmem:s11+$0xC0A0] =	vst.add.f32.msk $0xffff, v4  }
0xe5: {  	[tilespmem:s11+$0xE0A0] =	vst.add.f32.msk $0xffff, v4  }
0xe6: {  	[tilespmem:s11+$0x100A0] =	vst.add.f32.msk $0xffff, v4  }
0xe7: {  	[tilespmem:s11+$0x120A0] =	vst.add.f32.msk $0xffff, v4  }
0xe8: {  	[tilespmem:s11+$0xC0B0] =	vst.add.f32.msk $0xffff, v5  }
0xe9: {  	[tilespmem:s11+$0xE0B0] =	vst.add.f32.msk $0xffff, v5  }
0xea: {  	[tilespmem:s11+$0x100B0] =	vst.add.f32.msk $0xffff, v5  }
0xeb: {  	[tilespmem:s11+$0x120B0] =	vst.add.f32.msk $0xffff, v5  }
0xec: {  	[tilespmem:s11+$0xC0C0] =	vst.add.f32.msk $0xffff, v6  }
0xed: {  	[tilespmem:s11+$0xE0C0] =	vst.add.f32.msk $0xffff, v6  }
0xee: {  	[tilespmem:s11+$0x100C0] =	vst.add.f32.msk $0xffff, v6  }
0xef: {  	[tilespmem:s11+$0x120C0] =	vst.add.f32.msk $0xffff, v6  }
0xf0: {  	[tilespmem:s11+$0xC0D0] =	vst.add.f32.msk $0xffff, v7  }
0xf1: {  	[tilespmem:s11+$0xE0D0] =	vst.add.f32.msk $0xffff, v7  }
0xf2: {  	[tilespmem:s11+$0x100D0] =	vst.add.f32.msk $0xffff, v7  }
0xf3: {  	[tilespmem:s11+$0x120D0] =	vst.add.f32.msk $0xffff, v7  }
0xf4: {  	[tilespmem:s11+$0xC0E0] =	vst.add.f32.msk $0xffff, v2  }
.Ltmp2:
0xf5: {  	[tilespmem:s11+$0xE0E0] =	vst.add.f32.msk $0xffff, v2;
	(pc) =	sbr.rel @p0 .LBB2_7-.Ltmp2, $4  }
0xf6: {  	[tilespmem:s11+$0x100E0] =	vst.add.f32.msk $0xffff, v2  }
0xf7: {  	[tilespmem:s11+$0x120E0] =	vst.add.f32.msk $0xffff, v2  }
0xf8: {  	[tilespmem:s11+$0xC0F0] =	vst.add.f32.msk $0xffff, v1  }
0xf9: {  	s13 =	sadd.s32 $0x1000, s13;
	[tilespmem:s11+$0xE0F0] =	vst.add.f32.msk $0xffff, v1  }
0xfa: {  	s10 =	sadd.s32 $0x1, s10  }
0xfb: {  	p0 =	sne.s32 s10, $0x8  }
.Ltmp3:
0xfc: {  	_ = 	snop;
	(pc) =	sbr.rel @p0 .LBB2_6-.Ltmp3, $2  }
0xfd: {  	_ =	sdelay $0x2  }
0xfe: {  	[tilespmem:s11+$0x100F0] =	vst.add.f32.msk $0xffff, v1;
	s9 =	sadd.s32 $0x200, s9  }
0xff: {  	s9 =	rddreg [dreg:$0x9]  }
0x100: {  	[hbm4b:s9+s24] =	stream.strided.scatter [tilespmem:s29], [sflag:$0x7], $0x8000, s25, s24, $0x38;
	[tilespmem:$0x1C080] =	vst v63  }
0x101: {  	_ =	swait.ge [sflag:s4], $0x8000  }
0x102: {  	[sflag:s4] =	ssyncset.done $0x0  }
0x103: {  	s9 =	simm.s32 $0x0;
	s10 =	rddreg [dreg:$0xa];
	[sflag:s4] =	ssyncadd.s32 $0xFFFF8000  }
0x104: {  	[tilespmem:s28], [sflag:$0x2] =	stream.linear.gather [hbm4b:s10+s9], $0x2000, $0x38;
	[tilespmem:$0x1C080] =	vst v63  }
0x105: {  	s13 =	rddreg [dreg:$0xb]  }
0x106: {  	[tilespmem:s26], [sflag:$0x3] =	stream.strided.gather [hbm4b:s13+s24], $0x8000, s25, s24, $0x38;
	[tilespmem:$0x1C080] =	vst v63  }
0x107: {  	_ =	swait.ge [sflag:s30], $0x2000  }
0x108: {  	[sflag:s30] =	ssyncset.done $0x0  }
0x109: {  	[sflag:s30] =	ssyncadd.s32 $0xFFFFE000  }
0x10a: {  	_ =	swait.ge [sflag:s5], $0x8000  }
0x10b: {  	[sflag:s5] =	ssyncset.done $0x0  }
0x10c: {  	s10 =	simm.s32 $0x0;
	[sflag:s5] =	ssyncadd.s32 $0xFFFF8000  }
.LBB2_10:
0x10d: {  	s11 =	sshra.s32 s9, $0x2  }
0x10e: {  	v1 =	vld [tilespmem:s11+$0xF0]  }
0x10f: {  	v2 =	vld [tilespmem:s11+$0x80]  }
0x110: {  	v3 =	vld [tilespmem:s11+$0x90]  }
0x111: {  	v4 =	vld [tilespmem:s11+$0xA0]  }
0x112: {  	v5 =	vld [tilespmem:s11+$0xB0]  }
0x113: {  	v6 =	vld [tilespmem:s11+$0xC0]  }
0x114: {  	v7 =	vld [tilespmem:s11+$0xD0];
	v1 =	vmul.f32 v1, v0  }
0x115: {  	v8 =	vld [tilespmem:s11+$0xE0];
	v2 =	vmul.f32 v2, v0  }
0x116: {  	[tilespmem:s11+$0x1A0F0] =	vst.add.f32.msk $0xffff, v1  }
0x117: {  	[tilespmem:s11+$0x14080] =	vst.add.f32.msk $0xffff, v2  }
0x118: {  	[tilespmem:s11+$0x16080] =	vst.add.f32.msk $0xffff, v2  }
0x119: {  	v3 =	vmul.f32 v3, v0;
	[tilespmem:s11+$0x18080] =	vst.add.f32.msk $0xffff, v2  }
0x11a: {  	[tilespmem:s11+$0x1A080] =	vst.add.f32.msk $0xffff, v2  }
0x11b: {  	[tilespmem:s11+$0x14090] =	vst.add.f32.msk $0xffff, v3  }
0x11c: {  	[tilespmem:s11+$0x16090] =	vst.add.f32.msk $0xffff, v3  }
0x11d: {  	[tilespmem:s11+$0x18090] =	vst.add.f32.msk $0xffff, v3  }
0x11e: {  	[tilespmem:s11+$0x1A090] =	vst.add.f32.msk $0xffff, v3  }
0x11f: {  	v2 =	vmul.f32 v4, v0;
	[tilespmem:s11+$0x140F0] =	vst.add.f32.msk $0xffff, v1  }
0x120: {  	[tilespmem:s11+$0x160F0] =	vst.add.f32.msk $0xffff, v1  }
0x121: {  	[tilespmem:s11+$0x140A0] =	vst.add.f32.msk $0xffff, v2  }
0x122: {  	[tilespmem:s11+$0x160A0] =	vst.add.f32.msk $0xffff, v2  }
0x123: {  	v3 =	vmul.f32 v5, v0;
	[tilespmem:s11+$0x180A0] =	vst.add.f32.msk $0xffff, v2  }
0x124: {  	[tilespmem:s11+$0x1A0A0] =	vst.add.f32.msk $0xffff, v2  }
0x125: {  	[tilespmem:s11+$0x140B0] =	vst.add.f32.msk $0xffff, v3  }
0x126: {  	[tilespmem:s11+$0x160B0] =	vst.add.f32.msk $0xffff, v3  }
0x127: {  	v2 =	vmul.f32 v6, v0;
	[tilespmem:s11+$0x180B0] =	vst.add.f32.msk $0xffff, v3  }
0x128: {  	[tilespmem:s11+$0x1A0B0] =	vst.add.f32.msk $0xffff, v3  }
0x129: {  	[tilespmem:s11+$0x140C0] =	vst.add.f32.msk $0xffff, v2  }
0x12a: {  	[tilespmem:s11+$0x160C0] =	vst.add.f32.msk $0xffff, v2  }
0x12b: {  	v3 =	vmul.f32 v7, v0;
	[tilespmem:s11+$0x180C0] =	vst.add.f32.msk $0xffff, v2  }
0x12c: {  	[tilespmem:s11+$0x1A0C0] =	vst.add.f32.msk $0xffff, v2  }
0x12d: {  	[tilespmem:s11+$0x140D0] =	vst.add.f32.msk $0xffff, v3  }
0x12e: {  	[tilespmem:s11+$0x160D0] =	vst.add.f32.msk $0xffff, v3  }
0x12f: {  	v2 =	vmul.f32 v8, v0;
	[tilespmem:s11+$0x180D0] =	vst.add.f32.msk $0xffff, v3  }
0x130: {  	[tilespmem:s11+$0x1A0D0] =	vst.add.f32.msk $0xffff, v3  }
0x131: {  	[tilespmem:s11+$0x140E0] =	vst.add.f32.msk $0xffff, v2  }
0x132: {  	[tilespmem:s11+$0x160E0] =	vst.add.f32.msk $0xffff, v2  }
0x133: {  	[tilespmem:s11+$0x180E0] =	vst.add.f32.msk $0xffff, v2  }
0x134: {  	s12 =	simm.s32 $0x0;
	s13 =	sadd.s32 $0x1000, s9;
	[tilespmem:s11+$0x1A0E0] =	vst.add.f32.msk $0xffff, v2  }
.LBB2_11:
0x135: {  	s12 =	sadd.s32 $0x8, s12;
	[tilespmem:s11+$0x180F0] =	vst.add.f32.msk $0xffff, v1;
	s11 =	sshra.s32 s13, $0x2  }
0x136: {  	v1 =	vld [tilespmem:s11+$0xF0];
	p0 =	slt.u32 s12, $0x38  }
0x137: {  	v2 =	vld [tilespmem:s11+$0x80]  }
0x138: {  	v3 =	vld [tilespmem:s11+$0x90]  }
0x139: {  	v4 =	vld [tilespmem:s11+$0xA0]  }
0x13a: {  	v5 =	vld [tilespmem:s11+$0xB0]  }
0x13b: {  	v6 =	vld [tilespmem:s11+$0xC0];
	v1 =	vmul.f32 v1, v0  }
0x13c: {  	v2 =	vmul.f32 v2, v0;
	v7 =	vld [tilespmem:s11+$0xD0]  }
0x13d: {  	v3 =	vmul.f32 v3, v0;
	[tilespmem:s11+$0x1A0F0] =	vst.add.f32.msk $0xffff, v1  }
0x13e: {  	v4 =	vmul.f32 v4, v0;
	v8 =	vld [tilespmem:s11+$0xE0]  }
0x13f: {  	[tilespmem:s11+$0x14080] =	vst.add.f32.msk $0xffff, v2;
	v5 =	vmul.f32 v5, v0  }
0x140: {  	[tilespmem:s11+$0x16080] =	vst.add.f32.msk $0xffff, v2;
	v6 =	vmul.f32 v6, v0  }
0x141: {  	[tilespmem:s11+$0x18080] =	vst.add.f32.msk $0xffff, v2;
	v7 =	vmul.f32 v7, v0  }
0x142: {  	[tilespmem:s11+$0x1A080] =	vst.add.f32.msk $0xffff, v2  }
0x143: {  	[tilespmem:s11+$0x14090] =	vst.add.f32.msk $0xffff, v3;
	v2 =	vmul.f32 v8, v0  }
0x144: {  	[tilespmem:s11+$0x16090] =	vst.add.f32.msk $0xffff, v3  }
0x145: {  	[tilespmem:s11+$0x18090] =	vst.add.f32.msk $0xffff, v3  }
0x146: {  	[tilespmem:s11+$0x1A090] =	vst.add.f32.msk $0xffff, v3  }
0x147: {  	[tilespmem:s11+$0x140A0] =	vst.add.f32.msk $0xffff, v4  }
0x148: {  	[tilespmem:s11+$0x160A0] =	vst.add.f32.msk $0xffff, v4  }
0x149: {  	[tilespmem:s11+$0x180A0] =	vst.add.f32.msk $0xffff, v4  }
0x14a: {  	[tilespmem:s11+$0x1A0A0] =	vst.add.f32.msk $0xffff, v4  }
0x14b: {  	[tilespmem:s11+$0x140B0] =	vst.add.f32.msk $0xffff, v5  }
0x14c: {  	[tilespmem:s11+$0x160B0] =	vst.add.f32.msk $0xffff, v5  }
0x14d: {  	[tilespmem:s11+$0x180B0] =	vst.add.f32.msk $0xffff, v5  }
0x14e: {  	[tilespmem:s11+$0x1A0B0] =	vst.add.f32.msk $0xffff, v5  }
0x14f: {  	[tilespmem:s11+$0x140C0] =	vst.add.f32.msk $0xffff, v6  }
0x150: {  	[tilespmem:s11+$0x160C0] =	vst.add.f32.msk $0xffff, v6  }
0x151: {  	[tilespmem:s11+$0x180C0] =	vst.add.f32.msk $0xffff, v6  }
0x152: {  	[tilespmem:s11+$0x1A0C0] =	vst.add.f32.msk $0xffff, v6  }
0x153: {  	[tilespmem:s11+$0x140D0] =	vst.add.f32.msk $0xffff, v7  }
0x154: {  	[tilespmem:s11+$0x160D0] =	vst.add.f32.msk $0xffff, v7  }
0x155: {  	[tilespmem:s11+$0x180D0] =	vst.add.f32.msk $0xffff, v7  }
0x156: {  	[tilespmem:s11+$0x1A0D0] =	vst.add.f32.msk $0xffff, v7  }
0x157: {  	[tilespmem:s11+$0x140E0] =	vst.add.f32.msk $0xffff, v2  }
.Ltmp4:
0x158: {  	[tilespmem:s11+$0x160E0] =	vst.add.f32.msk $0xffff, v2;
	(pc) =	sbr.rel @p0 .LBB2_11-.Ltmp4, $4  }
0x159: {  	[tilespmem:s11+$0x180E0] =	vst.add.f32.msk $0xffff, v2  }
0x15a: {  	[tilespmem:s11+$0x1A0E0] =	vst.add.f32.msk $0xffff, v2  }
0x15b: {  	[tilespmem:s11+$0x140F0] =	vst.add.f32.msk $0xffff, v1  }
0x15c: {  	s13 =	sadd.s32 $0x1000, s13;
	[tilespmem:s11+$0x160F0] =	vst.add.f32.msk $0xffff, v1  }
0x15d: {  	s10 =	sadd.s32 $0x1, s10  }
0x15e: {  	p0 =	sne.s32 s10, $0x8  }
.Ltmp5:
0x15f: {  	_ = 	snop;
	(pc) =	sbr.rel @p0 .LBB2_10-.Ltmp5, $2  }
0x160: {  	_ =	sdelay $0x2  }
0x161: {  	[tilespmem:s11+$0x180F0] =	vst.add.f32.msk $0xffff, v1;
	s9 =	sadd.s32 $0x200, s9  }
0x162: {  	s9 =	rddreg [dreg:$0xc]  }
0x163: {  	[hbm4b:s9+s24] =	stream.strided.scatter [tilespmem:s0], [sflag:$0x8], $0x8000, s25, s24, $0x38;
	[tilespmem:$0x1C080] =	vst v63  }
0x164: {  	_ =	swait.ge [sflag:s6], $0x8000  }
0x165: {  	[sflag:s6] =	ssyncset.done $0x0  }
0x166: {  	s9 =	simm.s32 $0x0;
	s10 =	rddreg [dreg:$0xd];
	[sflag:s6] =	ssyncadd.s32 $0xFFFF8000  }
0x167: {  	[tilespmem:s23], [sflag:$0x1] =	stream.linear.gather [hbm4b:s10+s9], $0x2000, $0x38;
	[tilespmem:$0x1C080] =	vst v63  }
0x168: {  	s13 =	rddreg [dreg:$0xe]  }
0x169: {  	[tilespmem:s29], [sflag:$0x4] =	stream.strided.gather [hbm4b:s13+s24], $0x8000, s25, s24, $0x38;
	[tilespmem:$0x1C080] =	vst v63  }
0x16a: {  	_ =	swait.ge [sflag:s2], $0x2000  }
0x16b: {  	[sflag:s2] =	ssyncset.done $0x0  }
0x16c: {  	[sflag:s2] =	ssyncadd.s32 $0xFFFFE000  }
0x16d: {  	_ =	swait.ge [sflag:s31], $0x8000  }
0x16e: {  	[sflag:s31] =	ssyncset.done $0x0  }
0x16f: {  	s10 =	simm.s32 $0x0;
	[sflag:s31] =	ssyncadd.s32 $0xFFFF8000  }
.LBB2_14:
0x170: {  	s11 =	sshra.s32 s9, $0x2  }
0x171: {  	v1 =	vld [tilespmem:s11+$0x20F0]  }
0x172: {  	v2 =	vld [tilespmem:s11+$0x2080]  }
0x173: {  	v3 =	vld [tilespmem:s11+$0x2090]  }
0x174: {  	v4 =	vld [tilespmem:s11+$0x20A0]  }
0x175: {  	v5 =	vld [tilespmem:s11+$0x20B0]  }
0x176: {  	v6 =	vld [tilespmem:s11+$0x20C0]  }
0x177: {  	v7 =	vld [tilespmem:s11+$0x20D0];
	v1 =	vmul.f32 v1, v0  }
0x178: {  	v8 =	vld [tilespmem:s11+$0x20E0];
	v2 =	vmul.f32 v2, v0  }
0x179: {  	[tilespmem:s11+$0xA0F0] =	vst.add.f32.msk $0xffff, v1  }
0x17a: {  	[tilespmem:s11+$0x4080] =	vst.add.f32.msk $0xffff, v2  }
0x17b: {  	[tilespmem:s11+$0x6080] =	vst.add.f32.msk $0xffff, v2  }
0x17c: {  	v3 =	vmul.f32 v3, v0;
	[tilespmem:s11+$0x8080] =	vst.add.f32.msk $0xffff, v2  }
0x17d: {  	[tilespmem:s11+$0xA080] =	vst.add.f32.msk $0xffff, v2  }
0x17e: {  	[tilespmem:s11+$0x4090] =	vst.add.f32.msk $0xffff, v3  }
0x17f: {  	[tilespmem:s11+$0x6090] =	vst.add.f32.msk $0xffff, v3  }
0x180: {  	[tilespmem:s11+$0x8090] =	vst.add.f32.msk $0xffff, v3  }
0x181: {  	[tilespmem:s11+$0xA090] =	vst.add.f32.msk $0xffff, v3  }
0x182: {  	v2 =	vmul.f32 v4, v0;
	[tilespmem:s11+$0x40F0] =	vst.add.f32.msk $0xffff, v1  }
0x183: {  	[tilespmem:s11+$0x60F0] =	vst.add.f32.msk $0xffff, v1  }
0x184: {  	[tilespmem:s11+$0x40A0] =	vst.add.f32.msk $0xffff, v2  }
0x185: {  	[tilespmem:s11+$0x60A0] =	vst.add.f32.msk $0xffff, v2  }
0x186: {  	v3 =	vmul.f32 v5, v0;
	[tilespmem:s11+$0x80A0] =	vst.add.f32.msk $0xffff, v2  }
0x187: {  	[tilespmem:s11+$0xA0A0] =	vst.add.f32.msk $0xffff, v2  }
0x188: {  	[tilespmem:s11+$0x40B0] =	vst.add.f32.msk $0xffff, v3  }
0x189: {  	[tilespmem:s11+$0x60B0] =	vst.add.f32.msk $0xffff, v3  }
0x18a: {  	v2 =	vmul.f32 v6, v0;
	[tilespmem:s11+$0x80B0] =	vst.add.f32.msk $0xffff, v3  }
0x18b: {  	[tilespmem:s11+$0xA0B0] =	vst.add.f32.msk $0xffff, v3  }
0x18c: {  	[tilespmem:s11+$0x40C0] =	vst.add.f32.msk $0xffff, v2  }
0x18d: {  	[tilespmem:s11+$0x60C0] =	vst.add.f32.msk $0xffff, v2  }
0x18e: {  	v3 =	vmul.f32 v7, v0;
	[tilespmem:s11+$0x80C0] =	vst.add.f32.msk $0xffff, v2  }
0x18f: {  	[tilespmem:s11+$0xA0C0] =	vst.add.f32.msk $0xffff, v2  }
0x190: {  	[tilespmem:s11+$0x40D0] =	vst.add.f32.msk $0xffff, v3  }
0x191: {  	[tilespmem:s11+$0x60D0] =	vst.add.f32.msk $0xffff, v3  }
0x192: {  	v2 =	vmul.f32 v8, v0;
	[tilespmem:s11+$0x80D0] =	vst.add.f32.msk $0xffff, v3  }
0x193: {  	[tilespmem:s11+$0xA0D0] =	vst.add.f32.msk $0xffff, v3  }
0x194: {  	[tilespmem:s11+$0x40E0] =	vst.add.f32.msk $0xffff, v2  }
0x195: {  	[tilespmem:s11+$0x60E0] =	vst.add.f32.msk $0xffff, v2  }
0x196: {  	[tilespmem:s11+$0x80E0] =	vst.add.f32.msk $0xffff, v2  }
0x197: {  	s12 =	simm.s32 $0x0;
	s13 =	sadd.s32 $0x1000, s9;
	[tilespmem:s11+$0xA0E0] =	vst.add.f32.msk $0xffff, v2  }
.LBB2_15:
0x198: {  	s12 =	sadd.s32 $0x8, s12;
	[tilespmem:s11+$0x80F0] =	vst.add.f32.msk $0xffff, v1;
	s11 =	sshra.s32 s13, $0x2  }
0x199: {  	v1 =	vld [tilespmem:s11+$0x20F0];
	p0 =	slt.u32 s12, $0x38  }
0x19a: {  	v2 =	vld [tilespmem:s11+$0x2080]  }
0x19b: {  	v3 =	vld [tilespmem:s11+$0x2090]  }
0x19c: {  	v4 =	vld [tilespmem:s11+$0x20A0]  }
0x19d: {  	v5 =	vld [tilespmem:s11+$0x20B0]  }
0x19e: {  	v6 =	vld [tilespmem:s11+$0x20C0];
	v1 =	vmul.f32 v1, v0  }
0x19f: {  	v2 =	vmul.f32 v2, v0;
	v7 =	vld [tilespmem:s11+$0x20D0]  }
0x1a0: {  	v3 =	vmul.f32 v3, v0;
	[tilespmem:s11+$0xA0F0] =	vst.add.f32.msk $0xffff, v1  }
0x1a1: {  	v4 =	vmul.f32 v4, v0;
	v8 =	vld [tilespmem:s11+$0x20E0]  }
0x1a2: {  	[tilespmem:s11+$0x4080] =	vst.add.f32.msk $0xffff, v2;
	v5 =	vmul.f32 v5, v0  }
0x1a3: {  	[tilespmem:s11+$0x6080] =	vst.add.f32.msk $0xffff, v2;
	v6 =	vmul.f32 v6, v0  }
0x1a4: {  	[tilespmem:s11+$0x8080] =	vst.add.f32.msk $0xffff, v2;
	v7 =	vmul.f32 v7, v0  }
0x1a5: {  	[tilespmem:s11+$0xA080] =	vst.add.f32.msk $0xffff, v2  }
0x1a6: {  	[tilespmem:s11+$0x4090] =	vst.add.f32.msk $0xffff, v3;
	v2 =	vmul.f32 v8, v0  }
0x1a7: {  	[tilespmem:s11+$0x6090] =	vst.add.f32.msk $0xffff, v3  }
0x1a8: {  	[tilespmem:s11+$0x8090] =	vst.add.f32.msk $0xffff, v3  }
0x1a9: {  	[tilespmem:s11+$0xA090] =	vst.add.f32.msk $0xffff, v3  }
0x1aa: {  	[tilespmem:s11+$0x40A0] =	vst.add.f32.msk $0xffff, v4  }
0x1ab: {  	[tilespmem:s11+$0x60A0] =	vst.add.f32.msk $0xffff, v4  }
0x1ac: {  	[tilespmem:s11+$0x80A0] =	vst.add.f32.msk $0xffff, v4  }
0x1ad: {  	[tilespmem:s11+$0xA0A0] =	vst.add.f32.msk $0xffff, v4  }
0x1ae: {  	[tilespmem:s11+$0x40B0] =	vst.add.f32.msk $0xffff, v5  }
0x1af: {  	[tilespmem:s11+$0x60B0] =	vst.add.f32.msk $0xffff, v5  }
0x1b0: {  	[tilespmem:s11+$0x80B0] =	vst.add.f32.msk $0xffff, v5  }
0x1b1: {  	[tilespmem:s11+$0xA0B0] =	vst.add.f32.msk $0xffff, v5  }
0x1b2: {  	[tilespmem:s11+$0x40C0] =	vst.add.f32.msk $0xffff, v6  }
0x1b3: {  	[tilespmem:s11+$0x60C0] =	vst.add.f32.msk $0xffff, v6  }
0x1b4: {  	[tilespmem:s11+$0x80C0] =	vst.add.f32.msk $0xffff, v6  }
0x1b5: {  	[tilespmem:s11+$0xA0C0] =	vst.add.f32.msk $0xffff, v6  }
0x1b6: {  	[tilespmem:s11+$0x40D0] =	vst.add.f32.msk $0xffff, v7  }
0x1b7: {  	[tilespmem:s11+$0x60D0] =	vst.add.f32.msk $0xffff, v7  }
0x1b8: {  	[tilespmem:s11+$0x80D0] =	vst.add.f32.msk $0xffff, v7  }
0x1b9: {  	[tilespmem:s11+$0xA0D0] =	vst.add.f32.msk $0xffff, v7  }
0x1ba: {  	[tilespmem:s11+$0x40E0] =	vst.add.f32.msk $0xffff, v2  }
.Ltmp6:
0x1bb: {  	[tilespmem:s11+$0x60E0] =	vst.add.f32.msk $0xffff, v2;
	(pc) =	sbr.rel @p0 .LBB2_15-.Ltmp6, $4  }
0x1bc: {  	[tilespmem:s11+$0x80E0] =	vst.add.f32.msk $0xffff, v2  }
0x1bd: {  	[tilespmem:s11+$0xA0E0] =	vst.add.f32.msk $0xffff, v2  }
0x1be: {  	[tilespmem:s11+$0x40F0] =	vst.add.f32.msk $0xffff, v1  }
0x1bf: {  	s13 =	sadd.s32 $0x1000, s13;
	[tilespmem:s11+$0x60F0] =	vst.add.f32.msk $0xffff, v1  }
0x1c0: {  	s10 =	sadd.s32 $0x1, s10  }
0x1c1: {  	p0 =	sne.s32 s10, $0x8  }
.Ltmp7:
0x1c2: {  	_ = 	snop;
	(pc) =	sbr.rel @p0 .LBB2_14-.Ltmp7, $2  }
0x1c3: {  	_ =	sdelay $0x2  }
0x1c4: {  	[tilespmem:s11+$0x80F0] =	vst.add.f32.msk $0xffff, v1;
	s9 =	sadd.s32 $0x200, s9  }
0x1c5: {  	s9 =	rddreg [dreg:$0xf]  }
0x1c6: {  	[hbm4b:s9+s24] =	stream.strided.scatter [tilespmem:s26], [sflag:$0x6], $0x8000, s25, s24, $0x38;
	[tilespmem:$0x1C080] =	vst v63  }
0x1c7: {  	_ =	swait.ge [sflag:s7], $0x8000  }
0x1c8: {  	[sflag:s7] =	ssyncset.done $0x0  }
0x1c9: {  	s9 =	simm.s32 $0x0;
	s10 =	rddreg [dreg:$0x10];
	[sflag:s7] =	ssyncadd.s32 $0xFFFF8000  }
0x1ca: {  	[tilespmem:s28], [sflag:$0x2] =	stream.linear.gather [hbm4b:s10+s9], $0x2000, $0x38;
	[tilespmem:$0x1C080] =	vst v63  }
0x1cb: {  	s13 =	rddreg [dreg:$0x11]  }
0x1cc: {  	[tilespmem:s0], [sflag:$0x5] =	stream.strided.gather [hbm4b:s13+s24], $0x8000, s25, s24, $0x38;
	[tilespmem:$0x1C080] =	vst v63  }
0x1cd: {  	_ =	swait.ge [sflag:s30], $0x2000  }
0x1ce: {  	[sflag:s30] =	ssyncset.done $0x0  }
0x1cf: {  	[sflag:s30] =	ssyncadd.s32 $0xFFFFE000  }
0x1d0: {  	_ =	swait.ge [sflag:s3], $0x8000  }
0x1d1: {  	[sflag:s3] =	ssyncset.done $0x0  }
0x1d2: {  	s10 =	simm.s32 $0x0;
	[sflag:s3] =	ssyncadd.s32 $0xFFFF8000  }
.LBB2_18:
0x1d3: {  	s11 =	sshra.s32 s9, $0x2  }
0x1d4: {  	v1 =	vld [tilespmem:s11+$0xF0]  }
0x1d5: {  	v2 =	vld [tilespmem:s11+$0x80]  }
0x1d6: {  	v3 =	vld [tilespmem:s11+$0x90]  }
0x1d7: {  	v4 =	vld [tilespmem:s11+$0xA0]  }
0x1d8: {  	v5 =	vld [tilespmem:s11+$0xB0]  }
0x1d9: {  	v6 =	vld [tilespmem:s11+$0xC0]  }
0x1da: {  	v7 =	vld [tilespmem:s11+$0xD0];
	v1 =	vmul.f32 v1, v0  }
0x1db: {  	v8 =	vld [tilespmem:s11+$0xE0];
	v2 =	vmul.f32 v2, v0  }
0x1dc: {  	[tilespmem:s11+$0x120F0] =	vst.add.f32.msk $0xffff, v1  }
0x1dd: {  	[tilespmem:s11+$0xC080] =	vst.add.f32.msk $0xffff, v2  }
0x1de: {  	[tilespmem:s11+$0xE080] =	vst.add.f32.msk $0xffff, v2  }
0x1df: {  	v3 =	vmul.f32 v3, v0;
	[tilespmem:s11+$0x10080] =	vst.add.f32.msk $0xffff, v2  }
0x1e0: {  	[tilespmem:s11+$0x12080] =	vst.add.f32.msk $0xffff, v2  }
0x1e1: {  	[tilespmem:s11+$0xC090] =	vst.add.f32.msk $0xffff, v3  }
0x1e2: {  	[tilespmem:s11+$0xE090] =	vst.add.f32.msk $0xffff, v3  }
0x1e3: {  	[tilespmem:s11+$0x10090] =	vst.add.f32.msk $0xffff, v3  }
0x1e4: {  	[tilespmem:s11+$0x12090] =	vst.add.f32.msk $0xffff, v3  }
0x1e5: {  	v2 =	vmul.f32 v4, v0;
	[tilespmem:s11+$0xC0F0] =	vst.add.f32.msk $0xffff, v1  }
0x1e6: {  	[tilespmem:s11+$0xE0F0] =	vst.add.f32.msk $0xffff, v1  }
0x1e7: {  	[tilespmem:s11+$0xC0A0] =	vst.add.f32.msk $0xffff, v2  }
0x1e8: {  	[tilespmem:s11+$0xE0A0] =	vst.add.f32.msk $0xffff, v2  }
0x1e9: {  	v3 =	vmul.f32 v5, v0;
	[tilespmem:s11+$0x100A0] =	vst.add.f32.msk $0xffff, v2  }
0x1ea: {  	[tilespmem:s11+$0x120A0] =	vst.add.f32.msk $0xffff, v2  }
0x1eb: {  	[tilespmem:s11+$0xC0B0] =	vst.add.f32.msk $0xffff, v3  }
0x1ec: {  	[tilespmem:s11+$0xE0B0] =	vst.add.f32.msk $0xffff, v3  }
0x1ed: {  	v2 =	vmul.f32 v6, v0;
	[tilespmem:s11+$0x100B0] =	vst.add.f32.msk $0xffff, v3  }
0x1ee: {  	[tilespmem:s11+$0x120B0] =	vst.add.f32.msk $0xffff, v3  }
0x1ef: {  	[tilespmem:s11+$0xC0C0] =	vst.add.f32.msk $0xffff, v2  }
0x1f0: {  	[tilespmem:s11+$0xE0C0] =	vst.add.f32.msk $0xffff, v2  }
0x1f1: {  	v3 =	vmul.f32 v7, v0;
	[tilespmem:s11+$0x100C0] =	vst.add.f32.msk $0xffff, v2  }
0x1f2: {  	[tilespmem:s11+$0x120C0] =	vst.add.f32.msk $0xffff, v2  }
0x1f3: {  	[tilespmem:s11+$0xC0D0] =	vst.add.f32.msk $0xffff, v3  }
0x1f4: {  	[tilespmem:s11+$0xE0D0] =	vst.add.f32.msk $0xffff, v3  }
0x1f5: {  	v2 =	vmul.f32 v8, v0;
	[tilespmem:s11+$0x100D0] =	vst.add.f32.msk $0xffff, v3  }
0x1f6: {  	[tilespmem:s11+$0x120D0] =	vst.add.f32.msk $0xffff, v3  }
0x1f7: {  	[tilespmem:s11+$0xC0E0] =	vst.add.f32.msk $0xffff, v2  }
0x1f8: {  	[tilespmem:s11+$0xE0E0] =	vst.add.f32.msk $0xffff, v2  }
0x1f9: {  	[tilespmem:s11+$0x100E0] =	vst.add.f32.msk $0xffff, v2  }
0x1fa: {  	s12 =	simm.s32 $0x0;
	s13 =	sadd.s32 $0x1000, s9;
	[tilespmem:s11+$0x120E0] =	vst.add.f32.msk $0xffff, v2  }
.LBB2_19:
0x1fb: {  	s12 =	sadd.s32 $0x8, s12;
	[tilespmem:s11+$0x100F0] =	vst.add.f32.msk $0xffff, v1;
	s11 =	sshra.s32 s13, $0x2  }
0x1fc: {  	v1 =	vld [tilespmem:s11+$0xF0];
	p0 =	slt.u32 s12, $0x38  }
0x1fd: {  	v2 =	vld [tilespmem:s11+$0x80]  }
0x1fe: {  	v3 =	vld [tilespmem:s11+$0x90]  }
0x1ff: {  	v4 =	vld [tilespmem:s11+$0xA0]  }
0x200: {  	v5 =	vld [tilespmem:s11+$0xB0]  }
0x201: {  	v6 =	vld [tilespmem:s11+$0xC0];
	v1 =	vmul.f32 v1, v0  }
0x202: {  	v2 =	vmul.f32 v2, v0;
	v7 =	vld [tilespmem:s11+$0xD0]  }
0x203: {  	v3 =	vmul.f32 v3, v0;
	[tilespmem:s11+$0x120F0] =	vst.add.f32.msk $0xffff, v1  }
0x204: {  	v4 =	vmul.f32 v4, v0;
	v8 =	vld [tilespmem:s11+$0xE0]  }
0x205: {  	[tilespmem:s11+$0xC080] =	vst.add.f32.msk $0xffff, v2;
	v5 =	vmul.f32 v5, v0  }
0x206: {  	[tilespmem:s11+$0xE080] =	vst.add.f32.msk $0xffff, v2;
	v6 =	vmul.f32 v6, v0  }
0x207: {  	[tilespmem:s11+$0x10080] =	vst.add.f32.msk $0xffff, v2;
	v7 =	vmul.f32 v7, v0  }
0x208: {  	[tilespmem:s11+$0x12080] =	vst.add.f32.msk $0xffff, v2  }
0x209: {  	[tilespmem:s11+$0xC090] =	vst.add.f32.msk $0xffff, v3;
	v2 =	vmul.f32 v8, v0  }
0x20a: {  	[tilespmem:s11+$0xE090] =	vst.add.f32.msk $0xffff, v3  }
0x20b: {  	[tilespmem:s11+$0x10090] =	vst.add.f32.msk $0xffff, v3  }
0x20c: {  	[tilespmem:s11+$0x12090] =	vst.add.f32.msk $0xffff, v3  }
0x20d: {  	[tilespmem:s11+$0xC0A0] =	vst.add.f32.msk $0xffff, v4  }
0x20e: {  	[tilespmem:s11+$0xE0A0] =	vst.add.f32.msk $0xffff, v4  }
0x20f: {  	[tilespmem:s11+$0x100A0] =	vst.add.f32.msk $0xffff, v4  }
0x210: {  	[tilespmem:s11+$0x120A0] =	vst.add.f32.msk $0xffff, v4  }
0x211: {  	[tilespmem:s11+$0xC0B0] =	vst.add.f32.msk $0xffff, v5  }
0x212: {  	[tilespmem:s11+$0xE0B0] =	vst.add.f32.msk $0xffff, v5  }
0x213: {  	[tilespmem:s11+$0x100B0] =	vst.add.f32.msk $0xffff, v5  }
0x214: {  	[tilespmem:s11+$0x120B0] =	vst.add.f32.msk $0xffff, v5  }
0x215: {  	[tilespmem:s11+$0xC0C0] =	vst.add.f32.msk $0xffff, v6  }
0x216: {  	[tilespmem:s11+$0xE0C0] =	vst.add.f32.msk $0xffff, v6  }
0x217: {  	[tilespmem:s11+$0x100C0] =	vst.add.f32.msk $0xffff, v6  }
0x218: {  	[tilespmem:s11+$0x120C0] =	vst.add.f32.msk $0xffff, v6  }
0x219: {  	[tilespmem:s11+$0xC0D0] =	vst.add.f32.msk $0xffff, v7  }
0x21a: {  	[tilespmem:s11+$0xE0D0] =	vst.add.f32.msk $0xffff, v7  }
0x21b: {  	[tilespmem:s11+$0x100D0] =	vst.add.f32.msk $0xffff, v7  }
0x21c: {  	[tilespmem:s11+$0x120D0] =	vst.add.f32.msk $0xffff, v7  }
0x21d: {  	[tilespmem:s11+$0xC0E0] =	vst.add.f32.msk $0xffff, v2  }
.Ltmp8:
0x21e: {  	[tilespmem:s11+$0xE0E0] =	vst.add.f32.msk $0xffff, v2;
	(pc) =	sbr.rel @p0 .LBB2_19-.Ltmp8, $4  }
0x21f: {  	[tilespmem:s11+$0x100E0] =	vst.add.f32.msk $0xffff, v2  }
0x220: {  	[tilespmem:s11+$0x120E0] =	vst.add.f32.msk $0xffff, v2  }
0x221: {  	[tilespmem:s11+$0xC0F0] =	vst.add.f32.msk $0xffff, v1  }
0x222: {  	s13 =	sadd.s32 $0x1000, s13;
	[tilespmem:s11+$0xE0F0] =	vst.add.f32.msk $0xffff, v1  }
0x223: {  	s10 =	sadd.s32 $0x1, s10  }
0x224: {  	p0 =	sne.s32 s10, $0x8  }
.Ltmp9:
0x225: {  	_ = 	snop;
	(pc) =	sbr.rel @p0 .LBB2_18-.Ltmp9, $2  }
0x226: {  	_ =	sdelay $0x2  }
0x227: {  	[tilespmem:s11+$0x100F0] =	vst.add.f32.msk $0xffff, v1;
	s9 =	sadd.s32 $0x200, s9  }
0x228: {  	s9 =	rddreg [dreg:$0x12]  }
0x229: {  	[hbm4b:s9+s24] =	stream.strided.scatter [tilespmem:s29], [sflag:$0x7], $0x8000, s25, s24, $0x38;
	[tilespmem:$0x1C080] =	vst v63  }
0x22a: {  	_ =	swait.ge [sflag:s4], $0x8000  }
0x22b: {  	[sflag:s4] =	ssyncset.done $0x0  }
0x22c: {  	s9 =	simm.s32 $0x0;
	s10 =	rddreg [dreg:$0x13];
	[sflag:s4] =	ssyncadd.s32 $0xFFFF8000  }
0x22d: {  	[tilespmem:s23], [sflag:$0x1] =	stream.linear.gather [hbm4b:s10+s9], $0x2000, $0x38;
	[tilespmem:$0x1C080] =	vst v63  }
0x22e: {  	s13 =	rddreg [dreg:$0x14]  }
0x22f: {  	[tilespmem:s26], [sflag:$0x3] =	stream.strided.gather [hbm4b:s13+s24], $0x8000, s25, s24, $0x38;
	[tilespmem:$0x1C080] =	vst v63  }
0x230: {  	_ =	swait.ge [sflag:s2], $0x2000  }
0x231: {  	[sflag:s2] =	ssyncset.done $0x0  }
0x232: {  	[sflag:s2] =	ssyncadd.s32 $0xFFFFE000  }
0x233: {  	_ =	swait.ge [sflag:s5], $0x8000  }
0x234: {  	[sflag:s5] =	ssyncset.done $0x0  }
0x235: {  	s10 =	simm.s32 $0x0;
	[sflag:s5] =	ssyncadd.s32 $0xFFFF8000  }
.LBB2_22:
0x236: {  	s11 =	sshra.s32 s9, $0x2  }
0x237: {  	v1 =	vld [tilespmem:s11+$0x20F0]  }
0x238: {  	v2 =	vld [tilespmem:s11+$0x2080]  }
0x239: {  	v3 =	vld [tilespmem:s11+$0x2090]  }
0x23a: {  	v4 =	vld [tilespmem:s11+$0x20A0]  }
0x23b: {  	v5 =	vld [tilespmem:s11+$0x20B0]  }
0x23c: {  	v6 =	vld [tilespmem:s11+$0x20C0]  }
0x23d: {  	v7 =	vld [tilespmem:s11+$0x20D0];
	v1 =	vmul.f32 v1, v0  }
0x23e: {  	v8 =	vld [tilespmem:s11+$0x20E0];
	v2 =	vmul.f32 v2, v0  }
0x23f: {  	[tilespmem:s11+$0x1A0F0] =	vst.add.f32.msk $0xffff, v1  }
0x240: {  	[tilespmem:s11+$0x14080] =	vst.add.f32.msk $0xffff, v2  }
0x241: {  	[tilespmem:s11+$0x16080] =	vst.add.f32.msk $0xffff, v2  }
0x242: {  	v3 =	vmul.f32 v3, v0;
	[tilespmem:s11+$0x18080] =	vst.add.f32.msk $0xffff, v2  }
0x243: {  	[tilespmem:s11+$0x1A080] =	vst.add.f32.msk $0xffff, v2  }
0x244: {  	[tilespmem:s11+$0x14090] =	vst.add.f32.msk $0xffff, v3  }
0x245: {  	[tilespmem:s11+$0x16090] =	vst.add.f32.msk $0xffff, v3  }
0x246: {  	[tilespmem:s11+$0x18090] =	vst.add.f32.msk $0xffff, v3  }
0x247: {  	[tilespmem:s11+$0x1A090] =	vst.add.f32.msk $0xffff, v3  }
0x248: {  	v2 =	vmul.f32 v4, v0;
	[tilespmem:s11+$0x140F0] =	vst.add.f32.msk $0xffff, v1  }
0x249: {  	[tilespmem:s11+$0x160F0] =	vst.add.f32.msk $0xffff, v1  }
0x24a: {  	[tilespmem:s11+$0x140A0] =	vst.add.f32.msk $0xffff, v2  }
0x24b: {  	[tilespmem:s11+$0x160A0] =	vst.add.f32.msk $0xffff, v2  }
0x24c: {  	v3 =	vmul.f32 v5, v0;
	[tilespmem:s11+$0x180A0] =	vst.add.f32.msk $0xffff, v2  }
0x24d: {  	[tilespmem:s11+$0x1A0A0] =	vst.add.f32.msk $0xffff, v2  }
0x24e: {  	[tilespmem:s11+$0x140B0] =	vst.add.f32.msk $0xffff, v3  }
0x24f: {  	[tilespmem:s11+$0x160B0] =	vst.add.f32.msk $0xffff, v3  }
0x250: {  	v2 =	vmul.f32 v6, v0;
	[tilespmem:s11+$0x180B0] =	vst.add.f32.msk $0xffff, v3  }
0x251: {  	[tilespmem:s11+$0x1A0B0] =	vst.add.f32.msk $0xffff, v3  }
0x252: {  	[tilespmem:s11+$0x140C0] =	vst.add.f32.msk $0xffff, v2  }
0x253: {  	[tilespmem:s11+$0x160C0] =	vst.add.f32.msk $0xffff, v2  }
0x254: {  	v3 =	vmul.f32 v7, v0;
	[tilespmem:s11+$0x180C0] =	vst.add.f32.msk $0xffff, v2  }
0x255: {  	[tilespmem:s11+$0x1A0C0] =	vst.add.f32.msk $0xffff, v2  }
0x256: {  	[tilespmem:s11+$0x140D0] =	vst.add.f32.msk $0xffff, v3  }
0x257: {  	[tilespmem:s11+$0x160D0] =	vst.add.f32.msk $0xffff, v3  }
0x258: {  	v2 =	vmul.f32 v8, v0;
	[tilespmem:s11+$0x180D0] =	vst.add.f32.msk $0xffff, v3  }
0x259: {  	[tilespmem:s11+$0x1A0D0] =	vst.add.f32.msk $0xffff, v3  }
0x25a: {  	[tilespmem:s11+$0x140E0] =	vst.add.f32.msk $0xffff, v2  }
0x25b: {  	[tilespmem:s11+$0x160E0] =	vst.add.f32.msk $0xffff, v2  }
0x25c: {  	[tilespmem:s11+$0x180E0] =	vst.add.f32.msk $0xffff, v2  }
0x25d: {  	s12 =	simm.s32 $0x0;
	s13 =	sadd.s32 $0x1000, s9;
	[tilespmem:s11+$0x1A0E0] =	vst.add.f32.msk $0xffff, v2  }
.LBB2_23:
0x25e: {  	s12 =	sadd.s32 $0x8, s12;
	[tilespmem:s11+$0x180F0] =	vst.add.f32.msk $0xffff, v1;
	s11 =	sshra.s32 s13, $0x2  }
0x25f: {  	v1 =	vld [tilespmem:s11+$0x20F0];
	p0 =	slt.u32 s12, $0x38  }
0x260: {  	v2 =	vld [tilespmem:s11+$0x2080]  }
0x261: {  	v3 =	vld [tilespmem:s11+$0x2090]  }
0x262: {  	v4 =	vld [tilespmem:s11+$0x20A0]  }
0x263: {  	v5 =	vld [tilespmem:s11+$0x20B0]  }
0x264: {  	v6 =	vld [tilespmem:s11+$0x20C0];
	v1 =	vmul.f32 v1, v0  }
0x265: {  	v2 =	vmul.f32 v2, v0;
	v7 =	vld [tilespmem:s11+$0x20D0]  }
0x266: {  	v3 =	vmul.f32 v3, v0;
	[tilespmem:s11+$0x1A0F0] =	vst.add.f32.msk $0xffff, v1  }
0x267: {  	v4 =	vmul.f32 v4, v0;
	v8 =	vld [tilespmem:s11+$0x20E0]  }
0x268: {  	[tilespmem:s11+$0x14080] =	vst.add.f32.msk $0xffff, v2;
	v5 =	vmul.f32 v5, v0  }
0x269: {  	[tilespmem:s11+$0x16080] =	vst.add.f32.msk $0xffff, v2;
	v6 =	vmul.f32 v6, v0  }
0x26a: {  	[tilespmem:s11+$0x18080] =	vst.add.f32.msk $0xffff, v2;
	v7 =	vmul.f32 v7, v0  }
0x26b: {  	[tilespmem:s11+$0x1A080] =	vst.add.f32.msk $0xffff, v2  }
0x26c: {  	[tilespmem:s11+$0x14090] =	vst.add.f32.msk $0xffff, v3;
	v2 =	vmul.f32 v8, v0  }
0x26d: {  	[tilespmem:s11+$0x16090] =	vst.add.f32.msk $0xffff, v3  }
0x26e: {  	[tilespmem:s11+$0x18090] =	vst.add.f32.msk $0xffff, v3  }
0x26f: {  	[tilespmem:s11+$0x1A090] =	vst.add.f32.msk $0xffff, v3  }
0x270: {  	[tilespmem:s11+$0x140A0] =	vst.add.f32.msk $0xffff, v4  }
0x271: {  	[tilespmem:s11+$0x160A0] =	vst.add.f32.msk $0xffff, v4  }
0x272: {  	[tilespmem:s11+$0x180A0] =	vst.add.f32.msk $0xffff, v4  }
0x273: {  	[tilespmem:s11+$0x1A0A0] =	vst.add.f32.msk $0xffff, v4  }
0x274: {  	[tilespmem:s11+$0x140B0] =	vst.add.f32.msk $0xffff, v5  }
0x275: {  	[tilespmem:s11+$0x160B0] =	vst.add.f32.msk $0xffff, v5  }
0x276: {  	[tilespmem:s11+$0x180B0] =	vst.add.f32.msk $0xffff, v5  }
0x277: {  	[tilespmem:s11+$0x1A0B0] =	vst.add.f32.msk $0xffff, v5  }
0x278: {  	[tilespmem:s11+$0x140C0] =	vst.add.f32.msk $0xffff, v6  }
0x279: {  	[tilespmem:s11+$0x160C0] =	vst.add.f32.msk $0xffff, v6  }
0x27a: {  	[tilespmem:s11+$0x180C0] =	vst.add.f32.msk $0xffff, v6  }
0x27b: {  	[tilespmem:s11+$0x1A0C0] =	vst.add.f32.msk $0xffff, v6  }
0x27c: {  	[tilespmem:s11+$0x140D0] =	vst.add.f32.msk $0xffff, v7  }
0x27d: {  	[tilespmem:s11+$0x160D0] =	vst.add.f32.msk $0xffff, v7  }
0x27e: {  	[tilespmem:s11+$0x180D0] =	vst.add.f32.msk $0xffff, v7  }
0x27f: {  	[tilespmem:s11+$0x1A0D0] =	vst.add.f32.msk $0xffff, v7  }
0x280: {  	[tilespmem:s11+$0x140E0] =	vst.add.f32.msk $0xffff, v2  }
.Ltmp10:
0x281: {  	[tilespmem:s11+$0x160E0] =	vst.add.f32.msk $0xffff, v2;
	(pc) =	sbr.rel @p0 .LBB2_23-.Ltmp10, $4  }
0x282: {  	[tilespmem:s11+$0x180E0] =	vst.add.f32.msk $0xffff, v2  }
0x283: {  	[tilespmem:s11+$0x1A0E0] =	vst.add.f32.msk $0xffff, v2  }
0x284: {  	[tilespmem:s11+$0x140F0] =	vst.add.f32.msk $0xffff, v1  }
0x285: {  	s13 =	sadd.s32 $0x1000, s13;
	[tilespmem:s11+$0x160F0] =	vst.add.f32.msk $0xffff, v1  }
0x286: {  	s10 =	sadd.s32 $0x1, s10  }
0x287: {  	p0 =	sne.s32 s10, $0x8  }
.Ltmp11:
0x288: {  	_ = 	snop;
	(pc) =	sbr.rel @p0 .LBB2_22-.Ltmp11, $2  }
0x289: {  	_ =	sdelay $0x2  }
0x28a: {  	[tilespmem:s11+$0x180F0] =	vst.add.f32.msk $0xffff, v1;
	s9 =	sadd.s32 $0x200, s9  }
0x28b: {  	s9 =	rddreg [dreg:$0x15]  }
0x28c: {  	[hbm4b:s9+s24] =	stream.strided.scatter [tilespmem:s0], [sflag:$0x8], $0x8000, s25, s24, $0x38;
	[tilespmem:$0x1C080] =	vst v63  }
0x28d: {  	_ =	swait.ge [sflag:s6], $0x8000  }
0x28e: {  	[sflag:s6] =	ssyncset.done $0x0  }
0x28f: {  	s9 =	simm.s32 $0x0;
	s10 =	rddreg [dreg:$0x17];
	[sflag:s6] =	ssyncadd.s32 $0xFFFF8000  }
0x290: {  	[tilespmem:s28], [sflag:$0x2] =	stream.linear.gather [hbm4b:s10+s9], $0x2000, $0x38;
	[tilespmem:$0x1C080] =	vst v63  }
0x291: {  	s13 =	rddreg [dreg:$0x18]  }
0x292: {  	[tilespmem:s29], [sflag:$0x4] =	stream.strided.gather [hbm4b:s13+s24], $0x8000, s25, s24, $0x38;
	[tilespmem:$0x1C080] =	vst v63  }
0x293: {  	_ =	swait.ge [sflag:s30], $0x2000  }
0x294: {  	[sflag:s30] =	ssyncset.done $0x0  }
0x295: {  	[sflag:s30] =	ssyncadd.s32 $0xFFFFE000  }
0x296: {  	_ =	swait.ge [sflag:s31], $0x8000  }
0x297: {  	[sflag:s31] =	ssyncset.done $0x0  }
0x298: {  	s10 =	simm.s32 $0x0;
	[sflag:s31] =	ssyncadd.s32 $0xFFFF8000  }
.LBB2_26:
0x299: {  	s11 =	sshra.s32 s9, $0x2  }
0x29a: {  	v1 =	vld [tilespmem:s11+$0xF0]  }
0x29b: {  	v2 =	vld [tilespmem:s11+$0x80]  }
0x29c: {  	v3 =	vld [tilespmem:s11+$0x90]  }
0x29d: {  	v4 =	vld [tilespmem:s11+$0xA0]  }
0x29e: {  	v5 =	vld [tilespmem:s11+$0xB0]  }
0x29f: {  	v6 =	vld [tilespmem:s11+$0xC0]  }
0x2a0: {  	v7 =	vld [tilespmem:s11+$0xD0];
	v1 =	vmul.f32 v1, v0  }
0x2a1: {  	v8 =	vld [tilespmem:s11+$0xE0];
	v2 =	vmul.f32 v2, v0  }
0x2a2: {  	[tilespmem:s11+$0xA0F0] =	vst.add.f32.msk $0xffff, v1  }
0x2a3: {  	[tilespmem:s11+$0x4080] =	vst.add.f32.msk $0xffff, v2  }
0x2a4: {  	[tilespmem:s11+$0x6080] =	vst.add.f32.msk $0xffff, v2  }
0x2a5: {  	v3 =	vmul.f32 v3, v0;
	[tilespmem:s11+$0x8080] =	vst.add.f32.msk $0xffff, v2  }
0x2a6: {  	[tilespmem:s11+$0xA080] =	vst.add.f32.msk $0xffff, v2  }
0x2a7: {  	[tilespmem:s11+$0x4090] =	vst.add.f32.msk $0xffff, v3  }
0x2a8: {  	[tilespmem:s11+$0x6090] =	vst.add.f32.msk $0xffff, v3  }
0x2a9: {  	[tilespmem:s11+$0x8090] =	vst.add.f32.msk $0xffff, v3  }
0x2aa: {  	[tilespmem:s11+$0xA090] =	vst.add.f32.msk $0xffff, v3  }
0x2ab: {  	v2 =	vmul.f32 v4, v0;
	[tilespmem:s11+$0x40F0] =	vst.add.f32.msk $0xffff, v1  }
0x2ac: {  	[tilespmem:s11+$0x60F0] =	vst.add.f32.msk $0xffff, v1  }
0x2ad: {  	[tilespmem:s11+$0x40A0] =	vst.add.f32.msk $0xffff, v2  }
0x2ae: {  	[tilespmem:s11+$0x60A0] =	vst.add.f32.msk $0xffff, v2  }
0x2af: {  	v3 =	vmul.f32 v5, v0;
	[tilespmem:s11+$0x80A0] =	vst.add.f32.msk $0xffff, v2  }
0x2b0: {  	[tilespmem:s11+$0xA0A0] =	vst.add.f32.msk $0xffff, v2  }
0x2b1: {  	[tilespmem:s11+$0x40B0] =	vst.add.f32.msk $0xffff, v3  }
0x2b2: {  	[tilespmem:s11+$0x60B0] =	vst.add.f32.msk $0xffff, v3  }
0x2b3: {  	v2 =	vmul.f32 v6, v0;
	[tilespmem:s11+$0x80B0] =	vst.add.f32.msk $0xffff, v3  }
0x2b4: {  	[tilespmem:s11+$0xA0B0] =	vst.add.f32.msk $0xffff, v3  }
0x2b5: {  	[tilespmem:s11+$0x40C0] =	vst.add.f32.msk $0xffff, v2  }
0x2b6: {  	[tilespmem:s11+$0x60C0] =	vst.add.f32.msk $0xffff, v2  }
0x2b7: {  	v3 =	vmul.f32 v7, v0;
	[tilespmem:s11+$0x80C0] =	vst.add.f32.msk $0xffff, v2  }
0x2b8: {  	[tilespmem:s11+$0xA0C0] =	vst.add.f32.msk $0xffff, v2  }
0x2b9: {  	[tilespmem:s11+$0x40D0] =	vst.add.f32.msk $0xffff, v3  }
0x2ba: {  	[tilespmem:s11+$0x60D0] =	vst.add.f32.msk $0xffff, v3  }
0x2bb: {  	v2 =	vmul.f32 v8, v0;
	[tilespmem:s11+$0x80D0] =	vst.add.f32.msk $0xffff, v3  }
0x2bc: {  	[tilespmem:s11+$0xA0D0] =	vst.add.f32.msk $0xffff, v3  }
0x2bd: {  	[tilespmem:s11+$0x40E0] =	vst.add.f32.msk $0xffff, v2  }
0x2be: {  	[tilespmem:s11+$0x60E0] =	vst.add.f32.msk $0xffff, v2  }
0x2bf: {  	[tilespmem:s11+$0x80E0] =	vst.add.f32.msk $0xffff, v2  }
0x2c0: {  	s12 =	simm.s32 $0x0;
	s13 =	sadd.s32 $0x1000, s9;
	[tilespmem:s11+$0xA0E0] =	vst.add.f32.msk $0xffff, v2  }
.LBB2_27:
0x2c1: {  	s12 =	sadd.s32 $0x8, s12;
	[tilespmem:s11+$0x80F0] =	vst.add.f32.msk $0xffff, v1;
	s11 =	sshra.s32 s13, $0x2  }
0x2c2: {  	v1 =	vld [tilespmem:s11+$0xF0];
	p0 =	slt.u32 s12, $0x38  }
0x2c3: {  	v2 =	vld [tilespmem:s11+$0x80]  }
0x2c4: {  	v3 =	vld [tilespmem:s11+$0x90]  }
0x2c5: {  	v4 =	vld [tilespmem:s11+$0xA0]  }
0x2c6: {  	v5 =	vld [tilespmem:s11+$0xB0]  }
0x2c7: {  	v6 =	vld [tilespmem:s11+$0xC0];
	v1 =	vmul.f32 v1, v0  }
0x2c8: {  	v2 =	vmul.f32 v2, v0;
	v7 =	vld [tilespmem:s11+$0xD0]  }
0x2c9: {  	v3 =	vmul.f32 v3, v0;
	[tilespmem:s11+$0xA0F0] =	vst.add.f32.msk $0xffff, v1  }
0x2ca: {  	v4 =	vmul.f32 v4, v0;
	v8 =	vld [tilespmem:s11+$0xE0]  }
0x2cb: {  	[tilespmem:s11+$0x4080] =	vst.add.f32.msk $0xffff, v2;
	v5 =	vmul.f32 v5, v0  }
0x2cc: {  	[tilespmem:s11+$0x6080] =	vst.add.f32.msk $0xffff, v2;
	v6 =	vmul.f32 v6, v0  }
0x2cd: {  	[tilespmem:s11+$0x8080] =	vst.add.f32.msk $0xffff, v2;
	v7 =	vmul.f32 v7, v0  }
0x2ce: {  	[tilespmem:s11+$0xA080] =	vst.add.f32.msk $0xffff, v2  }
0x2cf: {  	[tilespmem:s11+$0x4090] =	vst.add.f32.msk $0xffff, v3;
	v2 =	vmul.f32 v8, v0  }
0x2d0: {  	[tilespmem:s11+$0x6090] =	vst.add.f32.msk $0xffff, v3  }
0x2d1: {  	[tilespmem:s11+$0x8090] =	vst.add.f32.msk $0xffff, v3  }
0x2d2: {  	[tilespmem:s11+$0xA090] =	vst.add.f32.msk $0xffff, v3  }
0x2d3: {  	[tilespmem:s11+$0x40A0] =	vst.add.f32.msk $0xffff, v4  }
0x2d4: {  	[tilespmem:s11+$0x60A0] =	vst.add.f32.msk $0xffff, v4  }
0x2d5: {  	[tilespmem:s11+$0x80A0] =	vst.add.f32.msk $0xffff, v4  }
0x2d6: {  	[tilespmem:s11+$0xA0A0] =	vst.add.f32.msk $0xffff, v4  }
0x2d7: {  	[tilespmem:s11+$0x40B0] =	vst.add.f32.msk $0xffff, v5  }
0x2d8: {  	[tilespmem:s11+$0x60B0] =	vst.add.f32.msk $0xffff, v5  }
0x2d9: {  	[tilespmem:s11+$0x80B0] =	vst.add.f32.msk $0xffff, v5  }
0x2da: {  	[tilespmem:s11+$0xA0B0] =	vst.add.f32.msk $0xffff, v5  }
0x2db: {  	[tilespmem:s11+$0x40C0] =	vst.add.f32.msk $0xffff, v6  }
0x2dc: {  	[tilespmem:s11+$0x60C0] =	vst.add.f32.msk $0xffff, v6  }
0x2dd: {  	[tilespmem:s11+$0x80C0] =	vst.add.f32.msk $0xffff, v6  }
0x2de: {  	[tilespmem:s11+$0xA0C0] =	vst.add.f32.msk $0xffff, v6  }
0x2df: {  	[tilespmem:s11+$0x40D0] =	vst.add.f32.msk $0xffff, v7  }
0x2e0: {  	[tilespmem:s11+$0x60D0] =	vst.add.f32.msk $0xffff, v7  }
0x2e1: {  	[tilespmem:s11+$0x80D0] =	vst.add.f32.msk $0xffff, v7  }
0x2e2: {  	[tilespmem:s11+$0xA0D0] =	vst.add.f32.msk $0xffff, v7  }
0x2e3: {  	[tilespmem:s11+$0x40E0] =	vst.add.f32.msk $0xffff, v2  }
.Ltmp12:
0x2e4: {  	[tilespmem:s11+$0x60E0] =	vst.add.f32.msk $0xffff, v2;
	(pc) =	sbr.rel @p0 .LBB2_27-.Ltmp12, $4  }
0x2e5: {  	[tilespmem:s11+$0x80E0] =	vst.add.f32.msk $0xffff, v2  }
0x2e6: {  	[tilespmem:s11+$0xA0E0] =	vst.add.f32.msk $0xffff, v2  }
0x2e7: {  	[tilespmem:s11+$0x40F0] =	vst.add.f32.msk $0xffff, v1  }
0x2e8: {  	s13 =	sadd.s32 $0x1000, s13;
	[tilespmem:s11+$0x60F0] =	vst.add.f32.msk $0xffff, v1  }
0x2e9: {  	s10 =	sadd.s32 $0x1, s10  }
0x2ea: {  	p0 =	sne.s32 s10, $0x8  }
.Ltmp13:
0x2eb: {  	_ = 	snop;
	(pc) =	sbr.rel @p0 .LBB2_26-.Ltmp13, $2  }
0x2ec: {  	_ =	sdelay $0x2  }
0x2ed: {  	[tilespmem:s11+$0x80F0] =	vst.add.f32.msk $0xffff, v1;
	s9 =	sadd.s32 $0x200, s9  }
0x2ee: {  	s9 =	rddreg [dreg:$0x16]  }
0x2ef: {  	[hbm4b:s9+s24] =	stream.strided.scatter [tilespmem:s26], [sflag:$0x6], $0x8000, s25, s24, $0x38;
	[tilespmem:$0x1C080] =	vst v63  }
0x2f0: {  	_ =	swait.ge [sflag:s7], $0x8000  }
0x2f1: {  	[sflag:s7] =	ssyncset.done $0x0  }
0x2f2: {  	s9 =	simm.s32 $0x0;
	s10 =	rddreg [dreg:$0x1a];
	[sflag:s7] =	ssyncadd.s32 $0xFFFF8000  }
0x2f3: {  	[tilespmem:s23], [sflag:$0x1] =	stream.linear.gather [hbm4b:s10+s9], $0x2000, $0x38;
	[tilespmem:$0x1C080] =	vst v63  }
0x2f4: {  	s13 =	rddreg [dreg:$0x1b]  }
0x2f5: {  	[tilespmem:s0], [sflag:$0x5] =	stream.strided.gather [hbm4b:s13+s24], $0x8000, s25, s24, $0x38;
	[tilespmem:$0x1C080] =	vst v63  }
0x2f6: {  	_ =	swait.ge [sflag:s2], $0x2000  }
0x2f7: {  	[sflag:s2] =	ssyncset.done $0x0  }
0x2f8: {  	[sflag:s2] =	ssyncadd.s32 $0xFFFFE000  }
0x2f9: {  	_ =	swait.ge [sflag:s3], $0x8000  }
0x2fa: {  	[sflag:s3] =	ssyncset.done $0x0  }
0x2fb: {  	s10 =	simm.s32 $0x0;
	[sflag:s3] =	ssyncadd.s32 $0xFFFF8000  }
.LBB2_30:
0x2fc: {  	s11 =	sshra.s32 s9, $0x2  }
0x2fd: {  	v1 =	vld [tilespmem:s11+$0x20F0]  }
0x2fe: {  	v2 =	vld [tilespmem:s11+$0x2080]  }
0x2ff: {  	v3 =	vld [tilespmem:s11+$0x2090]  }
0x300: {  	v4 =	vld [tilespmem:s11+$0x20A0]  }
0x301: {  	v5 =	vld [tilespmem:s11+$0x20B0]  }
0x302: {  	v6 =	vld [tilespmem:s11+$0x20C0]  }
0x303: {  	v7 =	vld [tilespmem:s11+$0x20D0];
	v1 =	vmul.f32 v1, v0  }
0x304: {  	v8 =	vld [tilespmem:s11+$0x20E0];
	v2 =	vmul.f32 v2, v0  }
0x305: {  	[tilespmem:s11+$0x120F0] =	vst.add.f32.msk $0xffff, v1  }
0x306: {  	[tilespmem:s11+$0xC080] =	vst.add.f32.msk $0xffff, v2  }
0x307: {  	[tilespmem:s11+$0xE080] =	vst.add.f32.msk $0xffff, v2  }
0x308: {  	v3 =	vmul.f32 v3, v0;
	[tilespmem:s11+$0x10080] =	vst.add.f32.msk $0xffff, v2  }
0x309: {  	[tilespmem:s11+$0x12080] =	vst.add.f32.msk $0xffff, v2  }
0x30a: {  	[tilespmem:s11+$0xC090] =	vst.add.f32.msk $0xffff, v3  }
0x30b: {  	[tilespmem:s11+$0xE090] =	vst.add.f32.msk $0xffff, v3  }
0x30c: {  	[tilespmem:s11+$0x10090] =	vst.add.f32.msk $0xffff, v3  }
0x30d: {  	[tilespmem:s11+$0x12090] =	vst.add.f32.msk $0xffff, v3  }
0x30e: {  	v2 =	vmul.f32 v4, v0;
	[tilespmem:s11+$0xC0F0] =	vst.add.f32.msk $0xffff, v1  }
0x30f: {  	[tilespmem:s11+$0xE0F0] =	vst.add.f32.msk $0xffff, v1  }
0x310: {  	[tilespmem:s11+$0xC0A0] =	vst.add.f32.msk $0xffff, v2  }
0x311: {  	[tilespmem:s11+$0xE0A0] =	vst.add.f32.msk $0xffff, v2  }
0x312: {  	v3 =	vmul.f32 v5, v0;
	[tilespmem:s11+$0x100A0] =	vst.add.f32.msk $0xffff, v2  }
0x313: {  	[tilespmem:s11+$0x120A0] =	vst.add.f32.msk $0xffff, v2  }
0x314: {  	[tilespmem:s11+$0xC0B0] =	vst.add.f32.msk $0xffff, v3  }
0x315: {  	[tilespmem:s11+$0xE0B0] =	vst.add.f32.msk $0xffff, v3  }
0x316: {  	v2 =	vmul.f32 v6, v0;
	[tilespmem:s11+$0x100B0] =	vst.add.f32.msk $0xffff, v3  }
0x317: {  	[tilespmem:s11+$0x120B0] =	vst.add.f32.msk $0xffff, v3  }
0x318: {  	[tilespmem:s11+$0xC0C0] =	vst.add.f32.msk $0xffff, v2  }
0x319: {  	[tilespmem:s11+$0xE0C0] =	vst.add.f32.msk $0xffff, v2  }
0x31a: {  	v3 =	vmul.f32 v7, v0;
	[tilespmem:s11+$0x100C0] =	vst.add.f32.msk $0xffff, v2  }
0x31b: {  	[tilespmem:s11+$0x120C0] =	vst.add.f32.msk $0xffff, v2  }
0x31c: {  	[tilespmem:s11+$0xC0D0] =	vst.add.f32.msk $0xffff, v3  }
0x31d: {  	[tilespmem:s11+$0xE0D0] =	vst.add.f32.msk $0xffff, v3  }
0x31e: {  	v2 =	vmul.f32 v8, v0;
	[tilespmem:s11+$0x100D0] =	vst.add.f32.msk $0xffff, v3  }
0x31f: {  	[tilespmem:s11+$0x120D0] =	vst.add.f32.msk $0xffff, v3  }
0x320: {  	[tilespmem:s11+$0xC0E0] =	vst.add.f32.msk $0xffff, v2  }
0x321: {  	[tilespmem:s11+$0xE0E0] =	vst.add.f32.msk $0xffff, v2  }
0x322: {  	[tilespmem:s11+$0x100E0] =	vst.add.f32.msk $0xffff, v2  }
0x323: {  	s12 =	simm.s32 $0x0;
	s13 =	sadd.s32 $0x1000, s9;
	[tilespmem:s11+$0x120E0] =	vst.add.f32.msk $0xffff, v2  }
.LBB2_31:
0x324: {  	s12 =	sadd.s32 $0x8, s12;
	[tilespmem:s11+$0x100F0] =	vst.add.f32.msk $0xffff, v1;
	s11 =	sshra.s32 s13, $0x2  }
0x325: {  	v1 =	vld [tilespmem:s11+$0x20F0];
	p0 =	slt.u32 s12, $0x38  }
0x326: {  	v2 =	vld [tilespmem:s11+$0x2080]  }
0x327: {  	v3 =	vld [tilespmem:s11+$0x2090]  }
0x328: {  	v4 =	vld [tilespmem:s11+$0x20A0]  }
0x329: {  	v5 =	vld [tilespmem:s11+$0x20B0]  }
0x32a: {  	v6 =	vld [tilespmem:s11+$0x20C0];
	v1 =	vmul.f32 v1, v0  }
0x32b: {  	v2 =	vmul.f32 v2, v0;
	v7 =	vld [tilespmem:s11+$0x20D0]  }
0x32c: {  	v3 =	vmul.f32 v3, v0;
	[tilespmem:s11+$0x120F0] =	vst.add.f32.msk $0xffff, v1  }
0x32d: {  	v4 =	vmul.f32 v4, v0;
	v8 =	vld [tilespmem:s11+$0x20E0]  }
0x32e: {  	[tilespmem:s11+$0xC080] =	vst.add.f32.msk $0xffff, v2;
	v5 =	vmul.f32 v5, v0  }
0x32f: {  	[tilespmem:s11+$0xE080] =	vst.add.f32.msk $0xffff, v2;
	v6 =	vmul.f32 v6, v0  }
0x330: {  	[tilespmem:s11+$0x10080] =	vst.add.f32.msk $0xffff, v2;
	v7 =	vmul.f32 v7, v0  }
0x331: {  	[tilespmem:s11+$0x12080] =	vst.add.f32.msk $0xffff, v2  }
0x332: {  	[tilespmem:s11+$0xC090] =	vst.add.f32.msk $0xffff, v3;
	v2 =	vmul.f32 v8, v0  }
0x333: {  	[tilespmem:s11+$0xE090] =	vst.add.f32.msk $0xffff, v3  }
0x334: {  	[tilespmem:s11+$0x10090] =	vst.add.f32.msk $0xffff, v3  }
0x335: {  	[tilespmem:s11+$0x12090] =	vst.add.f32.msk $0xffff, v3  }
0x336: {  	[tilespmem:s11+$0xC0A0] =	vst.add.f32.msk $0xffff, v4  }
0x337: {  	[tilespmem:s11+$0xE0A0] =	vst.add.f32.msk $0xffff, v4  }
0x338: {  	[tilespmem:s11+$0x100A0] =	vst.add.f32.msk $0xffff, v4  }
0x339: {  	[tilespmem:s11+$0x120A0] =	vst.add.f32.msk $0xffff, v4  }
0x33a: {  	[tilespmem:s11+$0xC0B0] =	vst.add.f32.msk $0xffff, v5  }
0x33b: {  	[tilespmem:s11+$0xE0B0] =	vst.add.f32.msk $0xffff, v5  }
0x33c: {  	[tilespmem:s11+$0x100B0] =	vst.add.f32.msk $0xffff, v5  }
0x33d: {  	[tilespmem:s11+$0x120B0] =	vst.add.f32.msk $0xffff, v5  }
0x33e: {  	[tilespmem:s11+$0xC0C0] =	vst.add.f32.msk $0xffff, v6  }
0x33f: {  	[tilespmem:s11+$0xE0C0] =	vst.add.f32.msk $0xffff, v6  }
0x340: {  	[tilespmem:s11+$0x100C0] =	vst.add.f32.msk $0xffff, v6  }
0x341: {  	[tilespmem:s11+$0x120C0] =	vst.add.f32.msk $0xffff, v6  }
0x342: {  	[tilespmem:s11+$0xC0D0] =	vst.add.f32.msk $0xffff, v7  }
0x343: {  	[tilespmem:s11+$0xE0D0] =	vst.add.f32.msk $0xffff, v7  }
0x344: {  	[tilespmem:s11+$0x100D0] =	vst.add.f32.msk $0xffff, v7  }
0x345: {  	[tilespmem:s11+$0x120D0] =	vst.add.f32.msk $0xffff, v7  }
0x346: {  	[tilespmem:s11+$0xC0E0] =	vst.add.f32.msk $0xffff, v2  }
.Ltmp14:
0x347: {  	[tilespmem:s11+$0xE0E0] =	vst.add.f32.msk $0xffff, v2;
	(pc) =	sbr.rel @p0 .LBB2_31-.Ltmp14, $4  }
0x348: {  	[tilespmem:s11+$0x100E0] =	vst.add.f32.msk $0xffff, v2  }
0x349: {  	[tilespmem:s11+$0x120E0] =	vst.add.f32.msk $0xffff, v2  }
0x34a: {  	[tilespmem:s11+$0xC0F0] =	vst.add.f32.msk $0xffff, v1  }
0x34b: {  	s13 =	sadd.s32 $0x1000, s13;
	[tilespmem:s11+$0xE0F0] =	vst.add.f32.msk $0xffff, v1  }
0x34c: {  	s10 =	sadd.s32 $0x1, s10  }
0x34d: {  	p0 =	sne.s32 s10, $0x8  }
.Ltmp15:
0x34e: {  	_ = 	snop;
	(pc) =	sbr.rel @p0 .LBB2_30-.Ltmp15, $2  }
0x34f: {  	_ =	sdelay $0x2  }
0x350: {  	[tilespmem:s11+$0x100F0] =	vst.add.f32.msk $0xffff, v1;
	s9 =	sadd.s32 $0x200, s9  }
0x351: {  	s9 =	rddreg [dreg:$0x19]  }
0x352: {  	[hbm4b:s9+s24] =	stream.strided.scatter [tilespmem:s29], [sflag:$0x7], $0x8000, s25, s24, $0x38;
	[tilespmem:$0x1C080] =	vst v63  }
0x353: {  	_ =	swait.ge [sflag:s4], $0x8000  }
0x354: {  	[sflag:s4] =	ssyncset.done $0x0  }
0x355: {  	s9 =	simm.s32 $0x0;
	s10 =	rddreg [dreg:$0x1d];
	[sflag:s4] =	ssyncadd.s32 $0xFFFF8000  }
0x356: {  	[tilespmem:s28], [sflag:$0x2] =	stream.linear.gather [hbm4b:s10+s9], $0x2000, $0x38;
	[tilespmem:$0x1C080] =	vst v63  }
0x357: {  	s13 =	rddreg [dreg:$0x1e]  }
0x358: {  	[tilespmem:s26], [sflag:$0x3] =	stream.strided.gather [hbm4b:s13+s24], $0x8000, s25, s24, $0x38;
	[tilespmem:$0x1C080] =	vst v63  }
0x359: {  	_ =	swait.ge [sflag:s30], $0x2000  }
0x35a: {  	[sflag:s30] =	ssyncset.done $0x0  }
0x35b: {  	[sflag:s30] =	ssyncadd.s32 $0xFFFFE000  }
0x35c: {  	_ =	swait.ge [sflag:s5], $0x8000  }
0x35d: {  	[sflag:s5] =	ssyncset.done $0x0  }
0x35e: {  	s10 =	simm.s32 $0x0;
	[sflag:s5] =	ssyncadd.s32 $0xFFFF8000  }
.LBB2_34:
0x35f: {  	s11 =	sshra.s32 s9, $0x2  }
0x360: {  	v1 =	vld [tilespmem:s11+$0xF0]  }
0x361: {  	v2 =	vld [tilespmem:s11+$0x80]  }
0x362: {  	v3 =	vld [tilespmem:s11+$0x90]  }
0x363: {  	v4 =	vld [tilespmem:s11+$0xA0]  }
0x364: {  	v5 =	vld [tilespmem:s11+$0xB0]  }
0x365: {  	v6 =	vld [tilespmem:s11+$0xC0]  }
0x366: {  	v7 =	vld [tilespmem:s11+$0xD0];
	v1 =	vmul.f32 v1, v0  }
0x367: {  	v8 =	vld [tilespmem:s11+$0xE0];
	v2 =	vmul.f32 v2, v0  }
0x368: {  	[tilespmem:s11+$0x1A0F0] =	vst.add.f32.msk $0xffff, v1  }
0x369: {  	[tilespmem:s11+$0x14080] =	vst.add.f32.msk $0xffff, v2  }
0x36a: {  	[tilespmem:s11+$0x16080] =	vst.add.f32.msk $0xffff, v2  }
0x36b: {  	v3 =	vmul.f32 v3, v0;
	[tilespmem:s11+$0x18080] =	vst.add.f32.msk $0xffff, v2  }
0x36c: {  	[tilespmem:s11+$0x1A080] =	vst.add.f32.msk $0xffff, v2  }
0x36d: {  	[tilespmem:s11+$0x14090] =	vst.add.f32.msk $0xffff, v3  }
0x36e: {  	[tilespmem:s11+$0x16090] =	vst.add.f32.msk $0xffff, v3  }
0x36f: {  	[tilespmem:s11+$0x18090] =	vst.add.f32.msk $0xffff, v3  }
0x370: {  	[tilespmem:s11+$0x1A090] =	vst.add.f32.msk $0xffff, v3  }
0x371: {  	v2 =	vmul.f32 v4, v0;
	[tilespmem:s11+$0x140F0] =	vst.add.f32.msk $0xffff, v1  }
0x372: {  	[tilespmem:s11+$0x160F0] =	vst.add.f32.msk $0xffff, v1  }
0x373: {  	[tilespmem:s11+$0x140A0] =	vst.add.f32.msk $0xffff, v2  }
0x374: {  	[tilespmem:s11+$0x160A0] =	vst.add.f32.msk $0xffff, v2  }
0x375: {  	v3 =	vmul.f32 v5, v0;
	[tilespmem:s11+$0x180A0] =	vst.add.f32.msk $0xffff, v2  }
0x376: {  	[tilespmem:s11+$0x1A0A0] =	vst.add.f32.msk $0xffff, v2  }
0x377: {  	[tilespmem:s11+$0x140B0] =	vst.add.f32.msk $0xffff, v3  }
0x378: {  	[tilespmem:s11+$0x160B0] =	vst.add.f32.msk $0xffff, v3  }
0x379: {  	v2 =	vmul.f32 v6, v0;
	[tilespmem:s11+$0x180B0] =	vst.add.f32.msk $0xffff, v3  }
0x37a: {  	[tilespmem:s11+$0x1A0B0] =	vst.add.f32.msk $0xffff, v3  }
0x37b: {  	[tilespmem:s11+$0x140C0] =	vst.add.f32.msk $0xffff, v2  }
0x37c: {  	[tilespmem:s11+$0x160C0] =	vst.add.f32.msk $0xffff, v2  }
0x37d: {  	v3 =	vmul.f32 v7, v0;
	[tilespmem:s11+$0x180C0] =	vst.add.f32.msk $0xffff, v2  }
0x37e: {  	[tilespmem:s11+$0x1A0C0] =	vst.add.f32.msk $0xffff, v2  }
0x37f: {  	[tilespmem:s11+$0x140D0] =	vst.add.f32.msk $0xffff, v3  }
0x380: {  	[tilespmem:s11+$0x160D0] =	vst.add.f32.msk $0xffff, v3  }
0x381: {  	v2 =	vmul.f32 v8, v0;
	[tilespmem:s11+$0x180D0] =	vst.add.f32.msk $0xffff, v3  }
0x382: {  	[tilespmem:s11+$0x1A0D0] =	vst.add.f32.msk $0xffff, v3  }
0x383: {  	[tilespmem:s11+$0x140E0] =	vst.add.f32.msk $0xffff, v2  }
0x384: {  	[tilespmem:s11+$0x160E0] =	vst.add.f32.msk $0xffff, v2  }
0x385: {  	[tilespmem:s11+$0x180E0] =	vst.add.f32.msk $0xffff, v2  }
0x386: {  	s12 =	simm.s32 $0x0;
	s13 =	sadd.s32 $0x1000, s9;
	[tilespmem:s11+$0x1A0E0] =	vst.add.f32.msk $0xffff, v2  }
.LBB2_35:
0x387: {  	s12 =	sadd.s32 $0x8, s12;
	[tilespmem:s11+$0x180F0] =	vst.add.f32.msk $0xffff, v1;
	s11 =	sshra.s32 s13, $0x2  }
0x388: {  	v1 =	vld [tilespmem:s11+$0xF0];
	p0 =	slt.u32 s12, $0x38  }
0x389: {  	v2 =	vld [tilespmem:s11+$0x80]  }
0x38a: {  	v3 =	vld [tilespmem:s11+$0x90]  }
0x38b: {  	v4 =	vld [tilespmem:s11+$0xA0]  }
0x38c: {  	v5 =	vld [tilespmem:s11+$0xB0]  }
0x38d: {  	v6 =	vld [tilespmem:s11+$0xC0];
	v1 =	vmul.f32 v1, v0  }
0x38e: {  	v2 =	vmul.f32 v2, v0;
	v7 =	vld [tilespmem:s11+$0xD0]  }
0x38f: {  	v3 =	vmul.f32 v3, v0;
	[tilespmem:s11+$0x1A0F0] =	vst.add.f32.msk $0xffff, v1  }
0x390: {  	v4 =	vmul.f32 v4, v0;
	v8 =	vld [tilespmem:s11+$0xE0]  }
0x391: {  	[tilespmem:s11+$0x14080] =	vst.add.f32.msk $0xffff, v2;
	v5 =	vmul.f32 v5, v0  }
0x392: {  	[tilespmem:s11+$0x16080] =	vst.add.f32.msk $0xffff, v2;
	v6 =	vmul.f32 v6, v0  }
0x393: {  	[tilespmem:s11+$0x18080] =	vst.add.f32.msk $0xffff, v2;
	v7 =	vmul.f32 v7, v0  }
0x394: {  	[tilespmem:s11+$0x1A080] =	vst.add.f32.msk $0xffff, v2  }
0x395: {  	[tilespmem:s11+$0x14090] =	vst.add.f32.msk $0xffff, v3;
	v2 =	vmul.f32 v8, v0  }
0x396: {  	[tilespmem:s11+$0x16090] =	vst.add.f32.msk $0xffff, v3  }
0x397: {  	[tilespmem:s11+$0x18090] =	vst.add.f32.msk $0xffff, v3  }
0x398: {  	[tilespmem:s11+$0x1A090] =	vst.add.f32.msk $0xffff, v3  }
0x399: {  	[tilespmem:s11+$0x140A0] =	vst.add.f32.msk $0xffff, v4  }
0x39a: {  	[tilespmem:s11+$0x160A0] =	vst.add.f32.msk $0xffff, v4  }
0x39b: {  	[tilespmem:s11+$0x180A0] =	vst.add.f32.msk $0xffff, v4  }
0x39c: {  	[tilespmem:s11+$0x1A0A0] =	vst.add.f32.msk $0xffff, v4  }
0x39d: {  	[tilespmem:s11+$0x140B0] =	vst.add.f32.msk $0xffff, v5  }
0x39e: {  	[tilespmem:s11+$0x160B0] =	vst.add.f32.msk $0xffff, v5  }
0x39f: {  	[tilespmem:s11+$0x180B0] =	vst.add.f32.msk $0xffff, v5  }
0x3a0: {  	[tilespmem:s11+$0x1A0B0] =	vst.add.f32.msk $0xffff, v5  }
0x3a1: {  	[tilespmem:s11+$0x140C0] =	vst.add.f32.msk $0xffff, v6  }
0x3a2: {  	[tilespmem:s11+$0x160C0] =	vst.add.f32.msk $0xffff, v6  }
0x3a3: {  	[tilespmem:s11+$0x180C0] =	vst.add.f32.msk $0xffff, v6  }
0x3a4: {  	[tilespmem:s11+$0x1A0C0] =	vst.add.f32.msk $0xffff, v6  }
0x3a5: {  	[tilespmem:s11+$0x140D0] =	vst.add.f32.msk $0xffff, v7  }
0x3a6: {  	[tilespmem:s11+$0x160D0] =	vst.add.f32.msk $0xffff, v7  }
0x3a7: {  	[tilespmem:s11+$0x180D0] =	vst.add.f32.msk $0xffff, v7  }
0x3a8: {  	[tilespmem:s11+$0x1A0D0] =	vst.add.f32.msk $0xffff, v7  }
0x3a9: {  	[tilespmem:s11+$0x140E0] =	vst.add.f32.msk $0xffff, v2  }
.Ltmp16:
0x3aa: {  	[tilespmem:s11+$0x160E0] =	vst.add.f32.msk $0xffff, v2;
	(pc) =	sbr.rel @p0 .LBB2_35-.Ltmp16, $4  }
0x3ab: {  	[tilespmem:s11+$0x180E0] =	vst.add.f32.msk $0xffff, v2  }
0x3ac: {  	[tilespmem:s11+$0x1A0E0] =	vst.add.f32.msk $0xffff, v2  }
0x3ad: {  	[tilespmem:s11+$0x140F0] =	vst.add.f32.msk $0xffff, v1  }
0x3ae: {  	s13 =	sadd.s32 $0x1000, s13;
	[tilespmem:s11+$0x160F0] =	vst.add.f32.msk $0xffff, v1  }
0x3af: {  	s10 =	sadd.s32 $0x1, s10  }
0x3b0: {  	p0 =	sne.s32 s10, $0x8  }
.Ltmp17:
0x3b1: {  	_ = 	snop;
	(pc) =	sbr.rel @p0 .LBB2_34-.Ltmp17, $2  }
0x3b2: {  	_ =	sdelay $0x2  }
0x3b3: {  	[tilespmem:s11+$0x180F0] =	vst.add.f32.msk $0xffff, v1;
	s9 =	sadd.s32 $0x200, s9  }
0x3b4: {  	s9 =	rddreg [dreg:$0x1c]  }
0x3b5: {  	[hbm4b:s9+s24] =	stream.strided.scatter [tilespmem:s0], [sflag:$0x8], $0x8000, s25, s24, $0x38;
	[tilespmem:$0x1C080] =	vst v63  }
0x3b6: {  	_ =	swait.ge [sflag:s6], $0x8000  }
0x3b7: {  	s10 =	sld [smem:$0x7EF]  }
0x3b8: {  	[sflag:s6] =	ssyncset.done $0x0  }
0x3b9: {  	s9 =	simm.s32 $0x0;
	s13 =	sld [smem:$0x7F0];
	[sflag:s6] =	ssyncadd.s32 $0xFFFF8000  }
0x3ba: {  	[tilespmem:s23], [sflag:$0x1] =	stream.linear.gather [hbm4b:s10+s9], $0x2000, $0x38;
	[tilespmem:$0x1C080] =	vst v63  }
0x3bb: {  	_ = 	snop  }
0x3bc: {  	[tilespmem:s29], [sflag:$0x4] =	stream.strided.gather [hbm4b:s13+s24], $0x8000, s25, s24, $0x38;
	[tilespmem:$0x1C080] =	vst v63  }
0x3bd: {  	_ =	swait.ge [sflag:s2], $0x2000  }
0x3be: {  	[sflag:s2] =	ssyncset.done $0x0  }
0x3bf: {  	[sflag:s2] =	ssyncadd.s32 $0xFFFFE000  }
0x3c0: {  	_ =	swait.ge [sflag:s31], $0x8000  }
0x3c1: {  	[sflag:s31] =	ssyncset.done $0x0  }
0x3c2: {  	s10 =	simm.s32 $0x0;
	[sflag:s31] =	ssyncadd.s32 $0xFFFF8000  }
.LBB2_38:
0x3c3: {  	s11 =	sshra.s32 s9, $0x2  }
0x3c4: {  	v1 =	vld [tilespmem:s11+$0x20F0]  }
0x3c5: {  	v2 =	vld [tilespmem:s11+$0x2080]  }
0x3c6: {  	v3 =	vld [tilespmem:s11+$0x2090]  }
0x3c7: {  	v4 =	vld [tilespmem:s11+$0x20A0]  }
0x3c8: {  	v5 =	vld [tilespmem:s11+$0x20B0]  }
0x3c9: {  	v6 =	vld [tilespmem:s11+$0x20C0]  }
0x3ca: {  	v7 =	vld [tilespmem:s11+$0x20D0];
	v1 =	vmul.f32 v1, v0  }
0x3cb: {  	v8 =	vld [tilespmem:s11+$0x20E0];
	v2 =	vmul.f32 v2, v0  }
0x3cc: {  	[tilespmem:s11+$0xA0F0] =	vst.add.f32.msk $0xffff, v1  }
0x3cd: {  	[tilespmem:s11+$0x4080] =	vst.add.f32.msk $0xffff, v2  }
0x3ce: {  	[tilespmem:s11+$0x6080] =	vst.add.f32.msk $0xffff, v2  }
0x3cf: {  	v3 =	vmul.f32 v3, v0;
	[tilespmem:s11+$0x8080] =	vst.add.f32.msk $0xffff, v2  }
0x3d0: {  	[tilespmem:s11+$0xA080] =	vst.add.f32.msk $0xffff, v2  }
0x3d1: {  	[tilespmem:s11+$0x4090] =	vst.add.f32.msk $0xffff, v3  }
0x3d2: {  	[tilespmem:s11+$0x6090] =	vst.add.f32.msk $0xffff, v3  }
0x3d3: {  	[tilespmem:s11+$0x8090] =	vst.add.f32.msk $0xffff, v3  }
0x3d4: {  	[tilespmem:s11+$0xA090] =	vst.add.f32.msk $0xffff, v3  }
0x3d5: {  	v2 =	vmul.f32 v4, v0;
	[tilespmem:s11+$0x40F0] =	vst.add.f32.msk $0xffff, v1  }
0x3d6: {  	[tilespmem:s11+$0x60F0] =	vst.add.f32.msk $0xffff, v1  }
0x3d7: {  	[tilespmem:s11+$0x40A0] =	vst.add.f32.msk $0xffff, v2  }
0x3d8: {  	[tilespmem:s11+$0x60A0] =	vst.add.f32.msk $0xffff, v2  }
0x3d9: {  	v3 =	vmul.f32 v5, v0;
	[tilespmem:s11+$0x80A0] =	vst.add.f32.msk $0xffff, v2  }
0x3da: {  	[tilespmem:s11+$0xA0A0] =	vst.add.f32.msk $0xffff, v2  }
0x3db: {  	[tilespmem:s11+$0x40B0] =	vst.add.f32.msk $0xffff, v3  }
0x3dc: {  	[tilespmem:s11+$0x60B0] =	vst.add.f32.msk $0xffff, v3  }
0x3dd: {  	v2 =	vmul.f32 v6, v0;
	[tilespmem:s11+$0x80B0] =	vst.add.f32.msk $0xffff, v3  }
0x3de: {  	[tilespmem:s11+$0xA0B0] =	vst.add.f32.msk $0xffff, v3  }
0x3df: {  	[tilespmem:s11+$0x40C0] =	vst.add.f32.msk $0xffff, v2  }
0x3e0: {  	[tilespmem:s11+$0x60C0] =	vst.add.f32.msk $0xffff, v2  }
0x3e1: {  	v3 =	vmul.f32 v7, v0;
	[tilespmem:s11+$0x80C0] =	vst.add.f32.msk $0xffff, v2  }
0x3e2: {  	[tilespmem:s11+$0xA0C0] =	vst.add.f32.msk $0xffff, v2  }
0x3e3: {  	[tilespmem:s11+$0x40D0] =	vst.add.f32.msk $0xffff, v3  }
0x3e4: {  	[tilespmem:s11+$0x60D0] =	vst.add.f32.msk $0xffff, v3  }
0x3e5: {  	v2 =	vmul.f32 v8, v0;
	[tilespmem:s11+$0x80D0] =	vst.add.f32.msk $0xffff, v3  }
0x3e6: {  	[tilespmem:s11+$0xA0D0] =	vst.add.f32.msk $0xffff, v3  }
0x3e7: {  	[tilespmem:s11+$0x40E0] =	vst.add.f32.msk $0xffff, v2  }
0x3e8: {  	[tilespmem:s11+$0x60E0] =	vst.add.f32.msk $0xffff, v2  }
0x3e9: {  	[tilespmem:s11+$0x80E0] =	vst.add.f32.msk $0xffff, v2  }
0x3ea: {  	s12 =	simm.s32 $0x0;
	s13 =	sadd.s32 $0x1000, s9;
	[tilespmem:s11+$0xA0E0] =	vst.add.f32.msk $0xffff, v2  }
.LBB2_39:
0x3eb: {  	s12 =	sadd.s32 $0x8, s12;
	[tilespmem:s11+$0x80F0] =	vst.add.f32.msk $0xffff, v1;
	s11 =	sshra.s32 s13, $0x2  }
0x3ec: {  	v1 =	vld [tilespmem:s11+$0x20F0];
	p0 =	slt.u32 s12, $0x38  }
0x3ed: {  	v2 =	vld [tilespmem:s11+$0x2080]  }
0x3ee: {  	v3 =	vld [tilespmem:s11+$0x2090]  }
0x3ef: {  	v4 =	vld [tilespmem:s11+$0x20A0]  }
0x3f0: {  	v5 =	vld [tilespmem:s11+$0x20B0]  }
0x3f1: {  	v6 =	vld [tilespmem:s11+$0x20C0];
	v1 =	vmul.f32 v1, v0  }
0x3f2: {  	v2 =	vmul.f32 v2, v0;
	v7 =	vld [tilespmem:s11+$0x20D0]  }
0x3f3: {  	v3 =	vmul.f32 v3, v0;
	[tilespmem:s11+$0xA0F0] =	vst.add.f32.msk $0xffff, v1  }
0x3f4: {  	v4 =	vmul.f32 v4, v0;
	v8 =	vld [tilespmem:s11+$0x20E0]  }
0x3f5: {  	[tilespmem:s11+$0x4080] =	vst.add.f32.msk $0xffff, v2;
	v5 =	vmul.f32 v5, v0  }
0x3f6: {  	[tilespmem:s11+$0x6080] =	vst.add.f32.msk $0xffff, v2;
	v6 =	vmul.f32 v6, v0  }
0x3f7: {  	[tilespmem:s11+$0x8080] =	vst.add.f32.msk $0xffff, v2;
	v7 =	vmul.f32 v7, v0  }
0x3f8: {  	[tilespmem:s11+$0xA080] =	vst.add.f32.msk $0xffff, v2  }
0x3f9: {  	[tilespmem:s11+$0x4090] =	vst.add.f32.msk $0xffff, v3;
	v2 =	vmul.f32 v8, v0  }
0x3fa: {  	[tilespmem:s11+$0x6090] =	vst.add.f32.msk $0xffff, v3  }
0x3fb: {  	[tilespmem:s11+$0x8090] =	vst.add.f32.msk $0xffff, v3  }
0x3fc: {  	[tilespmem:s11+$0xA090] =	vst.add.f32.msk $0xffff, v3  }
0x3fd: {  	[tilespmem:s11+$0x40A0] =	vst.add.f32.msk $0xffff, v4  }
0x3fe: {  	[tilespmem:s11+$0x60A0] =	vst.add.f32.msk $0xffff, v4  }
0x3ff: {  	[tilespmem:s11+$0x80A0] =	vst.add.f32.msk $0xffff, v4  }
0x400: {  	[tilespmem:s11+$0xA0A0] =	vst.add.f32.msk $0xffff, v4  }
0x401: {  	[tilespmem:s11+$0x40B0] =	vst.add.f32.msk $0xffff, v5  }
0x402: {  	[tilespmem:s11+$0x60B0] =	vst.add.f32.msk $0xffff, v5  }
0x403: {  	[tilespmem:s11+$0x80B0] =	vst.add.f32.msk $0xffff, v5  }
0x404: {  	[tilespmem:s11+$0xA0B0] =	vst.add.f32.msk $0xffff, v5  }
0x405: {  	[tilespmem:s11+$0x40C0] =	vst.add.f32.msk $0xffff, v6  }
0x406: {  	[tilespmem:s11+$0x60C0] =	vst.add.f32.msk $0xffff, v6  }
0x407: {  	[tilespmem:s11+$0x80C0] =	vst.add.f32.msk $0xffff, v6  }
0x408: {  	[tilespmem:s11+$0xA0C0] =	vst.add.f32.msk $0xffff, v6  }
0x409: {  	[tilespmem:s11+$0x40D0] =	vst.add.f32.msk $0xffff, v7  }
0x40a: {  	[tilespmem:s11+$0x60D0] =	vst.add.f32.msk $0xffff, v7  }
0x40b: {  	[tilespmem:s11+$0x80D0] =	vst.add.f32.msk $0xffff, v7  }
0x40c: {  	[tilespmem:s11+$0xA0D0] =	vst.add.f32.msk $0xffff, v7  }
0x40d: {  	[tilespmem:s11+$0x40E0] =	vst.add.f32.msk $0xffff, v2  }
.Ltmp18:
0x40e: {  	[tilespmem:s11+$0x60E0] =	vst.add.f32.msk $0xffff, v2;
	(pc) =	sbr.rel @p0 .LBB2_39-.Ltmp18, $4  }
0x40f: {  	[tilespmem:s11+$0x80E0] =	vst.add.f32.msk $0xffff, v2  }
0x410: {  	[tilespmem:s11+$0xA0E0] =	vst.add.f32.msk $0xffff, v2  }
0x411: {  	[tilespmem:s11+$0x40F0] =	vst.add.f32.msk $0xffff, v1  }
0x412: {  	s13 =	sadd.s32 $0x1000, s13;
	[tilespmem:s11+$0x60F0] =	vst.add.f32.msk $0xffff, v1  }
0x413: {  	s10 =	sadd.s32 $0x1, s10  }
0x414: {  	p0 =	sne.s32 s10, $0x8  }
.Ltmp19:
0x415: {  	_ = 	snop;
	(pc) =	sbr.rel @p0 .LBB2_38-.Ltmp19, $2  }
0x416: {  	_ =	sdelay $0x2  }
0x417: {  	[tilespmem:s11+$0x80F0] =	vst.add.f32.msk $0xffff, v1;
	s9 =	sadd.s32 $0x200, s9  }
0x418: {  	s9 =	rddreg [dreg:$0x1f]  }
0x419: {  	[hbm4b:s9+s24] =	stream.strided.scatter [tilespmem:s26], [sflag:$0x6], $0x8000, s25, s24, $0x38;
	[tilespmem:$0x1C080] =	vst v63  }
0x41a: {  	_ =	swait.ge [sflag:s7], $0x8000  }
0x41b: {  	s10 =	sld [smem:$0x7F2]  }
0x41c: {  	[sflag:s7] =	ssyncset.done $0x0  }
0x41d: {  	s9 =	simm.s32 $0x0;
	s13 =	sld [smem:$0x7F3];
	[sflag:s7] =	ssyncadd.s32 $0xFFFF8000  }
0x41e: {  	[tilespmem:s28], [sflag:$0x2] =	stream.linear.gather [hbm4b:s10+s9], $0x2000, $0x38;
	[tilespmem:$0x1C080] =	vst v63  }
0x41f: {  	_ = 	snop  }
0x420: {  	[tilespmem:s0], [sflag:$0x5] =	stream.strided.gather [hbm4b:s13+s24], $0x8000, s25, s24, $0x38;
	[tilespmem:$0x1C080] =	vst v63  }
0x421: {  	_ =	swait.ge [sflag:s30], $0x2000  }
0x422: {  	[sflag:s30] =	ssyncset.done $0x0  }
0x423: {  	[sflag:s30] =	ssyncadd.s32 $0xFFFFE000  }
0x424: {  	_ =	swait.ge [sflag:s3], $0x8000  }
0x425: {  	[sflag:s3] =	ssyncset.done $0x0  }
0x426: {  	s10 =	simm.s32 $0x0;
	[sflag:s3] =	ssyncadd.s32 $0xFFFF8000  }
.LBB2_42:
0x427: {  	s11 =	sshra.s32 s9, $0x2  }
0x428: {  	v1 =	vld [tilespmem:s11+$0xF0]  }
0x429: {  	v2 =	vld [tilespmem:s11+$0x80]  }
0x42a: {  	v3 =	vld [tilespmem:s11+$0x90]  }
0x42b: {  	v4 =	vld [tilespmem:s11+$0xA0]  }
0x42c: {  	v5 =	vld [tilespmem:s11+$0xB0]  }
0x42d: {  	v6 =	vld [tilespmem:s11+$0xC0]  }
0x42e: {  	v7 =	vld [tilespmem:s11+$0xD0];
	v1 =	vmul.f32 v1, v0  }
0x42f: {  	v8 =	vld [tilespmem:s11+$0xE0];
	v2 =	vmul.f32 v2, v0  }
0x430: {  	[tilespmem:s11+$0x120F0] =	vst.add.f32.msk $0xffff, v1  }
0x431: {  	[tilespmem:s11+$0xC080] =	vst.add.f32.msk $0xffff, v2  }
0x432: {  	[tilespmem:s11+$0xE080] =	vst.add.f32.msk $0xffff, v2  }
0x433: {  	v3 =	vmul.f32 v3, v0;
	[tilespmem:s11+$0x10080] =	vst.add.f32.msk $0xffff, v2  }
0x434: {  	[tilespmem:s11+$0x12080] =	vst.add.f32.msk $0xffff, v2  }
0x435: {  	[tilespmem:s11+$0xC090] =	vst.add.f32.msk $0xffff, v3  }
0x436: {  	[tilespmem:s11+$0xE090] =	vst.add.f32.msk $0xffff, v3  }
0x437: {  	[tilespmem:s11+$0x10090] =	vst.add.f32.msk $0xffff, v3  }
0x438: {  	[tilespmem:s11+$0x12090] =	vst.add.f32.msk $0xffff, v3  }
0x439: {  	v2 =	vmul.f32 v4, v0;
	[tilespmem:s11+$0xC0F0] =	vst.add.f32.msk $0xffff, v1  }
0x43a: {  	[tilespmem:s11+$0xE0F0] =	vst.add.f32.msk $0xffff, v1  }
0x43b: {  	[tilespmem:s11+$0xC0A0] =	vst.add.f32.msk $0xffff, v2  }
0x43c: {  	[tilespmem:s11+$0xE0A0] =	vst.add.f32.msk $0xffff, v2  }
0x43d: {  	v3 =	vmul.f32 v5, v0;
	[tilespmem:s11+$0x100A0] =	vst.add.f32.msk $0xffff, v2  }
0x43e: {  	[tilespmem:s11+$0x120A0] =	vst.add.f32.msk $0xffff, v2  }
0x43f: {  	[tilespmem:s11+$0xC0B0] =	vst.add.f32.msk $0xffff, v3  }
0x440: {  	[tilespmem:s11+$0xE0B0] =	vst.add.f32.msk $0xffff, v3  }
0x441: {  	v2 =	vmul.f32 v6, v0;
	[tilespmem:s11+$0x100B0] =	vst.add.f32.msk $0xffff, v3  }
0x442: {  	[tilespmem:s11+$0x120B0] =	vst.add.f32.msk $0xffff, v3  }
0x443: {  	[tilespmem:s11+$0xC0C0] =	vst.add.f32.msk $0xffff, v2  }
0x444: {  	[tilespmem:s11+$0xE0C0] =	vst.add.f32.msk $0xffff, v2  }
0x445: {  	v3 =	vmul.f32 v7, v0;
	[tilespmem:s11+$0x100C0] =	vst.add.f32.msk $0xffff, v2  }
0x446: {  	[tilespmem:s11+$0x120C0] =	vst.add.f32.msk $0xffff, v2  }
0x447: {  	[tilespmem:s11+$0xC0D0] =	vst.add.f32.msk $0xffff, v3  }
0x448: {  	[tilespmem:s11+$0xE0D0] =	vst.add.f32.msk $0xffff, v3  }
0x449: {  	v2 =	vmul.f32 v8, v0;
	[tilespmem:s11+$0x100D0] =	vst.add.f32.msk $0xffff, v3  }
0x44a: {  	[tilespmem:s11+$0x120D0] =	vst.add.f32.msk $0xffff, v3  }
0x44b: {  	[tilespmem:s11+$0xC0E0] =	vst.add.f32.msk $0xffff, v2  }
0x44c: {  	[tilespmem:s11+$0xE0E0] =	vst.add.f32.msk $0xffff, v2  }
0x44d: {  	[tilespmem:s11+$0x100E0] =	vst.add.f32.msk $0xffff, v2  }
0x44e: {  	s12 =	simm.s32 $0x0;
	s13 =	sadd.s32 $0x1000, s9;
	[tilespmem:s11+$0x120E0] =	vst.add.f32.msk $0xffff, v2  }
.LBB2_43:
0x44f: {  	s12 =	sadd.s32 $0x8, s12;
	[tilespmem:s11+$0x100F0] =	vst.add.f32.msk $0xffff, v1;
	s11 =	sshra.s32 s13, $0x2  }
0x450: {  	v1 =	vld [tilespmem:s11+$0xF0];
	p0 =	slt.u32 s12, $0x38  }
0x451: {  	v2 =	vld [tilespmem:s11+$0x80]  }
0x452: {  	v3 =	vld [tilespmem:s11+$0x90]  }
0x453: {  	v4 =	vld [tilespmem:s11+$0xA0]  }
0x454: {  	v5 =	vld [tilespmem:s11+$0xB0]  }
0x455: {  	v6 =	vld [tilespmem:s11+$0xC0];
	v1 =	vmul.f32 v1, v0  }
0x456: {  	v2 =	vmul.f32 v2, v0;
	v7 =	vld [tilespmem:s11+$0xD0]  }
0x457: {  	v3 =	vmul.f32 v3, v0;
	[tilespmem:s11+$0x120F0] =	vst.add.f32.msk $0xffff, v1  }
0x458: {  	v4 =	vmul.f32 v4, v0;
	v8 =	vld [tilespmem:s11+$0xE0]  }
0x459: {  	[tilespmem:s11+$0xC080] =	vst.add.f32.msk $0xffff, v2;
	v5 =	vmul.f32 v5, v0  }
0x45a: {  	[tilespmem:s11+$0xE080] =	vst.add.f32.msk $0xffff, v2;
	v6 =	vmul.f32 v6, v0  }
0x45b: {  	[tilespmem:s11+$0x10080] =	vst.add.f32.msk $0xffff, v2;
	v7 =	vmul.f32 v7, v0  }
0x45c: {  	[tilespmem:s11+$0x12080] =	vst.add.f32.msk $0xffff, v2  }
0x45d: {  	[tilespmem:s11+$0xC090] =	vst.add.f32.msk $0xffff, v3;
	v2 =	vmul.f32 v8, v0  }
0x45e: {  	[tilespmem:s11+$0xE090] =	vst.add.f32.msk $0xffff, v3  }
0x45f: {  	[tilespmem:s11+$0x10090] =	vst.add.f32.msk $0xffff, v3  }
0x460: {  	[tilespmem:s11+$0x12090] =	vst.add.f32.msk $0xffff, v3  }
0x461: {  	[tilespmem:s11+$0xC0A0] =	vst.add.f32.msk $0xffff, v4  }
0x462: {  	[tilespmem:s11+$0xE0A0] =	vst.add.f32.msk $0xffff, v4  }
0x463: {  	[tilespmem:s11+$0x100A0] =	vst.add.f32.msk $0xffff, v4  }
0x464: {  	[tilespmem:s11+$0x120A0] =	vst.add.f32.msk $0xffff, v4  }
0x465: {  	[tilespmem:s11+$0xC0B0] =	vst.add.f32.msk $0xffff, v5  }
0x466: {  	[tilespmem:s11+$0xE0B0] =	vst.add.f32.msk $0xffff, v5  }
0x467: {  	[tilespmem:s11+$0x100B0] =	vst.add.f32.msk $0xffff, v5  }
0x468: {  	[tilespmem:s11+$0x120B0] =	vst.add.f32.msk $0xffff, v5  }
0x469: {  	[tilespmem:s11+$0xC0C0] =	vst.add.f32.msk $0xffff, v6  }
0x46a: {  	[tilespmem:s11+$0xE0C0] =	vst.add.f32.msk $0xffff, v6  }
0x46b: {  	[tilespmem:s11+$0x100C0] =	vst.add.f32.msk $0xffff, v6  }
0x46c: {  	[tilespmem:s11+$0x120C0] =	vst.add.f32.msk $0xffff, v6  }
0x46d: {  	[tilespmem:s11+$0xC0D0] =	vst.add.f32.msk $0xffff, v7  }
0x46e: {  	[tilespmem:s11+$0xE0D0] =	vst.add.f32.msk $0xffff, v7  }
0x46f: {  	[tilespmem:s11+$0x100D0] =	vst.add.f32.msk $0xffff, v7  }
0x470: {  	[tilespmem:s11+$0x120D0] =	vst.add.f32.msk $0xffff, v7  }
0x471: {  	[tilespmem:s11+$0xC0E0] =	vst.add.f32.msk $0xffff, v2  }
.Ltmp20:
0x472: {  	[tilespmem:s11+$0xE0E0] =	vst.add.f32.msk $0xffff, v2;
	(pc) =	sbr.rel @p0 .LBB2_43-.Ltmp20, $4  }
0x473: {  	[tilespmem:s11+$0x100E0] =	vst.add.f32.msk $0xffff, v2  }
0x474: {  	[tilespmem:s11+$0x120E0] =	vst.add.f32.msk $0xffff, v2  }
0x475: {  	[tilespmem:s11+$0xC0F0] =	vst.add.f32.msk $0xffff, v1  }
0x476: {  	s13 =	sadd.s32 $0x1000, s13;
	[tilespmem:s11+$0xE0F0] =	vst.add.f32.msk $0xffff, v1  }
0x477: {  	s10 =	sadd.s32 $0x1, s10  }
0x478: {  	p0 =	sne.s32 s10, $0x8  }
.Ltmp21:
0x479: {  	_ = 	snop;
	(pc) =	sbr.rel @p0 .LBB2_42-.Ltmp21, $2  }
0x47a: {  	_ =	sdelay $0x2  }
0x47b: {  	[tilespmem:s11+$0x100F0] =	vst.add.f32.msk $0xffff, v1;
	s9 =	sadd.s32 $0x200, s9  }
0x47c: {  	s9 =	sld [smem:$0x7F1];
	_ =	sdelay $0x2  }
0x47d: {  	[hbm4b:s9+s24] =	stream.strided.scatter [tilespmem:s29], [sflag:$0x7], $0x8000, s25, s24, $0x38;
	[tilespmem:$0x1C080] =	vst v63  }
0x47e: {  	_ =	swait.ge [sflag:s4], $0x8000  }
0x47f: {  	s10 =	sld [smem:$0x7F5]  }
0x480: {  	[sflag:s4] =	ssyncset.done $0x0  }
0x481: {  	s9 =	simm.s32 $0x0;
	s13 =	sld [smem:$0x7F6];
	[sflag:s4] =	ssyncadd.s32 $0xFFFF8000  }
0x482: {  	[tilespmem:s23], [sflag:$0x1] =	stream.linear.gather [hbm4b:s10+s9], $0x2000, $0x38;
	[tilespmem:$0x1C080] =	vst v63  }
0x483: {  	_ = 	snop  }
0x484: {  	[tilespmem:s26], [sflag:$0x3] =	stream.strided.gather [hbm4b:s13+s24], $0x8000, s25, s24, $0x38;
	[tilespmem:$0x1C080] =	vst v63  }
0x485: {  	_ =	swait.ge [sflag:s2], $0x2000  }
0x486: {  	[sflag:s2] =	ssyncset.done $0x0  }
0x487: {  	[sflag:s2] =	ssyncadd.s32 $0xFFFFE000  }
0x488: {  	_ =	swait.ge [sflag:s5], $0x8000  }
0x489: {  	[sflag:s5] =	ssyncset.done $0x0  }
0x48a: {  	s10 =	simm.s32 $0x0;
	[sflag:s5] =	ssyncadd.s32 $0xFFFF8000  }
.LBB2_46:
0x48b: {  	s11 =	sshra.s32 s9, $0x2  }
0x48c: {  	v1 =	vld [tilespmem:s11+$0x20F0]  }
0x48d: {  	v2 =	vld [tilespmem:s11+$0x2080]  }
0x48e: {  	v3 =	vld [tilespmem:s11+$0x2090]  }
0x48f: {  	v4 =	vld [tilespmem:s11+$0x20A0]  }
0x490: {  	v5 =	vld [tilespmem:s11+$0x20B0]  }
0x491: {  	v6 =	vld [tilespmem:s11+$0x20C0]  }
0x492: {  	v7 =	vld [tilespmem:s11+$0x20D0];
	v1 =	vmul.f32 v1, v0  }
0x493: {  	v8 =	vld [tilespmem:s11+$0x20E0];
	v2 =	vmul.f32 v2, v0  }
0x494: {  	[tilespmem:s11+$0x1A0F0] =	vst.add.f32.msk $0xffff, v1  }
0x495: {  	[tilespmem:s11+$0x14080] =	vst.add.f32.msk $0xffff, v2  }
0x496: {  	[tilespmem:s11+$0x16080] =	vst.add.f32.msk $0xffff, v2  }
0x497: {  	v3 =	vmul.f32 v3, v0;
	[tilespmem:s11+$0x18080] =	vst.add.f32.msk $0xffff, v2  }
0x498: {  	[tilespmem:s11+$0x1A080] =	vst.add.f32.msk $0xffff, v2  }
0x499: {  	[tilespmem:s11+$0x14090] =	vst.add.f32.msk $0xffff, v3  }
0x49a: {  	[tilespmem:s11+$0x16090] =	vst.add.f32.msk $0xffff, v3  }
0x49b: {  	[tilespmem:s11+$0x18090] =	vst.add.f32.msk $0xffff, v3  }
0x49c: {  	[tilespmem:s11+$0x1A090] =	vst.add.f32.msk $0xffff, v3  }
0x49d: {  	v2 =	vmul.f32 v4, v0;
	[tilespmem:s11+$0x140F0] =	vst.add.f32.msk $0xffff, v1  }
0x49e: {  	[tilespmem:s11+$0x160F0] =	vst.add.f32.msk $0xffff, v1  }
0x49f: {  	[tilespmem:s11+$0x140A0] =	vst.add.f32.msk $0xffff, v2  }
0x4a0: {  	[tilespmem:s11+$0x160A0] =	vst.add.f32.msk $0xffff, v2  }
0x4a1: {  	v3 =	vmul.f32 v5, v0;
	[tilespmem:s11+$0x180A0] =	vst.add.f32.msk $0xffff, v2  }
0x4a2: {  	[tilespmem:s11+$0x1A0A0] =	vst.add.f32.msk $0xffff, v2  }
0x4a3: {  	[tilespmem:s11+$0x140B0] =	vst.add.f32.msk $0xffff, v3  }
0x4a4: {  	[tilespmem:s11+$0x160B0] =	vst.add.f32.msk $0xffff, v3  }
0x4a5: {  	v2 =	vmul.f32 v6, v0;
	[tilespmem:s11+$0x180B0] =	vst.add.f32.msk $0xffff, v3  }
0x4a6: {  	[tilespmem:s11+$0x1A0B0] =	vst.add.f32.msk $0xffff, v3  }
0x4a7: {  	[tilespmem:s11+$0x140C0] =	vst.add.f32.msk $0xffff, v2  }
0x4a8: {  	[tilespmem:s11+$0x160C0] =	vst.add.f32.msk $0xffff, v2  }
0x4a9: {  	v3 =	vmul.f32 v7, v0;
	[tilespmem:s11+$0x180C0] =	vst.add.f32.msk $0xffff, v2  }
0x4aa: {  	[tilespmem:s11+$0x1A0C0] =	vst.add.f32.msk $0xffff, v2  }
0x4ab: {  	[tilespmem:s11+$0x140D0] =	vst.add.f32.msk $0xffff, v3  }
0x4ac: {  	[tilespmem:s11+$0x160D0] =	vst.add.f32.msk $0xffff, v3  }
0x4ad: {  	v2 =	vmul.f32 v8, v0;
	[tilespmem:s11+$0x180D0] =	vst.add.f32.msk $0xffff, v3  }
0x4ae: {  	[tilespmem:s11+$0x1A0D0] =	vst.add.f32.msk $0xffff, v3  }
0x4af: {  	[tilespmem:s11+$0x140E0] =	vst.add.f32.msk $0xffff, v2  }
0x4b0: {  	[tilespmem:s11+$0x160E0] =	vst.add.f32.msk $0xffff, v2  }
0x4b1: {  	[tilespmem:s11+$0x180E0] =	vst.add.f32.msk $0xffff, v2  }
0x4b2: {  	s12 =	simm.s32 $0x0;
	s13 =	sadd.s32 $0x1000, s9;
	[tilespmem:s11+$0x1A0E0] =	vst.add.f32.msk $0xffff, v2  }
.LBB2_47:
0x4b3: {  	s12 =	sadd.s32 $0x8, s12;
	[tilespmem:s11+$0x180F0] =	vst.add.f32.msk $0xffff, v1;
	s11 =	sshra.s32 s13, $0x2  }
0x4b4: {  	v1 =	vld [tilespmem:s11+$0x20F0];
	p0 =	slt.u32 s12, $0x38  }
0x4b5: {  	v2 =	vld [tilespmem:s11+$0x2080]  }
0x4b6: {  	v3 =	vld [tilespmem:s11+$0x2090]  }
0x4b7: {  	v4 =	vld [tilespmem:s11+$0x20A0]  }
0x4b8: {  	v5 =	vld [tilespmem:s11+$0x20B0]  }
0x4b9: {  	v6 =	vld [tilespmem:s11+$0x20C0];
	v1 =	vmul.f32 v1, v0  }
0x4ba: {  	v2 =	vmul.f32 v2, v0;
	v7 =	vld [tilespmem:s11+$0x20D0]  }
0x4bb: {  	v3 =	vmul.f32 v3, v0;
	[tilespmem:s11+$0x1A0F0] =	vst.add.f32.msk $0xffff, v1  }
0x4bc: {  	v4 =	vmul.f32 v4, v0;
	v8 =	vld [tilespmem:s11+$0x20E0]  }
0x4bd: {  	[tilespmem:s11+$0x14080] =	vst.add.f32.msk $0xffff, v2;
	v5 =	vmul.f32 v5, v0  }
0x4be: {  	[tilespmem:s11+$0x16080] =	vst.add.f32.msk $0xffff, v2;
	v6 =	vmul.f32 v6, v0  }
0x4bf: {  	[tilespmem:s11+$0x18080] =	vst.add.f32.msk $0xffff, v2;
	v7 =	vmul.f32 v7, v0  }
0x4c0: {  	[tilespmem:s11+$0x1A080] =	vst.add.f32.msk $0xffff, v2  }
0x4c1: {  	[tilespmem:s11+$0x14090] =	vst.add.f32.msk $0xffff, v3;
	v2 =	vmul.f32 v8, v0  }
0x4c2: {  	[tilespmem:s11+$0x16090] =	vst.add.f32.msk $0xffff, v3  }
0x4c3: {  	[tilespmem:s11+$0x18090] =	vst.add.f32.msk $0xffff, v3  }
0x4c4: {  	[tilespmem:s11+$0x1A090] =	vst.add.f32.msk $0xffff, v3  }
0x4c5: {  	[tilespmem:s11+$0x140A0] =	vst.add.f32.msk $0xffff, v4  }
0x4c6: {  	[tilespmem:s11+$0x160A0] =	vst.add.f32.msk $0xffff, v4  }
0x4c7: {  	[tilespmem:s11+$0x180A0] =	vst.add.f32.msk $0xffff, v4  }
0x4c8: {  	[tilespmem:s11+$0x1A0A0] =	vst.add.f32.msk $0xffff, v4  }
0x4c9: {  	[tilespmem:s11+$0x140B0] =	vst.add.f32.msk $0xffff, v5  }
0x4ca: {  	[tilespmem:s11+$0x160B0] =	vst.add.f32.msk $0xffff, v5  }
0x4cb: {  	[tilespmem:s11+$0x180B0] =	vst.add.f32.msk $0xffff, v5  }
0x4cc: {  	[tilespmem:s11+$0x1A0B0] =	vst.add.f32.msk $0xffff, v5  }
0x4cd: {  	[tilespmem:s11+$0x140C0] =	vst.add.f32.msk $0xffff, v6  }
0x4ce: {  	[tilespmem:s11+$0x160C0] =	vst.add.f32.msk $0xffff, v6  }
0x4cf: {  	[tilespmem:s11+$0x180C0] =	vst.add.f32.msk $0xffff, v6  }
0x4d0: {  	[tilespmem:s11+$0x1A0C0] =	vst.add.f32.msk $0xffff, v6  }
0x4d1: {  	[tilespmem:s11+$0x140D0] =	vst.add.f32.msk $0xffff, v7  }
0x4d2: {  	[tilespmem:s11+$0x160D0] =	vst.add.f32.msk $0xffff, v7  }
0x4d3: {  	[tilespmem:s11+$0x180D0] =	vst.add.f32.msk $0xffff, v7  }
0x4d4: {  	[tilespmem:s11+$0x1A0D0] =	vst.add.f32.msk $0xffff, v7  }
0x4d5: {  	[tilespmem:s11+$0x140E0] =	vst.add.f32.msk $0xffff, v2  }
.Ltmp22:
0x4d6: {  	[tilespmem:s11+$0x160E0] =	vst.add.f32.msk $0xffff, v2;
	(pc) =	sbr.rel @p0 .LBB2_47-.Ltmp22, $4  }
0x4d7: {  	[tilespmem:s11+$0x180E0] =	vst.add.f32.msk $0xffff, v2  }
0x4d8: {  	[tilespmem:s11+$0x1A0E0] =	vst.add.f32.msk $0xffff, v2  }
0x4d9: {  	[tilespmem:s11+$0x140F0] =	vst.add.f32.msk $0xffff, v1  }
0x4da: {  	s13 =	sadd.s32 $0x1000, s13;
	[tilespmem:s11+$0x160F0] =	vst.add.f32.msk $0xffff, v1  }
0x4db: {  	s10 =	sadd.s32 $0x1, s10  }
0x4dc: {  	p0 =	sne.s32 s10, $0x8  }
.Ltmp23:
0x4dd: {  	_ = 	snop;
	(pc) =	sbr.rel @p0 .LBB2_46-.Ltmp23, $2  }
0x4de: {  	_ =	sdelay $0x2  }
0x4df: {  	[tilespmem:s11+$0x180F0] =	vst.add.f32.msk $0xffff, v1;
	s9 =	sadd.s32 $0x200, s9  }
0x4e0: {  	s9 =	sld [smem:$0x7F4];
	_ =	sdelay $0x2  }
0x4e1: {  	[hbm4b:s9+s24] =	stream.strided.scatter [tilespmem:s0], [sflag:$0x8], $0x8000, s25, s24, $0x38;
	[tilespmem:$0x1C080] =	vst v63  }
0x4e2: {  	_ =	swait.ge [sflag:s6], $0x8000  }
0x4e3: {  	s10 =	sld [smem:$0x7F8]  }
0x4e4: {  	[sflag:s6] =	ssyncset.done $0x0  }
0x4e5: {  	s9 =	simm.s32 $0x0;
	s13 =	sld [smem:$0x7F9];
	[sflag:s6] =	ssyncadd.s32 $0xFFFF8000  }
0x4e6: {  	[tilespmem:s28], [sflag:$0x2] =	stream.linear.gather [hbm4b:s10+s9], $0x2000, $0x38;
	[tilespmem:$0x1C080] =	vst v63  }
0x4e7: {  	_ = 	snop  }
0x4e8: {  	[tilespmem:s29], [sflag:$0x4] =	stream.strided.gather [hbm4b:s13+s24], $0x8000, s25, s24, $0x38;
	[tilespmem:$0x1C080] =	vst v63  }
0x4e9: {  	_ =	swait.ge [sflag:s30], $0x2000  }
0x4ea: {  	[sflag:s30] =	ssyncset.done $0x0  }
0x4eb: {  	[sflag:s30] =	ssyncadd.s32 $0xFFFFE000  }
0x4ec: {  	_ =	swait.ge [sflag:s31], $0x8000  }
0x4ed: {  	[sflag:s31] =	ssyncset.done $0x0  }
0x4ee: {  	s10 =	simm.s32 $0x0;
	[sflag:s31] =	ssyncadd.s32 $0xFFFF8000  }
.LBB2_50:
0x4ef: {  	s11 =	sshra.s32 s9, $0x2  }
0x4f0: {  	v1 =	vld [tilespmem:s11+$0xF0]  }
0x4f1: {  	v2 =	vld [tilespmem:s11+$0x80]  }
0x4f2: {  	v3 =	vld [tilespmem:s11+$0x90]  }
0x4f3: {  	v4 =	vld [tilespmem:s11+$0xA0]  }
0x4f4: {  	v5 =	vld [tilespmem:s11+$0xB0]  }
0x4f5: {  	v6 =	vld [tilespmem:s11+$0xC0]  }
0x4f6: {  	v7 =	vld [tilespmem:s11+$0xD0];
	v1 =	vmul.f32 v1, v0  }
0x4f7: {  	v8 =	vld [tilespmem:s11+$0xE0];
	v2 =	vmul.f32 v2, v0  }
0x4f8: {  	[tilespmem:s11+$0xA0F0] =	vst.add.f32.msk $0xffff, v1  }
0x4f9: {  	[tilespmem:s11+$0x4080] =	vst.add.f32.msk $0xffff, v2  }
0x4fa: {  	[tilespmem:s11+$0x6080] =	vst.add.f32.msk $0xffff, v2  }
0x4fb: {  	v3 =	vmul.f32 v3, v0;
	[tilespmem:s11+$0x8080] =	vst.add.f32.msk $0xffff, v2  }
0x4fc: {  	[tilespmem:s11+$0xA080] =	vst.add.f32.msk $0xffff, v2  }
0x4fd: {  	[tilespmem:s11+$0x4090] =	vst.add.f32.msk $0xffff, v3  }
0x4fe: {  	[tilespmem:s11+$0x6090] =	vst.add.f32.msk $0xffff, v3  }
0x4ff: {  	[tilespmem:s11+$0x8090] =	vst.add.f32.msk $0xffff, v3  }
0x500: {  	[tilespmem:s11+$0xA090] =	vst.add.f32.msk $0xffff, v3  }
0x501: {  	v2 =	vmul.f32 v4, v0;
	[tilespmem:s11+$0x40F0] =	vst.add.f32.msk $0xffff, v1  }
0x502: {  	[tilespmem:s11+$0x60F0] =	vst.add.f32.msk $0xffff, v1  }
0x503: {  	[tilespmem:s11+$0x40A0] =	vst.add.f32.msk $0xffff, v2  }
0x504: {  	[tilespmem:s11+$0x60A0] =	vst.add.f32.msk $0xffff, v2  }
0x505: {  	v3 =	vmul.f32 v5, v0;
	[tilespmem:s11+$0x80A0] =	vst.add.f32.msk $0xffff, v2  }
0x506: {  	[tilespmem:s11+$0xA0A0] =	vst.add.f32.msk $0xffff, v2  }
0x507: {  	[tilespmem:s11+$0x40B0] =	vst.add.f32.msk $0xffff, v3  }
0x508: {  	[tilespmem:s11+$0x60B0] =	vst.add.f32.msk $0xffff, v3  }
0x509: {  	v2 =	vmul.f32 v6, v0;
	[tilespmem:s11+$0x80B0] =	vst.add.f32.msk $0xffff, v3  }
0x50a: {  	[tilespmem:s11+$0xA0B0] =	vst.add.f32.msk $0xffff, v3  }
0x50b: {  	[tilespmem:s11+$0x40C0] =	vst.add.f32.msk $0xffff, v2  }
0x50c: {  	[tilespmem:s11+$0x60C0] =	vst.add.f32.msk $0xffff, v2  }
0x50d: {  	v3 =	vmul.f32 v7, v0;
	[tilespmem:s11+$0x80C0] =	vst.add.f32.msk $0xffff, v2  }
0x50e: {  	[tilespmem:s11+$0xA0C0] =	vst.add.f32.msk $0xffff, v2  }
0x50f: {  	[tilespmem:s11+$0x40D0] =	vst.add.f32.msk $0xffff, v3  }
0x510: {  	[tilespmem:s11+$0x60D0] =	vst.add.f32.msk $0xffff, v3  }
0x511: {  	v2 =	vmul.f32 v8, v0;
	[tilespmem:s11+$0x80D0] =	vst.add.f32.msk $0xffff, v3  }
0x512: {  	[tilespmem:s11+$0xA0D0] =	vst.add.f32.msk $0xffff, v3  }
0x513: {  	[tilespmem:s11+$0x40E0] =	vst.add.f32.msk $0xffff, v2  }
0x514: {  	[tilespmem:s11+$0x60E0] =	vst.add.f32.msk $0xffff, v2  }
0x515: {  	[tilespmem:s11+$0x80E0] =	vst.add.f32.msk $0xffff, v2  }
0x516: {  	s12 =	simm.s32 $0x0;
	s13 =	sadd.s32 $0x1000, s9;
	[tilespmem:s11+$0xA0E0] =	vst.add.f32.msk $0xffff, v2  }
.LBB2_51:
0x517: {  	s12 =	sadd.s32 $0x8, s12;
	[tilespmem:s11+$0x80F0] =	vst.add.f32.msk $0xffff, v1;
	s11 =	sshra.s32 s13, $0x2  }
0x518: {  	v1 =	vld [tilespmem:s11+$0xF0];
	p0 =	slt.u32 s12, $0x38  }
0x519: {  	v2 =	vld [tilespmem:s11+$0x80]  }
0x51a: {  	v3 =	vld [tilespmem:s11+$0x90]  }
0x51b: {  	v4 =	vld [tilespmem:s11+$0xA0]  }
0x51c: {  	v5 =	vld [tilespmem:s11+$0xB0]  }
0x51d: {  	v6 =	vld [tilespmem:s11+$0xC0];
	v1 =	vmul.f32 v1, v0  }
0x51e: {  	v2 =	vmul.f32 v2, v0;
	v7 =	vld [tilespmem:s11+$0xD0]  }
0x51f: {  	v3 =	vmul.f32 v3, v0;
	[tilespmem:s11+$0xA0F0] =	vst.add.f32.msk $0xffff, v1  }
0x520: {  	v4 =	vmul.f32 v4, v0;
	v8 =	vld [tilespmem:s11+$0xE0]  }
0x521: {  	[tilespmem:s11+$0x4080] =	vst.add.f32.msk $0xffff, v2;
	v5 =	vmul.f32 v5, v0  }
0x522: {  	[tilespmem:s11+$0x6080] =	vst.add.f32.msk $0xffff, v2;
	v6 =	vmul.f32 v6, v0  }
0x523: {  	[tilespmem:s11+$0x8080] =	vst.add.f32.msk $0xffff, v2;
	v7 =	vmul.f32 v7, v0  }
0x524: {  	[tilespmem:s11+$0xA080] =	vst.add.f32.msk $0xffff, v2  }
0x525: {  	[tilespmem:s11+$0x4090] =	vst.add.f32.msk $0xffff, v3;
	v2 =	vmul.f32 v8, v0  }
0x526: {  	[tilespmem:s11+$0x6090] =	vst.add.f32.msk $0xffff, v3  }
0x527: {  	[tilespmem:s11+$0x8090] =	vst.add.f32.msk $0xffff, v3  }
0x528: {  	[tilespmem:s11+$0xA090] =	vst.add.f32.msk $0xffff, v3  }
0x529: {  	[tilespmem:s11+$0x40A0] =	vst.add.f32.msk $0xffff, v4  }
0x52a: {  	[tilespmem:s11+$0x60A0] =	vst.add.f32.msk $0xffff, v4  }
0x52b: {  	[tilespmem:s11+$0x80A0] =	vst.add.f32.msk $0xffff, v4  }
0x52c: {  	[tilespmem:s11+$0xA0A0] =	vst.add.f32.msk $0xffff, v4  }
0x52d: {  	[tilespmem:s11+$0x40B0] =	vst.add.f32.msk $0xffff, v5  }
0x52e: {  	[tilespmem:s11+$0x60B0] =	vst.add.f32.msk $0xffff, v5  }
0x52f: {  	[tilespmem:s11+$0x80B0] =	vst.add.f32.msk $0xffff, v5  }
0x530: {  	[tilespmem:s11+$0xA0B0] =	vst.add.f32.msk $0xffff, v5  }
0x531: {  	[tilespmem:s11+$0x40C0] =	vst.add.f32.msk $0xffff, v6  }
0x532: {  	[tilespmem:s11+$0x60C0] =	vst.add.f32.msk $0xffff, v6  }
0x533: {  	[tilespmem:s11+$0x80C0] =	vst.add.f32.msk $0xffff, v6  }
0x534: {  	[tilespmem:s11+$0xA0C0] =	vst.add.f32.msk $0xffff, v6  }
0x535: {  	[tilespmem:s11+$0x40D0] =	vst.add.f32.msk $0xffff, v7  }
0x536: {  	[tilespmem:s11+$0x60D0] =	vst.add.f32.msk $0xffff, v7  }
0x537: {  	[tilespmem:s11+$0x80D0] =	vst.add.f32.msk $0xffff, v7  }
0x538: {  	[tilespmem:s11+$0xA0D0] =	vst.add.f32.msk $0xffff, v7  }
0x539: {  	[tilespmem:s11+$0x40E0] =	vst.add.f32.msk $0xffff, v2  }
.Ltmp24:
0x53a: {  	[tilespmem:s11+$0x60E0] =	vst.add.f32.msk $0xffff, v2;
	(pc) =	sbr.rel @p0 .LBB2_51-.Ltmp24, $4  }
0x53b: {  	[tilespmem:s11+$0x80E0] =	vst.add.f32.msk $0xffff, v2  }
0x53c: {  	[tilespmem:s11+$0xA0E0] =	vst.add.f32.msk $0xffff, v2  }
0x53d: {  	[tilespmem:s11+$0x40F0] =	vst.add.f32.msk $0xffff, v1  }
0x53e: {  	s13 =	sadd.s32 $0x1000, s13;
	[tilespmem:s11+$0x60F0] =	vst.add.f32.msk $0xffff, v1  }
0x53f: {  	s10 =	sadd.s32 $0x1, s10  }
0x540: {  	p0 =	sne.s32 s10, $0x8  }
.Ltmp25:
0x541: {  	_ = 	snop;
	(pc) =	sbr.rel @p0 .LBB2_50-.Ltmp25, $2  }
0x542: {  	_ =	sdelay $0x2  }
0x543: {  	[tilespmem:s11+$0x80F0] =	vst.add.f32.msk $0xffff, v1;
	s9 =	sadd.s32 $0x200, s9  }
0x544: {  	s9 =	sld [smem:$0x7F7];
	_ =	sdelay $0x2  }
0x545: {  	[hbm4b:s9+s24] =	stream.strided.scatter [tilespmem:s26], [sflag:$0x6], $0x8000, s25, s24, $0x38;
	[tilespmem:$0x1C080] =	vst v63  }
0x546: {  	_ =	swait.ge [sflag:s7], $0x8000  }
0x547: {  	[sflag:s7] =	ssyncset.done $0x0  }
0x548: {  	s9 =	simm.s32 $0x0;
	[sflag:s7] =	ssyncadd.s32 $0xFFFF8000  }
0x549: {  	[tilespmem:s23], [sflag:$0x1] =	stream.linear.gather [hbm4b:s14+s9], $0x2000, $0x38;
	[tilespmem:$0x1C080] =	vst v63  }
0x54a: {  	_ = 	snop  }
0x54b: {  	[tilespmem:s0], [sflag:$0x5] =	stream.strided.gather [hbm4b:s16+s24], $0x8000, s25, s24, $0x38;
	[tilespmem:$0x1C080] =	vst v63  }
0x54c: {  	_ =	swait.ge [sflag:s2], $0x2000  }
0x54d: {  	[sflag:s2] =	ssyncset.done $0x0  }
0x54e: {  	[sflag:s2] =	ssyncadd.s32 $0xFFFFE000  }
0x54f: {  	_ =	swait.ge [sflag:s3], $0x8000  }
0x550: {  	[sflag:s3] =	ssyncset.done $0x0  }
0x551: {  	s10 =	simm.s32 $0x0;
	[sflag:s3] =	ssyncadd.s32 $0xFFFF8000  }
.LBB2_54:
0x552: {  	s11 =	sshra.s32 s9, $0x2  }
0x553: {  	v1 =	vld [tilespmem:s11+$0x20F0]  }
0x554: {  	v2 =	vld [tilespmem:s11+$0x2080]  }
0x555: {  	v3 =	vld [tilespmem:s11+$0x2090]  }
0x556: {  	v4 =	vld [tilespmem:s11+$0x20A0]  }
0x557: {  	v5 =	vld [tilespmem:s11+$0x20B0]  }
0x558: {  	v6 =	vld [tilespmem:s11+$0x20C0]  }
0x559: {  	v7 =	vld [tilespmem:s11+$0x20D0];
	v1 =	vmul.f32 v1, v0  }
0x55a: {  	v8 =	vld [tilespmem:s11+$0x20E0];
	v2 =	vmul.f32 v2, v0  }
0x55b: {  	[tilespmem:s11+$0x120F0] =	vst.add.f32.msk $0xffff, v1  }
0x55c: {  	[tilespmem:s11+$0xC080] =	vst.add.f32.msk $0xffff, v2  }
0x55d: {  	[tilespmem:s11+$0xE080] =	vst.add.f32.msk $0xffff, v2  }
0x55e: {  	v3 =	vmul.f32 v3, v0;
	[tilespmem:s11+$0x10080] =	vst.add.f32.msk $0xffff, v2  }
0x55f: {  	[tilespmem:s11+$0x12080] =	vst.add.f32.msk $0xffff, v2  }
0x560: {  	[tilespmem:s11+$0xC090] =	vst.add.f32.msk $0xffff, v3  }
0x561: {  	[tilespmem:s11+$0xE090] =	vst.add.f32.msk $0xffff, v3  }
0x562: {  	[tilespmem:s11+$0x10090] =	vst.add.f32.msk $0xffff, v3  }
0x563: {  	[tilespmem:s11+$0x12090] =	vst.add.f32.msk $0xffff, v3  }
0x564: {  	v2 =	vmul.f32 v4, v0;
	[tilespmem:s11+$0xC0F0] =	vst.add.f32.msk $0xffff, v1  }
0x565: {  	[tilespmem:s11+$0xE0F0] =	vst.add.f32.msk $0xffff, v1  }
0x566: {  	[tilespmem:s11+$0xC0A0] =	vst.add.f32.msk $0xffff, v2  }
0x567: {  	[tilespmem:s11+$0xE0A0] =	vst.add.f32.msk $0xffff, v2  }
0x568: {  	v3 =	vmul.f32 v5, v0;
	[tilespmem:s11+$0x100A0] =	vst.add.f32.msk $0xffff, v2  }
0x569: {  	[tilespmem:s11+$0x120A0] =	vst.add.f32.msk $0xffff, v2  }
0x56a: {  	[tilespmem:s11+$0xC0B0] =	vst.add.f32.msk $0xffff, v3  }
0x56b: {  	[tilespmem:s11+$0xE0B0] =	vst.add.f32.msk $0xffff, v3  }
0x56c: {  	v2 =	vmul.f32 v6, v0;
	[tilespmem:s11+$0x100B0] =	vst.add.f32.msk $0xffff, v3  }
0x56d: {  	[tilespmem:s11+$0x120B0] =	vst.add.f32.msk $0xffff, v3  }
0x56e: {  	[tilespmem:s11+$0xC0C0] =	vst.add.f32.msk $0xffff, v2  }
0x56f: {  	[tilespmem:s11+$0xE0C0] =	vst.add.f32.msk $0xffff, v2  }
0x570: {  	v3 =	vmul.f32 v7, v0;
	[tilespmem:s11+$0x100C0] =	vst.add.f32.msk $0xffff, v2  }
0x571: {  	[tilespmem:s11+$0x120C0] =	vst.add.f32.msk $0xffff, v2  }
0x572: {  	[tilespmem:s11+$0xC0D0] =	vst.add.f32.msk $0xffff, v3  }
0x573: {  	[tilespmem:s11+$0xE0D0] =	vst.add.f32.msk $0xffff, v3  }
0x574: {  	v2 =	vmul.f32 v8, v0;
	[tilespmem:s11+$0x100D0] =	vst.add.f32.msk $0xffff, v3  }
0x575: {  	[tilespmem:s11+$0x120D0] =	vst.add.f32.msk $0xffff, v3  }
0x576: {  	[tilespmem:s11+$0xC0E0] =	vst.add.f32.msk $0xffff, v2  }
0x577: {  	[tilespmem:s11+$0xE0E0] =	vst.add.f32.msk $0xffff, v2  }
0x578: {  	[tilespmem:s11+$0x100E0] =	vst.add.f32.msk $0xffff, v2  }
0x579: {  	s12 =	simm.s32 $0x0;
	s13 =	sadd.s32 $0x1000, s9;
	[tilespmem:s11+$0x120E0] =	vst.add.f32.msk $0xffff, v2  }
.LBB2_55:
0x57a: {  	s12 =	sadd.s32 $0x8, s12;
	[tilespmem:s11+$0x100F0] =	vst.add.f32.msk $0xffff, v1;
	s11 =	sshra.s32 s13, $0x2  }
0x57b: {  	v1 =	vld [tilespmem:s11+$0x20F0];
	p0 =	slt.u32 s12, $0x38  }
0x57c: {  	v2 =	vld [tilespmem:s11+$0x2080]  }
0x57d: {  	v3 =	vld [tilespmem:s11+$0x2090]  }
0x57e: {  	v4 =	vld [tilespmem:s11+$0x20A0]  }
0x57f: {  	v5 =	vld [tilespmem:s11+$0x20B0]  }
0x580: {  	v6 =	vld [tilespmem:s11+$0x20C0];
	v1 =	vmul.f32 v1, v0  }
0x581: {  	v2 =	vmul.f32 v2, v0;
	v7 =	vld [tilespmem:s11+$0x20D0]  }
0x582: {  	v3 =	vmul.f32 v3, v0;
	[tilespmem:s11+$0x120F0] =	vst.add.f32.msk $0xffff, v1  }
0x583: {  	v4 =	vmul.f32 v4, v0;
	v8 =	vld [tilespmem:s11+$0x20E0]  }
0x584: {  	[tilespmem:s11+$0xC080] =	vst.add.f32.msk $0xffff, v2;
	v5 =	vmul.f32 v5, v0  }
0x585: {  	[tilespmem:s11+$0xE080] =	vst.add.f32.msk $0xffff, v2;
	v6 =	vmul.f32 v6, v0  }
0x586: {  	[tilespmem:s11+$0x10080] =	vst.add.f32.msk $0xffff, v2;
	v7 =	vmul.f32 v7, v0  }
0x587: {  	[tilespmem:s11+$0x12080] =	vst.add.f32.msk $0xffff, v2  }
0x588: {  	[tilespmem:s11+$0xC090] =	vst.add.f32.msk $0xffff, v3;
	v2 =	vmul.f32 v8, v0  }
0x589: {  	[tilespmem:s11+$0xE090] =	vst.add.f32.msk $0xffff, v3  }
0x58a: {  	[tilespmem:s11+$0x10090] =	vst.add.f32.msk $0xffff, v3  }
0x58b: {  	[tilespmem:s11+$0x12090] =	vst.add.f32.msk $0xffff, v3  }
0x58c: {  	[tilespmem:s11+$0xC0A0] =	vst.add.f32.msk $0xffff, v4  }
0x58d: {  	[tilespmem:s11+$0xE0A0] =	vst.add.f32.msk $0xffff, v4  }
0x58e: {  	[tilespmem:s11+$0x100A0] =	vst.add.f32.msk $0xffff, v4  }
0x58f: {  	[tilespmem:s11+$0x120A0] =	vst.add.f32.msk $0xffff, v4  }
0x590: {  	[tilespmem:s11+$0xC0B0] =	vst.add.f32.msk $0xffff, v5  }
0x591: {  	[tilespmem:s11+$0xE0B0] =	vst.add.f32.msk $0xffff, v5  }
0x592: {  	[tilespmem:s11+$0x100B0] =	vst.add.f32.msk $0xffff, v5  }
0x593: {  	[tilespmem:s11+$0x120B0] =	vst.add.f32.msk $0xffff, v5  }
0x594: {  	[tilespmem:s11+$0xC0C0] =	vst.add.f32.msk $0xffff, v6  }
0x595: {  	[tilespmem:s11+$0xE0C0] =	vst.add.f32.msk $0xffff, v6  }
0x596: {  	[tilespmem:s11+$0x100C0] =	vst.add.f32.msk $0xffff, v6  }
0x597: {  	[tilespmem:s11+$0x120C0] =	vst.add.f32.msk $0xffff, v6  }
0x598: {  	[tilespmem:s11+$0xC0D0] =	vst.add.f32.msk $0xffff, v7  }
0x599: {  	[tilespmem:s11+$0xE0D0] =	vst.add.f32.msk $0xffff, v7  }
0x59a: {  	[tilespmem:s11+$0x100D0] =	vst.add.f32.msk $0xffff, v7  }
0x59b: {  	[tilespmem:s11+$0x120D0] =	vst.add.f32.msk $0xffff, v7  }
0x59c: {  	[tilespmem:s11+$0xC0E0] =	vst.add.f32.msk $0xffff, v2  }
.Ltmp26:
0x59d: {  	[tilespmem:s11+$0xE0E0] =	vst.add.f32.msk $0xffff, v2;
	(pc) =	sbr.rel @p0 .LBB2_55-.Ltmp26, $4  }
0x59e: {  	[tilespmem:s11+$0x100E0] =	vst.add.f32.msk $0xffff, v2  }
0x59f: {  	[tilespmem:s11+$0x120E0] =	vst.add.f32.msk $0xffff, v2  }
0x5a0: {  	[tilespmem:s11+$0xC0F0] =	vst.add.f32.msk $0xffff, v1  }
0x5a1: {  	s13 =	sadd.s32 $0x1000, s13;
	[tilespmem:s11+$0xE0F0] =	vst.add.f32.msk $0xffff, v1  }
0x5a2: {  	s10 =	sadd.s32 $0x1, s10  }
0x5a3: {  	p0 =	sne.s32 s10, $0x8  }
.Ltmp27:
0x5a4: {  	_ = 	snop;
	(pc) =	sbr.rel @p0 .LBB2_54-.Ltmp27, $2  }
0x5a5: {  	_ =	sdelay $0x2  }
0x5a6: {  	[tilespmem:s11+$0x100F0] =	vst.add.f32.msk $0xffff, v1;
	s9 =	sadd.s32 $0x200, s9  }
0x5a7: {  	s9 =	sld [smem:$0x7FA];
	_ =	sdelay $0x2  }
0x5a8: {  	[hbm4b:s9+s24] =	stream.strided.scatter [tilespmem:s29], [sflag:$0x7], $0x8000, s25, s24, $0x38;
	[tilespmem:$0x1C080] =	vst v63  }
0x5a9: {  	_ =	swait.ge [sflag:s4], $0x8000  }
0x5aa: {  	[sflag:s4] =	ssyncset.done $0x0  }
0x5ab: {  	s9 =	simm.s32 $0x0;
	[sflag:s4] =	ssyncadd.s32 $0xFFFF8000  }
0x5ac: {  	[tilespmem:s28], [sflag:$0x2] =	stream.linear.gather [hbm4b:s15+s9], $0x2000, $0x38;
	[tilespmem:$0x1C080] =	vst v63  }
0x5ad: {  	_ = 	snop  }
0x5ae: {  	[tilespmem:s26], [sflag:$0x3] =	stream.strided.gather [hbm4b:s17+s24], $0x8000, s25, s24, $0x38;
	[tilespmem:$0x1C080] =	vst v63  }
0x5af: {  	_ =	swait.ge [sflag:s30], $0x2000  }
0x5b0: {  	[sflag:s30] =	ssyncset.done $0x0  }
0x5b1: {  	[sflag:s30] =	ssyncadd.s32 $0xFFFFE000  }
0x5b2: {  	_ =	swait.ge [sflag:s5], $0x8000  }
0x5b3: {  	[sflag:s5] =	ssyncset.done $0x0  }
0x5b4: {  	s10 =	simm.s32 $0x0;
	[sflag:s5] =	ssyncadd.s32 $0xFFFF8000  }
.LBB2_58:
0x5b5: {  	s11 =	sshra.s32 s9, $0x2  }
0x5b6: {  	v1 =	vld [tilespmem:s11+$0xF0]  }
0x5b7: {  	v2 =	vld [tilespmem:s11+$0x80]  }
0x5b8: {  	v3 =	vld [tilespmem:s11+$0x90]  }
0x5b9: {  	v4 =	vld [tilespmem:s11+$0xA0]  }
0x5ba: {  	v5 =	vld [tilespmem:s11+$0xB0]  }
0x5bb: {  	v6 =	vld [tilespmem:s11+$0xC0]  }
0x5bc: {  	v7 =	vld [tilespmem:s11+$0xD0];
	v1 =	vmul.f32 v1, v0  }
0x5bd: {  	v8 =	vld [tilespmem:s11+$0xE0];
	v2 =	vmul.f32 v2, v0  }
0x5be: {  	[tilespmem:s11+$0x1A0F0] =	vst.add.f32.msk $0xffff, v1  }
0x5bf: {  	[tilespmem:s11+$0x14080] =	vst.add.f32.msk $0xffff, v2  }
0x5c0: {  	[tilespmem:s11+$0x16080] =	vst.add.f32.msk $0xffff, v2  }
0x5c1: {  	v3 =	vmul.f32 v3, v0;
	[tilespmem:s11+$0x18080] =	vst.add.f32.msk $0xffff, v2  }
0x5c2: {  	[tilespmem:s11+$0x1A080] =	vst.add.f32.msk $0xffff, v2  }
0x5c3: {  	[tilespmem:s11+$0x14090] =	vst.add.f32.msk $0xffff, v3  }
0x5c4: {  	[tilespmem:s11+$0x16090] =	vst.add.f32.msk $0xffff, v3  }
0x5c5: {  	[tilespmem:s11+$0x18090] =	vst.add.f32.msk $0xffff, v3  }
0x5c6: {  	[tilespmem:s11+$0x1A090] =	vst.add.f32.msk $0xffff, v3  }
0x5c7: {  	v2 =	vmul.f32 v4, v0;
	[tilespmem:s11+$0x140F0] =	vst.add.f32.msk $0xffff, v1  }
0x5c8: {  	[tilespmem:s11+$0x160F0] =	vst.add.f32.msk $0xffff, v1  }
0x5c9: {  	[tilespmem:s11+$0x140A0] =	vst.add.f32.msk $0xffff, v2  }
0x5ca: {  	[tilespmem:s11+$0x160A0] =	vst.add.f32.msk $0xffff, v2  }
0x5cb: {  	v3 =	vmul.f32 v5, v0;
	[tilespmem:s11+$0x180A0] =	vst.add.f32.msk $0xffff, v2  }
0x5cc: {  	[tilespmem:s11+$0x1A0A0] =	vst.add.f32.msk $0xffff, v2  }
0x5cd: {  	[tilespmem:s11+$0x140B0] =	vst.add.f32.msk $0xffff, v3  }
0x5ce: {  	[tilespmem:s11+$0x160B0] =	vst.add.f32.msk $0xffff, v3  }
0x5cf: {  	v2 =	vmul.f32 v6, v0;
	[tilespmem:s11+$0x180B0] =	vst.add.f32.msk $0xffff, v3  }
0x5d0: {  	[tilespmem:s11+$0x1A0B0] =	vst.add.f32.msk $0xffff, v3  }
0x5d1: {  	[tilespmem:s11+$0x140C0] =	vst.add.f32.msk $0xffff, v2  }
0x5d2: {  	[tilespmem:s11+$0x160C0] =	vst.add.f32.msk $0xffff, v2  }
0x5d3: {  	v3 =	vmul.f32 v7, v0;
	[tilespmem:s11+$0x180C0] =	vst.add.f32.msk $0xffff, v2  }
0x5d4: {  	[tilespmem:s11+$0x1A0C0] =	vst.add.f32.msk $0xffff, v2  }
0x5d5: {  	[tilespmem:s11+$0x140D0] =	vst.add.f32.msk $0xffff, v3  }
0x5d6: {  	[tilespmem:s11+$0x160D0] =	vst.add.f32.msk $0xffff, v3  }
0x5d7: {  	v2 =	vmul.f32 v8, v0;
	[tilespmem:s11+$0x180D0] =	vst.add.f32.msk $0xffff, v3  }
0x5d8: {  	[tilespmem:s11+$0x1A0D0] =	vst.add.f32.msk $0xffff, v3  }
0x5d9: {  	[tilespmem:s11+$0x140E0] =	vst.add.f32.msk $0xffff, v2  }
0x5da: {  	[tilespmem:s11+$0x160E0] =	vst.add.f32.msk $0xffff, v2  }
0x5db: {  	[tilespmem:s11+$0x180E0] =	vst.add.f32.msk $0xffff, v2  }
0x5dc: {  	s12 =	simm.s32 $0x0;
	s13 =	sadd.s32 $0x1000, s9;
	[tilespmem:s11+$0x1A0E0] =	vst.add.f32.msk $0xffff, v2  }
.LBB2_59:
0x5dd: {  	s12 =	sadd.s32 $0x8, s12;
	[tilespmem:s11+$0x180F0] =	vst.add.f32.msk $0xffff, v1;
	s11 =	sshra.s32 s13, $0x2  }
0x5de: {  	v1 =	vld [tilespmem:s11+$0xF0];
	p0 =	slt.u32 s12, $0x38  }
0x5df: {  	v2 =	vld [tilespmem:s11+$0x80]  }
0x5e0: {  	v3 =	vld [tilespmem:s11+$0x90]  }
0x5e1: {  	v4 =	vld [tilespmem:s11+$0xA0]  }
0x5e2: {  	v5 =	vld [tilespmem:s11+$0xB0]  }
0x5e3: {  	v6 =	vld [tilespmem:s11+$0xC0];
	v1 =	vmul.f32 v1, v0  }
0x5e4: {  	v2 =	vmul.f32 v2, v0;
	v7 =	vld [tilespmem:s11+$0xD0]  }
0x5e5: {  	v3 =	vmul.f32 v3, v0;
	[tilespmem:s11+$0x1A0F0] =	vst.add.f32.msk $0xffff, v1  }
0x5e6: {  	v4 =	vmul.f32 v4, v0;
	v8 =	vld [tilespmem:s11+$0xE0]  }
0x5e7: {  	[tilespmem:s11+$0x14080] =	vst.add.f32.msk $0xffff, v2;
	v5 =	vmul.f32 v5, v0  }
0x5e8: {  	[tilespmem:s11+$0x16080] =	vst.add.f32.msk $0xffff, v2;
	v6 =	vmul.f32 v6, v0  }
0x5e9: {  	[tilespmem:s11+$0x18080] =	vst.add.f32.msk $0xffff, v2;
	v7 =	vmul.f32 v7, v0  }
0x5ea: {  	[tilespmem:s11+$0x1A080] =	vst.add.f32.msk $0xffff, v2  }
0x5eb: {  	[tilespmem:s11+$0x14090] =	vst.add.f32.msk $0xffff, v3;
	v2 =	vmul.f32 v8, v0  }
0x5ec: {  	[tilespmem:s11+$0x16090] =	vst.add.f32.msk $0xffff, v3  }
0x5ed: {  	[tilespmem:s11+$0x18090] =	vst.add.f32.msk $0xffff, v3  }
0x5ee: {  	[tilespmem:s11+$0x1A090] =	vst.add.f32.msk $0xffff, v3  }
0x5ef: {  	[tilespmem:s11+$0x140A0] =	vst.add.f32.msk $0xffff, v4  }
0x5f0: {  	[tilespmem:s11+$0x160A0] =	vst.add.f32.msk $0xffff, v4  }
0x5f1: {  	[tilespmem:s11+$0x180A0] =	vst.add.f32.msk $0xffff, v4  }
0x5f2: {  	[tilespmem:s11+$0x1A0A0] =	vst.add.f32.msk $0xffff, v4  }
0x5f3: {  	[tilespmem:s11+$0x140B0] =	vst.add.f32.msk $0xffff, v5  }
0x5f4: {  	[tilespmem:s11+$0x160B0] =	vst.add.f32.msk $0xffff, v5  }
0x5f5: {  	[tilespmem:s11+$0x180B0] =	vst.add.f32.msk $0xffff, v5  }
0x5f6: {  	[tilespmem:s11+$0x1A0B0] =	vst.add.f32.msk $0xffff, v5  }
0x5f7: {  	[tilespmem:s11+$0x140C0] =	vst.add.f32.msk $0xffff, v6  }
0x5f8: {  	[tilespmem:s11+$0x160C0] =	vst.add.f32.msk $0xffff, v6  }
0x5f9: {  	[tilespmem:s11+$0x180C0] =	vst.add.f32.msk $0xffff, v6  }
0x5fa: {  	[tilespmem:s11+$0x1A0C0] =	vst.add.f32.msk $0xffff, v6  }
0x5fb: {  	[tilespmem:s11+$0x140D0] =	vst.add.f32.msk $0xffff, v7  }
0x5fc: {  	[tilespmem:s11+$0x160D0] =	vst.add.f32.msk $0xffff, v7  }
0x5fd: {  	[tilespmem:s11+$0x180D0] =	vst.add.f32.msk $0xffff, v7  }
0x5fe: {  	[tilespmem:s11+$0x1A0D0] =	vst.add.f32.msk $0xffff, v7  }
0x5ff: {  	[tilespmem:s11+$0x140E0] =	vst.add.f32.msk $0xffff, v2  }
.Ltmp28:
0x600: {  	[tilespmem:s11+$0x160E0] =	vst.add.f32.msk $0xffff, v2;
	(pc) =	sbr.rel @p0 .LBB2_59-.Ltmp28, $4  }
0x601: {  	[tilespmem:s11+$0x180E0] =	vst.add.f32.msk $0xffff, v2  }
0x602: {  	[tilespmem:s11+$0x1A0E0] =	vst.add.f32.msk $0xffff, v2  }
0x603: {  	[tilespmem:s11+$0x140F0] =	vst.add.f32.msk $0xffff, v1  }
0x604: {  	s13 =	sadd.s32 $0x1000, s13;
	[tilespmem:s11+$0x160F0] =	vst.add.f32.msk $0xffff, v1  }
0x605: {  	s10 =	sadd.s32 $0x1, s10  }
0x606: {  	p0 =	sne.s32 s10, $0x8  }
.Ltmp29:
0x607: {  	_ = 	snop;
	(pc) =	sbr.rel @p0 .LBB2_58-.Ltmp29, $2  }
0x608: {  	_ =	sdelay $0x2  }
0x609: {  	[tilespmem:s11+$0x180F0] =	vst.add.f32.msk $0xffff, v1;
	s9 =	sadd.s32 $0x200, s9  }
0x60a: {  	[hbm4b:s18+s24] =	stream.strided.scatter [tilespmem:s0], [sflag:$0x8], $0x8000, s25, s24, $0x38;
	[tilespmem:$0x1C080] =	vst v63  }
0x60b: {  	_ =	swait.ge [sflag:s2], $0x2000  }
0x60c: {  	[sflag:s2] =	ssyncset.done $0x0  }
0x60d: {  	[sflag:s2] =	ssyncadd.s32 $0xFFFFE000  }
0x60e: {  	_ =	swait.ge [sflag:s31], $0x8000  }
0x60f: {  	[sflag:s31] =	ssyncset.done $0x0  }
0x610: {  	s9 =	simm.s32 $0x0;
	s10 =	simm.s32 $0x0;
	[sflag:s31] =	ssyncadd.s32 $0xFFFF8000  }
.LBB2_62:
0x611: {  	s11 =	sshra.s32 s9, $0x2  }
0x612: {  	v1 =	vld [tilespmem:s11+$0x20F0]  }
0x613: {  	v2 =	vld [tilespmem:s11+$0x2080]  }
0x614: {  	v3 =	vld [tilespmem:s11+$0x2090]  }
0x615: {  	v4 =	vld [tilespmem:s11+$0x20A0]  }
0x616: {  	v5 =	vld [tilespmem:s11+$0x20B0]  }
0x617: {  	v6 =	vld [tilespmem:s11+$0x20C0]  }
0x618: {  	v7 =	vld [tilespmem:s11+$0x20D0];
	v1 =	vmul.f32 v1, v0  }
0x619: {  	v8 =	vld [tilespmem:s11+$0x20E0];
	v2 =	vmul.f32 v2, v0  }
0x61a: {  	[tilespmem:s11+$0xA0F0] =	vst.add.f32.msk $0xffff, v1  }
0x61b: {  	[tilespmem:s11+$0x4080] =	vst.add.f32.msk $0xffff, v2  }
0x61c: {  	[tilespmem:s11+$0x6080] =	vst.add.f32.msk $0xffff, v2  }
0x61d: {  	v3 =	vmul.f32 v3, v0;
	[tilespmem:s11+$0x8080] =	vst.add.f32.msk $0xffff, v2  }
0x61e: {  	[tilespmem:s11+$0xA080] =	vst.add.f32.msk $0xffff, v2  }
0x61f: {  	[tilespmem:s11+$0x4090] =	vst.add.f32.msk $0xffff, v3  }
0x620: {  	[tilespmem:s11+$0x6090] =	vst.add.f32.msk $0xffff, v3  }
0x621: {  	[tilespmem:s11+$0x8090] =	vst.add.f32.msk $0xffff, v3  }
0x622: {  	[tilespmem:s11+$0xA090] =	vst.add.f32.msk $0xffff, v3  }
0x623: {  	v2 =	vmul.f32 v4, v0;
	[tilespmem:s11+$0x40F0] =	vst.add.f32.msk $0xffff, v1  }
0x624: {  	[tilespmem:s11+$0x60F0] =	vst.add.f32.msk $0xffff, v1  }
0x625: {  	[tilespmem:s11+$0x40A0] =	vst.add.f32.msk $0xffff, v2  }
0x626: {  	[tilespmem:s11+$0x60A0] =	vst.add.f32.msk $0xffff, v2  }
0x627: {  	v3 =	vmul.f32 v5, v0;
	[tilespmem:s11+$0x80A0] =	vst.add.f32.msk $0xffff, v2  }
0x628: {  	[tilespmem:s11+$0xA0A0] =	vst.add.f32.msk $0xffff, v2  }
0x629: {  	[tilespmem:s11+$0x40B0] =	vst.add.f32.msk $0xffff, v3  }
0x62a: {  	[tilespmem:s11+$0x60B0] =	vst.add.f32.msk $0xffff, v3  }
0x62b: {  	v2 =	vmul.f32 v6, v0;
	[tilespmem:s11+$0x80B0] =	vst.add.f32.msk $0xffff, v3  }
0x62c: {  	[tilespmem:s11+$0xA0B0] =	vst.add.f32.msk $0xffff, v3  }
0x62d: {  	[tilespmem:s11+$0x40C0] =	vst.add.f32.msk $0xffff, v2  }
0x62e: {  	[tilespmem:s11+$0x60C0] =	vst.add.f32.msk $0xffff, v2  }
0x62f: {  	v3 =	vmul.f32 v7, v0;
	[tilespmem:s11+$0x80C0] =	vst.add.f32.msk $0xffff, v2  }
0x630: {  	[tilespmem:s11+$0xA0C0] =	vst.add.f32.msk $0xffff, v2  }
0x631: {  	[tilespmem:s11+$0x40D0] =	vst.add.f32.msk $0xffff, v3  }
0x632: {  	[tilespmem:s11+$0x60D0] =	vst.add.f32.msk $0xffff, v3  }
0x633: {  	v2 =	vmul.f32 v8, v0;
	[tilespmem:s11+$0x80D0] =	vst.add.f32.msk $0xffff, v3  }
0x634: {  	[tilespmem:s11+$0xA0D0] =	vst.add.f32.msk $0xffff, v3  }
0x635: {  	[tilespmem:s11+$0x40E0] =	vst.add.f32.msk $0xffff, v2  }
0x636: {  	[tilespmem:s11+$0x60E0] =	vst.add.f32.msk $0xffff, v2  }
0x637: {  	[tilespmem:s11+$0x80E0] =	vst.add.f32.msk $0xffff, v2  }
0x638: {  	s12 =	simm.s32 $0x0;
	s13 =	sadd.s32 $0x1000, s9;
	[tilespmem:s11+$0xA0E0] =	vst.add.f32.msk $0xffff, v2  }
.LBB2_63:
0x639: {  	s12 =	sadd.s32 $0x8, s12;
	[tilespmem:s11+$0x80F0] =	vst.add.f32.msk $0xffff, v1;
	s11 =	sshra.s32 s13, $0x2  }
0x63a: {  	v1 =	vld [tilespmem:s11+$0x20F0];
	p0 =	slt.u32 s12, $0x38  }
0x63b: {  	v2 =	vld [tilespmem:s11+$0x2080]  }
0x63c: {  	v3 =	vld [tilespmem:s11+$0x2090]  }
0x63d: {  	v4 =	vld [tilespmem:s11+$0x20A0]  }
0x63e: {  	v5 =	vld [tilespmem:s11+$0x20B0]  }
0x63f: {  	v6 =	vld [tilespmem:s11+$0x20C0];
	v1 =	vmul.f32 v1, v0  }
0x640: {  	v2 =	vmul.f32 v2, v0;
	v7 =	vld [tilespmem:s11+$0x20D0]  }
0x641: {  	v3 =	vmul.f32 v3, v0;
	[tilespmem:s11+$0xA0F0] =	vst.add.f32.msk $0xffff, v1  }
0x642: {  	v4 =	vmul.f32 v4, v0;
	v8 =	vld [tilespmem:s11+$0x20E0]  }
0x643: {  	[tilespmem:s11+$0x4080] =	vst.add.f32.msk $0xffff, v2;
	v5 =	vmul.f32 v5, v0  }
0x644: {  	[tilespmem:s11+$0x6080] =	vst.add.f32.msk $0xffff, v2;
	v6 =	vmul.f32 v6, v0  }
0x645: {  	[tilespmem:s11+$0x8080] =	vst.add.f32.msk $0xffff, v2;
	v7 =	vmul.f32 v7, v0  }
0x646: {  	[tilespmem:s11+$0xA080] =	vst.add.f32.msk $0xffff, v2  }
0x647: {  	[tilespmem:s11+$0x4090] =	vst.add.f32.msk $0xffff, v3;
	v2 =	vmul.f32 v8, v0  }
0x648: {  	[tilespmem:s11+$0x6090] =	vst.add.f32.msk $0xffff, v3  }
0x649: {  	[tilespmem:s11+$0x8090] =	vst.add.f32.msk $0xffff, v3  }
0x64a: {  	[tilespmem:s11+$0xA090] =	vst.add.f32.msk $0xffff, v3  }
0x64b: {  	[tilespmem:s11+$0x40A0] =	vst.add.f32.msk $0xffff, v4  }
0x64c: {  	[tilespmem:s11+$0x60A0] =	vst.add.f32.msk $0xffff, v4  }
0x64d: {  	[tilespmem:s11+$0x80A0] =	vst.add.f32.msk $0xffff, v4  }
0x64e: {  	[tilespmem:s11+$0xA0A0] =	vst.add.f32.msk $0xffff, v4  }
0x64f: {  	[tilespmem:s11+$0x40B0] =	vst.add.f32.msk $0xffff, v5  }
0x650: {  	[tilespmem:s11+$0x60B0] =	vst.add.f32.msk $0xffff, v5  }
0x651: {  	[tilespmem:s11+$0x80B0] =	vst.add.f32.msk $0xffff, v5  }
0x652: {  	[tilespmem:s11+$0xA0B0] =	vst.add.f32.msk $0xffff, v5  }
0x653: {  	[tilespmem:s11+$0x40C0] =	vst.add.f32.msk $0xffff, v6  }
0x654: {  	[tilespmem:s11+$0x60C0] =	vst.add.f32.msk $0xffff, v6  }
0x655: {  	[tilespmem:s11+$0x80C0] =	vst.add.f32.msk $0xffff, v6  }
0x656: {  	[tilespmem:s11+$0xA0C0] =	vst.add.f32.msk $0xffff, v6  }
0x657: {  	[tilespmem:s11+$0x40D0] =	vst.add.f32.msk $0xffff, v7  }
0x658: {  	[tilespmem:s11+$0x60D0] =	vst.add.f32.msk $0xffff, v7  }
0x659: {  	[tilespmem:s11+$0x80D0] =	vst.add.f32.msk $0xffff, v7  }
0x65a: {  	[tilespmem:s11+$0xA0D0] =	vst.add.f32.msk $0xffff, v7  }
0x65b: {  	[tilespmem:s11+$0x40E0] =	vst.add.f32.msk $0xffff, v2  }
.Ltmp30:
0x65c: {  	[tilespmem:s11+$0x60E0] =	vst.add.f32.msk $0xffff, v2;
	(pc) =	sbr.rel @p0 .LBB2_63-.Ltmp30, $4  }
0x65d: {  	[tilespmem:s11+$0x80E0] =	vst.add.f32.msk $0xffff, v2  }
0x65e: {  	[tilespmem:s11+$0xA0E0] =	vst.add.f32.msk $0xffff, v2  }
0x65f: {  	[tilespmem:s11+$0x40F0] =	vst.add.f32.msk $0xffff, v1  }
0x660: {  	s13 =	sadd.s32 $0x1000, s13;
	[tilespmem:s11+$0x60F0] =	vst.add.f32.msk $0xffff, v1  }
0x661: {  	s10 =	sadd.s32 $0x1, s10  }
0x662: {  	p0 =	sne.s32 s10, $0x8  }
.Ltmp31:
0x663: {  	_ = 	snop;
	(pc) =	sbr.rel @p0 .LBB2_62-.Ltmp31, $2  }
0x664: {  	_ =	sdelay $0x2  }
0x665: {  	[tilespmem:s11+$0x80F0] =	vst.add.f32.msk $0xffff, v1;
	s9 =	sadd.s32 $0x200, s9  }
0x666: {  	[hbm4b:s19+s24] =	stream.strided.scatter [tilespmem:s26], [sflag:$0x6], $0x8000, s25, s24, $0x38;
	[tilespmem:$0x1C080] =	vst v63  }
0x667: {  	_ =	swait.ge [sflag:s6], $0x8000  }
0x668: {  	[sflag:s6] =	ssyncset.done $0x0  }
0x669: {  	s8 =	sadd.s32 $0x1, s8;
	[sflag:s6] =	ssyncadd.s32 $0xFFFF8000  }
0x66a: {  	p0 =	sne.s32 s8, s21;
	_ =	swait.ge [sflag:s7], $0x8000  }
.Ltmp32:
0x66b: {  	[sflag:s7] =	ssyncset.done $0x0;
	(pc) =	sbr.rel @p0 .LBB2_1-.Ltmp32, $4  }
0x66c: {  	[sflag:s7] =	ssyncadd.s32 $0xFFFF8000  }
0x66d: {  	_ =	swait.ge [sflag:s4], $0x8000  }
0x66e: {  	[sflag:s4] =	ssyncset.done $0x0  }
0x66f: {  	[sflag:s4] =	ssyncadd.s32 $0xFFFF8000  }
0x670: {  	_ =	sfence.sel $0x180000  }
0x671: {  	[bflag:$0x0] =	sbarrier.arrive $0xFFFF  }
0x672: {  	_ =	strace $0x90000047  }
0x673: {  	s0 =	stileid.u32;
	[bflag:$0x2] =	sbarrier.arrive $0xFFFF  }
0x674: {  	p0 =	sne.s32 s0, $0x0;
	s0 =	rddreg [dreg:$0x4]  }
0x675: {  	s0 =	sadd.s32 @!p0 $0x100000, s0  }
0x676: {  	[sflag:s0] =	ssyncadd.tile.s32 @!p0 $0x1;
	_ =	shalt  }
.Lfunc_end2:
_tile_overlayer_lowered:
.L_overlay_start_2:
0x677: {  	(tag) =	ssettag $0x2  }
0x678: {  	s0 =	rddreg [dreg:$0x0];
	s2 =	stileid.u32  }
0x679: {  	s1 =	rddreg [dreg:$0x1];
	p0 =	sne.s32 s2, $0x0  }
0x67a: {  	s3 =	rddreg [dreg:$0x2];
	[bflag:$0x3] =	sbarrier.arrive $0xFFFF;
	s2 =	simm.s32 @!p0 $0x1C09  }
0x67b: {  	[timem:s3], [sflag:s2] =	dma.local @!p0 [hbm:s0], s1  }
0x67c: {  	s0 =	simm.s32 @!p0 $0x9  }
0x67d: {  	_ =	swait.ge @!p0 [sflag:s0], s1  }
0x67e: {  	s1 =	ssub.s32 @!p0 $0x0, s1;
	[sflag:s0] =	ssyncset.done @!p0 $0x0  }
0x67f: {  	[sflag:s0] =	ssyncadd.s32 @!p0 s1  }
0x680: {  	[bflag:$0x3] =	sbarrier.arrive $0xFFFF  }
0x681: {  	_ =	shalt  }

</sc_bundles>
